<compile_context>
chip_gen: v7x
topology: tpu7x:2x2x1
jax: 0.10.2.dev20260603
libtpu: 0.0.44.dev20260713+nightly
codegen_flags: <defaults>
</compile_context>

<pallas_src>
import jax
import jax.numpy as jnp
from jax import lax
from jax.experimental import pallas as pl
from jax.experimental.pallas import tpu as pltpu
from jax.experimental.pallas import tpu_sc as plsc

N = 10000
E = 320000
D = 128
D_OUT = 12

NC = 2
NS = 16
NW = NC * NS
B = 128
NP = 10240
RPT = NP // NS
EPT = 10240
CH = EPT // B
E2 = NW * EPT

_mesh = plsc.VectorSubcoreMesh(core_axis_name="c", subcore_axis_name="s")


def _deg_body(dst_hbm, ones_hbm, zero_hbm, out_hbm, dst_all, ones_v, acc, sem):
    c = lax.axis_index("c")
    s = lax.axis_index("s")
    wid = s * NC + c
    base = s * RPT
    ebase = wid * EPT
    pltpu.sync_copy(zero_hbm, acc.at[pl.ds(base, RPT)])
    pltpu.sync_copy(ones_hbm, ones_v)
    pltpu.sync_copy(dst_hbm.at[pl.ds(ebase, EPT)], dst_all)
    plsc.subcore_barrier()

    @pl.loop(0, CH)
    def _(j):
        pltpu.async_copy(ones_v, acc.at[dst_all.at[pl.ds(j * B, B)]], sem,
                         add=True)

    @pl.loop(0, CH)
    def _(j):
        pltpu.make_async_copy(ones_v, acc.at[dst_all.at[pl.ds(j * B, B)]],
                              sem).wait()

    plsc.subcore_barrier()
    pltpu.sync_copy(acc.at[pl.ds(base, RPT)], out_hbm.at[c, pl.ds(base, RPT)])


_deg_kernel = pl.kernel(
    _deg_body,
    out_type=jax.ShapeDtypeStruct((NC, NP, D), jnp.float32),
    mesh=_mesh,
    scratch_types=[
        pltpu.VMEM((EPT,), jnp.int32),
        pltpu.VMEM((B, D), jnp.float32),
        pltpu.VMEM_SHARED((NP, D), jnp.float32),
        pltpu.SemaphoreType.DMA,
    ],
)


CH0 = 112
CH1 = 48
assert NS * (CH0 + CH1) * B == E2


def _agg_body(g_hbm, idx_hbm, zero_hbm, out_hbm,
              i0, i1, i2, i3, rows0, rows1, acc,
              is0, is1, is2, is3, gs0, gs1, ss0, ss1):
    c = lax.axis_index("c")
    s = lax.axis_index("s")
    base = s * RPT

    def idx_ref(k):
        return idx_hbm.at[pl.ds(k * (2 * B), 2 * B)]

    def load_idx(k, slot, sem):
        pltpu.async_copy(idx_ref(k), slot, sem)

    def wait_idx(slot, sem):
        pltpu.make_async_copy(idx_ref(0), slot, sem).wait()

    def gather(slot, rows, sem):
        pltpu.async_copy(g_hbm.at[slot.at[pl.ds(0, B)]], rows, sem)

    def wait_gather(slot, rows, sem):
        pltpu.make_async_copy(g_hbm.at[slot.at[pl.ds(0, B)]], rows, sem).wait()

    def scatter(rows, slot, sem):
        pltpu.async_copy(rows, acc.at[slot.at[pl.ds(B, B)]], sem, add=True)

    def wait_scatter(rows, slot, sem):
        pltpu.make_async_copy(rows, acc.at[slot.at[pl.ds(B, B)]], sem).wait()

    def run_pipe(cbase, chl):
        load_idx(cbase, i0, is0)
        load_idx(cbase + 1, i1, is1)
        load_idx(cbase + 2, i2, is2)
        load_idx(cbase + 3, i3, is3)
        wait_idx(i0, is0)
        gather(i0, rows0, gs0)

        @pl.loop(0, chl, step=4)
        def _(j):
            wait_idx(i1, is1)
            gather(i1, rows1, gs1)
            wait_gather(i0, rows0, gs0)
            scatter(rows0, i0, ss0)
            wait_scatter(rows0, i0, ss0)
            wait_idx(i2, is2)
            gather(i2, rows0, gs0)
            load_idx(cbase + lax.rem(j + 4, chl), i0, is0)
            wait_gather(i1, rows1, gs1)
            scatter(rows1, i1, ss1)
            wait_scatter(rows1, i1, ss1)
            wait_idx(i3, is3)
            gather(i3, rows1, gs1)
            load_idx(cbase + lax.rem(j + 5, chl), i1, is1)
            wait_gather(i2, rows0, gs0)
            scatter(rows0, i2, ss0)
            wait_scatter(rows0, i2, ss0)
            wait_idx(i0, is0)
            gather(i0, rows0, gs0)
            load_idx(cbase + lax.rem(j + 6, chl), i2, is2)
            wait_gather(i3, rows1, gs1)
            scatter(rows1, i3, ss1)
            wait_scatter(rows1, i3, ss1)
            load_idx(cbase + lax.rem(j + 7, chl), i3, is3)

        wait_gather(i0, rows0, gs0)
        wait_idx(i1, is1)
        wait_idx(i2, is2)
        wait_idx(i3, is3)

    pltpu.sync_copy(zero_hbm, acc.at[pl.ds(base, RPT)])
    plsc.subcore_barrier()

    @pl.when(c == 0)
    def _():
        run_pipe(s * CH0, CH0)

    if CH1 > 0:
        @pl.when(c == 1)
        def _():
            run_pipe(NS * CH0 + s * CH1, CH1)

    plsc.subcore_barrier()
    pltpu.sync_copy(acc.at[pl.ds(base, RPT)], out_hbm.at[c, pl.ds(base, RPT)])


_agg_kernel = pl.kernel(
    _agg_body,
    out_type=jax.ShapeDtypeStruct((NC, NP, D), jnp.float32),
    mesh=_mesh,
    scratch_types=[
        pltpu.VMEM((2 * B,), jnp.int32),
        pltpu.VMEM((2 * B,), jnp.int32),
        pltpu.VMEM((2 * B,), jnp.int32),
        pltpu.VMEM((2 * B,), jnp.int32),
        pltpu.VMEM((B, D), jnp.float32),
        pltpu.VMEM((B, D), jnp.float32),
        pltpu.VMEM_SHARED((NP, D), jnp.float32),
        pltpu.SemaphoreType.DMA,
        pltpu.SemaphoreType.DMA,
        pltpu.SemaphoreType.DMA,
        pltpu.SemaphoreType.DMA,
        pltpu.SemaphoreType.DMA,
        pltpu.SemaphoreType.DMA,
        pltpu.SemaphoreType.DMA,
        pltpu.SemaphoreType.DMA,
    ],
)


_BLK = 2000
_GRID = N // _BLK


def _mm_body(x_ref, w_ref, o_ref):
    o_ref[...] = jnp.dot(x_ref[...], w_ref[...], preferred_element_type=jnp.float32)


def _scale_body(h_ref, d_ref, o_ref):
    deg = d_ref[0, :, 0:1] + d_ref[1, :, 0:1] + 1.0
    o_ref[...] = lax.rsqrt(deg) * h_ref[...]


def _layer_body(s_ref, g_ref, d_ref, w_ref, b_ref, o_ref):
    deg = d_ref[0, :, 0:1] + d_ref[1, :, 0:1] + 1.0
    dinv = lax.rsqrt(deg)
    xk = jnp.maximum(dinv * (s_ref[0] + s_ref[1] + g_ref[...]) + b_ref[...], 0.0)
    o_ref[...] = dinv * jnp.dot(xk, w_ref[...], preferred_element_type=jnp.float32)


def _final_body(s_ref, g_ref, d_ref, b_ref, wfc_ref, bfc_ref, o_ref, acc_ref):
    i = pl.program_id(0)

    @pl.when(i == 0)
    def _():
        acc_ref[...] = jnp.zeros_like(acc_ref)

    deg = d_ref[0, :, 0:1] + d_ref[1, :, 0:1] + 1.0
    dinv = lax.rsqrt(deg)
    xk = jnp.maximum(dinv * (s_ref[0] + s_ref[1] + g_ref[...]) + b_ref[...], 0.0)
    acc_ref[...] += jnp.sum(xk, axis=0, keepdims=True)

    @pl.when(i == _GRID - 1)
    def _():
        o_ref[...] = (
            jnp.dot(acc_ref[...] * (1.0 / N), wfc_ref[...],
                    preferred_element_type=jnp.float32)
            + bfc_ref[...]
        )


def _row_spec():
    return pl.BlockSpec((_BLK, D), lambda i: (i, 0))


def _part_spec():
    return pl.BlockSpec((NC, _BLK, D), lambda i: (0, i, 0))


def _full(shape):
    return pl.BlockSpec(shape, lambda i: tuple(0 for _ in shape))


_matmul = pl.pallas_call(
    _mm_body,
    grid=(_GRID,),
    in_specs=[_row_spec(), _full((D, D))],
    out_specs=_row_spec(),
    out_shape=jax.ShapeDtypeStruct((N, D), jnp.float32),
)

_scale = pl.pallas_call(
    _scale_body,
    grid=(_GRID,),
    in_specs=[_row_spec(), _part_spec()],
    out_specs=_row_spec(),
    out_shape=jax.ShapeDtypeStruct((N, D), jnp.float32),
)

_layer = pl.pallas_call(
    _layer_body,
    grid=(_GRID,),
    in_specs=[_part_spec(), _row_spec(), _part_spec(), _full((D, D)),
              _full((1, D))],
    out_specs=_row_spec(),
    out_shape=jax.ShapeDtypeStruct((N, D), jnp.float32),
)

_final = pl.pallas_call(
    _final_body,
    grid=(_GRID,),
    in_specs=[_part_spec(), _row_spec(), _part_spec(), _full((1, D)),
              _full((D, D_OUT)), _full((1, D_OUT))],
    out_specs=_full((1, D_OUT)),
    out_shape=jax.ShapeDtypeStruct((1, D_OUT), jnp.float32),
    scratch_shapes=[pltpu.VMEM((1, D), jnp.float32)],
)


def kernel(x, edge_index, W1, b1, W2, b2, W3, b3, Wfc, bfc):
    pad = E2 - E
    src_p = jnp.concatenate([edge_index[0], jnp.zeros((pad,), jnp.int32)])
    dst_p = jnp.concatenate([edge_index[1], jnp.full((pad,), NP - 1, jnp.int32)])
    idx2 = jnp.stack([src_p.reshape(E2 // B, B), dst_p.reshape(E2 // B, B)],
                     axis=1).reshape(-1)
    ones_hbm = jnp.ones((B, D), jnp.float32)
    zeroD = jnp.zeros((RPT, D), jnp.float32)

    degp = _deg_kernel(dst_p, ones_hbm, zeroD)
    h1 = _matmul(x, W1)
    g1 = _scale(h1, degp)
    s1 = _agg_kernel(g1, idx2, zeroD)
    g2 = _layer(s1, g1, degp, W2, b1.reshape(1, D))
    s2 = _agg_kernel(g2, idx2, zeroD)
    g3 = _layer(s2, g2, degp, W3, b2.reshape(1, D))
    s3 = _agg_kernel(g3, idx2, zeroD)
    return _final(s3, g3, degp, b3.reshape(1, D), Wfc, bfc.reshape(1, D_OUT))

# --- scband reference (transcript-rebuilt; emitter-appended) ---
"""Pipeline reference for scband-gcnmodel-79568564126006 (READ-ONLY COPY).

The authoritative reference and input builder live on the scoring server;
editing this copy changes nothing except your own understanding.
"""

import jax, jax.numpy as jnp
import numpy as np

N = 10000
E = 320000
D_IN = 128
H = 128
D_OUT = 12


def gcn_conv(x, edge_index, W, b):
    # Faithful to PyG GCNConv (add_self_loops=True, symmetric normalization):
    # out = D^{-1/2} (A + I) D^{-1/2} (x @ W) + b
    n = x.shape[0]
    loop = jnp.arange(n, dtype=edge_index.dtype)
    src = jnp.concatenate([edge_index[0], loop])
    dst = jnp.concatenate([edge_index[1], loop])
    deg = jnp.zeros((n,), dtype=x.dtype).at[dst].add(1.0)
    dinv = jnp.where(deg > 0, jax.lax.rsqrt(deg), 0.0)
    norm = dinv[src] * dinv[dst]
    h = x @ W
    msg = jnp.take(h, src, axis=0) * norm[:, None]
    out = jnp.zeros((n, W.shape[1]), dtype=x.dtype).at[dst].add(msg)
    return out + b


def setup_inputs(seed: int = 0) -> dict:
    key = jax.random.key(seed)
    ks = jax.random.split(key, 10)
    x = jax.random.normal(ks[0], (N, D_IN), dtype=jnp.float32)
    edge_index = jax.random.randint(ks[1], (2, E), 0, N, dtype=jnp.int32)
    W1 = jax.random.normal(ks[2], (D_IN, H), dtype=jnp.float32) * (1.0 / np.sqrt(D_IN))
    b1 = jnp.zeros((H,), dtype=jnp.float32)
    W2 = jax.random.normal(ks[3], (H, H), dtype=jnp.float32) * (1.0 / np.sqrt(H))
    b2 = jnp.zeros((H,), dtype=jnp.float32)
    W3 = jax.random.normal(ks[4], (H, H), dtype=jnp.float32) * (1.0 / np.sqrt(H))
    b3 = jnp.zeros((H,), dtype=jnp.float32)
    Wfc = jax.random.normal(ks[5], (H, D_OUT), dtype=jnp.float32) * (1.0 / np.sqrt(H))
    bfc = jnp.zeros((D_OUT,), dtype=jnp.float32)
    return {"x": x, "edge_index": edge_index, "W1": W1, "b1": b1, "W2": W2, "b2": b2, "W3": W3, "b3": b3, "Wfc": Wfc, "bfc": bfc}


def reference(x, edge_index, W1, b1, W2, b2, W3, b3, Wfc, bfc):
    # GCNModel.forward with batch=None, edge_attr=None, dropout in eval mode (identity)
    h = gcn_conv(x, edge_index, W1, b1)
    h = jax.nn.relu(h)
    h = gcn_conv(h, edge_index, W2, b2)
    h = jax.nn.relu(h)
    h = gcn_conv(h, edge_index, W3, b3)
    h = jax.nn.relu(h)
    pooled = jnp.mean(h, axis=0, keepdims=True)  # [1, H]
    out = pooled @ Wfc + bfc  # [1, D_OUT]
    return out

if __name__ == "__main__":
    import jax
    _d = setup_inputs()
    print(jax.jit(kernel)(*tuple(_d.values())))

</pallas_src>

<mosaic_0001>
#map = affine_map<(d0, d1) -> (0, 0)>
#map1 = affine_map<(d0, d1) -> (0)>
#map2 = affine_map<(d0, d1) -> (0, 0, 0)>
module attributes {stable_mosaic.version = 14 : i64} {
  func.func @_agg_body(%arg0: i32, %arg1: i32, %arg2: memref<10000x128xf32, #tpu.memory_space<hbm>>, %arg3: memref<655360xi32, #tpu.memory_space<hbm>>, %arg4: memref<640x128xf32, #tpu.memory_space<hbm>>, %arg5: memref<2x10240x128xf32, #tpu.memory_space<hbm>>, %arg6: memref<256xi32, #tpu.memory_space<vmem>>, %arg7: memref<256xi32, #tpu.memory_space<vmem>>, %arg8: memref<256xi32, #tpu.memory_space<vmem>>, %arg9: memref<256xi32, #tpu.memory_space<vmem>>, %arg10: memref<128x128xf32, #tpu.memory_space<vmem>>, %arg11: memref<128x128xf32, #tpu.memory_space<vmem>>, %arg12: memref<10240x128xf32, #tpu.memory_space<vmem_shared>>, %arg13: memref<!tpu.dma_semaphore, #tpu.memory_space<semaphore_mem>>, %arg14: memref<!tpu.dma_semaphore, #tpu.memory_space<semaphore_mem>>, %arg15: memref<!tpu.dma_semaphore, #tpu.memory_space<semaphore_mem>>, %arg16: memref<!tpu.dma_semaphore, #tpu.memory_space<semaphore_mem>>, %arg17: memref<!tpu.dma_semaphore, #tpu.memory_space<semaphore_mem>>, %arg18: memref<!tpu.dma_semaphore, #tpu.memory_space<semaphore_mem>>, %arg19: memref<!tpu.dma_semaphore, #tpu.memory_space<semaphore_mem>>, %arg20: memref<!tpu.dma_semaphore, #tpu.memory_space<semaphore_mem>>) attributes {dimension_semantics = [#tpu.dimension_semantics<core_parallel>, #tpu.dimension_semantics<subcore_parallel>], iteration_bounds = array<i64: 2, 16>, scalar_prefetch = 0 : i64, scratch_operands = 15 : i64, tpu.core_type = #tpu.core_type<sc_vector_subcore>, window_params = [{transform_indices = #map}, {transform_indices = #map1}, {transform_indices = #map}, {transform_indices = #map2}]} {
    %mul3A = arith.constant 640 : i32
    %mul3A_0 = arith.muli %arg1, %mul3A : i32
    "tpu.region"() ({
      %run_scoped3A = tpu.sem_alloc : memref<!tpu.dma_semaphore, #tpu.memory_space<semaphore_mem>>
      %dma_start3A = arith.constant 0 : i32
      %dma_start3A_9 = tpu.memref_slice %arg12[%mul3A_0, %dma_start3A] : memref<10240x128xf32, #tpu.memory_space<vmem_shared>> -> memref<640x128xf32, #tpu.memory_space<vmem_shared>>
      tpu.enqueue_dma source(%arg4 : memref<640x128xf32, #tpu.memory_space<hbm>>) target(%dma_start3A_9 : memref<640x128xf32, #tpu.memory_space<vmem_shared>>) target_semaphore(%run_scoped3A : memref<!tpu.dma_semaphore, #tpu.memory_space<semaphore_mem>>)
      %dma_wait3A = arith.constant 0 : i32
      %dma_wait3A_10 = tpu.memref_slice %arg12[%mul3A_0, %dma_wait3A] : memref<10240x128xf32, #tpu.memory_space<vmem_shared>> -> memref<640x128xf32, #tpu.memory_space<vmem_shared>>
      tpu.wait_dma2 semaphore(%run_scoped3A : memref<!tpu.dma_semaphore, #tpu.memory_space<semaphore_mem>>) src(%arg4 : memref<640x128xf32, #tpu.memory_space<hbm>>) dst(%dma_wait3A_10 : memref<640x128xf32, #tpu.memory_space<vmem_shared>>)
      tpu.yield
    }) : () -> ()
    %barrier3A = arith.constant 0 : index
    tpu.barrier barrier_id(%barrier3A)
    %eq3A = arith.constant 0 : i32
    %eq3A_1 = arith.cmpi eq, %arg0, %eq3A : i32
    %convert_element_type3A = arith.extui %eq3A_1 : i1 to i32
    %cond3A = arith.constant 0 : i32
    %cond3A_2 = arith.cmpi ne, %convert_element_type3A, %cond3A : i32
    scf.if %cond3A_2 {
      %mul3A_9 = arith.constant 112 : i32
      %mul3A_10 = arith.muli %arg1, %mul3A_9 : i32
      %mul3A_11 = arith.constant 256 : i32
      %mul3A_12 = arith.muli %mul3A_10, %mul3A_11 : i32
      %dma_start3A = tpu.memref_slice %arg3[%mul3A_12] : memref<655360xi32, #tpu.memory_space<hbm>> -> memref<256xi32, #tpu.memory_space<hbm>>
      %dma_start3A_13 = tpu.memref_slice %arg3[%mul3A_12] : memref<655360xi32, #tpu.memory_space<hbm>> -> memref<256xi32, #tpu.memory_space<hbm>>
      tpu.enqueue_dma source(%dma_start3A_13 : memref<256xi32, #tpu.memory_space<hbm>>) target(%arg6 : memref<256xi32, #tpu.memory_space<vmem>>) target_semaphore(%arg13 : memref<!tpu.dma_semaphore, #tpu.memory_space<semaphore_mem>>)
      %add3A = arith.constant 1 : i32
      %add3A_14 = arith.addi %mul3A_10, %add3A : i32
      %mul3A_15 = arith.constant 256 : i32
      %mul3A_16 = arith.muli %add3A_14, %mul3A_15 : i32
      %dma_start3A_17 = tpu.memref_slice %arg3[%mul3A_16] : memref<655360xi32, #tpu.memory_space<hbm>> -> memref<256xi32, #tpu.memory_space<hbm>>
      %dma_start3A_18 = tpu.memref_slice %arg3[%mul3A_16] : memref<655360xi32, #tpu.memory_space<hbm>> -> memref<256xi32, #tpu.memory_space<hbm>>
      tpu.enqueue_dma source(%dma_start3A_18 : memref<256xi32, #tpu.memory_space<hbm>>) target(%arg7 : memref<256xi32, #tpu.memory_space<vmem>>) target_semaphore(%arg14 : memref<!tpu.dma_semaphore, #tpu.memory_space<semaphore_mem>>)
      %add3A_19 = arith.constant 2 : i32
      %add3A_20 = arith.addi %mul3A_10, %add3A_19 : i32
      %mul3A_21 = arith.constant 256 : i32
      %mul3A_22 = arith.muli %add3A_20, %mul3A_21 : i32
      %dma_start3A_23 = tpu.memref_slice %arg3[%mul3A_22] : memref<655360xi32, #tpu.memory_space<hbm>> -> memref<256xi32, #tpu.memory_space<hbm>>
      %dma_start3A_24 = tpu.memref_slice %arg3[%mul3A_22] : memref<655360xi32, #tpu.memory_space<hbm>> -> memref<256xi32, #tpu.memory_space<hbm>>
      tpu.enqueue_dma source(%dma_start3A_24 : memref<256xi32, #tpu.memory_space<hbm>>) target(%arg8 : memref<256xi32, #tpu.memory_space<vmem>>) target_semaphore(%arg15 : memref<!tpu.dma_semaphore, #tpu.memory_space<semaphore_mem>>)
      %add3A_25 = arith.constant 3 : i32
      %add3A_26 = arith.addi %mul3A_10, %add3A_25 : i32
      %mul3A_27 = arith.constant 256 : i32
      %mul3A_28 = arith.muli %add3A_26, %mul3A_27 : i32
      %dma_start3A_29 = tpu.memref_slice %arg3[%mul3A_28] : memref<655360xi32, #tpu.memory_space<hbm>> -> memref<256xi32, #tpu.memory_space<hbm>>
      %dma_start3A_30 = tpu.memref_slice %arg3[%mul3A_28] : memref<655360xi32, #tpu.memory_space<hbm>> -> memref<256xi32, #tpu.memory_space<hbm>>
      tpu.enqueue_dma source(%dma_start3A_30 : memref<256xi32, #tpu.memory_space<hbm>>) target(%arg9 : memref<256xi32, #tpu.memory_space<vmem>>) target_semaphore(%arg16 : memref<!tpu.dma_semaphore, #tpu.memory_space<semaphore_mem>>)
      %dma_wait3A = arith.constant 0 : i32
      %dma_wait3A_31 = tpu.memref_slice %arg3[%dma_wait3A] : memref<655360xi32, #tpu.memory_space<hbm>> -> memref<256xi32, #tpu.memory_space<hbm>>
      %dma_wait3A_32 = arith.constant 0 : i32
      %dma_wait3A_33 = tpu.memref_slice %arg3[%dma_wait3A_32] : memref<655360xi32, #tpu.memory_space<hbm>> -> memref<256xi32, #tpu.memory_space<hbm>>
      tpu.wait_dma2 semaphore(%arg13 : memref<!tpu.dma_semaphore, #tpu.memory_space<semaphore_mem>>) src(%dma_wait3A_33 : memref<256xi32, #tpu.memory_space<hbm>>) dst(%arg6 : memref<256xi32, #tpu.memory_space<vmem>>)
      %dma_start3A_34 = arith.constant 0 : i32
      %dma_start3A_35 = tpu.memref_slice %arg6[%dma_start3A_34] : memref<256xi32, #tpu.memory_space<vmem>> -> memref<128xi32, #tpu.memory_space<vmem>>
      %dma_start3A_36 = arith.constant 0 : i32
      %dma_start3A_37 = arith.constant 0 : i32
      %dma_start3A_38 = tpu.memref_slice %arg2[%dma_start3A_36, %dma_start3A_37] : memref<10000x128xf32, #tpu.memory_space<hbm>> -> memref<10000x128xf32, #tpu.memory_space<hbm>>
      tpu.enqueue_indirect_dma source(%dma_start3A_38 : memref<10000x128xf32, #tpu.memory_space<hbm>>) target(%arg10 : memref<128x128xf32, #tpu.memory_space<vmem>>) offsets(%dma_start3A_35 : memref<128xi32, #tpu.memory_space<vmem>>) semaphore(%arg17 : memref<!tpu.dma_semaphore, #tpu.memory_space<semaphore_mem>>)
      %scan3A = arith.constant 0 : i32
      %scan3A_39 = arith.constant 28 : i32
      %scan3A_40 = arith.addi %scan3A, %scan3A_39 : i32
      %scan3A_41 = arith.constant 1 : i32
      scf.for %scan3A_60 = %scan3A to %scan3A_40 step %scan3A_41  : i32 {
        %mul3A_61 = arith.constant 4 : i32
        %mul3A_62 = arith.muli %scan3A_60, %mul3A_61 : i32
        %add3A_63 = arith.constant 0 : i32
        %add3A_64 = arith.addi %add3A_63, %mul3A_62 : i32
        %dma_wait3A_65 = arith.constant 0 : i32
        %dma_wait3A_66 = tpu.memref_slice %arg3[%dma_wait3A_65] : memref<655360xi32, #tpu.memory_space<hbm>> -> memref<256xi32, #tpu.memory_space<hbm>>
        %dma_wait3A_67 = arith.constant 0 : i32
        %dma_wait3A_68 = tpu.memref_slice %arg3[%dma_wait3A_67] : memref<655360xi32, #tpu.memory_space<hbm>> -> memref<256xi32, #tpu.memory_space<hbm>>
        tpu.wait_dma2 semaphore(%arg14 : memref<!tpu.dma_semaphore, #tpu.memory_space<semaphore_mem>>) src(%dma_wait3A_68 : memref<256xi32, #tpu.memory_space<hbm>>) dst(%arg7 : memref<256xi32, #tpu.memory_space<vmem>>)
        %dma_start3A_69 = arith.constant 0 : i32
        %dma_start3A_70 = tpu.memref_slice %arg7[%dma_start3A_69] : memref<256xi32, #tpu.memory_space<vmem>> -> memref<128xi32, #tpu.memory_space<vmem>>
        %dma_start3A_71 = arith.constant 0 : i32
        %dma_start3A_72 = arith.constant 0 : i32
        %dma_start3A_73 = tpu.memref_slice %arg2[%dma_start3A_71, %dma_start3A_72] : memref<10000x128xf32, #tpu.memory_space<hbm>> -> memref<10000x128xf32, #tpu.memory_space<hbm>>
        tpu.enqueue_indirect_dma source(%dma_start3A_73 : memref<10000x128xf32, #tpu.memory_space<hbm>>) target(%arg11 : memref<128x128xf32, #tpu.memory_space<vmem>>) offsets(%dma_start3A_70 : memref<128xi32, #tpu.memory_space<vmem>>) semaphore(%arg18 : memref<!tpu.dma_semaphore, #tpu.memory_space<semaphore_mem>>)
        %dma_wait3A_74 = arith.constant 0 : i32
        %dma_wait3A_75 = tpu.memref_slice %arg6[%dma_wait3A_74] : memref<256xi32, #tpu.memory_space<vmem>> -> memref<128xi32, #tpu.memory_space<vmem>>
        %dma_wait3A_76 = arith.constant 0 : i32
        %dma_wait3A_77 = arith.constant 0 : i32
        %dma_wait3A_78 = tpu.memref_slice %arg2[%dma_wait3A_76, %dma_wait3A_77] : memref<10000x128xf32, #tpu.memory_space<hbm>> -> memref<10000x128xf32, #tpu.memory_space<hbm>>
        tpu.wait_indirect_dma semaphore(%arg17 : memref<!tpu.dma_semaphore, #tpu.memory_space<semaphore_mem>>) src(%dma_wait3A_78 : memref<10000x128xf32, #tpu.memory_space<hbm>>) dst(%arg10 : memref<128x128xf32, #tpu.memory_space<vmem>>)
        %dma_start3A_79 = arith.constant 128 : i32
        %dma_start3A_80 = tpu.memref_slice %arg6[%dma_start3A_79] : memref<256xi32, #tpu.memory_space<vmem>> -> memref<128xi32, #tpu.memory_space<vmem>>
        %dma_start3A_81 = arith.constant 0 : i32
        %dma_start3A_82 = arith.constant 0 : i32
        %dma_start3A_83 = tpu.memref_slice %arg12[%dma_start3A_81, %dma_start3A_82] : memref<10240x128xf32, #tpu.memory_space<vmem_shared>> -> memref<10240x128xf32, #tpu.memory_space<vmem_shared>>
        tpu.enqueue_indirect_dma source(%arg10 : memref<128x128xf32, #tpu.memory_space<vmem>>) target(%dma_start3A_83 : memref<10240x128xf32, #tpu.memory_space<vmem_shared>>) offsets(%dma_start3A_80 : memref<128xi32, #tpu.memory_space<vmem>>) semaphore(%arg19 : memref<!tpu.dma_semaphore, #tpu.memory_space<semaphore_mem>>) {add = true}
        %dma_wait3A_84 = arith.constant 128 : i32
        %dma_wait3A_85 = tpu.memref_slice %arg6[%dma_wait3A_84] : memref<256xi32, #tpu.memory_space<vmem>> -> memref<128xi32, #tpu.memory_space<vmem>>
        %dma_wait3A_86 = arith.constant 0 : i32
        %dma_wait3A_87 = arith.constant 0 : i32
        %dma_wait3A_88 = tpu.memref_slice %arg12[%dma_wait3A_86, %dma_wait3A_87] : memref<10240x128xf32, #tpu.memory_space<vmem_shared>> -> memref<10240x128xf32, #tpu.memory_space<vmem_shared>>
        tpu.wait_indirect_dma semaphore(%arg19 : memref<!tpu.dma_semaphore, #tpu.memory_space<semaphore_mem>>) src(%arg10 : memref<128x128xf32, #tpu.memory_space<vmem>>) dst(%dma_wait3A_88 : memref<10240x128xf32, #tpu.memory_space<vmem_shared>>)
        %dma_wait3A_89 = arith.constant 0 : i32
        %dma_wait3A_90 = tpu.memref_slice %arg3[%dma_wait3A_89] : memref<655360xi32, #tpu.memory_space<hbm>> -> memref<256xi32, #tpu.memory_space<hbm>>
        %dma_wait3A_91 = arith.constant 0 : i32
        %dma_wait3A_92 = tpu.memref_slice %arg3[%dma_wait3A_91] : memref<655360xi32, #tpu.memory_space<hbm>> -> memref<256xi32, #tpu.memory_space<hbm>>
        tpu.wait_dma2 semaphore(%arg15 : memref<!tpu.dma_semaphore, #tpu.memory_space<semaphore_mem>>) src(%dma_wait3A_92 : memref<256xi32, #tpu.memory_space<hbm>>) dst(%arg8 : memref<256xi32, #tpu.memory_space<vmem>>)
        %dma_start3A_93 = arith.constant 0 : i32
        %dma_start3A_94 = tpu.memref_slice %arg8[%dma_start3A_93] : memref<256xi32, #tpu.memory_space<vmem>> -> memref<128xi32, #tpu.memory_space<vmem>>
        %dma_start3A_95 = arith.constant 0 : i32
        %dma_start3A_96 = arith.constant 0 : i32
        %dma_start3A_97 = tpu.memref_slice %arg2[%dma_start3A_95, %dma_start3A_96] : memref<10000x128xf32, #tpu.memory_space<hbm>> -> memref<10000x128xf32, #tpu.memory_space<hbm>>
        tpu.enqueue_indirect_dma source(%dma_start3A_97 : memref<10000x128xf32, #tpu.memory_space<hbm>>) target(%arg10 : memref<128x128xf32, #tpu.memory_space<vmem>>) offsets(%dma_start3A_94 : memref<128xi32, #tpu.memory_space<vmem>>) semaphore(%arg17 : memref<!tpu.dma_semaphore, #tpu.memory_space<semaphore_mem>>)
        %add3A_98 = arith.constant 4 : i32
        %add3A_99 = arith.addi %add3A_64, %add3A_98 : i32
        %rem3A = arith.constant 112 : i32
        %rem3A_100 = arith.remsi %add3A_99, %rem3A : i32
        %add3A_101 = arith.addi %mul3A_10, %rem3A_100 : i32
        %mul3A_102 = arith.constant 256 : i32
        %mul3A_103 = arith.muli %add3A_101, %mul3A_102 : i32
        %dma_start3A_104 = tpu.memref_slice %arg3[%mul3A_103] : memref<655360xi32, #tpu.memory_space<hbm>> -> memref<256xi32, #tpu.memory_space<hbm>>
        %dma_start3A_105 = tpu.memref_slice %arg3[%mul3A_103] : memref<655360xi32, #tpu.memory_space<hbm>> -> memref<256xi32, #tpu.memory_space<hbm>>
        tpu.enqueue_dma source(%dma_start3A_105 : memref<256xi32, #tpu.memory_space<hbm>>) target(%arg6 : memref<256xi32, #tpu.memory_space<vmem>>) target_semaphore(%arg13 : memref<!tpu.dma_semaphore, #tpu.memory_space<semaphore_mem>>)
        %dma_wait3A_106 = arith.constant 0 : i32
        %dma_wait3A_107 = tpu.memref_slice %arg7[%dma_wait3A_106] : memref<256xi32, #tpu.memory_space<vmem>> -> memref<128xi32, #tpu.memory_space<vmem>>
        %dma_wait3A_108 = arith.constant 0 : i32
        %dma_wait3A_109 = arith.constant 0 : i32
        %dma_wait3A_110 = tpu.memref_slice %arg2[%dma_wait3A_108, %dma_wait3A_109] : memref<10000x128xf32, #tpu.memory_space<hbm>> -> memref<10000x128xf32, #tpu.memory_space<hbm>>
        tpu.wait_indirect_dma semaphore(%arg18 : memref<!tpu.dma_semaphore, #tpu.memory_space<semaphore_mem>>) src(%dma_wait3A_110 : memref<10000x128xf32, #tpu.memory_space<hbm>>) dst(%arg11 : memref<128x128xf32, #tpu.memory_space<vmem>>)
        %dma_start3A_111 = arith.constant 128 : i32
        %dma_start3A_112 = tpu.memref_slice %arg7[%dma_start3A_111] : memref<256xi32, #tpu.memory_space<vmem>> -> memref<128xi32, #tpu.memory_space<vmem>>
        %dma_start3A_113 = arith.constant 0 : i32
        %dma_start3A_114 = arith.constant 0 : i32
        %dma_start3A_115 = tpu.memref_slice %arg12[%dma_start3A_113, %dma_start3A_114] : memref<10240x128xf32, #tpu.memory_space<vmem_shared>> -> memref<10240x128xf32, #tpu.memory_space<vmem_shared>>
        tpu.enqueue_indirect_dma source(%arg11 : memref<128x128xf32, #tpu.memory_space<vmem>>) target(%dma_start3A_115 : memref<10240x128xf32, #tpu.memory_space<vmem_shared>>) offsets(%dma_start3A_112 : memref<128xi32, #tpu.memory_space<vmem>>) semaphore(%arg20 : memref<!tpu.dma_semaphore, #tpu.memory_space<semaphore_mem>>) {add = true}
        %dma_wait3A_116 = arith.constant 128 : i32
        %dma_wait3A_117 = tpu.memref_slice %arg7[%dma_wait3A_116] : memref<256xi32, #tpu.memory_space<vmem>> -> memref<128xi32, #tpu.memory_space<vmem>>
        %dma_wait3A_118 = arith.constant 0 : i32
        %dma_wait3A_119 = arith.constant 0 : i32
        %dma_wait3A_120 = tpu.memref_slice %arg12[%dma_wait3A_118, %dma_wait3A_119] : memref<10240x128xf32, #tpu.memory_space<vmem_shared>> -> memref<10240x128xf32, #tpu.memory_space<vmem_shared>>
        tpu.wait_indirect_dma semaphore(%arg20 : memref<!tpu.dma_semaphore, #tpu.memory_space<semaphore_mem>>) src(%arg11 : memref<128x128xf32, #tpu.memory_space<vmem>>) dst(%dma_wait3A_120 : memref<10240x128xf32, #tpu.memory_space<vmem_shared>>)
        %dma_wait3A_121 = arith.constant 0 : i32
        %dma_wait3A_122 = tpu.memref_slice %arg3[%dma_wait3A_121] : memref<655360xi32, #tpu.memory_space<hbm>> -> memref<256xi32, #tpu.memory_space<hbm>>
        %dma_wait3A_123 = arith.constant 0 : i32
        %dma_wait3A_124 = tpu.memref_slice %arg3[%dma_wait3A_123] : memref<655360xi32, #tpu.memory_space<hbm>> -> memref<256xi32, #tpu.memory_space<hbm>>
        tpu.wait_dma2 semaphore(%arg16 : memref<!tpu.dma_semaphore, #tpu.memory_space<semaphore_mem>>) src(%dma_wait3A_124 : memref<256xi32, #tpu.memory_space<hbm>>) dst(%arg9 : memref<256xi32, #tpu.memory_space<vmem>>)
        %dma_start3A_125 = arith.constant 0 : i32
        %dma_start3A_126 = tpu.memref_slice %arg9[%dma_start3A_125] : memref<256xi32, #tpu.memory_space<vmem>> -> memref<128xi32, #tpu.memory_space<vmem>>
        %dma_start3A_127 = arith.constant 0 : i32
        %dma_start3A_128 = arith.constant 0 : i32
        %dma_start3A_129 = tpu.memref_slice %arg2[%dma_start3A_127, %dma_start3A_128] : memref<10000x128xf32, #tpu.memory_space<hbm>> -> memref<10000x128xf32, #tpu.memory_space<hbm>>
        tpu.enqueue_indirect_dma source(%dma_start3A_129 : memref<10000x128xf32, #tpu.memory_space<hbm>>) target(%arg11 : memref<128x128xf32, #tpu.memory_space<vmem>>) offsets(%dma_start3A_126 : memref<128xi32, #tpu.memory_space<vmem>>) semaphore(%arg18 : memref<!tpu.dma_semaphore, #tpu.memory_space<semaphore_mem>>)
        %add3A_130 = arith.constant 5 : i32
        %add3A_131 = arith.addi %add3A_64, %add3A_130 : i32
        %rem3A_132 = arith.constant 112 : i32
        %rem3A_133 = arith.remsi %add3A_131, %rem3A_132 : i32
        %add3A_134 = arith.addi %mul3A_10, %rem3A_133 : i32
        %mul3A_135 = arith.constant 256 : i32
        %mul3A_136 = arith.muli %add3A_134, %mul3A_135 : i32
        %dma_start3A_137 = tpu.memref_slice %arg3[%mul3A_136] : memref<655360xi32, #tpu.memory_space<hbm>> -> memref<256xi32, #tpu.memory_space<hbm>>
        %dma_start3A_138 = tpu.memref_slice %arg3[%mul3A_136] : memref<655360xi32, #tpu.memory_space<hbm>> -> memref<256xi32, #tpu.memory_space<hbm>>
        tpu.enqueue_dma source(%dma_start3A_138 : memref<256xi32, #tpu.memory_space<hbm>>) target(%arg7 : memref<256xi32, #tpu.memory_space<vmem>>) target_semaphore(%arg14 : memref<!tpu.dma_semaphore, #tpu.memory_space<semaphore_mem>>)
        %dma_wait3A_139 = arith.constant 0 : i32
        %dma_wait3A_140 = tpu.memref_slice %arg8[%dma_wait3A_139] : memref<256xi32, #tpu.memory_space<vmem>> -> memref<128xi32, #tpu.memory_space<vmem>>
        %dma_wait3A_141 = arith.constant 0 : i32
        %dma_wait3A_142 = arith.constant 0 : i32
        %dma_wait3A_143 = tpu.memref_slice %arg2[%dma_wait3A_141, %dma_wait3A_142] : memref<10000x128xf32, #tpu.memory_space<hbm>> -> memref<10000x128xf32, #tpu.memory_space<hbm>>
        tpu.wait_indirect_dma semaphore(%arg17 : memref<!tpu.dma_semaphore, #tpu.memory_space<semaphore_mem>>) src(%dma_wait3A_143 : memref<10000x128xf32, #tpu.memory_space<hbm>>) dst(%arg10 : memref<128x128xf32, #tpu.memory_space<vmem>>)
        %dma_start3A_144 = arith.constant 128 : i32
        %dma_start3A_145 = tpu.memref_slice %arg8[%dma_start3A_144] : memref<256xi32, #tpu.memory_space<vmem>> -> memref<128xi32, #tpu.memory_space<vmem>>
        %dma_start3A_146 = arith.constant 0 : i32
        %dma_start3A_147 = arith.constant 0 : i32
        %dma_start3A_148 = tpu.memref_slice %arg12[%dma_start3A_146, %dma_start3A_147] : memref<10240x128xf32, #tpu.memory_space<vmem_shared>> -> memref<10240x128xf32, #tpu.memory_space<vmem_shared>>
        tpu.enqueue_indirect_dma source(%arg10 : memref<128x128xf32, #tpu.memory_space<vmem>>) target(%dma_start3A_148 : memref<10240x128xf32, #tpu.memory_space<vmem_shared>>) offsets(%dma_start3A_145 : memref<128xi32, #tpu.memory_space<vmem>>) semaphore(%arg19 : memref<!tpu.dma_semaphore, #tpu.memory_space<semaphore_mem>>) {add = true}
        %dma_wait3A_149 = arith.constant 128 : i32
        %dma_wait3A_150 = tpu.memref_slice %arg8[%dma_wait3A_149] : memref<256xi32, #tpu.memory_space<vmem>> -> memref<128xi32, #tpu.memory_space<vmem>>
        %dma_wait3A_151 = arith.constant 0 : i32
        %dma_wait3A_152 = arith.constant 0 : i32
        %dma_wait3A_153 = tpu.memref_slice %arg12[%dma_wait3A_151, %dma_wait3A_152] : memref<10240x128xf32, #tpu.memory_space<vmem_shared>> -> memref<10240x128xf32, #tpu.memory_space<vmem_shared>>
        tpu.wait_indirect_dma semaphore(%arg19 : memref<!tpu.dma_semaphore, #tpu.memory_space<semaphore_mem>>) src(%arg10 : memref<128x128xf32, #tpu.memory_space<vmem>>) dst(%dma_wait3A_153 : memref<10240x128xf32, #tpu.memory_space<vmem_shared>>)
        %dma_wait3A_154 = arith.constant 0 : i32
        %dma_wait3A_155 = tpu.memref_slice %arg3[%dma_wait3A_154] : memref<655360xi32, #tpu.memory_space<hbm>> -> memref<256xi32, #tpu.memory_space<hbm>>
        %dma_wait3A_156 = arith.constant 0 : i32
        %dma_wait3A_157 = tpu.memref_slice %arg3[%dma_wait3A_156] : memref<655360xi32, #tpu.memory_space<hbm>> -> memref<256xi32, #tpu.memory_space<hbm>>
        tpu.wait_dma2 semaphore(%arg13 : memref<!tpu.dma_semaphore, #tpu.memory_space<semaphore_mem>>) src(%dma_wait3A_157 : memref<256xi32, #tpu.memory_space<hbm>>) dst(%arg6 : memref<256xi32, #tpu.memory_space<vmem>>)
        %dma_start3A_158 = arith.constant 0 : i32
        %dma_start3A_159 = tpu.memref_slice %arg6[%dma_start3A_158] : memref<256xi32, #tpu.memory_space<vmem>> -> memref<128xi32, #tpu.memory_space<vmem>>
        %dma_start3A_160 = arith.constant 0 : i32
        %dma_start3A_161 = arith.constant 0 : i32
        %dma_start3A_162 = tpu.memref_slice %arg2[%dma_start3A_160, %dma_start3A_161] : memref<10000x128xf32, #tpu.memory_space<hbm>> -> memref<10000x128xf32, #tpu.memory_space<hbm>>
        tpu.enqueue_indirect_dma source(%dma_start3A_162 : memref<10000x128xf32, #tpu.memory_space<hbm>>) target(%arg10 : memref<128x128xf32, #tpu.memory_space<vmem>>) offsets(%dma_start3A_159 : memref<128xi32, #tpu.memory_space<vmem>>) semaphore(%arg17 : memref<!tpu.dma_semaphore, #tpu.memory_space<semaphore_mem>>)
        %add3A_163 = arith.constant 6 : i32
        %add3A_164 = arith.addi %add3A_64, %add3A_163 : i32
        %rem3A_165 = arith.constant 112 : i32
        %rem3A_166 = arith.remsi %add3A_164, %rem3A_165 : i32
        %add3A_167 = arith.addi %mul3A_10, %rem3A_166 : i32
        %mul3A_168 = arith.constant 256 : i32
        %mul3A_169 = arith.muli %add3A_167, %mul3A_168 : i32
        %dma_start3A_170 = tpu.memref_slice %arg3[%mul3A_169] : memref<655360xi32, #tpu.memory_space<hbm>> -> memref<256xi32, #tpu.memory_space<hbm>>
        %dma_start3A_171 = tpu.memref_slice %arg3[%mul3A_169] : memref<655360xi32, #tpu.memory_space<hbm>> -> memref<256xi32, #tpu.memory_space<hbm>>
        tpu.enqueue_dma source(%dma_start3A_171 : memref<256xi32, #tpu.memory_space<hbm>>) target(%arg8 : memref<256xi32, #tpu.memory_space<vmem>>) target_semaphore(%arg15 : memref<!tpu.dma_semaphore, #tpu.memory_space<semaphore_mem>>)
        %dma_wait3A_172 = arith.constant 0 : i32
        %dma_wait3A_173 = tpu.memref_slice %arg9[%dma_wait3A_172] : memref<256xi32, #tpu.memory_space<vmem>> -> memref<128xi32, #tpu.memory_space<vmem>>
        %dma_wait3A_174 = arith.constant 0 : i32
        %dma_wait3A_175 = arith.constant 0 : i32
        %dma_wait3A_176 = tpu.memref_slice %arg2[%dma_wait3A_174, %dma_wait3A_175] : memref<10000x128xf32, #tpu.memory_space<hbm>> -> memref<10000x128xf32, #tpu.memory_space<hbm>>
        tpu.wait_indirect_dma semaphore(%arg18 : memref<!tpu.dma_semaphore, #tpu.memory_space<semaphore_mem>>) src(%dma_wait3A_176 : memref<10000x128xf32, #tpu.memory_space<hbm>>) dst(%arg11 : memref<128x128xf32, #tpu.memory_space<vmem>>)
        %dma_start3A_177 = arith.constant 128 : i32
        %dma_start3A_178 = tpu.memref_slice %arg9[%dma_start3A_177] : memref<256xi32, #tpu.memory_space<vmem>> -> memref<128xi32, #tpu.memory_space<vmem>>
        %dma_start3A_179 = arith.constant 0 : i32
        %dma_start3A_180 = arith.constant 0 : i32
        %dma_start3A_181 = tpu.memref_slice %arg12[%dma_start3A_179, %dma_start3A_180] : memref<10240x128xf32, #tpu.memory_space<vmem_shared>> -> memref<10240x128xf32, #tpu.memory_space<vmem_shared>>
        tpu.enqueue_indirect_dma source(%arg11 : memref<128x128xf32, #tpu.memory_space<vmem>>) target(%dma_start3A_181 : memref<10240x128xf32, #tpu.memory_space<vmem_shared>>) offsets(%dma_start3A_178 : memref<128xi32, #tpu.memory_space<vmem>>) semaphore(%arg20 : memref<!tpu.dma_semaphore, #tpu.memory_space<semaphore_mem>>) {add = true}
        %dma_wait3A_182 = arith.constant 128 : i32
        %dma_wait3A_183 = tpu.memref_slice %arg9[%dma_wait3A_182] : memref<256xi32, #tpu.memory_space<vmem>> -> memref<128xi32, #tpu.memory_space<vmem>>
        %dma_wait3A_184 = arith.constant 0 : i32
        %dma_wait3A_185 = arith.constant 0 : i32
        %dma_wait3A_186 = tpu.memref_slice %arg12[%dma_wait3A_184, %dma_wait3A_185] : memref<10240x128xf32, #tpu.memory_space<vmem_shared>> -> memref<10240x128xf32, #tpu.memory_space<vmem_shared>>
        tpu.wait_indirect_dma semaphore(%arg20 : memref<!tpu.dma_semaphore, #tpu.memory_space<semaphore_mem>>) src(%arg11 : memref<128x128xf32, #tpu.memory_space<vmem>>) dst(%dma_wait3A_186 : memref<10240x128xf32, #tpu.memory_space<vmem_shared>>)
        %add3A_187 = arith.constant 7 : i32
        %add3A_188 = arith.addi %add3A_64, %add3A_187 : i32
        %rem3A_189 = arith.constant 112 : i32
        %rem3A_190 = arith.remsi %add3A_188, %rem3A_189 : i32
        %add3A_191 = arith.addi %mul3A_10, %rem3A_190 : i32
        %mul3A_192 = arith.constant 256 : i32
        %mul3A_193 = arith.muli %add3A_191, %mul3A_192 : i32
        %dma_start3A_194 = tpu.memref_slice %arg3[%mul3A_193] : memref<655360xi32, #tpu.memory_space<hbm>> -> memref<256xi32, #tpu.memory_space<hbm>>
        %dma_start3A_195 = tpu.memref_slice %arg3[%mul3A_193] : memref<655360xi32, #tpu.memory_space<hbm>> -> memref<256xi32, #tpu.memory_space<hbm>>
        tpu.enqueue_dma source(%dma_start3A_195 : memref<256xi32, #tpu.memory_space<hbm>>) target(%arg9 : memref<256xi32, #tpu.memory_space<vmem>>) target_semaphore(%arg16 : memref<!tpu.dma_semaphore, #tpu.memory_space<semaphore_mem>>)
      }
      %scan3A_42 = arith.constant 28 : i32
      %dma_wait3A_43 = arith.constant 0 : i32
      %dma_wait3A_44 = tpu.memref_slice %arg6[%dma_wait3A_43] : memref<256xi32, #tpu.memory_space<vmem>> -> memref<128xi32, #tpu.memory_space<vmem>>
      %dma_wait3A_45 = arith.constant 0 : i32
      %dma_wait3A_46 = arith.constant 0 : i32
      %dma_wait3A_47 = tpu.memref_slice %arg2[%dma_wait3A_45, %dma_wait3A_46] : memref<10000x128xf32, #tpu.memory_space<hbm>> -> memref<10000x128xf32, #tpu.memory_space<hbm>>
      tpu.wait_indirect_dma semaphore(%arg17 : memref<!tpu.dma_semaphore, #tpu.memory_space<semaphore_mem>>) src(%dma_wait3A_47 : memref<10000x128xf32, #tpu.memory_space<hbm>>) dst(%arg10 : memref<128x128xf32, #tpu.memory_space<vmem>>)
      %dma_wait3A_48 = arith.constant 0 : i32
      %dma_wait3A_49 = tpu.memref_slice %arg3[%dma_wait3A_48] : memref<655360xi32, #tpu.memory_space<hbm>> -> memref<256xi32, #tpu.memory_space<hbm>>
      %dma_wait3A_50 = arith.constant 0 : i32
      %dma_wait3A_51 = tpu.memref_slice %arg3[%dma_wait3A_50] : memref<655360xi32, #tpu.memory_space<hbm>> -> memref<256xi32, #tpu.memory_space<hbm>>
      tpu.wait_dma2 semaphore(%arg14 : memref<!tpu.dma_semaphore, #tpu.memory_space<semaphore_mem>>) src(%dma_wait3A_51 : memref<256xi32, #tpu.memory_space<hbm>>) dst(%arg7 : memref<256xi32, #tpu.memory_space<vmem>>)
      %dma_wait3A_52 = arith.constant 0 : i32
      %dma_wait3A_53 = tpu.memref_slice %arg3[%dma_wait3A_52] : memref<655360xi32, #tpu.memory_space<hbm>> -> memref<256xi32, #tpu.memory_space<hbm>>
      %dma_wait3A_54 = arith.constant 0 : i32
      %dma_wait3A_55 = tpu.memref_slice %arg3[%dma_wait3A_54] : memref<655360xi32, #tpu.memory_space<hbm>> -> memref<256xi32, #tpu.memory_space<hbm>>
      tpu.wait_dma2 semaphore(%arg15 : memref<!tpu.dma_semaphore, #tpu.memory_space<semaphore_mem>>) src(%dma_wait3A_55 : memref<256xi32, #tpu.memory_space<hbm>>) dst(%arg8 : memref<256xi32, #tpu.memory_space<vmem>>)
      %dma_wait3A_56 = arith.constant 0 : i32
      %dma_wait3A_57 = tpu.memref_slice %arg3[%dma_wait3A_56] : memref<655360xi32, #tpu.memory_space<hbm>> -> memref<256xi32, #tpu.memory_space<hbm>>
      %dma_wait3A_58 = arith.constant 0 : i32
      %dma_wait3A_59 = tpu.memref_slice %arg3[%dma_wait3A_58] : memref<655360xi32, #tpu.memory_space<hbm>> -> memref<256xi32, #tpu.memory_space<hbm>>
      tpu.wait_dma2 semaphore(%arg16 : memref<!tpu.dma_semaphore, #tpu.memory_space<semaphore_mem>>) src(%dma_wait3A_59 : memref<256xi32, #tpu.memory_space<hbm>>) dst(%arg9 : memref<256xi32, #tpu.memory_space<vmem>>)
    } else {
    }
    %eq3A_3 = arith.constant 1 : i32
    %eq3A_4 = arith.cmpi eq, %arg0, %eq3A_3 : i32
    %convert_element_type3A_5 = arith.extui %eq3A_4 : i1 to i32
    %cond3A_6 = arith.constant 0 : i32
    %cond3A_7 = arith.cmpi ne, %convert_element_type3A_5, %cond3A_6 : i32
    scf.if %cond3A_7 {
      %mul3A_9 = arith.constant 48 : i32
      %mul3A_10 = arith.muli %arg1, %mul3A_9 : i32
      %add3A = arith.constant 1792 : i32
      %add3A_11 = arith.addi %add3A, %mul3A_10 : i32
      %mul3A_12 = arith.constant 256 : i32
      %mul3A_13 = arith.muli %add3A_11, %mul3A_12 : i32
      %dma_start3A = tpu.memref_slice %arg3[%mul3A_13] : memref<655360xi32, #tpu.memory_space<hbm>> -> memref<256xi32, #tpu.memory_space<hbm>>
      %dma_start3A_14 = tpu.memref_slice %arg3[%mul3A_13] : memref<655360xi32, #tpu.memory_space<hbm>> -> memref<256xi32, #tpu.memory_space<hbm>>
      tpu.enqueue_dma source(%dma_start3A_14 : memref<256xi32, #tpu.memory_space<hbm>>) target(%arg6 : memref<256xi32, #tpu.memory_space<vmem>>) target_semaphore(%arg13 : memref<!tpu.dma_semaphore, #tpu.memory_space<semaphore_mem>>)
      %add3A_15 = arith.constant 1 : i32
      %add3A_16 = arith.addi %add3A_11, %add3A_15 : i32
      %mul3A_17 = arith.constant 256 : i32
      %mul3A_18 = arith.muli %add3A_16, %mul3A_17 : i32
      %dma_start3A_19 = tpu.memref_slice %arg3[%mul3A_18] : memref<655360xi32, #tpu.memory_space<hbm>> -> memref<256xi32, #tpu.memory_space<hbm>>
      %dma_start3A_20 = tpu.memref_slice %arg3[%mul3A_18] : memref<655360xi32, #tpu.memory_space<hbm>> -> memref<256xi32, #tpu.memory_space<hbm>>
      tpu.enqueue_dma source(%dma_start3A_20 : memref<256xi32, #tpu.memory_space<hbm>>) target(%arg7 : memref<256xi32, #tpu.memory_space<vmem>>) target_semaphore(%arg14 : memref<!tpu.dma_semaphore, #tpu.memory_space<semaphore_mem>>)
      %add3A_21 = arith.constant 2 : i32
      %add3A_22 = arith.addi %add3A_11, %add3A_21 : i32
      %mul3A_23 = arith.constant 256 : i32
      %mul3A_24 = arith.muli %add3A_22, %mul3A_23 : i32
      %dma_start3A_25 = tpu.memref_slice %arg3[%mul3A_24] : memref<655360xi32, #tpu.memory_space<hbm>> -> memref<256xi32, #tpu.memory_space<hbm>>
      %dma_start3A_26 = tpu.memref_slice %arg3[%mul3A_24] : memref<655360xi32, #tpu.memory_space<hbm>> -> memref<256xi32, #tpu.memory_space<hbm>>
      tpu.enqueue_dma source(%dma_start3A_26 : memref<256xi32, #tpu.memory_space<hbm>>) target(%arg8 : memref<256xi32, #tpu.memory_space<vmem>>) target_semaphore(%arg15 : memref<!tpu.dma_semaphore, #tpu.memory_space<semaphore_mem>>)
      %add3A_27 = arith.constant 3 : i32
      %add3A_28 = arith.addi %add3A_11, %add3A_27 : i32
      %mul3A_29 = arith.constant 256 : i32
      %mul3A_30 = arith.muli %add3A_28, %mul3A_29 : i32
      %dma_start3A_31 = tpu.memref_slice %arg3[%mul3A_30] : memref<655360xi32, #tpu.memory_space<hbm>> -> memref<256xi32, #tpu.memory_space<hbm>>
      %dma_start3A_32 = tpu.memref_slice %arg3[%mul3A_30] : memref<655360xi32, #tpu.memory_space<hbm>> -> memref<256xi32, #tpu.memory_space<hbm>>
      tpu.enqueue_dma source(%dma_start3A_32 : memref<256xi32, #tpu.memory_space<hbm>>) target(%arg9 : memref<256xi32, #tpu.memory_space<vmem>>) target_semaphore(%arg16 : memref<!tpu.dma_semaphore, #tpu.memory_space<semaphore_mem>>)
      %dma_wait3A = arith.constant 0 : i32
      %dma_wait3A_33 = tpu.memref_slice %arg3[%dma_wait3A] : memref<655360xi32, #tpu.memory_space<hbm>> -> memref<256xi32, #tpu.memory_space<hbm>>
      %dma_wait3A_34 = arith.constant 0 : i32
      %dma_wait3A_35 = tpu.memref_slice %arg3[%dma_wait3A_34] : memref<655360xi32, #tpu.memory_space<hbm>> -> memref<256xi32, #tpu.memory_space<hbm>>
      tpu.wait_dma2 semaphore(%arg13 : memref<!tpu.dma_semaphore, #tpu.memory_space<semaphore_mem>>) src(%dma_wait3A_35 : memref<256xi32, #tpu.memory_space<hbm>>) dst(%arg6 : memref<256xi32, #tpu.memory_space<vmem>>)
      %dma_start3A_36 = arith.constant 0 : i32
      %dma_start3A_37 = tpu.memref_slice %arg6[%dma_start3A_36] : memref<256xi32, #tpu.memory_space<vmem>> -> memref<128xi32, #tpu.memory_space<vmem>>
      %dma_start3A_38 = arith.constant 0 : i32
      %dma_start3A_39 = arith.constant 0 : i32
      %dma_start3A_40 = tpu.memref_slice %arg2[%dma_start3A_38, %dma_start3A_39] : memref<10000x128xf32, #tpu.memory_space<hbm>> -> memref<10000x128xf32, #tpu.memory_space<hbm>>
      tpu.enqueue_indirect_dma source(%dma_start3A_40 : memref<10000x128xf32, #tpu.memory_space<hbm>>) target(%arg10 : memref<128x128xf32, #tpu.memory_space<vmem>>) offsets(%dma_start3A_37 : memref<128xi32, #tpu.memory_space<vmem>>) semaphore(%arg17 : memref<!tpu.dma_semaphore, #tpu.memory_space<semaphore_mem>>)
      %scan3A = arith.constant 0 : i32
      %scan3A_41 = arith.constant 12 : i32
      %scan3A_42 = arith.addi %scan3A, %scan3A_41 : i32
      %scan3A_43 = arith.constant 1 : i32
      scf.for %scan3A_62 = %scan3A to %scan3A_42 step %scan3A_43  : i32 {
        %mul3A_63 = arith.constant 4 : i32
        %mul3A_64 = arith.muli %scan3A_62, %mul3A_63 : i32
        %add3A_65 = arith.constant 0 : i32
        %add3A_66 = arith.addi %add3A_65, %mul3A_64 : i32
        %dma_wait3A_67 = arith.constant 0 : i32
        %dma_wait3A_68 = tpu.memref_slice %arg3[%dma_wait3A_67] : memref<655360xi32, #tpu.memory_space<hbm>> -> memref<256xi32, #tpu.memory_space<hbm>>
        %dma_wait3A_69 = arith.constant 0 : i32
        %dma_wait3A_70 = tpu.memref_slice %arg3[%dma_wait3A_69] : memref<655360xi32, #tpu.memory_space<hbm>> -> memref<256xi32, #tpu.memory_space<hbm>>
        tpu.wait_dma2 semaphore(%arg14 : memref<!tpu.dma_semaphore, #tpu.memory_space<semaphore_mem>>) src(%dma_wait3A_70 : memref<256xi32, #tpu.memory_space<hbm>>) dst(%arg7 : memref<256xi32, #tpu.memory_space<vmem>>)
        %dma_start3A_71 = arith.constant 0 : i32
        %dma_start3A_72 = tpu.memref_slice %arg7[%dma_start3A_71] : memref<256xi32, #tpu.memory_space<vmem>> -> memref<128xi32, #tpu.memory_space<vmem>>
        %dma_start3A_73 = arith.constant 0 : i32
        %dma_start3A_74 = arith.constant 0 : i32
        %dma_start3A_75 = tpu.memref_slice %arg2[%dma_start3A_73, %dma_start3A_74] : memref<10000x128xf32, #tpu.memory_space<hbm>> -> memref<10000x128xf32, #tpu.memory_space<hbm>>
        tpu.enqueue_indirect_dma source(%dma_start3A_75 : memref<10000x128xf32, #tpu.memory_space<hbm>>) target(%arg11 : memref<128x128xf32, #tpu.memory_space<vmem>>) offsets(%dma_start3A_72 : memref<128xi32, #tpu.memory_space<vmem>>) semaphore(%arg18 : memref<!tpu.dma_semaphore, #tpu.memory_space<semaphore_mem>>)
        %dma_wait3A_76 = arith.constant 0 : i32
        %dma_wait3A_77 = tpu.memref_slice %arg6[%dma_wait3A_76] : memref<256xi32, #tpu.memory_space<vmem>> -> memref<128xi32, #tpu.memory_space<vmem>>
        %dma_wait3A_78 = arith.constant 0 : i32
        %dma_wait3A_79 = arith.constant 0 : i32
        %dma_wait3A_80 = tpu.memref_slice %arg2[%dma_wait3A_78, %dma_wait3A_79] : memref<10000x128xf32, #tpu.memory_space<hbm>> -> memref<10000x128xf32, #tpu.memory_space<hbm>>
        tpu.wait_indirect_dma semaphore(%arg17 : memref<!tpu.dma_semaphore, #tpu.memory_space<semaphore_mem>>) src(%dma_wait3A_80 : memref<10000x128xf32, #tpu.memory_space<hbm>>) dst(%arg10 : memref<128x128xf32, #tpu.memory_space<vmem>>)
        %dma_start3A_81 = arith.constant 128 : i32
        %dma_start3A_82 = tpu.memref_slice %arg6[%dma_start3A_81] : memref<256xi32, #tpu.memory_space<vmem>> -> memref<128xi32, #tpu.memory_space<vmem>>
        %dma_start3A_83 = arith.constant 0 : i32
        %dma_start3A_84 = arith.constant 0 : i32
        %dma_start3A_85 = tpu.memref_slice %arg12[%dma_start3A_83, %dma_start3A_84] : memref<10240x128xf32, #tpu.memory_space<vmem_shared>> -> memref<10240x128xf32, #tpu.memory_space<vmem_shared>>
        tpu.enqueue_indirect_dma source(%arg10 : memref<128x128xf32, #tpu.memory_space<vmem>>) target(%dma_start3A_85 : memref<10240x128xf32, #tpu.memory_space<vmem_shared>>) offsets(%dma_start3A_82 : memref<128xi32, #tpu.memory_space<vmem>>) semaphore(%arg19 : memref<!tpu.dma_semaphore, #tpu.memory_space<semaphore_mem>>) {add = true}
        %dma_wait3A_86 = arith.constant 128 : i32
        %dma_wait3A_87 = tpu.memref_slice %arg6[%dma_wait3A_86] : memref<256xi32, #tpu.memory_space<vmem>> -> memref<128xi32, #tpu.memory_space<vmem>>
        %dma_wait3A_88 = arith.constant 0 : i32
        %dma_wait3A_89 = arith.constant 0 : i32
        %dma_wait3A_90 = tpu.memref_slice %arg12[%dma_wait3A_88, %dma_wait3A_89] : memref<10240x128xf32, #tpu.memory_space<vmem_shared>> -> memref<10240x128xf32, #tpu.memory_space<vmem_shared>>
        tpu.wait_indirect_dma semaphore(%arg19 : memref<!tpu.dma_semaphore, #tpu.memory_space<semaphore_mem>>) src(%arg10 : memref<128x128xf32, #tpu.memory_space<vmem>>) dst(%dma_wait3A_90 : memref<10240x128xf32, #tpu.memory_space<vmem_shared>>)
        %dma_wait3A_91 = arith.constant 0 : i32
        %dma_wait3A_92 = tpu.memref_slice %arg3[%dma_wait3A_91] : memref<655360xi32, #tpu.memory_space<hbm>> -> memref<256xi32, #tpu.memory_space<hbm>>
        %dma_wait3A_93 = arith.constant 0 : i32
        %dma_wait3A_94 = tpu.memref_slice %arg3[%dma_wait3A_93] : memref<655360xi32, #tpu.memory_space<hbm>> -> memref<256xi32, #tpu.memory_space<hbm>>
        tpu.wait_dma2 semaphore(%arg15 : memref<!tpu.dma_semaphore, #tpu.memory_space<semaphore_mem>>) src(%dma_wait3A_94 : memref<256xi32, #tpu.memory_space<hbm>>) dst(%arg8 : memref<256xi32, #tpu.memory_space<vmem>>)
        %dma_start3A_95 = arith.constant 0 : i32
        %dma_start3A_96 = tpu.memref_slice %arg8[%dma_start3A_95] : memref<256xi32, #tpu.memory_space<vmem>> -> memref<128xi32, #tpu.memory_space<vmem>>
        %dma_start3A_97 = arith.constant 0 : i32
        %dma_start3A_98 = arith.constant 0 : i32
        %dma_start3A_99 = tpu.memref_slice %arg2[%dma_start3A_97, %dma_start3A_98] : memref<10000x128xf32, #tpu.memory_space<hbm>> -> memref<10000x128xf32, #tpu.memory_space<hbm>>
        tpu.enqueue_indirect_dma source(%dma_start3A_99 : memref<10000x128xf32, #tpu.memory_space<hbm>>) target(%arg10 : memref<128x128xf32, #tpu.memory_space<vmem>>) offsets(%dma_start3A_96 : memref<128xi32, #tpu.memory_space<vmem>>) semaphore(%arg17 : memref<!tpu.dma_semaphore, #tpu.memory_space<semaphore_mem>>)
        %add3A_100 = arith.constant 4 : i32
        %add3A_101 = arith.addi %add3A_66, %add3A_100 : i32
        %rem3A = arith.constant 48 : i32
        %rem3A_102 = arith.remsi %add3A_101, %rem3A : i32
        %add3A_103 = arith.addi %add3A_11, %rem3A_102 : i32
        %mul3A_104 = arith.constant 256 : i32
        %mul3A_105 = arith.muli %add3A_103, %mul3A_104 : i32
        %dma_start3A_106 = tpu.memref_slice %arg3[%mul3A_105] : memref<655360xi32, #tpu.memory_space<hbm>> -> memref<256xi32, #tpu.memory_space<hbm>>
        %dma_start3A_107 = tpu.memref_slice %arg3[%mul3A_105] : memref<655360xi32, #tpu.memory_space<hbm>> -> memref<256xi32, #tpu.memory_space<hbm>>
        tpu.enqueue_dma source(%dma_start3A_107 : memref<256xi32, #tpu.memory_space<hbm>>) target(%arg6 : memref<256xi32, #tpu.memory_space<vmem>>) target_semaphore(%arg13 : memref<!tpu.dma_semaphore, #tpu.memory_space<semaphore_mem>>)
        %dma_wait3A_108 = arith.constant 0 : i32
        %dma_wait3A_109 = tpu.memref_slice %arg7[%dma_wait3A_108] : memref<256xi32, #tpu.memory_space<vmem>> -> memref<128xi32, #tpu.memory_space<vmem>>
        %dma_wait3A_110 = arith.constant 0 : i32
        %dma_wait3A_111 = arith.constant 0 : i32
        %dma_wait3A_112 = tpu.memref_slice %arg2[%dma_wait3A_110, %dma_wait3A_111] : memref<10000x128xf32, #tpu.memory_space<hbm>> -> memref<10000x128xf32, #tpu.memory_space<hbm>>
        tpu.wait_indirect_dma semaphore(%arg18 : memref<!tpu.dma_semaphore, #tpu.memory_space<semaphore_mem>>) src(%dma_wait3A_112 : memref<10000x128xf32, #tpu.memory_space<hbm>>) dst(%arg11 : memref<128x128xf32, #tpu.memory_space<vmem>>)
        %dma_start3A_113 = arith.constant 128 : i32
        %dma_start3A_114 = tpu.memref_slice %arg7[%dma_start3A_113] : memref<256xi32, #tpu.memory_space<vmem>> -> memref<128xi32, #tpu.memory_space<vmem>>
        %dma_start3A_115 = arith.constant 0 : i32
        %dma_start3A_116 = arith.constant 0 : i32
        %dma_start3A_117 = tpu.memref_slice %arg12[%dma_start3A_115, %dma_start3A_116] : memref<10240x128xf32, #tpu.memory_space<vmem_shared>> -> memref<10240x128xf32, #tpu.memory_space<vmem_shared>>
        tpu.enqueue_indirect_dma source(%arg11 : memref<128x128xf32, #tpu.memory_space<vmem>>) target(%dma_start3A_117 : memref<10240x128xf32, #tpu.memory_space<vmem_shared>>) offsets(%dma_start3A_114 : memref<128xi32, #tpu.memory_space<vmem>>) semaphore(%arg20 : memref<!tpu.dma_semaphore, #tpu.memory_space<semaphore_mem>>) {add = true}
        %dma_wait3A_118 = arith.constant 128 : i32
        %dma_wait3A_119 = tpu.memref_slice %arg7[%dma_wait3A_118] : memref<256xi32, #tpu.memory_space<vmem>> -> memref<128xi32, #tpu.memory_space<vmem>>
        %dma_wait3A_120 = arith.constant 0 : i32
        %dma_wait3A_121 = arith.constant 0 : i32
        %dma_wait3A_122 = tpu.memref_slice %arg12[%dma_wait3A_120, %dma_wait3A_121] : memref<10240x128xf32, #tpu.memory_space<vmem_shared>> -> memref<10240x128xf32, #tpu.memory_space<vmem_shared>>
        tpu.wait_indirect_dma semaphore(%arg20 : memref<!tpu.dma_semaphore, #tpu.memory_space<semaphore_mem>>) src(%arg11 : memref<128x128xf32, #tpu.memory_space<vmem>>) dst(%dma_wait3A_122 : memref<10240x128xf32, #tpu.memory_space<vmem_shared>>)
        %dma_wait3A_123 = arith.constant 0 : i32
        %dma_wait3A_124 = tpu.memref_slice %arg3[%dma_wait3A_123] : memref<655360xi32, #tpu.memory_space<hbm>> -> memref<256xi32, #tpu.memory_space<hbm>>
        %dma_wait3A_125 = arith.constant 0 : i32
        %dma_wait3A_126 = tpu.memref_slice %arg3[%dma_wait3A_125] : memref<655360xi32, #tpu.memory_space<hbm>> -> memref<256xi32, #tpu.memory_space<hbm>>
        tpu.wait_dma2 semaphore(%arg16 : memref<!tpu.dma_semaphore, #tpu.memory_space<semaphore_mem>>) src(%dma_wait3A_126 : memref<256xi32, #tpu.memory_space<hbm>>) dst(%arg9 : memref<256xi32, #tpu.memory_space<vmem>>)
        %dma_start3A_127 = arith.constant 0 : i32
        %dma_start3A_128 = tpu.memref_slice %arg9[%dma_start3A_127] : memref<256xi32, #tpu.memory_space<vmem>> -> memref<128xi32, #tpu.memory_space<vmem>>
        %dma_start3A_129 = arith.constant 0 : i32
        %dma_start3A_130 = arith.constant 0 : i32
        %dma_start3A_131 = tpu.memref_slice %arg2[%dma_start3A_129, %dma_start3A_130] : memref<10000x128xf32, #tpu.memory_space<hbm>> -> memref<10000x128xf32, #tpu.memory_space<hbm>>
        tpu.enqueue_indirect_dma source(%dma_start3A_131 : memref<10000x128xf32, #tpu.memory_space<hbm>>) target(%arg11 : memref<128x128xf32, #tpu.memory_space<vmem>>) offsets(%dma_start3A_128 : memref<128xi32, #tpu.memory_space<vmem>>) semaphore(%arg18 : memref<!tpu.dma_semaphore, #tpu.memory_space<semaphore_mem>>)
        %add3A_132 = arith.constant 5 : i32
        %add3A_133 = arith.addi %add3A_66, %add3A_132 : i32
        %rem3A_134 = arith.constant 48 : i32
        %rem3A_135 = arith.remsi %add3A_133, %rem3A_134 : i32
        %add3A_136 = arith.addi %add3A_11, %rem3A_135 : i32
        %mul3A_137 = arith.constant 256 : i32
        %mul3A_138 = arith.muli %add3A_136, %mul3A_137 : i32
        %dma_start3A_139 = tpu.memref_slice %arg3[%mul3A_138] : memref<655360xi32, #tpu.memory_space<hbm>> -> memref<256xi32, #tpu.memory_space<hbm>>
        %dma_start3A_140 = tpu.memref_slice %arg3[%mul3A_138] : memref<655360xi32, #tpu.memory_space<hbm>> -> memref<256xi32, #tpu.memory_space<hbm>>
        tpu.enqueue_dma source(%dma_start3A_140 : memref<256xi32, #tpu.memory_space<hbm>>) target(%arg7 : memref<256xi32, #tpu.memory_space<vmem>>) target_semaphore(%arg14 : memref<!tpu.dma_semaphore, #tpu.memory_space<semaphore_mem>>)
        %dma_wait3A_141 = arith.constant 0 : i32
        %dma_wait3A_142 = tpu.memref_slice %arg8[%dma_wait3A_141] : memref<256xi32, #tpu.memory_space<vmem>> -> memref<128xi32, #tpu.memory_space<vmem>>
        %dma_wait3A_143 = arith.constant 0 : i32
        %dma_wait3A_144 = arith.constant 0 : i32
        %dma_wait3A_145 = tpu.memref_slice %arg2[%dma_wait3A_143, %dma_wait3A_144] : memref<10000x128xf32, #tpu.memory_space<hbm>> -> memref<10000x128xf32, #tpu.memory_space<hbm>>
        tpu.wait_indirect_dma semaphore(%arg17 : memref<!tpu.dma_semaphore, #tpu.memory_space<semaphore_mem>>) src(%dma_wait3A_145 : memref<10000x128xf32, #tpu.memory_space<hbm>>) dst(%arg10 : memref<128x128xf32, #tpu.memory_space<vmem>>)
        %dma_start3A_146 = arith.constant 128 : i32
        %dma_start3A_147 = tpu.memref_slice %arg8[%dma_start3A_146] : memref<256xi32, #tpu.memory_space<vmem>> -> memref<128xi32, #tpu.memory_space<vmem>>
        %dma_start3A_148 = arith.constant 0 : i32
        %dma_start3A_149 = arith.constant 0 : i32
        %dma_start3A_150 = tpu.memref_slice %arg12[%dma_start3A_148, %dma_start3A_149] : memref<10240x128xf32, #tpu.memory_space<vmem_shared>> -> memref<10240x128xf32, #tpu.memory_space<vmem_shared>>
        tpu.enqueue_indirect_dma source(%arg10 : memref<128x128xf32, #tpu.memory_space<vmem>>) target(%dma_start3A_150 : memref<10240x128xf32, #tpu.memory_space<vmem_shared>>) offsets(%dma_start3A_147 : memref<128xi32, #tpu.memory_space<vmem>>) semaphore(%arg19 : memref<!tpu.dma_semaphore, #tpu.memory_space<semaphore_mem>>) {add = true}
        %dma_wait3A_151 = arith.constant 128 : i32
        %dma_wait3A_152 = tpu.memref_slice %arg8[%dma_wait3A_151] : memref<256xi32, #tpu.memory_space<vmem>> -> memref<128xi32, #tpu.memory_space<vmem>>
        %dma_wait3A_153 = arith.constant 0 : i32
        %dma_wait3A_154 = arith.constant 0 : i32
        %dma_wait3A_155 = tpu.memref_slice %arg12[%dma_wait3A_153, %dma_wait3A_154] : memref<10240x128xf32, #tpu.memory_space<vmem_shared>> -> memref<10240x128xf32, #tpu.memory_space<vmem_shared>>
        tpu.wait_indirect_dma semaphore(%arg19 : memref<!tpu.dma_semaphore, #tpu.memory_space<semaphore_mem>>) src(%arg10 : memref<128x128xf32, #tpu.memory_space<vmem>>) dst(%dma_wait3A_155 : memref<10240x128xf32, #tpu.memory_space<vmem_shared>>)
        %dma_wait3A_156 = arith.constant 0 : i32
        %dma_wait3A_157 = tpu.memref_slice %arg3[%dma_wait3A_156] : memref<655360xi32, #tpu.memory_space<hbm>> -> memref<256xi32, #tpu.memory_space<hbm>>
        %dma_wait3A_158 = arith.constant 0 : i32
        %dma_wait3A_159 = tpu.memref_slice %arg3[%dma_wait3A_158] : memref<655360xi32, #tpu.memory_space<hbm>> -> memref<256xi32, #tpu.memory_space<hbm>>
        tpu.wait_dma2 semaphore(%arg13 : memref<!tpu.dma_semaphore, #tpu.memory_space<semaphore_mem>>) src(%dma_wait3A_159 : memref<256xi32, #tpu.memory_space<hbm>>) dst(%arg6 : memref<256xi32, #tpu.memory_space<vmem>>)
        %dma_start3A_160 = arith.constant 0 : i32
        %dma_start3A_161 = tpu.memref_slice %arg6[%dma_start3A_160] : memref<256xi32, #tpu.memory_space<vmem>> -> memref<128xi32, #tpu.memory_space<vmem>>
        %dma_start3A_162 = arith.constant 0 : i32
        %dma_start3A_163 = arith.constant 0 : i32
        %dma_start3A_164 = tpu.memref_slice %arg2[%dma_start3A_162, %dma_start3A_163] : memref<10000x128xf32, #tpu.memory_space<hbm>> -> memref<10000x128xf32, #tpu.memory_space<hbm>>
        tpu.enqueue_indirect_dma source(%dma_start3A_164 : memref<10000x128xf32, #tpu.memory_space<hbm>>) target(%arg10 : memref<128x128xf32, #tpu.memory_space<vmem>>) offsets(%dma_start3A_161 : memref<128xi32, #tpu.memory_space<vmem>>) semaphore(%arg17 : memref<!tpu.dma_semaphore, #tpu.memory_space<semaphore_mem>>)
        %add3A_165 = arith.constant 6 : i32
        %add3A_166 = arith.addi %add3A_66, %add3A_165 : i32
        %rem3A_167 = arith.constant 48 : i32
        %rem3A_168 = arith.remsi %add3A_166, %rem3A_167 : i32
        %add3A_169 = arith.addi %add3A_11, %rem3A_168 : i32
        %mul3A_170 = arith.constant 256 : i32
        %mul3A_171 = arith.muli %add3A_169, %mul3A_170 : i32
        %dma_start3A_172 = tpu.memref_slice %arg3[%mul3A_171] : memref<655360xi32, #tpu.memory_space<hbm>> -> memref<256xi32, #tpu.memory_space<hbm>>
        %dma_start3A_173 = tpu.memref_slice %arg3[%mul3A_171] : memref<655360xi32, #tpu.memory_space<hbm>> -> memref<256xi32, #tpu.memory_space<hbm>>
        tpu.enqueue_dma source(%dma_start3A_173 : memref<256xi32, #tpu.memory_space<hbm>>) target(%arg8 : memref<256xi32, #tpu.memory_space<vmem>>) target_semaphore(%arg15 : memref<!tpu.dma_semaphore, #tpu.memory_space<semaphore_mem>>)
        %dma_wait3A_174 = arith.constant 0 : i32
        %dma_wait3A_175 = tpu.memref_slice %arg9[%dma_wait3A_174] : memref<256xi32, #tpu.memory_space<vmem>> -> memref<128xi32, #tpu.memory_space<vmem>>
        %dma_wait3A_176 = arith.constant 0 : i32
        %dma_wait3A_177 = arith.constant 0 : i32
        %dma_wait3A_178 = tpu.memref_slice %arg2[%dma_wait3A_176, %dma_wait3A_177] : memref<10000x128xf32, #tpu.memory_space<hbm>> -> memref<10000x128xf32, #tpu.memory_space<hbm>>
        tpu.wait_indirect_dma semaphore(%arg18 : memref<!tpu.dma_semaphore, #tpu.memory_space<semaphore_mem>>) src(%dma_wait3A_178 : memref<10000x128xf32, #tpu.memory_space<hbm>>) dst(%arg11 : memref<128x128xf32, #tpu.memory_space<vmem>>)
        %dma_start3A_179 = arith.constant 128 : i32
        %dma_start3A_180 = tpu.memref_slice %arg9[%dma_start3A_179] : memref<256xi32, #tpu.memory_space<vmem>> -> memref<128xi32, #tpu.memory_space<vmem>>
        %dma_start3A_181 = arith.constant 0 : i32
        %dma_start3A_182 = arith.constant 0 : i32
        %dma_start3A_183 = tpu.memref_slice %arg12[%dma_start3A_181, %dma_start3A_182] : memref<10240x128xf32, #tpu.memory_space<vmem_shared>> -> memref<10240x128xf32, #tpu.memory_space<vmem_shared>>
        tpu.enqueue_indirect_dma source(%arg11 : memref<128x128xf32, #tpu.memory_space<vmem>>) target(%dma_start3A_183 : memref<10240x128xf32, #tpu.memory_space<vmem_shared>>) offsets(%dma_start3A_180 : memref<128xi32, #tpu.memory_space<vmem>>) semaphore(%arg20 : memref<!tpu.dma_semaphore, #tpu.memory_space<semaphore_mem>>) {add = true}
        %dma_wait3A_184 = arith.constant 128 : i32
        %dma_wait3A_185 = tpu.memref_slice %arg9[%dma_wait3A_184] : memref<256xi32, #tpu.memory_space<vmem>> -> memref<128xi32, #tpu.memory_space<vmem>>
        %dma_wait3A_186 = arith.constant 0 : i32
        %dma_wait3A_187 = arith.constant 0 : i32
        %dma_wait3A_188 = tpu.memref_slice %arg12[%dma_wait3A_186, %dma_wait3A_187] : memref<10240x128xf32, #tpu.memory_space<vmem_shared>> -> memref<10240x128xf32, #tpu.memory_space<vmem_shared>>
        tpu.wait_indirect_dma semaphore(%arg20 : memref<!tpu.dma_semaphore, #tpu.memory_space<semaphore_mem>>) src(%arg11 : memref<128x128xf32, #tpu.memory_space<vmem>>) dst(%dma_wait3A_188 : memref<10240x128xf32, #tpu.memory_space<vmem_shared>>)
        %add3A_189 = arith.constant 7 : i32
        %add3A_190 = arith.addi %add3A_66, %add3A_189 : i32
        %rem3A_191 = arith.constant 48 : i32
        %rem3A_192 = arith.remsi %add3A_190, %rem3A_191 : i32
        %add3A_193 = arith.addi %add3A_11, %rem3A_192 : i32
        %mul3A_194 = arith.constant 256 : i32
        %mul3A_195 = arith.muli %add3A_193, %mul3A_194 : i32
        %dma_start3A_196 = tpu.memref_slice %arg3[%mul3A_195] : memref<655360xi32, #tpu.memory_space<hbm>> -> memref<256xi32, #tpu.memory_space<hbm>>
        %dma_start3A_197 = tpu.memref_slice %arg3[%mul3A_195] : memref<655360xi32, #tpu.memory_space<hbm>> -> memref<256xi32, #tpu.memory_space<hbm>>
        tpu.enqueue_dma source(%dma_start3A_197 : memref<256xi32, #tpu.memory_space<hbm>>) target(%arg9 : memref<256xi32, #tpu.memory_space<vmem>>) target_semaphore(%arg16 : memref<!tpu.dma_semaphore, #tpu.memory_space<semaphore_mem>>)
      }
      %scan3A_44 = arith.constant 12 : i32
      %dma_wait3A_45 = arith.constant 0 : i32
      %dma_wait3A_46 = tpu.memref_slice %arg6[%dma_wait3A_45] : memref<256xi32, #tpu.memory_space<vmem>> -> memref<128xi32, #tpu.memory_space<vmem>>
      %dma_wait3A_47 = arith.constant 0 : i32
      %dma_wait3A_48 = arith.constant 0 : i32
      %dma_wait3A_49 = tpu.memref_slice %arg2[%dma_wait3A_47, %dma_wait3A_48] : memref<10000x128xf32, #tpu.memory_space<hbm>> -> memref<10000x128xf32, #tpu.memory_space<hbm>>
      tpu.wait_indirect_dma semaphore(%arg17 : memref<!tpu.dma_semaphore, #tpu.memory_space<semaphore_mem>>) src(%dma_wait3A_49 : memref<10000x128xf32, #tpu.memory_space<hbm>>) dst(%arg10 : memref<128x128xf32, #tpu.memory_space<vmem>>)
      %dma_wait3A_50 = arith.constant 0 : i32
      %dma_wait3A_51 = tpu.memref_slice %arg3[%dma_wait3A_50] : memref<655360xi32, #tpu.memory_space<hbm>> -> memref<256xi32, #tpu.memory_space<hbm>>
      %dma_wait3A_52 = arith.constant 0 : i32
      %dma_wait3A_53 = tpu.memref_slice %arg3[%dma_wait3A_52] : memref<655360xi32, #tpu.memory_space<hbm>> -> memref<256xi32, #tpu.memory_space<hbm>>
      tpu.wait_dma2 semaphore(%arg14 : memref<!tpu.dma_semaphore, #tpu.memory_space<semaphore_mem>>) src(%dma_wait3A_53 : memref<256xi32, #tpu.memory_space<hbm>>) dst(%arg7 : memref<256xi32, #tpu.memory_space<vmem>>)
      %dma_wait3A_54 = arith.constant 0 : i32
      %dma_wait3A_55 = tpu.memref_slice %arg3[%dma_wait3A_54] : memref<655360xi32, #tpu.memory_space<hbm>> -> memref<256xi32, #tpu.memory_space<hbm>>
      %dma_wait3A_56 = arith.constant 0 : i32
      %dma_wait3A_57 = tpu.memref_slice %arg3[%dma_wait3A_56] : memref<655360xi32, #tpu.memory_space<hbm>> -> memref<256xi32, #tpu.memory_space<hbm>>
      tpu.wait_dma2 semaphore(%arg15 : memref<!tpu.dma_semaphore, #tpu.memory_space<semaphore_mem>>) src(%dma_wait3A_57 : memref<256xi32, #tpu.memory_space<hbm>>) dst(%arg8 : memref<256xi32, #tpu.memory_space<vmem>>)
      %dma_wait3A_58 = arith.constant 0 : i32
      %dma_wait3A_59 = tpu.memref_slice %arg3[%dma_wait3A_58] : memref<655360xi32, #tpu.memory_space<hbm>> -> memref<256xi32, #tpu.memory_space<hbm>>
      %dma_wait3A_60 = arith.constant 0 : i32
      %dma_wait3A_61 = tpu.memref_slice %arg3[%dma_wait3A_60] : memref<655360xi32, #tpu.memory_space<hbm>> -> memref<256xi32, #tpu.memory_space<hbm>>
      tpu.wait_dma2 semaphore(%arg16 : memref<!tpu.dma_semaphore, #tpu.memory_space<semaphore_mem>>) src(%dma_wait3A_61 : memref<256xi32, #tpu.memory_space<hbm>>) dst(%arg9 : memref<256xi32, #tpu.memory_space<vmem>>)
    } else {
    }
    %barrier3A_8 = arith.constant 0 : index
    tpu.barrier barrier_id(%barrier3A_8)
    "tpu.region"() ({
      %run_scoped3A = tpu.sem_alloc : memref<!tpu.dma_semaphore, #tpu.memory_space<semaphore_mem>>
      %dma_start3A = arith.constant 0 : i32
      %dma_start3A_9 = tpu.memref_slice %arg5[%arg0, %mul3A_0, %dma_start3A] : memref<2x10240x128xf32, #tpu.memory_space<hbm>> -> memref<1x640x128xf32, #tpu.memory_space<hbm>>
      %dma_start3A_10 = tpu.memref_squeeze %dma_start3A_9 : memref<1x640x128xf32, #tpu.memory_space<hbm>> -> memref<640x128xf32, #tpu.memory_space<hbm>>
      %dma_start3A_11 = arith.constant 0 : i32
      %dma_start3A_12 = tpu.memref_slice %arg12[%mul3A_0, %dma_start3A_11] : memref<10240x128xf32, #tpu.memory_space<vmem_shared>> -> memref<640x128xf32, #tpu.memory_space<vmem_shared>>
      tpu.enqueue_dma source(%dma_start3A_12 : memref<640x128xf32, #tpu.memory_space<vmem_shared>>) target(%dma_start3A_10 : memref<640x128xf32, #tpu.memory_space<hbm>>) target_semaphore(%run_scoped3A : memref<!tpu.dma_semaphore, #tpu.memory_space<semaphore_mem>>)
      %dma_wait3A = arith.constant 0 : i32
      %dma_wait3A_13 = tpu.memref_slice %arg5[%arg0, %mul3A_0, %dma_wait3A] : memref<2x10240x128xf32, #tpu.memory_space<hbm>> -> memref<1x640x128xf32, #tpu.memory_space<hbm>>
      %dma_wait3A_14 = tpu.memref_squeeze %dma_wait3A_13 : memref<1x640x128xf32, #tpu.memory_space<hbm>> -> memref<640x128xf32, #tpu.memory_space<hbm>>
      %dma_wait3A_15 = arith.constant 0 : i32
      %dma_wait3A_16 = tpu.memref_slice %arg12[%mul3A_0, %dma_wait3A_15] : memref<10240x128xf32, #tpu.memory_space<vmem_shared>> -> memref<640x128xf32, #tpu.memory_space<vmem_shared>>
      tpu.wait_dma2 semaphore(%run_scoped3A : memref<!tpu.dma_semaphore, #tpu.memory_space<semaphore_mem>>) src(%dma_wait3A_16 : memref<640x128xf32, #tpu.memory_space<vmem_shared>>) dst(%dma_wait3A_14 : memref<640x128xf32, #tpu.memory_space<hbm>>)
      tpu.yield
    }) : () -> ()
    return
  }
}

#map = affine_map<(d0, d1) -> (0)>
#map1 = affine_map<(d0, d1) -> (0, 0)>
#map2 = affine_map<(d0, d1) -> (0, 0, 0)>
module attributes {stable_mosaic.version = 14 : i64} {
  func.func @_deg_body(%arg0: i32, %arg1: i32, %arg2: memref<327680xi32, #tpu.memory_space<hbm>>, %arg3: memref<128x128xf32, #tpu.memory_space<hbm>>, %arg4: memref<640x128xf32, #tpu.memory_space<hbm>>, %arg5: memref<2x10240x128xf32, #tpu.memory_space<hbm>>, %arg6: memref<10240xi32, #tpu.memory_space<vmem>>, %arg7: memref<128x128xf32, #tpu.memory_space<vmem>>, %arg8: memref<10240x128xf32, #tpu.memory_space<vmem_shared>>, %arg9: memref<!tpu.dma_semaphore, #tpu.memory_space<semaphore_mem>>) attributes {dimension_semantics = [#tpu.dimension_semantics<core_parallel>, #tpu.dimension_semantics<subcore_parallel>], iteration_bounds = array<i64: 2, 16>, scalar_prefetch = 0 : i64, scratch_operands = 4 : i64, tpu.core_type = #tpu.core_type<sc_vector_subcore>, window_params = [{transform_indices = #map}, {transform_indices = #map1}, {transform_indices = #map1}, {transform_indices = #map2}]} {
    %mul3A = arith.constant 2 : i32
    %mul3A_0 = arith.muli %arg1, %mul3A : i32
    %add3A = arith.addi %mul3A_0, %arg0 : i32
    %mul3A_1 = arith.constant 640 : i32
    %mul3A_2 = arith.muli %arg1, %mul3A_1 : i32
    %mul3A_3 = arith.constant 10240 : i32
    %mul3A_4 = arith.muli %add3A, %mul3A_3 : i32
    "tpu.region"() ({
      %run_scoped3A = tpu.sem_alloc : memref<!tpu.dma_semaphore, #tpu.memory_space<semaphore_mem>>
      %dma_start3A = arith.constant 0 : i32
      %dma_start3A_15 = tpu.memref_slice %arg8[%mul3A_2, %dma_start3A] : memref<10240x128xf32, #tpu.memory_space<vmem_shared>> -> memref<640x128xf32, #tpu.memory_space<vmem_shared>>
      tpu.enqueue_dma source(%arg4 : memref<640x128xf32, #tpu.memory_space<hbm>>) target(%dma_start3A_15 : memref<640x128xf32, #tpu.memory_space<vmem_shared>>) target_semaphore(%run_scoped3A : memref<!tpu.dma_semaphore, #tpu.memory_space<semaphore_mem>>)
      %dma_wait3A = arith.constant 0 : i32
      %dma_wait3A_16 = tpu.memref_slice %arg8[%mul3A_2, %dma_wait3A] : memref<10240x128xf32, #tpu.memory_space<vmem_shared>> -> memref<640x128xf32, #tpu.memory_space<vmem_shared>>
      tpu.wait_dma2 semaphore(%run_scoped3A : memref<!tpu.dma_semaphore, #tpu.memory_space<semaphore_mem>>) src(%arg4 : memref<640x128xf32, #tpu.memory_space<hbm>>) dst(%dma_wait3A_16 : memref<640x128xf32, #tpu.memory_space<vmem_shared>>)
      tpu.yield
    }) : () -> ()
    "tpu.region"() ({
      %run_scoped3A = tpu.sem_alloc : memref<!tpu.dma_semaphore, #tpu.memory_space<semaphore_mem>>
      tpu.enqueue_dma source(%arg3 : memref<128x128xf32, #tpu.memory_space<hbm>>) target(%arg7 : memref<128x128xf32, #tpu.memory_space<vmem>>) target_semaphore(%run_scoped3A : memref<!tpu.dma_semaphore, #tpu.memory_space<semaphore_mem>>)
      tpu.wait_dma2 semaphore(%run_scoped3A : memref<!tpu.dma_semaphore, #tpu.memory_space<semaphore_mem>>) src(%arg3 : memref<128x128xf32, #tpu.memory_space<hbm>>) dst(%arg7 : memref<128x128xf32, #tpu.memory_space<vmem>>)
      tpu.yield
    }) : () -> ()
    "tpu.region"() ({
      %run_scoped3A = tpu.sem_alloc : memref<!tpu.dma_semaphore, #tpu.memory_space<semaphore_mem>>
      %dma_start3A = tpu.memref_slice %arg2[%mul3A_4] : memref<327680xi32, #tpu.memory_space<hbm>> -> memref<10240xi32, #tpu.memory_space<hbm>>
      %dma_start3A_15 = tpu.memref_slice %arg2[%mul3A_4] : memref<327680xi32, #tpu.memory_space<hbm>> -> memref<10240xi32, #tpu.memory_space<hbm>>
      tpu.enqueue_dma source(%dma_start3A_15 : memref<10240xi32, #tpu.memory_space<hbm>>) target(%arg6 : memref<10240xi32, #tpu.memory_space<vmem>>) target_semaphore(%run_scoped3A : memref<!tpu.dma_semaphore, #tpu.memory_space<semaphore_mem>>)
      %dma_wait3A = tpu.memref_slice %arg2[%mul3A_4] : memref<327680xi32, #tpu.memory_space<hbm>> -> memref<10240xi32, #tpu.memory_space<hbm>>
      %dma_wait3A_16 = tpu.memref_slice %arg2[%mul3A_4] : memref<327680xi32, #tpu.memory_space<hbm>> -> memref<10240xi32, #tpu.memory_space<hbm>>
      tpu.wait_dma2 semaphore(%run_scoped3A : memref<!tpu.dma_semaphore, #tpu.memory_space<semaphore_mem>>) src(%dma_wait3A_16 : memref<10240xi32, #tpu.memory_space<hbm>>) dst(%arg6 : memref<10240xi32, #tpu.memory_space<vmem>>)
      tpu.yield
    }) : () -> ()
    %barrier3A = arith.constant 0 : index
    tpu.barrier barrier_id(%barrier3A)
    %scan3A = arith.constant 0 : i32
    %scan3A_5 = arith.constant 80 : i32
    %scan3A_6 = arith.addi %scan3A, %scan3A_5 : i32
    %scan3A_7 = arith.constant 1 : i32
    scf.for %scan3A_15 = %scan3A to %scan3A_6 step %scan3A_7  : i32 {
      %mul3A_16 = arith.constant 1 : i32
      %mul3A_17 = arith.muli %scan3A_15, %mul3A_16 : i32
      %add3A_18 = arith.constant 0 : i32
      %add3A_19 = arith.addi %add3A_18, %mul3A_17 : i32
      %mul3A_20 = arith.constant 128 : i32
      %mul3A_21 = arith.muli %add3A_19, %mul3A_20 : i32
      %dma_start3A = tpu.memref_slice %arg6[%mul3A_21] : memref<10240xi32, #tpu.memory_space<vmem>> -> memref<128xi32, #tpu.memory_space<vmem>>
      %dma_start3A_22 = arith.constant 0 : i32
      %dma_start3A_23 = arith.constant 0 : i32
      %dma_start3A_24 = tpu.memref_slice %arg8[%dma_start3A_22, %dma_start3A_23] : memref<10240x128xf32, #tpu.memory_space<vmem_shared>> -> memref<10240x128xf32, #tpu.memory_space<vmem_shared>>
      tpu.enqueue_indirect_dma source(%arg7 : memref<128x128xf32, #tpu.memory_space<vmem>>) target(%dma_start3A_24 : memref<10240x128xf32, #tpu.memory_space<vmem_shared>>) offsets(%dma_start3A : memref<128xi32, #tpu.memory_space<vmem>>) semaphore(%arg9 : memref<!tpu.dma_semaphore, #tpu.memory_space<semaphore_mem>>) {add = true}
    }
    %scan3A_8 = arith.constant 80 : i32
    %scan3A_9 = arith.constant 0 : i32
    %scan3A_10 = arith.constant 80 : i32
    %scan3A_11 = arith.addi %scan3A_9, %scan3A_10 : i32
    %scan3A_12 = arith.constant 1 : i32
    scf.for %scan3A_15 = %scan3A_9 to %scan3A_11 step %scan3A_12  : i32 {
      %mul3A_16 = arith.constant 1 : i32
      %mul3A_17 = arith.muli %scan3A_15, %mul3A_16 : i32
      %add3A_18 = arith.constant 0 : i32
      %add3A_19 = arith.addi %add3A_18, %mul3A_17 : i32
      %mul3A_20 = arith.constant 128 : i32
      %mul3A_21 = arith.muli %add3A_19, %mul3A_20 : i32
      %dma_wait3A = tpu.memref_slice %arg6[%mul3A_21] : memref<10240xi32, #tpu.memory_space<vmem>> -> memref<128xi32, #tpu.memory_space<vmem>>
      %dma_wait3A_22 = arith.constant 0 : i32
      %dma_wait3A_23 = arith.constant 0 : i32
      %dma_wait3A_24 = tpu.memref_slice %arg8[%dma_wait3A_22, %dma_wait3A_23] : memref<10240x128xf32, #tpu.memory_space<vmem_shared>> -> memref<10240x128xf32, #tpu.memory_space<vmem_shared>>
      tpu.wait_indirect_dma semaphore(%arg9 : memref<!tpu.dma_semaphore, #tpu.memory_space<semaphore_mem>>) src(%arg7 : memref<128x128xf32, #tpu.memory_space<vmem>>) dst(%dma_wait3A_24 : memref<10240x128xf32, #tpu.memory_space<vmem_shared>>)
    }
    %scan3A_13 = arith.constant 80 : i32
    %barrier3A_14 = arith.constant 0 : index
    tpu.barrier barrier_id(%barrier3A_14)
    "tpu.region"() ({
      %run_scoped3A = tpu.sem_alloc : memref<!tpu.dma_semaphore, #tpu.memory_space<semaphore_mem>>
      %dma_start3A = arith.constant 0 : i32
      %dma_start3A_15 = tpu.memref_slice %arg5[%arg0, %mul3A_2, %dma_start3A] : memref<2x10240x128xf32, #tpu.memory_space<hbm>> -> memref<1x640x128xf32, #tpu.memory_space<hbm>>
      %dma_start3A_16 = tpu.memref_squeeze %dma_start3A_15 : memref<1x640x128xf32, #tpu.memory_space<hbm>> -> memref<640x128xf32, #tpu.memory_space<hbm>>
      %dma_start3A_17 = arith.constant 0 : i32
      %dma_start3A_18 = tpu.memref_slice %arg8[%mul3A_2, %dma_start3A_17] : memref<10240x128xf32, #tpu.memory_space<vmem_shared>> -> memref<640x128xf32, #tpu.memory_space<vmem_shared>>
      tpu.enqueue_dma source(%dma_start3A_18 : memref<640x128xf32, #tpu.memory_space<vmem_shared>>) target(%dma_start3A_16 : memref<640x128xf32, #tpu.memory_space<hbm>>) target_semaphore(%run_scoped3A : memref<!tpu.dma_semaphore, #tpu.memory_space<semaphore_mem>>)
      %dma_wait3A = arith.constant 0 : i32
      %dma_wait3A_19 = tpu.memref_slice %arg5[%arg0, %mul3A_2, %dma_wait3A] : memref<2x10240x128xf32, #tpu.memory_space<hbm>> -> memref<1x640x128xf32, #tpu.memory_space<hbm>>
      %dma_wait3A_20 = tpu.memref_squeeze %dma_wait3A_19 : memref<1x640x128xf32, #tpu.memory_space<hbm>> -> memref<640x128xf32, #tpu.memory_space<hbm>>
      %dma_wait3A_21 = arith.constant 0 : i32
      %dma_wait3A_22 = tpu.memref_slice %arg8[%mul3A_2, %dma_wait3A_21] : memref<10240x128xf32, #tpu.memory_space<vmem_shared>> -> memref<640x128xf32, #tpu.memory_space<vmem_shared>>
      tpu.wait_dma2 semaphore(%run_scoped3A : memref<!tpu.dma_semaphore, #tpu.memory_space<semaphore_mem>>) src(%dma_wait3A_22 : memref<640x128xf32, #tpu.memory_space<vmem_shared>>) dst(%dma_wait3A_20 : memref<640x128xf32, #tpu.memory_space<hbm>>)
      tpu.yield
    }) : () -> ()
    return
  }
}

#map = affine_map<(d0, d1) -> (0, 0)>
#map1 = affine_map<(d0, d1) -> (0)>
#map2 = affine_map<(d0, d1) -> (0, 0, 0)>
module attributes {stable_mosaic.version = 14 : i64} {
  func.func @_agg_body(%arg0: i32, %arg1: i32, %arg2: memref<10000x128xf32, #tpu.memory_space<hbm>>, %arg3: memref<655360xi32, #tpu.memory_space<hbm>>, %arg4: memref<640x128xf32, #tpu.memory_space<hbm>>, %arg5: memref<2x10240x128xf32, #tpu.memory_space<hbm>>, %arg6: memref<256xi32, #tpu.memory_space<vmem>>, %arg7: memref<256xi32, #tpu.memory_space<vmem>>, %arg8: memref<256xi32, #tpu.memory_space<vmem>>, %arg9: memref<256xi32, #tpu.memory_space<vmem>>, %arg10: memref<128x128xf32, #tpu.memory_space<vmem>>, %arg11: memref<128x128xf32, #tpu.memory_space<vmem>>, %arg12: memref<10240x128xf32, #tpu.memory_space<vmem_shared>>, %arg13: memref<!tpu.dma_semaphore, #tpu.memory_space<semaphore_mem>>, %arg14: memref<!tpu.dma_semaphore, #tpu.memory_space<semaphore_mem>>, %arg15: memref<!tpu.dma_semaphore, #tpu.memory_space<semaphore_mem>>, %arg16: memref<!tpu.dma_semaphore, #tpu.memory_space<semaphore_mem>>, %arg17: memref<!tpu.dma_semaphore, #tpu.memory_space<semaphore_mem>>, %arg18: memref<!tpu.dma_semaphore, #tpu.memory_space<semaphore_mem>>, %arg19: memref<!tpu.dma_semaphore, #tpu.memory_space<semaphore_mem>>, %arg20: memref<!tpu.dma_semaphore, #tpu.memory_space<semaphore_mem>>) attributes {dimension_semantics = [#tpu.dimension_semantics<core_parallel>, #tpu.dimension_semantics<subcore_parallel>], iteration_bounds = array<i64: 2, 16>, scalar_prefetch = 0 : i64, scratch_operands = 15 : i64, tpu.core_type = #tpu.core_type<sc_vector_subcore>, window_params = [{transform_indices = #map}, {transform_indices = #map1}, {transform_indices = #map}, {transform_indices = #map2}]} {
    %mul3A = arith.constant 640 : i32
    %mul3A_0 = arith.muli %arg1, %mul3A : i32
    "tpu.region"() ({
      %run_scoped3A = tpu.sem_alloc : memref<!tpu.dma_semaphore, #tpu.memory_space<semaphore_mem>>
      %dma_start3A = arith.constant 0 : i32
      %dma_start3A_9 = tpu.memref_slice %arg12[%mul3A_0, %dma_start3A] : memref<10240x128xf32, #tpu.memory_space<vmem_shared>> -> memref<640x128xf32, #tpu.memory_space<vmem_shared>>
      tpu.enqueue_dma source(%arg4 : memref<640x128xf32, #tpu.memory_space<hbm>>) target(%dma_start3A_9 : memref<640x128xf32, #tpu.memory_space<vmem_shared>>) target_semaphore(%run_scoped3A : memref<!tpu.dma_semaphore, #tpu.memory_space<semaphore_mem>>)
      %dma_wait3A = arith.constant 0 : i32
      %dma_wait3A_10 = tpu.memref_slice %arg12[%mul3A_0, %dma_wait3A] : memref<10240x128xf32, #tpu.memory_space<vmem_shared>> -> memref<640x128xf32, #tpu.memory_space<vmem_shared>>
      tpu.wait_dma2 semaphore(%run_scoped3A : memref<!tpu.dma_semaphore, #tpu.memory_space<semaphore_mem>>) src(%arg4 : memref<640x128xf32, #tpu.memory_space<hbm>>) dst(%dma_wait3A_10 : memref<640x128xf32, #tpu.memory_space<vmem_shared>>)
      tpu.yield
    }) : () -> ()
    %barrier3A = arith.constant 0 : index
    tpu.barrier barrier_id(%barrier3A)
    %eq3A = arith.constant 0 : i32
    %eq3A_1 = arith.cmpi eq, %arg0, %eq3A : i32
    %convert_element_type3A = arith.extui %eq3A_1 : i1 to i32
    %cond3A = arith.constant 0 : i32
    %cond3A_2 = arith.cmpi ne, %convert_element_type3A, %cond3A : i32
    scf.if %cond3A_2 {
      %mul3A_9 = arith.constant 112 : i32
      %mul3A_10 = arith.muli %arg1, %mul3A_9 : i32
      %mul3A_11 = arith.constant 256 : i32
      %mul3A_12 = arith.muli %mul3A_10, %mul3A_11 : i32
      %dma_start3A = tpu.memref_slice %arg3[%mul3A_12] : memref<655360xi32, #tpu.memory_space<hbm>> -> memref<256xi32, #tpu.memory_space<hbm>>
      %dma_start3A_13 = tpu.memref_slice %arg3[%mul3A_12] : memref<655360xi32, #tpu.memory_space<hbm>> -> memref<256xi32, #tpu.memory_space<hbm>>
      tpu.enqueue_dma source(%dma_start3A_13 : memref<256xi32, #tpu.memory_space<hbm>>) target(%arg6 : memref<256xi32, #tpu.memory_space<vmem>>) target_semaphore(%arg13 : memref<!tpu.dma_semaphore, #tpu.memory_space<semaphore_mem>>)
      %add3A = arith.constant 1 : i32
      %add3A_14 = arith.addi %mul3A_10, %add3A : i32
      %mul3A_15 = arith.constant 256 : i32
      %mul3A_16 = arith.muli %add3A_14, %mul3A_15 : i32
      %dma_start3A_17 = tpu.memref_slice %arg3[%mul3A_16] : memref<655360xi32, #tpu.memory_space<hbm>> -> memref<256xi32, #tpu.memory_space<hbm>>
      %dma_start3A_18 = tpu.memref_slice %arg3[%mul3A_16] : memref<655360xi32, #tpu.memory_space<hbm>> -> memref<256xi32, #tpu.memory_space<hbm>>
      tpu.enqueue_dma source(%dma_start3A_18 : memref<256xi32, #tpu.memory_space<hbm>>) target(%arg7 : memref<256xi32, #tpu.memory_space<vmem>>) target_semaphore(%arg14 : memref<!tpu.dma_semaphore, #tpu.memory_space<semaphore_mem>>)
      %add3A_19 = arith.constant 2 : i32
      %add3A_20 = arith.addi %mul3A_10, %add3A_19 : i32
      %mul3A_21 = arith.constant 256 : i32
      %mul3A_22 = arith.muli %add3A_20, %mul3A_21 : i32
      %dma_start3A_23 = tpu.memref_slice %arg3[%mul3A_22] : memref<655360xi32, #tpu.memory_space<hbm>> -> memref<256xi32, #tpu.memory_space<hbm>>
      %dma_start3A_24 = tpu.memref_slice %arg3[%mul3A_22] : memref<655360xi32, #tpu.memory_space<hbm>> -> memref<256xi32, #tpu.memory_space<hbm>>
      tpu.enqueue_dma source(%dma_start3A_24 : memref<256xi32, #tpu.memory_space<hbm>>) target(%arg8 : memref<256xi32, #tpu.memory_space<vmem>>) target_semaphore(%arg15 : memref<!tpu.dma_semaphore, #tpu.memory_space<semaphore_mem>>)
      %add3A_25 = arith.constant 3 : i32
      %add3A_26 = arith.addi %mul3A_10, %add3A_25 : i32
      %mul3A_27 = arith.constant 256 : i32
      %mul3A_28 = arith.muli %add3A_26, %mul3A_27 : i32
      %dma_start3A_29 = tpu.memref_slice %arg3[%mul3A_28] : memref<655360xi32, #tpu.memory_space<hbm>> -> memref<256xi32, #tpu.memory_space<hbm>>
      %dma_start3A_30 = tpu.memref_slice %arg3[%mul3A_28] : memref<655360xi32, #tpu.memory_space<hbm>> -> memref<256xi32, #tpu.memory_space<hbm>>
      tpu.enqueue_dma source(%dma_start3A_30 : memref<256xi32, #tpu.memory_space<hbm>>) target(%arg9 : memref<256xi32, #tpu.memory_space<vmem>>) target_semaphore(%arg16 : memref<!tpu.dma_semaphore, #tpu.memory_space<semaphore_mem>>)
      %dma_wait3A = arith.constant 0 : i32
      %dma_wait3A_31 = tpu.memref_slice %arg3[%dma_wait3A] : memref<655360xi32, #tpu.memory_space<hbm>> -> memref<256xi32, #tpu.memory_space<hbm>>
      %dma_wait3A_32 = arith.constant 0 : i32
      %dma_wait3A_33 = tpu.memref_slice %arg3[%dma_wait3A_32] : memref<655360xi32, #tpu.memory_space<hbm>> -> memref<256xi32, #tpu.memory_space<hbm>>
      tpu.wait_dma2 semaphore(%arg13 : memref<!tpu.dma_semaphore, #tpu.memory_space<semaphore_mem>>) src(%dma_wait3A_33 : memref<256xi32, #tpu.memory_space<hbm>>) dst(%arg6 : memref<256xi32, #tpu.memory_space<vmem>>)
      %dma_start3A_34 = arith.constant 0 : i32
      %dma_start3A_35 = tpu.memref_slice %arg6[%dma_start3A_34] : memref<256xi32, #tpu.memory_space<vmem>> -> memref<128xi32, #tpu.memory_space<vmem>>
      %dma_start3A_36 = arith.constant 0 : i32
      %dma_start3A_37 = arith.constant 0 : i32
      %dma_start3A_38 = tpu.memref_slice %arg2[%dma_start3A_36, %dma_start3A_37] : memref<10000x128xf32, #tpu.memory_space<hbm>> -> memref<10000x128xf32, #tpu.memory_space<hbm>>
      tpu.enqueue_indirect_dma source(%dma_start3A_38 : memref<10000x128xf32, #tpu.memory_space<hbm>>) target(%arg10 : memref<128x128xf32, #tpu.memory_space<vmem>>) offsets(%dma_start3A_35 : memref<128xi32, #tpu.memory_space<vmem>>) semaphore(%arg17 : memref<!tpu.dma_semaphore, #tpu.memory_space<semaphore_mem>>)
      %scan3A = arith.constant 0 : i32
      %scan3A_39 = arith.constant 28 : i32
      %scan3A_40 = arith.addi %scan3A, %scan3A_39 : i32
      %scan3A_41 = arith.constant 1 : i32
      scf.for %scan3A_60 = %scan3A to %scan3A_40 step %scan3A_41  : i32 {
        %mul3A_61 = arith.constant 4 : i32
        %mul3A_62 = arith.muli %scan3A_60, %mul3A_61 : i32
        %add3A_63 = arith.constant 0 : i32
        %add3A_64 = arith.addi %add3A_63, %mul3A_62 : i32
        %dma_wait3A_65 = arith.constant 0 : i32
        %dma_wait3A_66 = tpu.memref_slice %arg3[%dma_wait3A_65] : memref<655360xi32, #tpu.memory_space<hbm>> -> memref<256xi32, #tpu.memory_space<hbm>>
        %dma_wait3A_67 = arith.constant 0 : i32
        %dma_wait3A_68 = tpu.memref_slice %arg3[%dma_wait3A_67] : memref<655360xi32, #tpu.memory_space<hbm>> -> memref<256xi32, #tpu.memory_space<hbm>>
        tpu.wait_dma2 semaphore(%arg14 : memref<!tpu.dma_semaphore, #tpu.memory_space<semaphore_mem>>) src(%dma_wait3A_68 : memref<256xi32, #tpu.memory_space<hbm>>) dst(%arg7 : memref<256xi32, #tpu.memory_space<vmem>>)
        %dma_start3A_69 = arith.constant 0 : i32
        %dma_start3A_70 = tpu.memref_slice %arg7[%dma_start3A_69] : memref<256xi32, #tpu.memory_space<vmem>> -> memref<128xi32, #tpu.memory_space<vmem>>
        %dma_start3A_71 = arith.constant 0 : i32
        %dma_start3A_72 = arith.constant 0 : i32
        %dma_start3A_73 = tpu.memref_slice %arg2[%dma_start3A_71, %dma_start3A_72] : memref<10000x128xf32, #tpu.memory_space<hbm>> -> memref<10000x128xf32, #tpu.memory_space<hbm>>
        tpu.enqueue_indirect_dma source(%dma_start3A_73 : memref<10000x128xf32, #tpu.memory_space<hbm>>) target(%arg11 : memref<128x128xf32, #tpu.memory_space<vmem>>) offsets(%dma_start3A_70 : memref<128xi32, #tpu.memory_space<vmem>>) semaphore(%arg18 : memref<!tpu.dma_semaphore, #tpu.memory_space<semaphore_mem>>)
        %dma_wait3A_74 = arith.constant 0 : i32
        %dma_wait3A_75 = tpu.memref_slice %arg6[%dma_wait3A_74] : memref<256xi32, #tpu.memory_space<vmem>> -> memref<128xi32, #tpu.memory_space<vmem>>
        %dma_wait3A_76 = arith.constant 0 : i32
        %dma_wait3A_77 = arith.constant 0 : i32
        %dma_wait3A_78 = tpu.memref_slice %arg2[%dma_wait3A_76, %dma_wait3A_77] : memref<10000x128xf32, #tpu.memory_space<hbm>> -> memref<10000x128xf32, #tpu.memory_space<hbm>>
        tpu.wait_indirect_dma semaphore(%arg17 : memref<!tpu.dma_semaphore, #tpu.memory_space<semaphore_mem>>) src(%dma_wait3A_78 : memref<10000x128xf32, #tpu.memory_space<hbm>>) dst(%arg10 : memref<128x128xf32, #tpu.memory_space<vmem>>)
        %dma_start3A_79 = arith.constant 128 : i32
        %dma_start3A_80 = tpu.memref_slice %arg6[%dma_start3A_79] : memref<256xi32, #tpu.memory_space<vmem>> -> memref<128xi32, #tpu.memory_space<vmem>>
        %dma_start3A_81 = arith.constant 0 : i32
        %dma_start3A_82 = arith.constant 0 : i32
        %dma_start3A_83 = tpu.memref_slice %arg12[%dma_start3A_81, %dma_start3A_82] : memref<10240x128xf32, #tpu.memory_space<vmem_shared>> -> memref<10240x128xf32, #tpu.memory_space<vmem_shared>>
        tpu.enqueue_indirect_dma source(%arg10 : memref<128x128xf32, #tpu.memory_space<vmem>>) target(%dma_start3A_83 : memref<10240x128xf32, #tpu.memory_space<vmem_shared>>) offsets(%dma_start3A_80 : memref<128xi32, #tpu.memory_space<vmem>>) semaphore(%arg19 : memref<!tpu.dma_semaphore, #tpu.memory_space<semaphore_mem>>) {add = true}
        %dma_wait3A_84 = arith.constant 128 : i32
        %dma_wait3A_85 = tpu.memref_slice %arg6[%dma_wait3A_84] : memref<256xi32, #tpu.memory_space<vmem>> -> memref<128xi32, #tpu.memory_space<vmem>>
        %dma_wait3A_86 = arith.constant 0 : i32
        %dma_wait3A_87 = arith.constant 0 : i32
        %dma_wait3A_88 = tpu.memref_slice %arg12[%dma_wait3A_86, %dma_wait3A_87] : memref<10240x128xf32, #tpu.memory_space<vmem_shared>> -> memref<10240x128xf32, #tpu.memory_space<vmem_shared>>
        tpu.wait_indirect_dma semaphore(%arg19 : memref<!tpu.dma_semaphore, #tpu.memory_space<semaphore_mem>>) src(%arg10 : memref<128x128xf32, #tpu.memory_space<vmem>>) dst(%dma_wait3A_88 : memref<10240x128xf32, #tpu.memory_space<vmem_shared>>)
        %dma_wait3A_89 = arith.constant 0 : i32
        %dma_wait3A_90 = tpu.memref_slice %arg3[%dma_wait3A_89] : memref<655360xi32, #tpu.memory_space<hbm>> -> memref<256xi32, #tpu.memory_space<hbm>>
        %dma_wait3A_91 = arith.constant 0 : i32
        %dma_wait3A_92 = tpu.memref_slice %arg3[%dma_wait3A_91] : memref<655360xi32, #tpu.memory_space<hbm>> -> memref<256xi32, #tpu.memory_space<hbm>>
        tpu.wait_dma2 semaphore(%arg15 : memref<!tpu.dma_semaphore, #tpu.memory_space<semaphore_mem>>) src(%dma_wait3A_92 : memref<256xi32, #tpu.memory_space<hbm>>) dst(%arg8 : memref<256xi32, #tpu.memory_space<vmem>>)
        %dma_start3A_93 = arith.constant 0 : i32
        %dma_start3A_94 = tpu.memref_slice %arg8[%dma_start3A_93] : memref<256xi32, #tpu.memory_space<vmem>> -> memref<128xi32, #tpu.memory_space<vmem>>
        %dma_start3A_95 = arith.constant 0 : i32
        %dma_start3A_96 = arith.constant 0 : i32
        %dma_start3A_97 = tpu.memref_slice %arg2[%dma_start3A_95, %dma_start3A_96] : memref<10000x128xf32, #tpu.memory_space<hbm>> -> memref<10000x128xf32, #tpu.memory_space<hbm>>
        tpu.enqueue_indirect_dma source(%dma_start3A_97 : memref<10000x128xf32, #tpu.memory_space<hbm>>) target(%arg10 : memref<128x128xf32, #tpu.memory_space<vmem>>) offsets(%dma_start3A_94 : memref<128xi32, #tpu.memory_space<vmem>>) semaphore(%arg17 : memref<!tpu.dma_semaphore, #tpu.memory_space<semaphore_mem>>)
        %add3A_98 = arith.constant 4 : i32
        %add3A_99 = arith.addi %add3A_64, %add3A_98 : i32
        %rem3A = arith.constant 112 : i32
        %rem3A_100 = arith.remsi %add3A_99, %rem3A : i32
        %add3A_101 = arith.addi %mul3A_10, %rem3A_100 : i32
        %mul3A_102 = arith.constant 256 : i32
        %mul3A_103 = arith.muli %add3A_101, %mul3A_102 : i32
        %dma_start3A_104 = tpu.memref_slice %arg3[%mul3A_103] : memref<655360xi32, #tpu.memory_space<hbm>> -> memref<256xi32, #tpu.memory_space<hbm>>
        %dma_start3A_105 = tpu.memref_slice %arg3[%mul3A_103] : memref<655360xi32, #tpu.memory_space<hbm>> -> memref<256xi32, #tpu.memory_space<hbm>>
        tpu.enqueue_dma source(%dma_start3A_105 : memref<256xi32, #tpu.memory_space<hbm>>) target(%arg6 : memref<256xi32, #tpu.memory_space<vmem>>) target_semaphore(%arg13 : memref<!tpu.dma_semaphore, #tpu.memory_space<semaphore_mem>>)
        %dma_wait3A_106 = arith.constant 0 : i32
        %dma_wait3A_107 = tpu.memref_slice %arg7[%dma_wait3A_106] : memref<256xi32, #tpu.memory_space<vmem>> -> memref<128xi32, #tpu.memory_space<vmem>>
        %dma_wait3A_108 = arith.constant 0 : i32
        %dma_wait3A_109 = arith.constant 0 : i32
        %dma_wait3A_110 = tpu.memref_slice %arg2[%dma_wait3A_108, %dma_wait3A_109] : memref<10000x128xf32, #tpu.memory_space<hbm>> -> memref<10000x128xf32, #tpu.memory_space<hbm>>
        tpu.wait_indirect_dma semaphore(%arg18 : memref<!tpu.dma_semaphore, #tpu.memory_space<semaphore_mem>>) src(%dma_wait3A_110 : memref<10000x128xf32, #tpu.memory_space<hbm>>) dst(%arg11 : memref<128x128xf32, #tpu.memory_space<vmem>>)
        %dma_start3A_111 = arith.constant 128 : i32
        %dma_start3A_112 = tpu.memref_slice %arg7[%dma_start3A_111] : memref<256xi32, #tpu.memory_space<vmem>> -> memref<128xi32, #tpu.memory_space<vmem>>
        %dma_start3A_113 = arith.constant 0 : i32
        %dma_start3A_114 = arith.constant 0 : i32
        %dma_start3A_115 = tpu.memref_slice %arg12[%dma_start3A_113, %dma_start3A_114] : memref<10240x128xf32, #tpu.memory_space<vmem_shared>> -> memref<10240x128xf32, #tpu.memory_space<vmem_shared>>
        tpu.enqueue_indirect_dma source(%arg11 : memref<128x128xf32, #tpu.memory_space<vmem>>) target(%dma_start3A_115 : memref<10240x128xf32, #tpu.memory_space<vmem_shared>>) offsets(%dma_start3A_112 : memref<128xi32, #tpu.memory_space<vmem>>) semaphore(%arg20 : memref<!tpu.dma_semaphore, #tpu.memory_space<semaphore_mem>>) {add = true}
        %dma_wait3A_116 = arith.constant 128 : i32
        %dma_wait3A_117 = tpu.memref_slice %arg7[%dma_wait3A_116] : memref<256xi32, #tpu.memory_space<vmem>> -> memref<128xi32, #tpu.memory_space<vmem>>
        %dma_wait3A_118 = arith.constant 0 : i32
        %dma_wait3A_119 = arith.constant 0 : i32
        %dma_wait3A_120 = tpu.memref_slice %arg12[%dma_wait3A_118, %dma_wait3A_119] : memref<10240x128xf32, #tpu.memory_space<vmem_shared>> -> memref<10240x128xf32, #tpu.memory_space<vmem_shared>>
        tpu.wait_indirect_dma semaphore(%arg20 : memref<!tpu.dma_semaphore, #tpu.memory_space<semaphore_mem>>) src(%arg11 : memref<128x128xf32, #tpu.memory_space<vmem>>) dst(%dma_wait3A_120 : memref<10240x128xf32, #tpu.memory_space<vmem_shared>>)
        %dma_wait3A_121 = arith.constant 0 : i32
        %dma_wait3A_122 = tpu.memref_slice %arg3[%dma_wait3A_121] : memref<655360xi32, #tpu.memory_space<hbm>> -> memref<256xi32, #tpu.memory_space<hbm>>
        %dma_wait3A_123 = arith.constant 0 : i32
        %dma_wait3A_124 = tpu.memref_slice %arg3[%dma_wait3A_123] : memref<655360xi32, #tpu.memory_space<hbm>> -> memref<256xi32, #tpu.memory_space<hbm>>
        tpu.wait_dma2 semaphore(%arg16 : memref<!tpu.dma_semaphore, #tpu.memory_space<semaphore_mem>>) src(%dma_wait3A_124 : memref<256xi32, #tpu.memory_space<hbm>>) dst(%arg9 : memref<256xi32, #tpu.memory_space<vmem>>)
        %dma_start3A_125 = arith.constant 0 : i32
        %dma_start3A_126 = tpu.memref_slice %arg9[%dma_start3A_125] : memref<256xi32, #tpu.memory_space<vmem>> -> memref<128xi32, #tpu.memory_space<vmem>>
        %dma_start3A_127 = arith.constant 0 : i32
        %dma_start3A_128 = arith.constant 0 : i32
        %dma_start3A_129 = tpu.memref_slice %arg2[%dma_start3A_127, %dma_start3A_128] : memref<10000x128xf32, #tpu.memory_space<hbm>> -> memref<10000x128xf32, #tpu.memory_space<hbm>>
        tpu.enqueue_indirect_dma source(%dma_start3A_129 : memref<10000x128xf32, #tpu.memory_space<hbm>>) target(%arg11 : memref<128x128xf32, #tpu.memory_space<vmem>>) offsets(%dma_start3A_126 : memref<128xi32, #tpu.memory_space<vmem>>) semaphore(%arg18 : memref<!tpu.dma_semaphore, #tpu.memory_space<semaphore_mem>>)
        %add3A_130 = arith.constant 5 : i32
        %add3A_131 = arith.addi %add3A_64, %add3A_130 : i32
        %rem3A_132 = arith.constant 112 : i32
        %rem3A_133 = arith.remsi %add3A_131, %rem3A_132 : i32
        %add3A_134 = arith.addi %mul3A_10, %rem3A_133 : i32
        %mul3A_135 = arith.constant 256 : i32
        %mul3A_136 = arith.muli %add3A_134, %mul3A_135 : i32
        %dma_start3A_137 = tpu.memref_slice %arg3[%mul3A_136] : memref<655360xi32, #tpu.memory_space<hbm>> -> memref<256xi32, #tpu.memory_space<hbm>>
        %dma_start3A_138 = tpu.memref_slice %arg3[%mul3A_136] : memref<655360xi32, #tpu.memory_space<hbm>> -> memref<256xi32, #tpu.memory_space<hbm>>
        tpu.enqueue_dma source(%dma_start3A_138 : memref<256xi32, #tpu.memory_space<hbm>>) target(%arg7 : memref<256xi32, #tpu.memory_space<vmem>>) target_semaphore(%arg14 : memref<!tpu.dma_semaphore, #tpu.memory_space<semaphore_mem>>)
        %dma_wait3A_139 = arith.constant 0 : i32
        %dma_wait3A_140 = tpu.memref_slice %arg8[%dma_wait3A_139] : memref<256xi32, #tpu.memory_space<vmem>> -> memref<128xi32, #tpu.memory_space<vmem>>
        %dma_wait3A_141 = arith.constant 0 : i32
        %dma_wait3A_142 = arith.constant 0 : i32
        %dma_wait3A_143 = tpu.memref_slice %arg2[%dma_wait3A_141, %dma_wait3A_142] : memref<10000x128xf32, #tpu.memory_space<hbm>> -> memref<10000x128xf32, #tpu.memory_space<hbm>>
        tpu.wait_indirect_dma semaphore(%arg17 : memref<!tpu.dma_semaphore, #tpu.memory_space<semaphore_mem>>) src(%dma_wait3A_143 : memref<10000x128xf32, #tpu.memory_space<hbm>>) dst(%arg10 : memref<128x128xf32, #tpu.memory_space<vmem>>)
        %dma_start3A_144 = arith.constant 128 : i32
        %dma_start3A_145 = tpu.memref_slice %arg8[%dma_start3A_144] : memref<256xi32, #tpu.memory_space<vmem>> -> memref<128xi32, #tpu.memory_space<vmem>>
        %dma_start3A_146 = arith.constant 0 : i32
        %dma_start3A_147 = arith.constant 0 : i32
        %dma_start3A_148 = tpu.memref_slice %arg12[%dma_start3A_146, %dma_start3A_147] : memref<10240x128xf32, #tpu.memory_space<vmem_shared>> -> memref<10240x128xf32, #tpu.memory_space<vmem_shared>>
        tpu.enqueue_indirect_dma source(%arg10 : memref<128x128xf32, #tpu.memory_space<vmem>>) target(%dma_start3A_148 : memref<10240x128xf32, #tpu.memory_space<vmem_shared>>) offsets(%dma_start3A_145 : memref<128xi32, #tpu.memory_space<vmem>>) semaphore(%arg19 : memref<!tpu.dma_semaphore, #tpu.memory_space<semaphore_mem>>) {add = true}
        %dma_wait3A_149 = arith.constant 128 : i32
        %dma_wait3A_150 = tpu.memref_slice %arg8[%dma_wait3A_149] : memref<256xi32, #tpu.memory_space<vmem>> -> memref<128xi32, #tpu.memory_space<vmem>>
        %dma_wait3A_151 = arith.constant 0 : i32
        %dma_wait3A_152 = arith.constant 0 : i32
        %dma_wait3A_153 = tpu.memref_slice %arg12[%dma_wait3A_151, %dma_wait3A_152] : memref<10240x128xf32, #tpu.memory_space<vmem_shared>> -> memref<10240x128xf32, #tpu.memory_space<vmem_shared>>
        tpu.wait_indirect_dma semaphore(%arg19 : memref<!tpu.dma_semaphore, #tpu.memory_space<semaphore_mem>>) src(%arg10 : memref<128x128xf32, #tpu.memory_space<vmem>>) dst(%dma_wait3A_153 : memref<10240x128xf32, #tpu.memory_space<vmem_shared>>)
        %dma_wait3A_154 = arith.constant 0 : i32
        %dma_wait3A_155 = tpu.memref_slice %arg3[%dma_wait3A_154] : memref<655360xi32, #tpu.memory_space<hbm>> -> memref<256xi32, #tpu.memory_space<hbm>>
        %dma_wait3A_156 = arith.constant 0 : i32
        %dma_wait3A_157 = tpu.memref_slice %arg3[%dma_wait3A_156] : memref<655360xi32, #tpu.memory_space<hbm>> -> memref<256xi32, #tpu.memory_space<hbm>>
        tpu.wait_dma2 semaphore(%arg13 : memref<!tpu.dma_semaphore, #tpu.memory_space<semaphore_mem>>) src(%dma_wait3A_157 : memref<256xi32, #tpu.memory_space<hbm>>) dst(%arg6 : memref<256xi32, #tpu.memory_space<vmem>>)
        %dma_start3A_158 = arith.constant 0 : i32
        %dma_start3A_159 = tpu.memref_slice %arg6[%dma_start3A_158] : memref<256xi32, #tpu.memory_space<vmem>> -> memref<128xi32, #tpu.memory_space<vmem>>
        %dma_start3A_160 = arith.constant 0 : i32
        %dma_start3A_161 = arith.constant 0 : i32
        %dma_start3A_162 = tpu.memref_slice %arg2[%dma_start3A_160, %dma_start3A_161] : memref<10000x128xf32, #tpu.memory_space<hbm>> -> memref<10000x128xf32, #tpu.memory_space<hbm>>
        tpu.enqueue_indirect_dma source(%dma_start3A_162 : memref<10000x128xf32, #tpu.memory_space<hbm>>) target(%arg10 : memref<128x128xf32, #tpu.memory_space<vmem>>) offsets(%dma_start3A_159 : memref<128xi32, #tpu.memory_space<vmem>>) semaphore(%arg17 : memref<!tpu.dma_semaphore, #tpu.memory_space<semaphore_mem>>)
        %add3A_163 = arith.constant 6 : i32
        %add3A_164 = arith.addi %add3A_64, %add3A_163 : i32
        %rem3A_165 = arith.constant 112 : i32
        %rem3A_166 = arith.remsi %add3A_164, %rem3A_165 : i32
        %add3A_167 = arith.addi %mul3A_10, %rem3A_166 : i32
        %mul3A_168 = arith.constant 256 : i32
        %mul3A_169 = arith.muli %add3A_167, %mul3A_168 : i32
        %dma_start3A_170 = tpu.memref_slice %arg3[%mul3A_169] : memref<655360xi32, #tpu.memory_space<hbm>> -> memref<256xi32, #tpu.memory_space<hbm>>
        %dma_start3A_171 = tpu.memref_slice %arg3[%mul3A_169] : memref<655360xi32, #tpu.memory_space<hbm>> -> memref<256xi32, #tpu.memory_space<hbm>>
        tpu.enqueue_dma source(%dma_start3A_171 : memref<256xi32, #tpu.memory_space<hbm>>) target(%arg8 : memref<256xi32, #tpu.memory_space<vmem>>) target_semaphore(%arg15 : memref<!tpu.dma_semaphore, #tpu.memory_space<semaphore_mem>>)
        %dma_wait3A_172 = arith.constant 0 : i32
        %dma_wait3A_173 = tpu.memref_slice %arg9[%dma_wait3A_172] : memref<256xi32, #tpu.memory_space<vmem>> -> memref<128xi32, #tpu.memory_space<vmem>>
        %dma_wait3A_174 = arith.constant 0 : i32
        %dma_wait3A_175 = arith.constant 0 : i32
        %dma_wait3A_176 = tpu.memref_slice %arg2[%dma_wait3A_174, %dma_wait3A_175] : memref<10000x128xf32, #tpu.memory_space<hbm>> -> memref<10000x128xf32, #tpu.memory_space<hbm>>
        tpu.wait_indirect_dma semaphore(%arg18 : memref<!tpu.dma_semaphore, #tpu.memory_space<semaphore_mem>>) src(%dma_wait3A_176 : memref<10000x128xf32, #tpu.memory_space<hbm>>) dst(%arg11 : memref<128x128xf32, #tpu.memory_space<vmem>>)
        %dma_start3A_177 = arith.constant 128 : i32
        %dma_start3A_178 = tpu.memref_slice %arg9[%dma_start3A_177] : memref<256xi32, #tpu.memory_space<vmem>> -> memref<128xi32, #tpu.memory_space<vmem>>
        %dma_start3A_179 = arith.constant 0 : i32
        %dma_start3A_180 = arith.constant 0 : i32
        %dma_start3A_181 = tpu.memref_slice %arg12[%dma_start3A_179, %dma_start3A_180] : memref<10240x128xf32, #tpu.memory_space<vmem_shared>> -> memref<10240x128xf32, #tpu.memory_space<vmem_shared>>
        tpu.enqueue_indirect_dma source(%arg11 : memref<128x128xf32, #tpu.memory_space<vmem>>) target(%dma_start3A_181 : memref<10240x128xf32, #tpu.memory_space<vmem_shared>>) offsets(%dma_start3A_178 : memref<128xi32, #tpu.memory_space<vmem>>) semaphore(%arg20 : memref<!tpu.dma_semaphore, #tpu.memory_space<semaphore_mem>>) {add = true}
        %dma_wait3A_182 = arith.constant 128 : i32
        %dma_wait3A_183 = tpu.memref_slice %arg9[%dma_wait3A_182] : memref<256xi32, #tpu.memory_space<vmem>> -> memref<128xi32, #tpu.memory_space<vmem>>
        %dma_wait3A_184 = arith.constant 0 : i32
        %dma_wait3A_185 = arith.constant 0 : i32
        %dma_wait3A_186 = tpu.memref_slice %arg12[%dma_wait3A_184, %dma_wait3A_185] : memref<10240x128xf32, #tpu.memory_space<vmem_shared>> -> memref<10240x128xf32, #tpu.memory_space<vmem_shared>>
        tpu.wait_indirect_dma semaphore(%arg20 : memref<!tpu.dma_semaphore, #tpu.memory_space<semaphore_mem>>) src(%arg11 : memref<128x128xf32, #tpu.memory_space<vmem>>) dst(%dma_wait3A_186 : memref<10240x128xf32, #tpu.memory_space<vmem_shared>>)
        %add3A_187 = arith.constant 7 : i32
        %add3A_188 = arith.addi %add3A_64, %add3A_187 : i32
        %rem3A_189 = arith.constant 112 : i32
        %rem3A_190 = arith.remsi %add3A_188, %rem3A_189 : i32
        %add3A_191 = arith.addi %mul3A_10, %rem3A_190 : i32
        %mul3A_192 = arith.constant 256 : i32
        %mul3A_193 = arith.muli %add3A_191, %mul3A_192 : i32
        %dma_start3A_194 = tpu.memref_slice %arg3[%mul3A_193] : memref<655360xi32, #tpu.memory_space<hbm>> -> memref<256xi32, #tpu.memory_space<hbm>>
        %dma_start3A_195 = tpu.memref_slice %arg3[%mul3A_193] : memref<655360xi32, #tpu.memory_space<hbm>> -> memref<256xi32, #tpu.memory_space<hbm>>
        tpu.enqueue_dma source(%dma_start3A_195 : memref<256xi32, #tpu.memory_space<hbm>>) target(%arg9 : memref<256xi32, #tpu.memory_space<vmem>>) target_semaphore(%arg16 : memref<!tpu.dma_semaphore, #tpu.memory_space<semaphore_mem>>)
      }
      %scan3A_42 = arith.constant 28 : i32
      %dma_wait3A_43 = arith.constant 0 : i32
      %dma_wait3A_44 = tpu.memref_slice %arg6[%dma_wait3A_43] : memref<256xi32, #tpu.memory_space<vmem>> -> memref<128xi32, #tpu.memory_space<vmem>>
      %dma_wait3A_45 = arith.constant 0 : i32
      %dma_wait3A_46 = arith.constant 0 : i32
      %dma_wait3A_47 = tpu.memref_slice %arg2[%dma_wait3A_45, %dma_wait3A_46] : memref<10000x128xf32, #tpu.memory_space<hbm>> -> memref<10000x128xf32, #tpu.memory_space<hbm>>
      tpu.wait_indirect_dma semaphore(%arg17 : memref<!tpu.dma_semaphore, #tpu.memory_space<semaphore_mem>>) src(%dma_wait3A_47 : memref<10000x128xf32, #tpu.memory_space<hbm>>) dst(%arg10 : memref<128x128xf32, #tpu.memory_space<vmem>>)
      %dma_wait3A_48 = arith.constant 0 : i32
      %dma_wait3A_49 = tpu.memref_slice %arg3[%dma_wait3A_48] : memref<655360xi32, #tpu.memory_space<hbm>> -> memref<256xi32, #tpu.memory_space<hbm>>
      %dma_wait3A_50 = arith.constant 0 : i32
      %dma_wait3A_51 = tpu.memref_slice %arg3[%dma_wait3A_50] : memref<655360xi32, #tpu.memory_space<hbm>> -> memref<256xi32, #tpu.memory_space<hbm>>
      tpu.wait_dma2 semaphore(%arg14 : memref<!tpu.dma_semaphore, #tpu.memory_space<semaphore_mem>>) src(%dma_wait3A_51 : memref<256xi32, #tpu.memory_space<hbm>>) dst(%arg7 : memref<256xi32, #tpu.memory_space<vmem>>)
      %dma_wait3A_52 = arith.constant 0 : i32
      %dma_wait3A_53 = tpu.memref_slice %arg3[%dma_wait3A_52] : memref<655360xi32, #tpu.memory_space<hbm>> -> memref<256xi32, #tpu.memory_space<hbm>>
      %dma_wait3A_54 = arith.constant 0 : i32
      %dma_wait3A_55 = tpu.memref_slice %arg3[%dma_wait3A_54] : memref<655360xi32, #tpu.memory_space<hbm>> -> memref<256xi32, #tpu.memory_space<hbm>>
      tpu.wait_dma2 semaphore(%arg15 : memref<!tpu.dma_semaphore, #tpu.memory_space<semaphore_mem>>) src(%dma_wait3A_55 : memref<256xi32, #tpu.memory_space<hbm>>) dst(%arg8 : memref<256xi32, #tpu.memory_space<vmem>>)
      %dma_wait3A_56 = arith.constant 0 : i32
      %dma_wait3A_57 = tpu.memref_slice %arg3[%dma_wait3A_56] : memref<655360xi32, #tpu.memory_space<hbm>> -> memref<256xi32, #tpu.memory_space<hbm>>
      %dma_wait3A_58 = arith.constant 0 : i32
      %dma_wait3A_59 = tpu.memref_slice %arg3[%dma_wait3A_58] : memref<655360xi32, #tpu.memory_space<hbm>> -> memref<256xi32, #tpu.memory_space<hbm>>
      tpu.wait_dma2 semaphore(%arg16 : memref<!tpu.dma_semaphore, #tpu.memory_space<semaphore_mem>>) src(%dma_wait3A_59 : memref<256xi32, #tpu.memory_space<hbm>>) dst(%arg9 : memref<256xi32, #tpu.memory_space<vmem>>)
    } else {
    }
    %eq3A_3 = arith.constant 1 : i32
    %eq3A_4 = arith.cmpi eq, %arg0, %eq3A_3 : i32
    %convert_element_type3A_5 = arith.extui %eq3A_4 : i1 to i32
    %cond3A_6 = arith.constant 0 : i32
    %cond3A_7 = arith.cmpi ne, %convert_element_type3A_5, %cond3A_6 : i32
    scf.if %cond3A_7 {
      %mul3A_9 = arith.constant 48 : i32
      %mul3A_10 = arith.muli %arg1, %mul3A_9 : i32
      %add3A = arith.constant 1792 : i32
      %add3A_11 = arith.addi %add3A, %mul3A_10 : i32
      %mul3A_12 = arith.constant 256 : i32
      %mul3A_13 = arith.muli %add3A_11, %mul3A_12 : i32
      %dma_start3A = tpu.memref_slice %arg3[%mul3A_13] : memref<655360xi32, #tpu.memory_space<hbm>> -> memref<256xi32, #tpu.memory_space<hbm>>
      %dma_start3A_14 = tpu.memref_slice %arg3[%mul3A_13] : memref<655360xi32, #tpu.memory_space<hbm>> -> memref<256xi32, #tpu.memory_space<hbm>>
      tpu.enqueue_dma source(%dma_start3A_14 : memref<256xi32, #tpu.memory_space<hbm>>) target(%arg6 : memref<256xi32, #tpu.memory_space<vmem>>) target_semaphore(%arg13 : memref<!tpu.dma_semaphore, #tpu.memory_space<semaphore_mem>>)
      %add3A_15 = arith.constant 1 : i32
      %add3A_16 = arith.addi %add3A_11, %add3A_15 : i32
      %mul3A_17 = arith.constant 256 : i32
      %mul3A_18 = arith.muli %add3A_16, %mul3A_17 : i32
      %dma_start3A_19 = tpu.memref_slice %arg3[%mul3A_18] : memref<655360xi32, #tpu.memory_space<hbm>> -> memref<256xi32, #tpu.memory_space<hbm>>
      %dma_start3A_20 = tpu.memref_slice %arg3[%mul3A_18] : memref<655360xi32, #tpu.memory_space<hbm>> -> memref<256xi32, #tpu.memory_space<hbm>>
      tpu.enqueue_dma source(%dma_start3A_20 : memref<256xi32, #tpu.memory_space<hbm>>) target(%arg7 : memref<256xi32, #tpu.memory_space<vmem>>) target_semaphore(%arg14 : memref<!tpu.dma_semaphore, #tpu.memory_space<semaphore_mem>>)
      %add3A_21 = arith.constant 2 : i32
      %add3A_22 = arith.addi %add3A_11, %add3A_21 : i32
      %mul3A_23 = arith.constant 256 : i32
      %mul3A_24 = arith.muli %add3A_22, %mul3A_23 : i32
      %dma_start3A_25 = tpu.memref_slice %arg3[%mul3A_24] : memref<655360xi32, #tpu.memory_space<hbm>> -> memref<256xi32, #tpu.memory_space<hbm>>
      %dma_start3A_26 = tpu.memref_slice %arg3[%mul3A_24] : memref<655360xi32, #tpu.memory_space<hbm>> -> memref<256xi32, #tpu.memory_space<hbm>>
      tpu.enqueue_dma source(%dma_start3A_26 : memref<256xi32, #tpu.memory_space<hbm>>) target(%arg8 : memref<256xi32, #tpu.memory_space<vmem>>) target_semaphore(%arg15 : memref<!tpu.dma_semaphore, #tpu.memory_space<semaphore_mem>>)
      %add3A_27 = arith.constant 3 : i32
      %add3A_28 = arith.addi %add3A_11, %add3A_27 : i32
      %mul3A_29 = arith.constant 256 : i32
      %mul3A_30 = arith.muli %add3A_28, %mul3A_29 : i32
      %dma_start3A_31 = tpu.memref_slice %arg3[%mul3A_30] : memref<655360xi32, #tpu.memory_space<hbm>> -> memref<256xi32, #tpu.memory_space<hbm>>
      %dma_start3A_32 = tpu.memref_slice %arg3[%mul3A_30] : memref<655360xi32, #tpu.memory_space<hbm>> -> memref<256xi32, #tpu.memory_space<hbm>>
      tpu.enqueue_dma source(%dma_start3A_32 : memref<256xi32, #tpu.memory_space<hbm>>) target(%arg9 : memref<256xi32, #tpu.memory_space<vmem>>) target_semaphore(%arg16 : memref<!tpu.dma_semaphore, #tpu.memory_space<semaphore_mem>>)
      %dma_wait3A = arith.constant 0 : i32
      %dma_wait3A_33 = tpu.memref_slice %arg3[%dma_wait3A] : memref<655360xi32, #tpu.memory_space<hbm>> -> memref<256xi32, #tpu.memory_space<hbm>>
      %dma_wait3A_34 = arith.constant 0 : i32
      %dma_wait3A_35 = tpu.memref_slice %arg3[%dma_wait3A_34] : memref<655360xi32, #tpu.memory_space<hbm>> -> memref<256xi32, #tpu.memory_space<hbm>>
      tpu.wait_dma2 semaphore(%arg13 : memref<!tpu.dma_semaphore, #tpu.memory_space<semaphore_mem>>) src(%dma_wait3A_35 : memref<256xi32, #tpu.memory_space<hbm>>) dst(%arg6 : memref<256xi32, #tpu.memory_space<vmem>>)
      %dma_start3A_36 = arith.constant 0 : i32
      %dma_start3A_37 = tpu.memref_slice %arg6[%dma_start3A_36] : memref<256xi32, #tpu.memory_space<vmem>> -> memref<128xi32, #tpu.memory_space<vmem>>
      %dma_start3A_38 = arith.constant 0 : i32
      %dma_start3A_39 = arith.constant 0 : i32
      %dma_start3A_40 = tpu.memref_slice %arg2[%dma_start3A_38, %dma_start3A_39] : memref<10000x128xf32, #tpu.memory_space<hbm>> -> memref<10000x128xf32, #tpu.memory_space<hbm>>
      tpu.enqueue_indirect_dma source(%dma_start3A_40 : memref<10000x128xf32, #tpu.memory_space<hbm>>) target(%arg10 : memref<128x128xf32, #tpu.memory_space<vmem>>) offsets(%dma_start3A_37 : memref<128xi32, #tpu.memory_space<vmem>>) semaphore(%arg17 : memref<!tpu.dma_semaphore, #tpu.memory_space<semaphore_mem>>)
      %scan3A = arith.constant 0 : i32
      %scan3A_41 = arith.constant 12 : i32
      %scan3A_42 = arith.addi %scan3A, %scan3A_41 : i32
      %scan3A_43 = arith.constant 1 : i32
      scf.for %scan3A_62 = %scan3A to %scan3A_42 step %scan3A_43  : i32 {
        %mul3A_63 = arith.constant 4 : i32
        %mul3A_64 = arith.muli %scan3A_62, %mul3A_63 : i32
        %add3A_65 = arith.constant 0 : i32
        %add3A_66 = arith.addi %add3A_65, %mul3A_64 : i32
        %dma_wait3A_67 = arith.constant 0 : i32
        %dma_wait3A_68 = tpu.memref_slice %arg3[%dma_wait3A_67] : memref<655360xi32, #tpu.memory_space<hbm>> -> memref<256xi32, #tpu.memory_space<hbm>>
        %dma_wait3A_69 = arith.constant 0 : i32
        %dma_wait3A_70 = tpu.memref_slice %arg3[%dma_wait3A_69] : memref<655360xi32, #tpu.memory_space<hbm>> -> memref<256xi32, #tpu.memory_space<hbm>>
        tpu.wait_dma2 semaphore(%arg14 : memref<!tpu.dma_semaphore, #tpu.memory_space<semaphore_mem>>) src(%dma_wait3A_70 : memref<256xi32, #tpu.memory_space<hbm>>) dst(%arg7 : memref<256xi32, #tpu.memory_space<vmem>>)
        %dma_start3A_71 = arith.constant 0 : i32
        %dma_start3A_72 = tpu.memref_slice %arg7[%dma_start3A_71] : memref<256xi32, #tpu.memory_space<vmem>> -> memref<128xi32, #tpu.memory_space<vmem>>
        %dma_start3A_73 = arith.constant 0 : i32
        %dma_start3A_74 = arith.constant 0 : i32
        %dma_start3A_75 = tpu.memref_slice %arg2[%dma_start3A_73, %dma_start3A_74] : memref<10000x128xf32, #tpu.memory_space<hbm>> -> memref<10000x128xf32, #tpu.memory_space<hbm>>
        tpu.enqueue_indirect_dma source(%dma_start3A_75 : memref<10000x128xf32, #tpu.memory_space<hbm>>) target(%arg11 : memref<128x128xf32, #tpu.memory_space<vmem>>) offsets(%dma_start3A_72 : memref<128xi32, #tpu.memory_space<vmem>>) semaphore(%arg18 : memref<!tpu.dma_semaphore, #tpu.memory_space<semaphore_mem>>)
        %dma_wait3A_76 = arith.constant 0 : i32
        %dma_wait3A_77 = tpu.memref_slice %arg6[%dma_wait3A_76] : memref<256xi32, #tpu.memory_space<vmem>> -> memref<128xi32, #tpu.memory_space<vmem>>
        %dma_wait3A_78 = arith.constant 0 : i32
        %dma_wait3A_79 = arith.constant 0 : i32
        %dma_wait3A_80 = tpu.memref_slice %arg2[%dma_wait3A_78, %dma_wait3A_79] : memref<10000x128xf32, #tpu.memory_space<hbm>> -> memref<10000x128xf32, #tpu.memory_space<hbm>>
        tpu.wait_indirect_dma semaphore(%arg17 : memref<!tpu.dma_semaphore, #tpu.memory_space<semaphore_mem>>) src(%dma_wait3A_80 : memref<10000x128xf32, #tpu.memory_space<hbm>>) dst(%arg10 : memref<128x128xf32, #tpu.memory_space<vmem>>)
        %dma_start3A_81 = arith.constant 128 : i32
        %dma_start3A_82 = tpu.memref_slice %arg6[%dma_start3A_81] : memref<256xi32, #tpu.memory_space<vmem>> -> memref<128xi32, #tpu.memory_space<vmem>>
        %dma_start3A_83 = arith.constant 0 : i32
        %dma_start3A_84 = arith.constant 0 : i32
        %dma_start3A_85 = tpu.memref_slice %arg12[%dma_start3A_83, %dma_start3A_84] : memref<10240x128xf32, #tpu.memory_space<vmem_shared>> -> memref<10240x128xf32, #tpu.memory_space<vmem_shared>>
        tpu.enqueue_indirect_dma source(%arg10 : memref<128x128xf32, #tpu.memory_space<vmem>>) target(%dma_start3A_85 : memref<10240x128xf32, #tpu.memory_space<vmem_shared>>) offsets(%dma_start3A_82 : memref<128xi32, #tpu.memory_space<vmem>>) semaphore(%arg19 : memref<!tpu.dma_semaphore, #tpu.memory_space<semaphore_mem>>) {add = true}
        %dma_wait3A_86 = arith.constant 128 : i32
        %dma_wait3A_87 = tpu.memref_slice %arg6[%dma_wait3A_86] : memref<256xi32, #tpu.memory_space<vmem>> -> memref<128xi32, #tpu.memory_space<vmem>>
        %dma_wait3A_88 = arith.constant 0 : i32
        %dma_wait3A_89 = arith.constant 0 : i32
        %dma_wait3A_90 = tpu.memref_slice %arg12[%dma_wait3A_88, %dma_wait3A_89] : memref<10240x128xf32, #tpu.memory_space<vmem_shared>> -> memref<10240x128xf32, #tpu.memory_space<vmem_shared>>
        tpu.wait_indirect_dma semaphore(%arg19 : memref<!tpu.dma_semaphore, #tpu.memory_space<semaphore_mem>>) src(%arg10 : memref<128x128xf32, #tpu.memory_space<vmem>>) dst(%dma_wait3A_90 : memref<10240x128xf32, #tpu.memory_space<vmem_shared>>)
        %dma_wait3A_91 = arith.constant 0 : i32
        %dma_wait3A_92 = tpu.memref_slice %arg3[%dma_wait3A_91] : memref<655360xi32, #tpu.memory_space<hbm>> -> memref<256xi32, #tpu.memory_space<hbm>>
        %dma_wait3A_93 = arith.constant 0 : i32
        %dma_wait3A_94 = tpu.memref_slice %arg3[%dma_wait3A_93] : memref<655360xi32, #tpu.memory_space<hbm>> -> memref<256xi32, #tpu.memory_space<hbm>>
        tpu.wait_dma2 semaphore(%arg15 : memref<!tpu.dma_semaphore, #tpu.memory_space<semaphore_mem>>) src(%dma_wait3A_94 : memref<256xi32, #tpu.memory_space<hbm>>) dst(%arg8 : memref<256xi32, #tpu.memory_space<vmem>>)
        %dma_start3A_95 = arith.constant 0 : i32
        %dma_start3A_96 = tpu.memref_slice %arg8[%dma_start3A_95] : memref<256xi32, #tpu.memory_space<vmem>> -> memref<128xi32, #tpu.memory_space<vmem>>
        %dma_start3A_97 = arith.constant 0 : i32
        %dma_start3A_98 = arith.constant 0 : i32
        %dma_start3A_99 = tpu.memref_slice %arg2[%dma_start3A_97, %dma_start3A_98] : memref<10000x128xf32, #tpu.memory_space<hbm>> -> memref<10000x128xf32, #tpu.memory_space<hbm>>
        tpu.enqueue_indirect_dma source(%dma_start3A_99 : memref<10000x128xf32, #tpu.memory_space<hbm>>) target(%arg10 : memref<128x128xf32, #tpu.memory_space<vmem>>) offsets(%dma_start3A_96 : memref<128xi32, #tpu.memory_space<vmem>>) semaphore(%arg17 : memref<!tpu.dma_semaphore, #tpu.memory_space<semaphore_mem>>)
        %add3A_100 = arith.constant 4 : i32
        %add3A_101 = arith.addi %add3A_66, %add3A_100 : i32
        %rem3A = arith.constant 48 : i32
        %rem3A_102 = arith.remsi %add3A_101, %rem3A : i32
        %add3A_103 = arith.addi %add3A_11, %rem3A_102 : i32
        %mul3A_104 = arith.constant 256 : i32
        %mul3A_105 = arith.muli %add3A_103, %mul3A_104 : i32
        %dma_start3A_106 = tpu.memref_slice %arg3[%mul3A_105] : memref<655360xi32, #tpu.memory_space<hbm>> -> memref<256xi32, #tpu.memory_space<hbm>>
        %dma_start3A_107 = tpu.memref_slice %arg3[%mul3A_105] : memref<655360xi32, #tpu.memory_space<hbm>> -> memref<256xi32, #tpu.memory_space<hbm>>
        tpu.enqueue_dma source(%dma_start3A_107 : memref<256xi32, #tpu.memory_space<hbm>>) target(%arg6 : memref<256xi32, #tpu.memory_space<vmem>>) target_semaphore(%arg13 : memref<!tpu.dma_semaphore, #tpu.memory_space<semaphore_mem>>)
        %dma_wait3A_108 = arith.constant 0 : i32
        %dma_wait3A_109 = tpu.memref_slice %arg7[%dma_wait3A_108] : memref<256xi32, #tpu.memory_space<vmem>> -> memref<128xi32, #tpu.memory_space<vmem>>
        %dma_wait3A_110 = arith.constant 0 : i32
        %dma_wait3A_111 = arith.constant 0 : i32
        %dma_wait3A_112 = tpu.memref_slice %arg2[%dma_wait3A_110, %dma_wait3A_111] : memref<10000x128xf32, #tpu.memory_space<hbm>> -> memref<10000x128xf32, #tpu.memory_space<hbm>>
        tpu.wait_indirect_dma semaphore(%arg18 : memref<!tpu.dma_semaphore, #tpu.memory_space<semaphore_mem>>) src(%dma_wait3A_112 : memref<10000x128xf32, #tpu.memory_space<hbm>>) dst(%arg11 : memref<128x128xf32, #tpu.memory_space<vmem>>)
        %dma_start3A_113 = arith.constant 128 : i32
        %dma_start3A_114 = tpu.memref_slice %arg7[%dma_start3A_113] : memref<256xi32, #tpu.memory_space<vmem>> -> memref<128xi32, #tpu.memory_space<vmem>>
        %dma_start3A_115 = arith.constant 0 : i32
        %dma_start3A_116 = arith.constant 0 : i32
        %dma_start3A_117 = tpu.memref_slice %arg12[%dma_start3A_115, %dma_start3A_116] : memref<10240x128xf32, #tpu.memory_space<vmem_shared>> -> memref<10240x128xf32, #tpu.memory_space<vmem_shared>>
        tpu.enqueue_indirect_dma source(%arg11 : memref<128x128xf32, #tpu.memory_space<vmem>>) target(%dma_start3A_117 : memref<10240x128xf32, #tpu.memory_space<vmem_shared>>) offsets(%dma_start3A_114 : memref<128xi32, #tpu.memory_space<vmem>>) semaphore(%arg20 : memref<!tpu.dma_semaphore, #tpu.memory_space<semaphore_mem>>) {add = true}
        %dma_wait3A_118 = arith.constant 128 : i32
        %dma_wait3A_119 = tpu.memref_slice %arg7[%dma_wait3A_118] : memref<256xi32, #tpu.memory_space<vmem>> -> memref<128xi32, #tpu.memory_space<vmem>>
        %dma_wait3A_120 = arith.constant 0 : i32
        %dma_wait3A_121 = arith.constant 0 : i32
        %dma_wait3A_122 = tpu.memref_slice %arg12[%dma_wait3A_120, %dma_wait3A_121] : memref<10240x128xf32, #tpu.memory_space<vmem_shared>> -> memref<10240x128xf32, #tpu.memory_space<vmem_shared>>
        tpu.wait_indirect_dma semaphore(%arg20 : memref<!tpu.dma_semaphore, #tpu.memory_space<semaphore_mem>>) src(%arg11 : memref<128x128xf32, #tpu.memory_space<vmem>>) dst(%dma_wait3A_122 : memref<10240x128xf32, #tpu.memory_space<vmem_shared>>)
        %dma_wait3A_123 = arith.constant 0 : i32
        %dma_wait3A_124 = tpu.memref_slice %arg3[%dma_wait3A_123] : memref<655360xi32, #tpu.memory_space<hbm>> -> memref<256xi32, #tpu.memory_space<hbm>>
        %dma_wait3A_125 = arith.constant 0 : i32
        %dma_wait3A_126 = tpu.memref_slice %arg3[%dma_wait3A_125] : memref<655360xi32, #tpu.memory_space<hbm>> -> memref<256xi32, #tpu.memory_space<hbm>>
        tpu.wait_dma2 semaphore(%arg16 : memref<!tpu.dma_semaphore, #tpu.memory_space<semaphore_mem>>) src(%dma_wait3A_126 : memref<256xi32, #tpu.memory_space<hbm>>) dst(%arg9 : memref<256xi32, #tpu.memory_space<vmem>>)
        %dma_start3A_127 = arith.constant 0 : i32
        %dma_start3A_128 = tpu.memref_slice %arg9[%dma_start3A_127] : memref<256xi32, #tpu.memory_space<vmem>> -> memref<128xi32, #tpu.memory_space<vmem>>
        %dma_start3A_129 = arith.constant 0 : i32
        %dma_start3A_130 = arith.constant 0 : i32
        %dma_start3A_131 = tpu.memref_slice %arg2[%dma_start3A_129, %dma_start3A_130] : memref<10000x128xf32, #tpu.memory_space<hbm>> -> memref<10000x128xf32, #tpu.memory_space<hbm>>
        tpu.enqueue_indirect_dma source(%dma_start3A_131 : memref<10000x128xf32, #tpu.memory_space<hbm>>) target(%arg11 : memref<128x128xf32, #tpu.memory_space<vmem>>) offsets(%dma_start3A_128 : memref<128xi32, #tpu.memory_space<vmem>>) semaphore(%arg18 : memref<!tpu.dma_semaphore, #tpu.memory_space<semaphore_mem>>)
        %add3A_132 = arith.constant 5 : i32
        %add3A_133 = arith.addi %add3A_66, %add3A_132 : i32
        %rem3A_134 = arith.constant 48 : i32
        %rem3A_135 = arith.remsi %add3A_133, %rem3A_134 : i32
        %add3A_136 = arith.addi %add3A_11, %rem3A_135 : i32
        %mul3A_137 = arith.constant 256 : i32
        %mul3A_138 = arith.muli %add3A_136, %mul3A_137 : i32
        %dma_start3A_139 = tpu.memref_slice %arg3[%mul3A_138] : memref<655360xi32, #tpu.memory_space<hbm>> -> memref<256xi32, #tpu.memory_space<hbm>>
        %dma_start3A_140 = tpu.memref_slice %arg3[%mul3A_138] : memref<655360xi32, #tpu.memory_space<hbm>> -> memref<256xi32, #tpu.memory_space<hbm>>
        tpu.enqueue_dma source(%dma_start3A_140 : memref<256xi32, #tpu.memory_space<hbm>>) target(%arg7 : memref<256xi32, #tpu.memory_space<vmem>>) target_semaphore(%arg14 : memref<!tpu.dma_semaphore, #tpu.memory_space<semaphore_mem>>)
        %dma_wait3A_141 = arith.constant 0 : i32
        %dma_wait3A_142 = tpu.memref_slice %arg8[%dma_wait3A_141] : memref<256xi32, #tpu.memory_space<vmem>> -> memref<128xi32, #tpu.memory_space<vmem>>
        %dma_wait3A_143 = arith.constant 0 : i32
        %dma_wait3A_144 = arith.constant 0 : i32
        %dma_wait3A_145 = tpu.memref_slice %arg2[%dma_wait3A_143, %dma_wait3A_144] : memref<10000x128xf32, #tpu.memory_space<hbm>> -> memref<10000x128xf32, #tpu.memory_space<hbm>>
        tpu.wait_indirect_dma semaphore(%arg17 : memref<!tpu.dma_semaphore, #tpu.memory_space<semaphore_mem>>) src(%dma_wait3A_145 : memref<10000x128xf32, #tpu.memory_space<hbm>>) dst(%arg10 : memref<128x128xf32, #tpu.memory_space<vmem>>)
        %dma_start3A_146 = arith.constant 128 : i32
        %dma_start3A_147 = tpu.memref_slice %arg8[%dma_start3A_146] : memref<256xi32, #tpu.memory_space<vmem>> -> memref<128xi32, #tpu.memory_space<vmem>>
        %dma_start3A_148 = arith.constant 0 : i32
        %dma_start3A_149 = arith.constant 0 : i32
        %dma_start3A_150 = tpu.memref_slice %arg12[%dma_start3A_148, %dma_start3A_149] : memref<10240x128xf32, #tpu.memory_space<vmem_shared>> -> memref<10240x128xf32, #tpu.memory_space<vmem_shared>>
        tpu.enqueue_indirect_dma source(%arg10 : memref<128x128xf32, #tpu.memory_space<vmem>>) target(%dma_start3A_150 : memref<10240x128xf32, #tpu.memory_space<vmem_shared>>) offsets(%dma_start3A_147 : memref<128xi32, #tpu.memory_space<vmem>>) semaphore(%arg19 : memref<!tpu.dma_semaphore, #tpu.memory_space<semaphore_mem>>) {add = true}
        %dma_wait3A_151 = arith.constant 128 : i32
        %dma_wait3A_152 = tpu.memref_slice %arg8[%dma_wait3A_151] : memref<256xi32, #tpu.memory_space<vmem>> -> memref<128xi32, #tpu.memory_space<vmem>>
        %dma_wait3A_153 = arith.constant 0 : i32
        %dma_wait3A_154 = arith.constant 0 : i32
        %dma_wait3A_155 = tpu.memref_slice %arg12[%dma_wait3A_153, %dma_wait3A_154] : memref<10240x128xf32, #tpu.memory_space<vmem_shared>> -> memref<10240x128xf32, #tpu.memory_space<vmem_shared>>
        tpu.wait_indirect_dma semaphore(%arg19 : memref<!tpu.dma_semaphore, #tpu.memory_space<semaphore_mem>>) src(%arg10 : memref<128x128xf32, #tpu.memory_space<vmem>>) dst(%dma_wait3A_155 : memref<10240x128xf32, #tpu.memory_space<vmem_shared>>)
        %dma_wait3A_156 = arith.constant 0 : i32
        %dma_wait3A_157 = tpu.memref_slice %arg3[%dma_wait3A_156] : memref<655360xi32, #tpu.memory_space<hbm>> -> memref<256xi32, #tpu.memory_space<hbm>>
        %dma_wait3A_158 = arith.constant 0 : i32
        %dma_wait3A_159 = tpu.memref_slice %arg3[%dma_wait3A_158] : memref<655360xi32, #tpu.memory_space<hbm>> -> memref<256xi32, #tpu.memory_space<hbm>>
        tpu.wait_dma2 semaphore(%arg13 : memref<!tpu.dma_semaphore, #tpu.memory_space<semaphore_mem>>) src(%dma_wait3A_159 : memref<256xi32, #tpu.memory_space<hbm>>) dst(%arg6 : memref<256xi32, #tpu.memory_space<vmem>>)
        %dma_start3A_160 = arith.constant 0 : i32
        %dma_start3A_161 = tpu.memref_slice %arg6[%dma_start3A_160] : memref<256xi32, #tpu.memory_space<vmem>> -> memref<128xi32, #tpu.memory_space<vmem>>
        %dma_start3A_162 = arith.constant 0 : i32
        %dma_start3A_163 = arith.constant 0 : i32
        %dma_start3A_164 = tpu.memref_slice %arg2[%dma_start3A_162, %dma_start3A_163] : memref<10000x128xf32, #tpu.memory_space<hbm>> -> memref<10000x128xf32, #tpu.memory_space<hbm>>
        tpu.enqueue_indirect_dma source(%dma_start3A_164 : memref<10000x128xf32, #tpu.memory_space<hbm>>) target(%arg10 : memref<128x128xf32, #tpu.memory_space<vmem>>) offsets(%dma_start3A_161 : memref<128xi32, #tpu.memory_space<vmem>>) semaphore(%arg17 : memref<!tpu.dma_semaphore, #tpu.memory_space<semaphore_mem>>)
        %add3A_165 = arith.constant 6 : i32
        %add3A_166 = arith.addi %add3A_66, %add3A_165 : i32
        %rem3A_167 = arith.constant 48 : i32
        %rem3A_168 = arith.remsi %add3A_166, %rem3A_167 : i32
        %add3A_169 = arith.addi %add3A_11, %rem3A_168 : i32
        %mul3A_170 = arith.constant 256 : i32
        %mul3A_171 = arith.muli %add3A_169, %mul3A_170 : i32
        %dma_start3A_172 = tpu.memref_slice %arg3[%mul3A_171] : memref<655360xi32, #tpu.memory_space<hbm>> -> memref<256xi32, #tpu.memory_space<hbm>>
        %dma_start3A_173 = tpu.memref_slice %arg3[%mul3A_171] : memref<655360xi32, #tpu.memory_space<hbm>> -> memref<256xi32, #tpu.memory_space<hbm>>
        tpu.enqueue_dma source(%dma_start3A_173 : memref<256xi32, #tpu.memory_space<hbm>>) target(%arg8 : memref<256xi32, #tpu.memory_space<vmem>>) target_semaphore(%arg15 : memref<!tpu.dma_semaphore, #tpu.memory_space<semaphore_mem>>)
        %dma_wait3A_174 = arith.constant 0 : i32
        %dma_wait3A_175 = tpu.memref_slice %arg9[%dma_wait3A_174] : memref<256xi32, #tpu.memory_space<vmem>> -> memref<128xi32, #tpu.memory_space<vmem>>
        %dma_wait3A_176 = arith.constant 0 : i32
        %dma_wait3A_177 = arith.constant 0 : i32
        %dma_wait3A_178 = tpu.memref_slice %arg2[%dma_wait3A_176, %dma_wait3A_177] : memref<10000x128xf32, #tpu.memory_space<hbm>> -> memref<10000x128xf32, #tpu.memory_space<hbm>>
        tpu.wait_indirect_dma semaphore(%arg18 : memref<!tpu.dma_semaphore, #tpu.memory_space<semaphore_mem>>) src(%dma_wait3A_178 : memref<10000x128xf32, #tpu.memory_space<hbm>>) dst(%arg11 : memref<128x128xf32, #tpu.memory_space<vmem>>)
        %dma_start3A_179 = arith.constant 128 : i32
        %dma_start3A_180 = tpu.memref_slice %arg9[%dma_start3A_179] : memref<256xi32, #tpu.memory_space<vmem>> -> memref<128xi32, #tpu.memory_space<vmem>>
        %dma_start3A_181 = arith.constant 0 : i32
        %dma_start3A_182 = arith.constant 0 : i32
        %dma_start3A_183 = tpu.memref_slice %arg12[%dma_start3A_181, %dma_start3A_182] : memref<10240x128xf32, #tpu.memory_space<vmem_shared>> -> memref<10240x128xf32, #tpu.memory_space<vmem_shared>>
        tpu.enqueue_indirect_dma source(%arg11 : memref<128x128xf32, #tpu.memory_space<vmem>>) target(%dma_start3A_183 : memref<10240x128xf32, #tpu.memory_space<vmem_shared>>) offsets(%dma_start3A_180 : memref<128xi32, #tpu.memory_space<vmem>>) semaphore(%arg20 : memref<!tpu.dma_semaphore, #tpu.memory_space<semaphore_mem>>) {add = true}
        %dma_wait3A_184 = arith.constant 128 : i32
        %dma_wait3A_185 = tpu.memref_slice %arg9[%dma_wait3A_184] : memref<256xi32, #tpu.memory_space<vmem>> -> memref<128xi32, #tpu.memory_space<vmem>>
        %dma_wait3A_186 = arith.constant 0 : i32
        %dma_wait3A_187 = arith.constant 0 : i32
        %dma_wait3A_188 = tpu.memref_slice %arg12[%dma_wait3A_186, %dma_wait3A_187] : memref<10240x128xf32, #tpu.memory_space<vmem_shared>> -> memref<10240x128xf32, #tpu.memory_space<vmem_shared>>
        tpu.wait_indirect_dma semaphore(%arg20 : memref<!tpu.dma_semaphore, #tpu.memory_space<semaphore_mem>>) src(%arg11 : memref<128x128xf32, #tpu.memory_space<vmem>>) dst(%dma_wait3A_188 : memref<10240x128xf32, #tpu.memory_space<vmem_shared>>)
        %add3A_189 = arith.constant 7 : i32
        %add3A_190 = arith.addi %add3A_66, %add3A_189 : i32
        %rem3A_191 = arith.constant 48 : i32
        %rem3A_192 = arith.remsi %add3A_190, %rem3A_191 : i32
        %add3A_193 = arith.addi %add3A_11, %rem3A_192 : i32
        %mul3A_194 = arith.constant 256 : i32
        %mul3A_195 = arith.muli %add3A_193, %mul3A_194 : i32
        %dma_start3A_196 = tpu.memref_slice %arg3[%mul3A_195] : memref<655360xi32, #tpu.memory_space<hbm>> -> memref<256xi32, #tpu.memory_space<hbm>>
        %dma_start3A_197 = tpu.memref_slice %arg3[%mul3A_195] : memref<655360xi32, #tpu.memory_space<hbm>> -> memref<256xi32, #tpu.memory_space<hbm>>
        tpu.enqueue_dma source(%dma_start3A_197 : memref<256xi32, #tpu.memory_space<hbm>>) target(%arg9 : memref<256xi32, #tpu.memory_space<vmem>>) target_semaphore(%arg16 : memref<!tpu.dma_semaphore, #tpu.memory_space<semaphore_mem>>)
      }
      %scan3A_44 = arith.constant 12 : i32
      %dma_wait3A_45 = arith.constant 0 : i32
      %dma_wait3A_46 = tpu.memref_slice %arg6[%dma_wait3A_45] : memref<256xi32, #tpu.memory_space<vmem>> -> memref<128xi32, #tpu.memory_space<vmem>>
      %dma_wait3A_47 = arith.constant 0 : i32
      %dma_wait3A_48 = arith.constant 0 : i32
      %dma_wait3A_49 = tpu.memref_slice %arg2[%dma_wait3A_47, %dma_wait3A_48] : memref<10000x128xf32, #tpu.memory_space<hbm>> -> memref<10000x128xf32, #tpu.memory_space<hbm>>
      tpu.wait_indirect_dma semaphore(%arg17 : memref<!tpu.dma_semaphore, #tpu.memory_space<semaphore_mem>>) src(%dma_wait3A_49 : memref<10000x128xf32, #tpu.memory_space<hbm>>) dst(%arg10 : memref<128x128xf32, #tpu.memory_space<vmem>>)
      %dma_wait3A_50 = arith.constant 0 : i32
      %dma_wait3A_51 = tpu.memref_slice %arg3[%dma_wait3A_50] : memref<655360xi32, #tpu.memory_space<hbm>> -> memref<256xi32, #tpu.memory_space<hbm>>
      %dma_wait3A_52 = arith.constant 0 : i32
      %dma_wait3A_53 = tpu.memref_slice %arg3[%dma_wait3A_52] : memref<655360xi32, #tpu.memory_space<hbm>> -> memref<256xi32, #tpu.memory_space<hbm>>
      tpu.wait_dma2 semaphore(%arg14 : memref<!tpu.dma_semaphore, #tpu.memory_space<semaphore_mem>>) src(%dma_wait3A_53 : memref<256xi32, #tpu.memory_space<hbm>>) dst(%arg7 : memref<256xi32, #tpu.memory_space<vmem>>)
      %dma_wait3A_54 = arith.constant 0 : i32
      %dma_wait3A_55 = tpu.memref_slice %arg3[%dma_wait3A_54] : memref<655360xi32, #tpu.memory_space<hbm>> -> memref<256xi32, #tpu.memory_space<hbm>>
      %dma_wait3A_56 = arith.constant 0 : i32
      %dma_wait3A_57 = tpu.memref_slice %arg3[%dma_wait3A_56] : memref<655360xi32, #tpu.memory_space<hbm>> -> memref<256xi32, #tpu.memory_space<hbm>>
      tpu.wait_dma2 semaphore(%arg15 : memref<!tpu.dma_semaphore, #tpu.memory_space<semaphore_mem>>) src(%dma_wait3A_57 : memref<256xi32, #tpu.memory_space<hbm>>) dst(%arg8 : memref<256xi32, #tpu.memory_space<vmem>>)
      %dma_wait3A_58 = arith.constant 0 : i32
      %dma_wait3A_59 = tpu.memref_slice %arg3[%dma_wait3A_58] : memref<655360xi32, #tpu.memory_space<hbm>> -> memref<256xi32, #tpu.memory_space<hbm>>
      %dma_wait3A_60 = arith.constant 0 : i32
      %dma_wait3A_61 = tpu.memref_slice %arg3[%dma_wait3A_60] : memref<655360xi32, #tpu.memory_space<hbm>> -> memref<256xi32, #tpu.memory_space<hbm>>
      tpu.wait_dma2 semaphore(%arg16 : memref<!tpu.dma_semaphore, #tpu.memory_space<semaphore_mem>>) src(%dma_wait3A_61 : memref<256xi32, #tpu.memory_space<hbm>>) dst(%arg9 : memref<256xi32, #tpu.memory_space<vmem>>)
    } else {
    }
    %barrier3A_8 = arith.constant 0 : index
    tpu.barrier barrier_id(%barrier3A_8)
    "tpu.region"() ({
      %run_scoped3A = tpu.sem_alloc : memref<!tpu.dma_semaphore, #tpu.memory_space<semaphore_mem>>
      %dma_start3A = arith.constant 0 : i32
      %dma_start3A_9 = tpu.memref_slice %arg5[%arg0, %mul3A_0, %dma_start3A] : memref<2x10240x128xf32, #tpu.memory_space<hbm>> -> memref<1x640x128xf32, #tpu.memory_space<hbm>>
      %dma_start3A_10 = tpu.memref_squeeze %dma_start3A_9 : memref<1x640x128xf32, #tpu.memory_space<hbm>> -> memref<640x128xf32, #tpu.memory_space<hbm>>
      %dma_start3A_11 = arith.constant 0 : i32
      %dma_start3A_12 = tpu.memref_slice %arg12[%mul3A_0, %dma_start3A_11] : memref<10240x128xf32, #tpu.memory_space<vmem_shared>> -> memref<640x128xf32, #tpu.memory_space<vmem_shared>>
      tpu.enqueue_dma source(%dma_start3A_12 : memref<640x128xf32, #tpu.memory_space<vmem_shared>>) target(%dma_start3A_10 : memref<640x128xf32, #tpu.memory_space<hbm>>) target_semaphore(%run_scoped3A : memref<!tpu.dma_semaphore, #tpu.memory_space<semaphore_mem>>)
      %dma_wait3A = arith.constant 0 : i32
      %dma_wait3A_13 = tpu.memref_slice %arg5[%arg0, %mul3A_0, %dma_wait3A] : memref<2x10240x128xf32, #tpu.memory_space<hbm>> -> memref<1x640x128xf32, #tpu.memory_space<hbm>>
      %dma_wait3A_14 = tpu.memref_squeeze %dma_wait3A_13 : memref<1x640x128xf32, #tpu.memory_space<hbm>> -> memref<640x128xf32, #tpu.memory_space<hbm>>
      %dma_wait3A_15 = arith.constant 0 : i32
      %dma_wait3A_16 = tpu.memref_slice %arg12[%mul3A_0, %dma_wait3A_15] : memref<10240x128xf32, #tpu.memory_space<vmem_shared>> -> memref<640x128xf32, #tpu.memory_space<vmem_shared>>
      tpu.wait_dma2 semaphore(%run_scoped3A : memref<!tpu.dma_semaphore, #tpu.memory_space<semaphore_mem>>) src(%dma_wait3A_16 : memref<640x128xf32, #tpu.memory_space<vmem_shared>>) dst(%dma_wait3A_14 : memref<640x128xf32, #tpu.memory_space<hbm>>)
      tpu.yield
    }) : () -> ()
    return
  }
}

#map = affine_map<(d0, d1) -> (0, 0)>
#map1 = affine_map<(d0, d1) -> (0)>
#map2 = affine_map<(d0, d1) -> (0, 0, 0)>
module attributes {stable_mosaic.version = 14 : i64} {
  func.func @_agg_body(%arg0: i32, %arg1: i32, %arg2: memref<10000x128xf32, #tpu.memory_space<hbm>>, %arg3: memref<655360xi32, #tpu.memory_space<hbm>>, %arg4: memref<640x128xf32, #tpu.memory_space<hbm>>, %arg5: memref<2x10240x128xf32, #tpu.memory_space<hbm>>, %arg6: memref<256xi32, #tpu.memory_space<vmem>>, %arg7: memref<256xi32, #tpu.memory_space<vmem>>, %arg8: memref<256xi32, #tpu.memory_space<vmem>>, %arg9: memref<256xi32, #tpu.memory_space<vmem>>, %arg10: memref<128x128xf32, #tpu.memory_space<vmem>>, %arg11: memref<128x128xf32, #tpu.memory_space<vmem>>, %arg12: memref<10240x128xf32, #tpu.memory_space<vmem_shared>>, %arg13: memref<!tpu.dma_semaphore, #tpu.memory_space<semaphore_mem>>, %arg14: memref<!tpu.dma_semaphore, #tpu.memory_space<semaphore_mem>>, %arg15: memref<!tpu.dma_semaphore, #tpu.memory_space<semaphore_mem>>, %arg16: memref<!tpu.dma_semaphore, #tpu.memory_space<semaphore_mem>>, %arg17: memref<!tpu.dma_semaphore, #tpu.memory_space<semaphore_mem>>, %arg18: memref<!tpu.dma_semaphore, #tpu.memory_space<semaphore_mem>>, %arg19: memref<!tpu.dma_semaphore, #tpu.memory_space<semaphore_mem>>, %arg20: memref<!tpu.dma_semaphore, #tpu.memory_space<semaphore_mem>>) attributes {dimension_semantics = [#tpu.dimension_semantics<core_parallel>, #tpu.dimension_semantics<subcore_parallel>], iteration_bounds = array<i64: 2, 16>, scalar_prefetch = 0 : i64, scratch_operands = 15 : i64, tpu.core_type = #tpu.core_type<sc_vector_subcore>, window_params = [{transform_indices = #map}, {transform_indices = #map1}, {transform_indices = #map}, {transform_indices = #map2}]} {
    %mul3A = arith.constant 640 : i32
    %mul3A_0 = arith.muli %arg1, %mul3A : i32
    "tpu.region"() ({
      %run_scoped3A = tpu.sem_alloc : memref<!tpu.dma_semaphore, #tpu.memory_space<semaphore_mem>>
      %dma_start3A = arith.constant 0 : i32
      %dma_start3A_9 = tpu.memref_slice %arg12[%mul3A_0, %dma_start3A] : memref<10240x128xf32, #tpu.memory_space<vmem_shared>> -> memref<640x128xf32, #tpu.memory_space<vmem_shared>>
      tpu.enqueue_dma source(%arg4 : memref<640x128xf32, #tpu.memory_space<hbm>>) target(%dma_start3A_9 : memref<640x128xf32, #tpu.memory_space<vmem_shared>>) target_semaphore(%run_scoped3A : memref<!tpu.dma_semaphore, #tpu.memory_space<semaphore_mem>>)
      %dma_wait3A = arith.constant 0 : i32
      %dma_wait3A_10 = tpu.memref_slice %arg12[%mul3A_0, %dma_wait3A] : memref<10240x128xf32, #tpu.memory_space<vmem_shared>> -> memref<640x128xf32, #tpu.memory_space<vmem_shared>>
      tpu.wait_dma2 semaphore(%run_scoped3A : memref<!tpu.dma_semaphore, #tpu.memory_space<semaphore_mem>>) src(%arg4 : memref<640x128xf32, #tpu.memory_space<hbm>>) dst(%dma_wait3A_10 : memref<640x128xf32, #tpu.memory_space<vmem_shared>>)
      tpu.yield
    }) : () -> ()
    %barrier3A = arith.constant 0 : index
    tpu.barrier barrier_id(%barrier3A)
    %eq3A = arith.constant 0 : i32
    %eq3A_1 = arith.cmpi eq, %arg0, %eq3A : i32
    %convert_element_type3A = arith.extui %eq3A_1 : i1 to i32
    %cond3A = arith.constant 0 : i32
    %cond3A_2 = arith.cmpi ne, %convert_element_type3A, %cond3A : i32
    scf.if %cond3A_2 {
      %mul3A_9 = arith.constant 112 : i32
      %mul3A_10 = arith.muli %arg1, %mul3A_9 : i32
      %mul3A_11 = arith.constant 256 : i32
      %mul3A_12 = arith.muli %mul3A_10, %mul3A_11 : i32
      %dma_start3A = tpu.memref_slice %arg3[%mul3A_12] : memref<655360xi32, #tpu.memory_space<hbm>> -> memref<256xi32, #tpu.memory_space<hbm>>
      %dma_start3A_13 = tpu.memref_slice %arg3[%mul3A_12] : memref<655360xi32, #tpu.memory_space<hbm>> -> memref<256xi32, #tpu.memory_space<hbm>>
      tpu.enqueue_dma source(%dma_start3A_13 : memref<256xi32, #tpu.memory_space<hbm>>) target(%arg6 : memref<256xi32, #tpu.memory_space<vmem>>) target_semaphore(%arg13 : memref<!tpu.dma_semaphore, #tpu.memory_space<semaphore_mem>>)
      %add3A = arith.constant 1 : i32
      %add3A_14 = arith.addi %mul3A_10, %add3A : i32
      %mul3A_15 = arith.constant 256 : i32
      %mul3A_16 = arith.muli %add3A_14, %mul3A_15 : i32
      %dma_start3A_17 = tpu.memref_slice %arg3[%mul3A_16] : memref<655360xi32, #tpu.memory_space<hbm>> -> memref<256xi32, #tpu.memory_space<hbm>>
      %dma_start3A_18 = tpu.memref_slice %arg3[%mul3A_16] : memref<655360xi32, #tpu.memory_space<hbm>> -> memref<256xi32, #tpu.memory_space<hbm>>
      tpu.enqueue_dma source(%dma_start3A_18 : memref<256xi32, #tpu.memory_space<hbm>>) target(%arg7 : memref<256xi32, #tpu.memory_space<vmem>>) target_semaphore(%arg14 : memref<!tpu.dma_semaphore, #tpu.memory_space<semaphore_mem>>)
      %add3A_19 = arith.constant 2 : i32
      %add3A_20 = arith.addi %mul3A_10, %add3A_19 : i32
      %mul3A_21 = arith.constant 256 : i32
      %mul3A_22 = arith.muli %add3A_20, %mul3A_21 : i32
      %dma_start3A_23 = tpu.memref_slice %arg3[%mul3A_22] : memref<655360xi32, #tpu.memory_space<hbm>> -> memref<256xi32, #tpu.memory_space<hbm>>
      %dma_start3A_24 = tpu.memref_slice %arg3[%mul3A_22] : memref<655360xi32, #tpu.memory_space<hbm>> -> memref<256xi32, #tpu.memory_space<hbm>>
      tpu.enqueue_dma source(%dma_start3A_24 : memref<256xi32, #tpu.memory_space<hbm>>) target(%arg8 : memref<256xi32, #tpu.memory_space<vmem>>) target_semaphore(%arg15 : memref<!tpu.dma_semaphore, #tpu.memory_space<semaphore_mem>>)
      %add3A_25 = arith.constant 3 : i32
      %add3A_26 = arith.addi %mul3A_10, %add3A_25 : i32
      %mul3A_27 = arith.constant 256 : i32
      %mul3A_28 = arith.muli %add3A_26, %mul3A_27 : i32
      %dma_start3A_29 = tpu.memref_slice %arg3[%mul3A_28] : memref<655360xi32, #tpu.memory_space<hbm>> -> memref<256xi32, #tpu.memory_space<hbm>>
      %dma_start3A_30 = tpu.memref_slice %arg3[%mul3A_28] : memref<655360xi32, #tpu.memory_space<hbm>> -> memref<256xi32, #tpu.memory_space<hbm>>
      tpu.enqueue_dma source(%dma_start3A_30 : memref<256xi32, #tpu.memory_space<hbm>>) target(%arg9 : memref<256xi32, #tpu.memory_space<vmem>>) target_semaphore(%arg16 : memref<!tpu.dma_semaphore, #tpu.memory_space<semaphore_mem>>)
      %dma_wait3A = arith.constant 0 : i32
      %dma_wait3A_31 = tpu.memref_slice %arg3[%dma_wait3A] : memref<655360xi32, #tpu.memory_space<hbm>> -> memref<256xi32, #tpu.memory_space<hbm>>
      %dma_wait3A_32 = arith.constant 0 : i32
      %dma_wait3A_33 = tpu.memref_slice %arg3[%dma_wait3A_32] : memref<655360xi32, #tpu.memory_space<hbm>> -> memref<256xi32, #tpu.memory_space<hbm>>
      tpu.wait_dma2 semaphore(%arg13 : memref<!tpu.dma_semaphore, #tpu.memory_space<semaphore_mem>>) src(%dma_wait3A_33 : memref<256xi32, #tpu.memory_space<hbm>>) dst(%arg6 : memref<256xi32, #tpu.memory_space<vmem>>)
      %dma_start3A_34 = arith.constant 0 : i32
      %dma_start3A_35 = tpu.memref_slice %arg6[%dma_start3A_34] : memref<256xi32, #tpu.memory_space<vmem>> -> memref<128xi32, #tpu.memory_space<vmem>>
      %dma_start3A_36 = arith.constant 0 : i32
      %dma_start3A_37 = arith.constant 0 : i32
      %dma_start3A_38 = tpu.memref_slice %arg2[%dma_start3A_36, %dma_start3A_37] : memref<10000x128xf32, #tpu.memory_space<hbm>> -> memref<10000x128xf32, #tpu.memory_space<hbm>>
      tpu.enqueue_indirect_dma source(%dma_start3A_38 : memref<10000x128xf32, #tpu.memory_space<hbm>>) target(%arg10 : memref<128x128xf32, #tpu.memory_space<vmem>>) offsets(%dma_start3A_35 : memref<128xi32, #tpu.memory_space<vmem>>) semaphore(%arg17 : memref<!tpu.dma_semaphore, #tpu.memory_space<semaphore_mem>>)
      %scan3A = arith.constant 0 : i32
      %scan3A_39 = arith.constant 28 : i32
      %scan3A_40 = arith.addi %scan3A, %scan3A_39 : i32
      %scan3A_41 = arith.constant 1 : i32
      scf.for %scan3A_60 = %scan3A to %scan3A_40 step %scan3A_41  : i32 {
        %mul3A_61 = arith.constant 4 : i32
        %mul3A_62 = arith.muli %scan3A_60, %mul3A_61 : i32
        %add3A_63 = arith.constant 0 : i32
        %add3A_64 = arith.addi %add3A_63, %mul3A_62 : i32
        %dma_wait3A_65 = arith.constant 0 : i32
        %dma_wait3A_66 = tpu.memref_slice %arg3[%dma_wait3A_65] : memref<655360xi32, #tpu.memory_space<hbm>> -> memref<256xi32, #tpu.memory_space<hbm>>
        %dma_wait3A_67 = arith.constant 0 : i32
        %dma_wait3A_68 = tpu.memref_slice %arg3[%dma_wait3A_67] : memref<655360xi32, #tpu.memory_space<hbm>> -> memref<256xi32, #tpu.memory_space<hbm>>
        tpu.wait_dma2 semaphore(%arg14 : memref<!tpu.dma_semaphore, #tpu.memory_space<semaphore_mem>>) src(%dma_wait3A_68 : memref<256xi32, #tpu.memory_space<hbm>>) dst(%arg7 : memref<256xi32, #tpu.memory_space<vmem>>)
        %dma_start3A_69 = arith.constant 0 : i32
        %dma_start3A_70 = tpu.memref_slice %arg7[%dma_start3A_69] : memref<256xi32, #tpu.memory_space<vmem>> -> memref<128xi32, #tpu.memory_space<vmem>>
        %dma_start3A_71 = arith.constant 0 : i32
        %dma_start3A_72 = arith.constant 0 : i32
        %dma_start3A_73 = tpu.memref_slice %arg2[%dma_start3A_71, %dma_start3A_72] : memref<10000x128xf32, #tpu.memory_space<hbm>> -> memref<10000x128xf32, #tpu.memory_space<hbm>>
        tpu.enqueue_indirect_dma source(%dma_start3A_73 : memref<10000x128xf32, #tpu.memory_space<hbm>>) target(%arg11 : memref<128x128xf32, #tpu.memory_space<vmem>>) offsets(%dma_start3A_70 : memref<128xi32, #tpu.memory_space<vmem>>) semaphore(%arg18 : memref<!tpu.dma_semaphore, #tpu.memory_space<semaphore_mem>>)
        %dma_wait3A_74 = arith.constant 0 : i32
        %dma_wait3A_75 = tpu.memref_slice %arg6[%dma_wait3A_74] : memref<256xi32, #tpu.memory_space<vmem>> -> memref<128xi32, #tpu.memory_space<vmem>>
        %dma_wait3A_76 = arith.constant 0 : i32
        %dma_wait3A_77 = arith.constant 0 : i32
        %dma_wait3A_78 = tpu.memref_slice %arg2[%dma_wait3A_76, %dma_wait3A_77] : memref<10000x128xf32, #tpu.memory_space<hbm>> -> memref<10000x128xf32, #tpu.memory_space<hbm>>
        tpu.wait_indirect_dma semaphore(%arg17 : memref<!tpu.dma_semaphore, #tpu.memory_space<semaphore_mem>>) src(%dma_wait3A_78 : memref<10000x128xf32, #tpu.memory_space<hbm>>) dst(%arg10 : memref<128x128xf32, #tpu.memory_space<vmem>>)
        %dma_start3A_79 = arith.constant 128 : i32
        %dma_start3A_80 = tpu.memref_slice %arg6[%dma_start3A_79] : memref<256xi32, #tpu.memory_space<vmem>> -> memref<128xi32, #tpu.memory_space<vmem>>
        %dma_start3A_81 = arith.constant 0 : i32
        %dma_start3A_82 = arith.constant 0 : i32
        %dma_start3A_83 = tpu.memref_slice %arg12[%dma_start3A_81, %dma_start3A_82] : memref<10240x128xf32, #tpu.memory_space<vmem_shared>> -> memref<10240x128xf32, #tpu.memory_space<vmem_shared>>
        tpu.enqueue_indirect_dma source(%arg10 : memref<128x128xf32, #tpu.memory_space<vmem>>) target(%dma_start3A_83 : memref<10240x128xf32, #tpu.memory_space<vmem_shared>>) offsets(%dma_start3A_80 : memref<128xi32, #tpu.memory_space<vmem>>) semaphore(%arg19 : memref<!tpu.dma_semaphore, #tpu.memory_space<semaphore_mem>>) {add = true}
        %dma_wait3A_84 = arith.constant 128 : i32
        %dma_wait3A_85 = tpu.memref_slice %arg6[%dma_wait3A_84] : memref<256xi32, #tpu.memory_space<vmem>> -> memref<128xi32, #tpu.memory_space<vmem>>
        %dma_wait3A_86 = arith.constant 0 : i32
        %dma_wait3A_87 = arith.constant 0 : i32
        %dma_wait3A_88 = tpu.memref_slice %arg12[%dma_wait3A_86, %dma_wait3A_87] : memref<10240x128xf32, #tpu.memory_space<vmem_shared>> -> memref<10240x128xf32, #tpu.memory_space<vmem_shared>>
        tpu.wait_indirect_dma semaphore(%arg19 : memref<!tpu.dma_semaphore, #tpu.memory_space<semaphore_mem>>) src(%arg10 : memref<128x128xf32, #tpu.memory_space<vmem>>) dst(%dma_wait3A_88 : memref<10240x128xf32, #tpu.memory_space<vmem_shared>>)
        %dma_wait3A_89 = arith.constant 0 : i32
        %dma_wait3A_90 = tpu.memref_slice %arg3[%dma_wait3A_89] : memref<655360xi32, #tpu.memory_space<hbm>> -> memref<256xi32, #tpu.memory_space<hbm>>
        %dma_wait3A_91 = arith.constant 0 : i32
        %dma_wait3A_92 = tpu.memref_slice %arg3[%dma_wait3A_91] : memref<655360xi32, #tpu.memory_space<hbm>> -> memref<256xi32, #tpu.memory_space<hbm>>
        tpu.wait_dma2 semaphore(%arg15 : memref<!tpu.dma_semaphore, #tpu.memory_space<semaphore_mem>>) src(%dma_wait3A_92 : memref<256xi32, #tpu.memory_space<hbm>>) dst(%arg8 : memref<256xi32, #tpu.memory_space<vmem>>)
        %dma_start3A_93 = arith.constant 0 : i32
        %dma_start3A_94 = tpu.memref_slice %arg8[%dma_start3A_93] : memref<256xi32, #tpu.memory_space<vmem>> -> memref<128xi32, #tpu.memory_space<vmem>>
        %dma_start3A_95 = arith.constant 0 : i32
        %dma_start3A_96 = arith.constant 0 : i32
        %dma_start3A_97 = tpu.memref_slice %arg2[%dma_start3A_95, %dma_start3A_96] : memref<10000x128xf32, #tpu.memory_space<hbm>> -> memref<10000x128xf32, #tpu.memory_space<hbm>>
        tpu.enqueue_indirect_dma source(%dma_start3A_97 : memref<10000x128xf32, #tpu.memory_space<hbm>>) target(%arg10 : memref<128x128xf32, #tpu.memory_space<vmem>>) offsets(%dma_start3A_94 : memref<128xi32, #tpu.memory_space<vmem>>) semaphore(%arg17 : memref<!tpu.dma_semaphore, #tpu.memory_space<semaphore_mem>>)
        %add3A_98 = arith.constant 4 : i32
        %add3A_99 = arith.addi %add3A_64, %add3A_98 : i32
        %rem3A = arith.constant 112 : i32
        %rem3A_100 = arith.remsi %add3A_99, %rem3A : i32
        %add3A_101 = arith.addi %mul3A_10, %rem3A_100 : i32
        %mul3A_102 = arith.constant 256 : i32
        %mul3A_103 = arith.muli %add3A_101, %mul3A_102 : i32
        %dma_start3A_104 = tpu.memref_slice %arg3[%mul3A_103] : memref<655360xi32, #tpu.memory_space<hbm>> -> memref<256xi32, #tpu.memory_space<hbm>>
        %dma_start3A_105 = tpu.memref_slice %arg3[%mul3A_103] : memref<655360xi32, #tpu.memory_space<hbm>> -> memref<256xi32, #tpu.memory_space<hbm>>
        tpu.enqueue_dma source(%dma_start3A_105 : memref<256xi32, #tpu.memory_space<hbm>>) target(%arg6 : memref<256xi32, #tpu.memory_space<vmem>>) target_semaphore(%arg13 : memref<!tpu.dma_semaphore, #tpu.memory_space<semaphore_mem>>)
        %dma_wait3A_106 = arith.constant 0 : i32
        %dma_wait3A_107 = tpu.memref_slice %arg7[%dma_wait3A_106] : memref<256xi32, #tpu.memory_space<vmem>> -> memref<128xi32, #tpu.memory_space<vmem>>
        %dma_wait3A_108 = arith.constant 0 : i32
        %dma_wait3A_109 = arith.constant 0 : i32
        %dma_wait3A_110 = tpu.memref_slice %arg2[%dma_wait3A_108, %dma_wait3A_109] : memref<10000x128xf32, #tpu.memory_space<hbm>> -> memref<10000x128xf32, #tpu.memory_space<hbm>>
        tpu.wait_indirect_dma semaphore(%arg18 : memref<!tpu.dma_semaphore, #tpu.memory_space<semaphore_mem>>) src(%dma_wait3A_110 : memref<10000x128xf32, #tpu.memory_space<hbm>>) dst(%arg11 : memref<128x128xf32, #tpu.memory_space<vmem>>)
        %dma_start3A_111 = arith.constant 128 : i32
        %dma_start3A_112 = tpu.memref_slice %arg7[%dma_start3A_111] : memref<256xi32, #tpu.memory_space<vmem>> -> memref<128xi32, #tpu.memory_space<vmem>>
        %dma_start3A_113 = arith.constant 0 : i32
        %dma_start3A_114 = arith.constant 0 : i32
        %dma_start3A_115 = tpu.memref_slice %arg12[%dma_start3A_113, %dma_start3A_114] : memref<10240x128xf32, #tpu.memory_space<vmem_shared>> -> memref<10240x128xf32, #tpu.memory_space<vmem_shared>>
        tpu.enqueue_indirect_dma source(%arg11 : memref<128x128xf32, #tpu.memory_space<vmem>>) target(%dma_start3A_115 : memref<10240x128xf32, #tpu.memory_space<vmem_shared>>) offsets(%dma_start3A_112 : memref<128xi32, #tpu.memory_space<vmem>>) semaphore(%arg20 : memref<!tpu.dma_semaphore, #tpu.memory_space<semaphore_mem>>) {add = true}
        %dma_wait3A_116 = arith.constant 128 : i32
        %dma_wait3A_117 = tpu.memref_slice %arg7[%dma_wait3A_116] : memref<256xi32, #tpu.memory_space<vmem>> -> memref<128xi32, #tpu.memory_space<vmem>>
        %dma_wait3A_118 = arith.constant 0 : i32
        %dma_wait3A_119 = arith.constant 0 : i32
        %dma_wait3A_120 = tpu.memref_slice %arg12[%dma_wait3A_118, %dma_wait3A_119] : memref<10240x128xf32, #tpu.memory_space<vmem_shared>> -> memref<10240x128xf32, #tpu.memory_space<vmem_shared>>
        tpu.wait_indirect_dma semaphore(%arg20 : memref<!tpu.dma_semaphore, #tpu.memory_space<semaphore_mem>>) src(%arg11 : memref<128x128xf32, #tpu.memory_space<vmem>>) dst(%dma_wait3A_120 : memref<10240x128xf32, #tpu.memory_space<vmem_shared>>)
        %dma_wait3A_121 = arith.constant 0 : i32
        %dma_wait3A_122 = tpu.memref_slice %arg3[%dma_wait3A_121] : memref<655360xi32, #tpu.memory_space<hbm>> -> memref<256xi32, #tpu.memory_space<hbm>>
        %dma_wait3A_123 = arith.constant 0 : i32
        %dma_wait3A_124 = tpu.memref_slice %arg3[%dma_wait3A_123] : memref<655360xi32, #tpu.memory_space<hbm>> -> memref<256xi32, #tpu.memory_space<hbm>>
        tpu.wait_dma2 semaphore(%arg16 : memref<!tpu.dma_semaphore, #tpu.memory_space<semaphore_mem>>) src(%dma_wait3A_124 : memref<256xi32, #tpu.memory_space<hbm>>) dst(%arg9 : memref<256xi32, #tpu.memory_space<vmem>>)
        %dma_start3A_125 = arith.constant 0 : i32
        %dma_start3A_126 = tpu.memref_slice %arg9[%dma_start3A_125] : memref<256xi32, #tpu.memory_space<vmem>> -> memref<128xi32, #tpu.memory_space<vmem>>
        %dma_start3A_127 = arith.constant 0 : i32
        %dma_start3A_128 = arith.constant 0 : i32
        %dma_start3A_129 = tpu.memref_slice %arg2[%dma_start3A_127, %dma_start3A_128] : memref<10000x128xf32, #tpu.memory_space<hbm>> -> memref<10000x128xf32, #tpu.memory_space<hbm>>
        tpu.enqueue_indirect_dma source(%dma_start3A_129 : memref<10000x128xf32, #tpu.memory_space<hbm>>) target(%arg11 : memref<128x128xf32, #tpu.memory_space<vmem>>) offsets(%dma_start3A_126 : memref<128xi32, #tpu.memory_space<vmem>>) semaphore(%arg18 : memref<!tpu.dma_semaphore, #tpu.memory_space<semaphore_mem>>)
        %add3A_130 = arith.constant 5 : i32
        %add3A_131 = arith.addi %add3A_64, %add3A_130 : i32
        %rem3A_132 = arith.constant 112 : i32
        %rem3A_133 = arith.remsi %add3A_131, %rem3A_132 : i32
        %add3A_134 = arith.addi %mul3A_10, %rem3A_133 : i32
        %mul3A_135 = arith.constant 256 : i32
        %mul3A_136 = arith.muli %add3A_134, %mul3A_135 : i32
        %dma_start3A_137 = tpu.memref_slice %arg3[%mul3A_136] : memref<655360xi32, #tpu.memory_space<hbm>> -> memref<256xi32, #tpu.memory_space<hbm>>
        %dma_start3A_138 = tpu.memref_slice %arg3[%mul3A_136] : memref<655360xi32, #tpu.memory_space<hbm>> -> memref<256xi32, #tpu.memory_space<hbm>>
        tpu.enqueue_dma source(%dma_start3A_138 : memref<256xi32, #tpu.memory_space<hbm>>) target(%arg7 : memref<256xi32, #tpu.memory_space<vmem>>) target_semaphore(%arg14 : memref<!tpu.dma_semaphore, #tpu.memory_space<semaphore_mem>>)
        %dma_wait3A_139 = arith.constant 0 : i32
        %dma_wait3A_140 = tpu.memref_slice %arg8[%dma_wait3A_139] : memref<256xi32, #tpu.memory_space<vmem>> -> memref<128xi32, #tpu.memory_space<vmem>>
        %dma_wait3A_141 = arith.constant 0 : i32
        %dma_wait3A_142 = arith.constant 0 : i32
        %dma_wait3A_143 = tpu.memref_slice %arg2[%dma_wait3A_141, %dma_wait3A_142] : memref<10000x128xf32, #tpu.memory_space<hbm>> -> memref<10000x128xf32, #tpu.memory_space<hbm>>
        tpu.wait_indirect_dma semaphore(%arg17 : memref<!tpu.dma_semaphore, #tpu.memory_space<semaphore_mem>>) src(%dma_wait3A_143 : memref<10000x128xf32, #tpu.memory_space<hbm>>) dst(%arg10 : memref<128x128xf32, #tpu.memory_space<vmem>>)
        %dma_start3A_144 = arith.constant 128 : i32
        %dma_start3A_145 = tpu.memref_slice %arg8[%dma_start3A_144] : memref<256xi32, #tpu.memory_space<vmem>> -> memref<128xi32, #tpu.memory_space<vmem>>
        %dma_start3A_146 = arith.constant 0 : i32
        %dma_start3A_147 = arith.constant 0 : i32
        %dma_start3A_148 = tpu.memref_slice %arg12[%dma_start3A_146, %dma_start3A_147] : memref<10240x128xf32, #tpu.memory_space<vmem_shared>> -> memref<10240x128xf32, #tpu.memory_space<vmem_shared>>
        tpu.enqueue_indirect_dma source(%arg10 : memref<128x128xf32, #tpu.memory_space<vmem>>) target(%dma_start3A_148 : memref<10240x128xf32, #tpu.memory_space<vmem_shared>>) offsets(%dma_start3A_145 : memref<128xi32, #tpu.memory_space<vmem>>) semaphore(%arg19 : memref<!tpu.dma_semaphore, #tpu.memory_space<semaphore_mem>>) {add = true}
        %dma_wait3A_149 = arith.constant 128 : i32
        %dma_wait3A_150 = tpu.memref_slice %arg8[%dma_wait3A_149] : memref<256xi32, #tpu.memory_space<vmem>> -> memref<128xi32, #tpu.memory_space<vmem>>
        %dma_wait3A_151 = arith.constant 0 : i32
        %dma_wait3A_152 = arith.constant 0 : i32
        %dma_wait3A_153 = tpu.memref_slice %arg12[%dma_wait3A_151, %dma_wait3A_152] : memref<10240x128xf32, #tpu.memory_space<vmem_shared>> -> memref<10240x128xf32, #tpu.memory_space<vmem_shared>>
        tpu.wait_indirect_dma semaphore(%arg19 : memref<!tpu.dma_semaphore, #tpu.memory_space<semaphore_mem>>) src(%arg10 : memref<128x128xf32, #tpu.memory_space<vmem>>) dst(%dma_wait3A_153 : memref<10240x128xf32, #tpu.memory_space<vmem_shared>>)
        %dma_wait3A_154 = arith.constant 0 : i32
        %dma_wait3A_155 = tpu.memref_slice %arg3[%dma_wait3A_154] : memref<655360xi32, #tpu.memory_space<hbm>> -> memref<256xi32, #tpu.memory_space<hbm>>
        %dma_wait3A_156 = arith.constant 0 : i32
        %dma_wait3A_157 = tpu.memref_slice %arg3[%dma_wait3A_156] : memref<655360xi32, #tpu.memory_space<hbm>> -> memref<256xi32, #tpu.memory_space<hbm>>
        tpu.wait_dma2 semaphore(%arg13 : memref<!tpu.dma_semaphore, #tpu.memory_space<semaphore_mem>>) src(%dma_wait3A_157 : memref<256xi32, #tpu.memory_space<hbm>>) dst(%arg6 : memref<256xi32, #tpu.memory_space<vmem>>)
        %dma_start3A_158 = arith.constant 0 : i32
        %dma_start3A_159 = tpu.memref_slice %arg6[%dma_start3A_158] : memref<256xi32, #tpu.memory_space<vmem>> -> memref<128xi32, #tpu.memory_space<vmem>>
        %dma_start3A_160 = arith.constant 0 : i32
        %dma_start3A_161 = arith.constant 0 : i32
        %dma_start3A_162 = tpu.memref_slice %arg2[%dma_start3A_160, %dma_start3A_161] : memref<10000x128xf32, #tpu.memory_space<hbm>> -> memref<10000x128xf32, #tpu.memory_space<hbm>>
        tpu.enqueue_indirect_dma source(%dma_start3A_162 : memref<10000x128xf32, #tpu.memory_space<hbm>>) target(%arg10 : memref<128x128xf32, #tpu.memory_space<vmem>>) offsets(%dma_start3A_159 : memref<128xi32, #tpu.memory_space<vmem>>) semaphore(%arg17 : memref<!tpu.dma_semaphore, #tpu.memory_space<semaphore_mem>>)
        %add3A_163 = arith.constant 6 : i32
        %add3A_164 = arith.addi %add3A_64, %add3A_163 : i32
        %rem3A_165 = arith.constant 112 : i32
        %rem3A_166 = arith.remsi %add3A_164, %rem3A_165 : i32
        %add3A_167 = arith.addi %mul3A_10, %rem3A_166 : i32
        %mul3A_168 = arith.constant 256 : i32
        %mul3A_169 = arith.muli %add3A_167, %mul3A_168 : i32
        %dma_start3A_170 = tpu.memref_slice %arg3[%mul3A_169] : memref<655360xi32, #tpu.memory_space<hbm>> -> memref<256xi32, #tpu.memory_space<hbm>>
        %dma_start3A_171 = tpu.memref_slice %arg3[%mul3A_169] : memref<655360xi32, #tpu.memory_space<hbm>> -> memref<256xi32, #tpu.memory_space<hbm>>
        tpu.enqueue_dma source(%dma_start3A_171 : memref<256xi32, #tpu.memory_space<hbm>>) target(%arg8 : memref<256xi32, #tpu.memory_space<vmem>>) target_semaphore(%arg15 : memref<!tpu.dma_semaphore, #tpu.memory_space<semaphore_mem>>)
        %dma_wait3A_172 = arith.constant 0 : i32
        %dma_wait3A_173 = tpu.memref_slice %arg9[%dma_wait3A_172] : memref<256xi32, #tpu.memory_space<vmem>> -> memref<128xi32, #tpu.memory_space<vmem>>
        %dma_wait3A_174 = arith.constant 0 : i32
        %dma_wait3A_175 = arith.constant 0 : i32
        %dma_wait3A_176 = tpu.memref_slice %arg2[%dma_wait3A_174, %dma_wait3A_175] : memref<10000x128xf32, #tpu.memory_space<hbm>> -> memref<10000x128xf32, #tpu.memory_space<hbm>>
        tpu.wait_indirect_dma semaphore(%arg18 : memref<!tpu.dma_semaphore, #tpu.memory_space<semaphore_mem>>) src(%dma_wait3A_176 : memref<10000x128xf32, #tpu.memory_space<hbm>>) dst(%arg11 : memref<128x128xf32, #tpu.memory_space<vmem>>)
        %dma_start3A_177 = arith.constant 128 : i32
        %dma_start3A_178 = tpu.memref_slice %arg9[%dma_start3A_177] : memref<256xi32, #tpu.memory_space<vmem>> -> memref<128xi32, #tpu.memory_space<vmem>>
        %dma_start3A_179 = arith.constant 0 : i32
        %dma_start3A_180 = arith.constant 0 : i32
        %dma_start3A_181 = tpu.memref_slice %arg12[%dma_start3A_179, %dma_start3A_180] : memref<10240x128xf32, #tpu.memory_space<vmem_shared>> -> memref<10240x128xf32, #tpu.memory_space<vmem_shared>>
        tpu.enqueue_indirect_dma source(%arg11 : memref<128x128xf32, #tpu.memory_space<vmem>>) target(%dma_start3A_181 : memref<10240x128xf32, #tpu.memory_space<vmem_shared>>) offsets(%dma_start3A_178 : memref<128xi32, #tpu.memory_space<vmem>>) semaphore(%arg20 : memref<!tpu.dma_semaphore, #tpu.memory_space<semaphore_mem>>) {add = true}
        %dma_wait3A_182 = arith.constant 128 : i32
        %dma_wait3A_183 = tpu.memref_slice %arg9[%dma_wait3A_182] : memref<256xi32, #tpu.memory_space<vmem>> -> memref<128xi32, #tpu.memory_space<vmem>>
        %dma_wait3A_184 = arith.constant 0 : i32
        %dma_wait3A_185 = arith.constant 0 : i32
        %dma_wait3A_186 = tpu.memref_slice %arg12[%dma_wait3A_184, %dma_wait3A_185] : memref<10240x128xf32, #tpu.memory_space<vmem_shared>> -> memref<10240x128xf32, #tpu.memory_space<vmem_shared>>
        tpu.wait_indirect_dma semaphore(%arg20 : memref<!tpu.dma_semaphore, #tpu.memory_space<semaphore_mem>>) src(%arg11 : memref<128x128xf32, #tpu.memory_space<vmem>>) dst(%dma_wait3A_186 : memref<10240x128xf32, #tpu.memory_space<vmem_shared>>)
        %add3A_187 = arith.constant 7 : i32
        %add3A_188 = arith.addi %add3A_64, %add3A_187 : i32
        %rem3A_189 = arith.constant 112 : i32
        %rem3A_190 = arith.remsi %add3A_188, %rem3A_189 : i32
        %add3A_191 = arith.addi %mul3A_10, %rem3A_190 : i32
        %mul3A_192 = arith.constant 256 : i32
        %mul3A_193 = arith.muli %add3A_191, %mul3A_192 : i32
        %dma_start3A_194 = tpu.memref_slice %arg3[%mul3A_193] : memref<655360xi32, #tpu.memory_space<hbm>> -> memref<256xi32, #tpu.memory_space<hbm>>
        %dma_start3A_195 = tpu.memref_slice %arg3[%mul3A_193] : memref<655360xi32, #tpu.memory_space<hbm>> -> memref<256xi32, #tpu.memory_space<hbm>>
        tpu.enqueue_dma source(%dma_start3A_195 : memref<256xi32, #tpu.memory_space<hbm>>) target(%arg9 : memref<256xi32, #tpu.memory_space<vmem>>) target_semaphore(%arg16 : memref<!tpu.dma_semaphore, #tpu.memory_space<semaphore_mem>>)
      }
      %scan3A_42 = arith.constant 28 : i32
      %dma_wait3A_43 = arith.constant 0 : i32
      %dma_wait3A_44 = tpu.memref_slice %arg6[%dma_wait3A_43] : memref<256xi32, #tpu.memory_space<vmem>> -> memref<128xi32, #tpu.memory_space<vmem>>
      %dma_wait3A_45 = arith.constant 0 : i32
      %dma_wait3A_46 = arith.constant 0 : i32
      %dma_wait3A_47 = tpu.memref_slice %arg2[%dma_wait3A_45, %dma_wait3A_46] : memref<10000x128xf32, #tpu.memory_space<hbm>> -> memref<10000x128xf32, #tpu.memory_space<hbm>>
      tpu.wait_indirect_dma semaphore(%arg17 : memref<!tpu.dma_semaphore, #tpu.memory_space<semaphore_mem>>) src(%dma_wait3A_47 : memref<10000x128xf32, #tpu.memory_space<hbm>>) dst(%arg10 : memref<128x128xf32, #tpu.memory_space<vmem>>)
      %dma_wait3A_48 = arith.constant 0 : i32
      %dma_wait3A_49 = tpu.memref_slice %arg3[%dma_wait3A_48] : memref<655360xi32, #tpu.memory_space<hbm>> -> memref<256xi32, #tpu.memory_space<hbm>>
      %dma_wait3A_50 = arith.constant 0 : i32
      %dma_wait3A_51 = tpu.memref_slice %arg3[%dma_wait3A_50] : memref<655360xi32, #tpu.memory_space<hbm>> -> memref<256xi32, #tpu.memory_space<hbm>>
      tpu.wait_dma2 semaphore(%arg14 : memref<!tpu.dma_semaphore, #tpu.memory_space<semaphore_mem>>) src(%dma_wait3A_51 : memref<256xi32, #tpu.memory_space<hbm>>) dst(%arg7 : memref<256xi32, #tpu.memory_space<vmem>>)
      %dma_wait3A_52 = arith.constant 0 : i32
      %dma_wait3A_53 = tpu.memref_slice %arg3[%dma_wait3A_52] : memref<655360xi32, #tpu.memory_space<hbm>> -> memref<256xi32, #tpu.memory_space<hbm>>
      %dma_wait3A_54 = arith.constant 0 : i32
      %dma_wait3A_55 = tpu.memref_slice %arg3[%dma_wait3A_54] : memref<655360xi32, #tpu.memory_space<hbm>> -> memref<256xi32, #tpu.memory_space<hbm>>
      tpu.wait_dma2 semaphore(%arg15 : memref<!tpu.dma_semaphore, #tpu.memory_space<semaphore_mem>>) src(%dma_wait3A_55 : memref<256xi32, #tpu.memory_space<hbm>>) dst(%arg8 : memref<256xi32, #tpu.memory_space<vmem>>)
      %dma_wait3A_56 = arith.constant 0 : i32
      %dma_wait3A_57 = tpu.memref_slice %arg3[%dma_wait3A_56] : memref<655360xi32, #tpu.memory_space<hbm>> -> memref<256xi32, #tpu.memory_space<hbm>>
      %dma_wait3A_58 = arith.constant 0 : i32
      %dma_wait3A_59 = tpu.memref_slice %arg3[%dma_wait3A_58] : memref<655360xi32, #tpu.memory_space<hbm>> -> memref<256xi32, #tpu.memory_space<hbm>>
      tpu.wait_dma2 semaphore(%arg16 : memref<!tpu.dma_semaphore, #tpu.memory_space<semaphore_mem>>) src(%dma_wait3A_59 : memref<256xi32, #tpu.memory_space<hbm>>) dst(%arg9 : memref<256xi32, #tpu.memory_space<vmem>>)
    } else {
    }
    %eq3A_3 = arith.constant 1 : i32
    %eq3A_4 = arith.cmpi eq, %arg0, %eq3A_3 : i32
    %convert_element_type3A_5 = arith.extui %eq3A_4 : i1 to i32
    %cond3A_6 = arith.constant 0 : i32
    %cond3A_7 = arith.cmpi ne, %convert_element_type3A_5, %cond3A_6 : i32
    scf.if %cond3A_7 {
      %mul3A_9 = arith.constant 48 : i32
      %mul3A_10 = arith.muli %arg1, %mul3A_9 : i32
      %add3A = arith.constant 1792 : i32
      %add3A_11 = arith.addi %add3A, %mul3A_10 : i32
      %mul3A_12 = arith.constant 256 : i32
      %mul3A_13 = arith.muli %add3A_11, %mul3A_12 : i32
      %dma_start3A = tpu.memref_slice %arg3[%mul3A_13] : memref<655360xi32, #tpu.memory_space<hbm>> -> memref<256xi32, #tpu.memory_space<hbm>>
      %dma_start3A_14 = tpu.memref_slice %arg3[%mul3A_13] : memref<655360xi32, #tpu.memory_space<hbm>> -> memref<256xi32, #tpu.memory_space<hbm>>
      tpu.enqueue_dma source(%dma_start3A_14 : memref<256xi32, #tpu.memory_space<hbm>>) target(%arg6 : memref<256xi32, #tpu.memory_space<vmem>>) target_semaphore(%arg13 : memref<!tpu.dma_semaphore, #tpu.memory_space<semaphore_mem>>)
      %add3A_15 = arith.constant 1 : i32
      %add3A_16 = arith.addi %add3A_11, %add3A_15 : i32
      %mul3A_17 = arith.constant 256 : i32
      %mul3A_18 = arith.muli %add3A_16, %mul3A_17 : i32
      %dma_start3A_19 = tpu.memref_slice %arg3[%mul3A_18] : memref<655360xi32, #tpu.memory_space<hbm>> -> memref<256xi32, #tpu.memory_space<hbm>>
      %dma_start3A_20 = tpu.memref_slice %arg3[%mul3A_18] : memref<655360xi32, #tpu.memory_space<hbm>> -> memref<256xi32, #tpu.memory_space<hbm>>
      tpu.enqueue_dma source(%dma_start3A_20 : memref<256xi32, #tpu.memory_space<hbm>>) target(%arg7 : memref<256xi32, #tpu.memory_space<vmem>>) target_semaphore(%arg14 : memref<!tpu.dma_semaphore, #tpu.memory_space<semaphore_mem>>)
      %add3A_21 = arith.constant 2 : i32
      %add3A_22 = arith.addi %add3A_11, %add3A_21 : i32
      %mul3A_23 = arith.constant 256 : i32
      %mul3A_24 = arith.muli %add3A_22, %mul3A_23 : i32
      %dma_start3A_25 = tpu.memref_slice %arg3[%mul3A_24] : memref<655360xi32, #tpu.memory_space<hbm>> -> memref<256xi32, #tpu.memory_space<hbm>>
      %dma_start3A_26 = tpu.memref_slice %arg3[%mul3A_24] : memref<655360xi32, #tpu.memory_space<hbm>> -> memref<256xi32, #tpu.memory_space<hbm>>
      tpu.enqueue_dma source(%dma_start3A_26 : memref<256xi32, #tpu.memory_space<hbm>>) target(%arg8 : memref<256xi32, #tpu.memory_space<vmem>>) target_semaphore(%arg15 : memref<!tpu.dma_semaphore, #tpu.memory_space<semaphore_mem>>)
      %add3A_27 = arith.constant 3 : i32
      %add3A_28 = arith.addi %add3A_11, %add3A_27 : i32
      %mul3A_29 = arith.constant 256 : i32
      %mul3A_30 = arith.muli %add3A_28, %mul3A_29 : i32
      %dma_start3A_31 = tpu.memref_slice %arg3[%mul3A_30] : memref<655360xi32, #tpu.memory_space<hbm>> -> memref<256xi32, #tpu.memory_space<hbm>>
      %dma_start3A_32 = tpu.memref_slice %arg3[%mul3A_30] : memref<655360xi32, #tpu.memory_space<hbm>> -> memref<256xi32, #tpu.memory_space<hbm>>
      tpu.enqueue_dma source(%dma_start3A_32 : memref<256xi32, #tpu.memory_space<hbm>>) target(%arg9 : memref<256xi32, #tpu.memory_space<vmem>>) target_semaphore(%arg16 : memref<!tpu.dma_semaphore, #tpu.memory_space<semaphore_mem>>)
      %dma_wait3A = arith.constant 0 : i32
      %dma_wait3A_33 = tpu.memref_slice %arg3[%dma_wait3A] : memref<655360xi32, #tpu.memory_space<hbm>> -> memref<256xi32, #tpu.memory_space<hbm>>
      %dma_wait3A_34 = arith.constant 0 : i32
      %dma_wait3A_35 = tpu.memref_slice %arg3[%dma_wait3A_34] : memref<655360xi32, #tpu.memory_space<hbm>> -> memref<256xi32, #tpu.memory_space<hbm>>
      tpu.wait_dma2 semaphore(%arg13 : memref<!tpu.dma_semaphore, #tpu.memory_space<semaphore_mem>>) src(%dma_wait3A_35 : memref<256xi32, #tpu.memory_space<hbm>>) dst(%arg6 : memref<256xi32, #tpu.memory_space<vmem>>)
      %dma_start3A_36 = arith.constant 0 : i32
      %dma_start3A_37 = tpu.memref_slice %arg6[%dma_start3A_36] : memref<256xi32, #tpu.memory_space<vmem>> -> memref<128xi32, #tpu.memory_space<vmem>>
      %dma_start3A_38 = arith.constant 0 : i32
      %dma_start3A_39 = arith.constant 0 : i32
      %dma_start3A_40 = tpu.memref_slice %arg2[%dma_start3A_38, %dma_start3A_39] : memref<10000x128xf32, #tpu.memory_space<hbm>> -> memref<10000x128xf32, #tpu.memory_space<hbm>>
      tpu.enqueue_indirect_dma source(%dma_start3A_40 : memref<10000x128xf32, #tpu.memory_space<hbm>>) target(%arg10 : memref<128x128xf32, #tpu.memory_space<vmem>>) offsets(%dma_start3A_37 : memref<128xi32, #tpu.memory_space<vmem>>) semaphore(%arg17 : memref<!tpu.dma_semaphore, #tpu.memory_space<semaphore_mem>>)
      %scan3A = arith.constant 0 : i32
      %scan3A_41 = arith.constant 12 : i32
      %scan3A_42 = arith.addi %scan3A, %scan3A_41 : i32
      %scan3A_43 = arith.constant 1 : i32
      scf.for %scan3A_62 = %scan3A to %scan3A_42 step %scan3A_43  : i32 {
        %mul3A_63 = arith.constant 4 : i32
        %mul3A_64 = arith.muli %scan3A_62, %mul3A_63 : i32
        %add3A_65 = arith.constant 0 : i32
        %add3A_66 = arith.addi %add3A_65, %mul3A_64 : i32
        %dma_wait3A_67 = arith.constant 0 : i32
        %dma_wait3A_68 = tpu.memref_slice %arg3[%dma_wait3A_67] : memref<655360xi32, #tpu.memory_space<hbm>> -> memref<256xi32, #tpu.memory_space<hbm>>
        %dma_wait3A_69 = arith.constant 0 : i32
        %dma_wait3A_70 = tpu.memref_slice %arg3[%dma_wait3A_69] : memref<655360xi32, #tpu.memory_space<hbm>> -> memref<256xi32, #tpu.memory_space<hbm>>
        tpu.wait_dma2 semaphore(%arg14 : memref<!tpu.dma_semaphore, #tpu.memory_space<semaphore_mem>>) src(%dma_wait3A_70 : memref<256xi32, #tpu.memory_space<hbm>>) dst(%arg7 : memref<256xi32, #tpu.memory_space<vmem>>)
        %dma_start3A_71 = arith.constant 0 : i32
        %dma_start3A_72 = tpu.memref_slice %arg7[%dma_start3A_71] : memref<256xi32, #tpu.memory_space<vmem>> -> memref<128xi32, #tpu.memory_space<vmem>>
        %dma_start3A_73 = arith.constant 0 : i32
        %dma_start3A_74 = arith.constant 0 : i32
        %dma_start3A_75 = tpu.memref_slice %arg2[%dma_start3A_73, %dma_start3A_74] : memref<10000x128xf32, #tpu.memory_space<hbm>> -> memref<10000x128xf32, #tpu.memory_space<hbm>>
        tpu.enqueue_indirect_dma source(%dma_start3A_75 : memref<10000x128xf32, #tpu.memory_space<hbm>>) target(%arg11 : memref<128x128xf32, #tpu.memory_space<vmem>>) offsets(%dma_start3A_72 : memref<128xi32, #tpu.memory_space<vmem>>) semaphore(%arg18 : memref<!tpu.dma_semaphore, #tpu.memory_space<semaphore_mem>>)
        %dma_wait3A_76 = arith.constant 0 : i32
        %dma_wait3A_77 = tpu.memref_slice %arg6[%dma_wait3A_76] : memref<256xi32, #tpu.memory_space<vmem>> -> memref<128xi32, #tpu.memory_space<vmem>>
        %dma_wait3A_78 = arith.constant 0 : i32
        %dma_wait3A_79 = arith.constant 0 : i32
        %dma_wait3A_80 = tpu.memref_slice %arg2[%dma_wait3A_78, %dma_wait3A_79] : memref<10000x128xf32, #tpu.memory_space<hbm>> -> memref<10000x128xf32, #tpu.memory_space<hbm>>
        tpu.wait_indirect_dma semaphore(%arg17 : memref<!tpu.dma_semaphore, #tpu.memory_space<semaphore_mem>>) src(%dma_wait3A_80 : memref<10000x128xf32, #tpu.memory_space<hbm>>) dst(%arg10 : memref<128x128xf32, #tpu.memory_space<vmem>>)
        %dma_start3A_81 = arith.constant 128 : i32
        %dma_start3A_82 = tpu.memref_slice %arg6[%dma_start3A_81] : memref<256xi32, #tpu.memory_space<vmem>> -> memref<128xi32, #tpu.memory_space<vmem>>
        %dma_start3A_83 = arith.constant 0 : i32
        %dma_start3A_84 = arith.constant 0 : i32
        %dma_start3A_85 = tpu.memref_slice %arg12[%dma_start3A_83, %dma_start3A_84] : memref<10240x128xf32, #tpu.memory_space<vmem_shared>> -> memref<10240x128xf32, #tpu.memory_space<vmem_shared>>
        tpu.enqueue_indirect_dma source(%arg10 : memref<128x128xf32, #tpu.memory_space<vmem>>) target(%dma_start3A_85 : memref<10240x128xf32, #tpu.memory_space<vmem_shared>>) offsets(%dma_start3A_82 : memref<128xi32, #tpu.memory_space<vmem>>) semaphore(%arg19 : memref<!tpu.dma_semaphore, #tpu.memory_space<semaphore_mem>>) {add = true}
        %dma_wait3A_86 = arith.constant 128 : i32
        %dma_wait3A_87 = tpu.memref_slice %arg6[%dma_wait3A_86] : memref<256xi32, #tpu.memory_space<vmem>> -> memref<128xi32, #tpu.memory_space<vmem>>
        %dma_wait3A_88 = arith.constant 0 : i32
        %dma_wait3A_89 = arith.constant 0 : i32
        %dma_wait3A_90 = tpu.memref_slice %arg12[%dma_wait3A_88, %dma_wait3A_89] : memref<10240x128xf32, #tpu.memory_space<vmem_shared>> -> memref<10240x128xf32, #tpu.memory_space<vmem_shared>>
        tpu.wait_indirect_dma semaphore(%arg19 : memref<!tpu.dma_semaphore, #tpu.memory_space<semaphore_mem>>) src(%arg10 : memref<128x128xf32, #tpu.memory_space<vmem>>) dst(%dma_wait3A_90 : memref<10240x128xf32, #tpu.memory_space<vmem_shared>>)
        %dma_wait3A_91 = arith.constant 0 : i32
        %dma_wait3A_92 = tpu.memref_slice %arg3[%dma_wait3A_91] : memref<655360xi32, #tpu.memory_space<hbm>> -> memref<256xi32, #tpu.memory_space<hbm>>
        %dma_wait3A_93 = arith.constant 0 : i32
        %dma_wait3A_94 = tpu.memref_slice %arg3[%dma_wait3A_93] : memref<655360xi32, #tpu.memory_space<hbm>> -> memref<256xi32, #tpu.memory_space<hbm>>
        tpu.wait_dma2 semaphore(%arg15 : memref<!tpu.dma_semaphore, #tpu.memory_space<semaphore_mem>>) src(%dma_wait3A_94 : memref<256xi32, #tpu.memory_space<hbm>>) dst(%arg8 : memref<256xi32, #tpu.memory_space<vmem>>)
        %dma_start3A_95 = arith.constant 0 : i32
        %dma_start3A_96 = tpu.memref_slice %arg8[%dma_start3A_95] : memref<256xi32, #tpu.memory_space<vmem>> -> memref<128xi32, #tpu.memory_space<vmem>>
        %dma_start3A_97 = arith.constant 0 : i32
        %dma_start3A_98 = arith.constant 0 : i32
        %dma_start3A_99 = tpu.memref_slice %arg2[%dma_start3A_97, %dma_start3A_98] : memref<10000x128xf32, #tpu.memory_space<hbm>> -> memref<10000x128xf32, #tpu.memory_space<hbm>>
        tpu.enqueue_indirect_dma source(%dma_start3A_99 : memref<10000x128xf32, #tpu.memory_space<hbm>>) target(%arg10 : memref<128x128xf32, #tpu.memory_space<vmem>>) offsets(%dma_start3A_96 : memref<128xi32, #tpu.memory_space<vmem>>) semaphore(%arg17 : memref<!tpu.dma_semaphore, #tpu.memory_space<semaphore_mem>>)
        %add3A_100 = arith.constant 4 : i32
        %add3A_101 = arith.addi %add3A_66, %add3A_100 : i32
        %rem3A = arith.constant 48 : i32
        %rem3A_102 = arith.remsi %add3A_101, %rem3A : i32
        %add3A_103 = arith.addi %add3A_11, %rem3A_102 : i32
        %mul3A_104 = arith.constant 256 : i32
        %mul3A_105 = arith.muli %add3A_103, %mul3A_104 : i32
        %dma_start3A_106 = tpu.memref_slice %arg3[%mul3A_105] : memref<655360xi32, #tpu.memory_space<hbm>> -> memref<256xi32, #tpu.memory_space<hbm>>
        %dma_start3A_107 = tpu.memref_slice %arg3[%mul3A_105] : memref<655360xi32, #tpu.memory_space<hbm>> -> memref<256xi32, #tpu.memory_space<hbm>>
        tpu.enqueue_dma source(%dma_start3A_107 : memref<256xi32, #tpu.memory_space<hbm>>) target(%arg6 : memref<256xi32, #tpu.memory_space<vmem>>) target_semaphore(%arg13 : memref<!tpu.dma_semaphore, #tpu.memory_space<semaphore_mem>>)
        %dma_wait3A_108 = arith.constant 0 : i32
        %dma_wait3A_109 = tpu.memref_slice %arg7[%dma_wait3A_108] : memref<256xi32, #tpu.memory_space<vmem>> -> memref<128xi32, #tpu.memory_space<vmem>>
        %dma_wait3A_110 = arith.constant 0 : i32
        %dma_wait3A_111 = arith.constant 0 : i32
        %dma_wait3A_112 = tpu.memref_slice %arg2[%dma_wait3A_110, %dma_wait3A_111] : memref<10000x128xf32, #tpu.memory_space<hbm>> -> memref<10000x128xf32, #tpu.memory_space<hbm>>
        tpu.wait_indirect_dma semaphore(%arg18 : memref<!tpu.dma_semaphore, #tpu.memory_space<semaphore_mem>>) src(%dma_wait3A_112 : memref<10000x128xf32, #tpu.memory_space<hbm>>) dst(%arg11 : memref<128x128xf32, #tpu.memory_space<vmem>>)
        %dma_start3A_113 = arith.constant 128 : i32
        %dma_start3A_114 = tpu.memref_slice %arg7[%dma_start3A_113] : memref<256xi32, #tpu.memory_space<vmem>> -> memref<128xi32, #tpu.memory_space<vmem>>
        %dma_start3A_115 = arith.constant 0 : i32
        %dma_start3A_116 = arith.constant 0 : i32
        %dma_start3A_117 = tpu.memref_slice %arg12[%dma_start3A_115, %dma_start3A_116] : memref<10240x128xf32, #tpu.memory_space<vmem_shared>> -> memref<10240x128xf32, #tpu.memory_space<vmem_shared>>
        tpu.enqueue_indirect_dma source(%arg11 : memref<128x128xf32, #tpu.memory_space<vmem>>) target(%dma_start3A_117 : memref<10240x128xf32, #tpu.memory_space<vmem_shared>>) offsets(%dma_start3A_114 : memref<128xi32, #tpu.memory_space<vmem>>) semaphore(%arg20 : memref<!tpu.dma_semaphore, #tpu.memory_space<semaphore_mem>>) {add = true}
        %dma_wait3A_118 = arith.constant 128 : i32
        %dma_wait3A_119 = tpu.memref_slice %arg7[%dma_wait3A_118] : memref<256xi32, #tpu.memory_space<vmem>> -> memref<128xi32, #tpu.memory_space<vmem>>
        %dma_wait3A_120 = arith.constant 0 : i32
        %dma_wait3A_121 = arith.constant 0 : i32
        %dma_wait3A_122 = tpu.memref_slice %arg12[%dma_wait3A_120, %dma_wait3A_121] : memref<10240x128xf32, #tpu.memory_space<vmem_shared>> -> memref<10240x128xf32, #tpu.memory_space<vmem_shared>>
        tpu.wait_indirect_dma semaphore(%arg20 : memref<!tpu.dma_semaphore, #tpu.memory_space<semaphore_mem>>) src(%arg11 : memref<128x128xf32, #tpu.memory_space<vmem>>) dst(%dma_wait3A_122 : memref<10240x128xf32, #tpu.memory_space<vmem_shared>>)
        %dma_wait3A_123 = arith.constant 0 : i32
        %dma_wait3A_124 = tpu.memref_slice %arg3[%dma_wait3A_123] : memref<655360xi32, #tpu.memory_space<hbm>> -> memref<256xi32, #tpu.memory_space<hbm>>
        %dma_wait3A_125 = arith.constant 0 : i32
        %dma_wait3A_126 = tpu.memref_slice %arg3[%dma_wait3A_125] : memref<655360xi32, #tpu.memory_space<hbm>> -> memref<256xi32, #tpu.memory_space<hbm>>
        tpu.wait_dma2 semaphore(%arg16 : memref<!tpu.dma_semaphore, #tpu.memory_space<semaphore_mem>>) src(%dma_wait3A_126 : memref<256xi32, #tpu.memory_space<hbm>>) dst(%arg9 : memref<256xi32, #tpu.memory_space<vmem>>)
        %dma_start3A_127 = arith.constant 0 : i32
        %dma_start3A_128 = tpu.memref_slice %arg9[%dma_start3A_127] : memref<256xi32, #tpu.memory_space<vmem>> -> memref<128xi32, #tpu.memory_space<vmem>>
        %dma_start3A_129 = arith.constant 0 : i32
        %dma_start3A_130 = arith.constant 0 : i32
        %dma_start3A_131 = tpu.memref_slice %arg2[%dma_start3A_129, %dma_start3A_130] : memref<10000x128xf32, #tpu.memory_space<hbm>> -> memref<10000x128xf32, #tpu.memory_space<hbm>>
        tpu.enqueue_indirect_dma source(%dma_start3A_131 : memref<10000x128xf32, #tpu.memory_space<hbm>>) target(%arg11 : memref<128x128xf32, #tpu.memory_space<vmem>>) offsets(%dma_start3A_128 : memref<128xi32, #tpu.memory_space<vmem>>) semaphore(%arg18 : memref<!tpu.dma_semaphore, #tpu.memory_space<semaphore_mem>>)
        %add3A_132 = arith.constant 5 : i32
        %add3A_133 = arith.addi %add3A_66, %add3A_132 : i32
        %rem3A_134 = arith.constant 48 : i32
        %rem3A_135 = arith.remsi %add3A_133, %rem3A_134 : i32
        %add3A_136 = arith.addi %add3A_11, %rem3A_135 : i32
        %mul3A_137 = arith.constant 256 : i32
        %mul3A_138 = arith.muli %add3A_136, %mul3A_137 : i32
        %dma_start3A_139 = tpu.memref_slice %arg3[%mul3A_138] : memref<655360xi32, #tpu.memory_space<hbm>> -> memref<256xi32, #tpu.memory_space<hbm>>
        %dma_start3A_140 = tpu.memref_slice %arg3[%mul3A_138] : memref<655360xi32, #tpu.memory_space<hbm>> -> memref<256xi32, #tpu.memory_space<hbm>>
        tpu.enqueue_dma source(%dma_start3A_140 : memref<256xi32, #tpu.memory_space<hbm>>) target(%arg7 : memref<256xi32, #tpu.memory_space<vmem>>) target_semaphore(%arg14 : memref<!tpu.dma_semaphore, #tpu.memory_space<semaphore_mem>>)
        %dma_wait3A_141 = arith.constant 0 : i32
        %dma_wait3A_142 = tpu.memref_slice %arg8[%dma_wait3A_141] : memref<256xi32, #tpu.memory_space<vmem>> -> memref<128xi32, #tpu.memory_space<vmem>>
        %dma_wait3A_143 = arith.constant 0 : i32
        %dma_wait3A_144 = arith.constant 0 : i32
        %dma_wait3A_145 = tpu.memref_slice %arg2[%dma_wait3A_143, %dma_wait3A_144] : memref<10000x128xf32, #tpu.memory_space<hbm>> -> memref<10000x128xf32, #tpu.memory_space<hbm>>
        tpu.wait_indirect_dma semaphore(%arg17 : memref<!tpu.dma_semaphore, #tpu.memory_space<semaphore_mem>>) src(%dma_wait3A_145 : memref<10000x128xf32, #tpu.memory_space<hbm>>) dst(%arg10 : memref<128x128xf32, #tpu.memory_space<vmem>>)
        %dma_start3A_146 = arith.constant 128 : i32
        %dma_start3A_147 = tpu.memref_slice %arg8[%dma_start3A_146] : memref<256xi32, #tpu.memory_space<vmem>> -> memref<128xi32, #tpu.memory_space<vmem>>
        %dma_start3A_148 = arith.constant 0 : i32
        %dma_start3A_149 = arith.constant 0 : i32
        %dma_start3A_150 = tpu.memref_slice %arg12[%dma_start3A_148, %dma_start3A_149] : memref<10240x128xf32, #tpu.memory_space<vmem_shared>> -> memref<10240x128xf32, #tpu.memory_space<vmem_shared>>
        tpu.enqueue_indirect_dma source(%arg10 : memref<128x128xf32, #tpu.memory_space<vmem>>) target(%dma_start3A_150 : memref<10240x128xf32, #tpu.memory_space<vmem_shared>>) offsets(%dma_start3A_147 : memref<128xi32, #tpu.memory_space<vmem>>) semaphore(%arg19 : memref<!tpu.dma_semaphore, #tpu.memory_space<semaphore_mem>>) {add = true}
        %dma_wait3A_151 = arith.constant 128 : i32
        %dma_wait3A_152 = tpu.memref_slice %arg8[%dma_wait3A_151] : memref<256xi32, #tpu.memory_space<vmem>> -> memref<128xi32, #tpu.memory_space<vmem>>
        %dma_wait3A_153 = arith.constant 0 : i32
        %dma_wait3A_154 = arith.constant 0 : i32
        %dma_wait3A_155 = tpu.memref_slice %arg12[%dma_wait3A_153, %dma_wait3A_154] : memref<10240x128xf32, #tpu.memory_space<vmem_shared>> -> memref<10240x128xf32, #tpu.memory_space<vmem_shared>>
        tpu.wait_indirect_dma semaphore(%arg19 : memref<!tpu.dma_semaphore, #tpu.memory_space<semaphore_mem>>) src(%arg10 : memref<128x128xf32, #tpu.memory_space<vmem>>) dst(%dma_wait3A_155 : memref<10240x128xf32, #tpu.memory_space<vmem_shared>>)
        %dma_wait3A_156 = arith.constant 0 : i32
        %dma_wait3A_157 = tpu.memref_slice %arg3[%dma_wait3A_156] : memref<655360xi32, #tpu.memory_space<hbm>> -> memref<256xi32, #tpu.memory_space<hbm>>
        %dma_wait3A_158 = arith.constant 0 : i32
        %dma_wait3A_159 = tpu.memref_slice %arg3[%dma_wait3A_158] : memref<655360xi32, #tpu.memory_space<hbm>> -> memref<256xi32, #tpu.memory_space<hbm>>
        tpu.wait_dma2 semaphore(%arg13 : memref<!tpu.dma_semaphore, #tpu.memory_space<semaphore_mem>>) src(%dma_wait3A_159 : memref<256xi32, #tpu.memory_space<hbm>>) dst(%arg6 : memref<256xi32, #tpu.memory_space<vmem>>)
        %dma_start3A_160 = arith.constant 0 : i32
        %dma_start3A_161 = tpu.memref_slice %arg6[%dma_start3A_160] : memref<256xi32, #tpu.memory_space<vmem>> -> memref<128xi32, #tpu.memory_space<vmem>>
        %dma_start3A_162 = arith.constant 0 : i32
        %dma_start3A_163 = arith.constant 0 : i32
        %dma_start3A_164 = tpu.memref_slice %arg2[%dma_start3A_162, %dma_start3A_163] : memref<10000x128xf32, #tpu.memory_space<hbm>> -> memref<10000x128xf32, #tpu.memory_space<hbm>>
        tpu.enqueue_indirect_dma source(%dma_start3A_164 : memref<10000x128xf32, #tpu.memory_space<hbm>>) target(%arg10 : memref<128x128xf32, #tpu.memory_space<vmem>>) offsets(%dma_start3A_161 : memref<128xi32, #tpu.memory_space<vmem>>) semaphore(%arg17 : memref<!tpu.dma_semaphore, #tpu.memory_space<semaphore_mem>>)
        %add3A_165 = arith.constant 6 : i32
        %add3A_166 = arith.addi %add3A_66, %add3A_165 : i32
        %rem3A_167 = arith.constant 48 : i32
        %rem3A_168 = arith.remsi %add3A_166, %rem3A_167 : i32
        %add3A_169 = arith.addi %add3A_11, %rem3A_168 : i32
        %mul3A_170 = arith.constant 256 : i32
        %mul3A_171 = arith.muli %add3A_169, %mul3A_170 : i32
        %dma_start3A_172 = tpu.memref_slice %arg3[%mul3A_171] : memref<655360xi32, #tpu.memory_space<hbm>> -> memref<256xi32, #tpu.memory_space<hbm>>
        %dma_start3A_173 = tpu.memref_slice %arg3[%mul3A_171] : memref<655360xi32, #tpu.memory_space<hbm>> -> memref<256xi32, #tpu.memory_space<hbm>>
        tpu.enqueue_dma source(%dma_start3A_173 : memref<256xi32, #tpu.memory_space<hbm>>) target(%arg8 : memref<256xi32, #tpu.memory_space<vmem>>) target_semaphore(%arg15 : memref<!tpu.dma_semaphore, #tpu.memory_space<semaphore_mem>>)
        %dma_wait3A_174 = arith.constant 0 : i32
        %dma_wait3A_175 = tpu.memref_slice %arg9[%dma_wait3A_174] : memref<256xi32, #tpu.memory_space<vmem>> -> memref<128xi32, #tpu.memory_space<vmem>>
        %dma_wait3A_176 = arith.constant 0 : i32
        %dma_wait3A_177 = arith.constant 0 : i32
        %dma_wait3A_178 = tpu.memref_slice %arg2[%dma_wait3A_176, %dma_wait3A_177] : memref<10000x128xf32, #tpu.memory_space<hbm>> -> memref<10000x128xf32, #tpu.memory_space<hbm>>
        tpu.wait_indirect_dma semaphore(%arg18 : memref<!tpu.dma_semaphore, #tpu.memory_space<semaphore_mem>>) src(%dma_wait3A_178 : memref<10000x128xf32, #tpu.memory_space<hbm>>) dst(%arg11 : memref<128x128xf32, #tpu.memory_space<vmem>>)
        %dma_start3A_179 = arith.constant 128 : i32
        %dma_start3A_180 = tpu.memref_slice %arg9[%dma_start3A_179] : memref<256xi32, #tpu.memory_space<vmem>> -> memref<128xi32, #tpu.memory_space<vmem>>
        %dma_start3A_181 = arith.constant 0 : i32
        %dma_start3A_182 = arith.constant 0 : i32
        %dma_start3A_183 = tpu.memref_slice %arg12[%dma_start3A_181, %dma_start3A_182] : memref<10240x128xf32, #tpu.memory_space<vmem_shared>> -> memref<10240x128xf32, #tpu.memory_space<vmem_shared>>
        tpu.enqueue_indirect_dma source(%arg11 : memref<128x128xf32, #tpu.memory_space<vmem>>) target(%dma_start3A_183 : memref<10240x128xf32, #tpu.memory_space<vmem_shared>>) offsets(%dma_start3A_180 : memref<128xi32, #tpu.memory_space<vmem>>) semaphore(%arg20 : memref<!tpu.dma_semaphore, #tpu.memory_space<semaphore_mem>>) {add = true}
        %dma_wait3A_184 = arith.constant 128 : i32
        %dma_wait3A_185 = tpu.memref_slice %arg9[%dma_wait3A_184] : memref<256xi32, #tpu.memory_space<vmem>> -> memref<128xi32, #tpu.memory_space<vmem>>
        %dma_wait3A_186 = arith.constant 0 : i32
        %dma_wait3A_187 = arith.constant 0 : i32
        %dma_wait3A_188 = tpu.memref_slice %arg12[%dma_wait3A_186, %dma_wait3A_187] : memref<10240x128xf32, #tpu.memory_space<vmem_shared>> -> memref<10240x128xf32, #tpu.memory_space<vmem_shared>>
        tpu.wait_indirect_dma semaphore(%arg20 : memref<!tpu.dma_semaphore, #tpu.memory_space<semaphore_mem>>) src(%arg11 : memref<128x128xf32, #tpu.memory_space<vmem>>) dst(%dma_wait3A_188 : memref<10240x128xf32, #tpu.memory_space<vmem_shared>>)
        %add3A_189 = arith.constant 7 : i32
        %add3A_190 = arith.addi %add3A_66, %add3A_189 : i32
        %rem3A_191 = arith.constant 48 : i32
        %rem3A_192 = arith.remsi %add3A_190, %rem3A_191 : i32
        %add3A_193 = arith.addi %add3A_11, %rem3A_192 : i32
        %mul3A_194 = arith.constant 256 : i32
        %mul3A_195 = arith.muli %add3A_193, %mul3A_194 : i32
        %dma_start3A_196 = tpu.memref_slice %arg3[%mul3A_195] : memref<655360xi32, #tpu.memory_space<hbm>> -> memref<256xi32, #tpu.memory_space<hbm>>
        %dma_start3A_197 = tpu.memref_slice %arg3[%mul3A_195] : memref<655360xi32, #tpu.memory_space<hbm>> -> memref<256xi32, #tpu.memory_space<hbm>>
        tpu.enqueue_dma source(%dma_start3A_197 : memref<256xi32, #tpu.memory_space<hbm>>) target(%arg9 : memref<256xi32, #tpu.memory_space<vmem>>) target_semaphore(%arg16 : memref<!tpu.dma_semaphore, #tpu.memory_space<semaphore_mem>>)
      }
      %scan3A_44 = arith.constant 12 : i32
      %dma_wait3A_45 = arith.constant 0 : i32
      %dma_wait3A_46 = tpu.memref_slice %arg6[%dma_wait3A_45] : memref<256xi32, #tpu.memory_space<vmem>> -> memref<128xi32, #tpu.memory_space<vmem>>
      %dma_wait3A_47 = arith.constant 0 : i32
      %dma_wait3A_48 = arith.constant 0 : i32
      %dma_wait3A_49 = tpu.memref_slice %arg2[%dma_wait3A_47, %dma_wait3A_48] : memref<10000x128xf32, #tpu.memory_space<hbm>> -> memref<10000x128xf32, #tpu.memory_space<hbm>>
      tpu.wait_indirect_dma semaphore(%arg17 : memref<!tpu.dma_semaphore, #tpu.memory_space<semaphore_mem>>) src(%dma_wait3A_49 : memref<10000x128xf32, #tpu.memory_space<hbm>>) dst(%arg10 : memref<128x128xf32, #tpu.memory_space<vmem>>)
      %dma_wait3A_50 = arith.constant 0 : i32
      %dma_wait3A_51 = tpu.memref_slice %arg3[%dma_wait3A_50] : memref<655360xi32, #tpu.memory_space<hbm>> -> memref<256xi32, #tpu.memory_space<hbm>>
      %dma_wait3A_52 = arith.constant 0 : i32
      %dma_wait3A_53 = tpu.memref_slice %arg3[%dma_wait3A_52] : memref<655360xi32, #tpu.memory_space<hbm>> -> memref<256xi32, #tpu.memory_space<hbm>>
      tpu.wait_dma2 semaphore(%arg14 : memref<!tpu.dma_semaphore, #tpu.memory_space<semaphore_mem>>) src(%dma_wait3A_53 : memref<256xi32, #tpu.memory_space<hbm>>) dst(%arg7 : memref<256xi32, #tpu.memory_space<vmem>>)
      %dma_wait3A_54 = arith.constant 0 : i32
      %dma_wait3A_55 = tpu.memref_slice %arg3[%dma_wait3A_54] : memref<655360xi32, #tpu.memory_space<hbm>> -> memref<256xi32, #tpu.memory_space<hbm>>
      %dma_wait3A_56 = arith.constant 0 : i32
      %dma_wait3A_57 = tpu.memref_slice %arg3[%dma_wait3A_56] : memref<655360xi32, #tpu.memory_space<hbm>> -> memref<256xi32, #tpu.memory_space<hbm>>
      tpu.wait_dma2 semaphore(%arg15 : memref<!tpu.dma_semaphore, #tpu.memory_space<semaphore_mem>>) src(%dma_wait3A_57 : memref<256xi32, #tpu.memory_space<hbm>>) dst(%arg8 : memref<256xi32, #tpu.memory_space<vmem>>)
      %dma_wait3A_58 = arith.constant 0 : i32
      %dma_wait3A_59 = tpu.memref_slice %arg3[%dma_wait3A_58] : memref<655360xi32, #tpu.memory_space<hbm>> -> memref<256xi32, #tpu.memory_space<hbm>>
      %dma_wait3A_60 = arith.constant 0 : i32
      %dma_wait3A_61 = tpu.memref_slice %arg3[%dma_wait3A_60] : memref<655360xi32, #tpu.memory_space<hbm>> -> memref<256xi32, #tpu.memory_space<hbm>>
      tpu.wait_dma2 semaphore(%arg16 : memref<!tpu.dma_semaphore, #tpu.memory_space<semaphore_mem>>) src(%dma_wait3A_61 : memref<256xi32, #tpu.memory_space<hbm>>) dst(%arg9 : memref<256xi32, #tpu.memory_space<vmem>>)
    } else {
    }
    %barrier3A_8 = arith.constant 0 : index
    tpu.barrier barrier_id(%barrier3A_8)
    "tpu.region"() ({
      %run_scoped3A = tpu.sem_alloc : memref<!tpu.dma_semaphore, #tpu.memory_space<semaphore_mem>>
      %dma_start3A = arith.constant 0 : i32
      %dma_start3A_9 = tpu.memref_slice %arg5[%arg0, %mul3A_0, %dma_start3A] : memref<2x10240x128xf32, #tpu.memory_space<hbm>> -> memref<1x640x128xf32, #tpu.memory_space<hbm>>
      %dma_start3A_10 = tpu.memref_squeeze %dma_start3A_9 : memref<1x640x128xf32, #tpu.memory_space<hbm>> -> memref<640x128xf32, #tpu.memory_space<hbm>>
      %dma_start3A_11 = arith.constant 0 : i32
      %dma_start3A_12 = tpu.memref_slice %arg12[%mul3A_0, %dma_start3A_11] : memref<10240x128xf32, #tpu.memory_space<vmem_shared>> -> memref<640x128xf32, #tpu.memory_space<vmem_shared>>
      tpu.enqueue_dma source(%dma_start3A_12 : memref<640x128xf32, #tpu.memory_space<vmem_shared>>) target(%dma_start3A_10 : memref<640x128xf32, #tpu.memory_space<hbm>>) target_semaphore(%run_scoped3A : memref<!tpu.dma_semaphore, #tpu.memory_space<semaphore_mem>>)
      %dma_wait3A = arith.constant 0 : i32
      %dma_wait3A_13 = tpu.memref_slice %arg5[%arg0, %mul3A_0, %dma_wait3A] : memref<2x10240x128xf32, #tpu.memory_space<hbm>> -> memref<1x640x128xf32, #tpu.memory_space<hbm>>
      %dma_wait3A_14 = tpu.memref_squeeze %dma_wait3A_13 : memref<1x640x128xf32, #tpu.memory_space<hbm>> -> memref<640x128xf32, #tpu.memory_space<hbm>>
      %dma_wait3A_15 = arith.constant 0 : i32
      %dma_wait3A_16 = tpu.memref_slice %arg12[%mul3A_0, %dma_wait3A_15] : memref<10240x128xf32, #tpu.memory_space<vmem_shared>> -> memref<640x128xf32, #tpu.memory_space<vmem_shared>>
      tpu.wait_dma2 semaphore(%run_scoped3A : memref<!tpu.dma_semaphore, #tpu.memory_space<semaphore_mem>>) src(%dma_wait3A_16 : memref<640x128xf32, #tpu.memory_space<vmem_shared>>) dst(%dma_wait3A_14 : memref<640x128xf32, #tpu.memory_space<hbm>>)
      tpu.yield
    }) : () -> ()
    return
  }
}

module attributes {stable_mosaic.version = 14 : i64} {
  func.func @_mm_body(%arg0: i32, %arg1: memref<2000x128xf32, #tpu.memory_space<vmem>>, %arg2: memref<128x128xf32, #tpu.memory_space<vmem>>, %arg3: memref<2000x128xf32, #tpu.memory_space<vmem>>) attributes {dimension_semantics = [#tpu.dimension_semantics<arbitrary>], iteration_bounds = array<i64: 5>, scalar_prefetch = 0 : i64, scratch_operands = 0 : i64, tpu.core_type = #tpu.core_type<tc>, window_params = [{transform_indices = @transform_0, window_bounds = array<i64: 2000, 128>}, {pipeline_mode = #tpu.pipeline_mode<synchronous>, transform_indices = @transform_1, window_bounds = array<i64: 128, 128>}, {transform_indices = @transform_2, window_bounds = array<i64: 2000, 128>}]} {
    %get3A = arith.constant 0 : index
    %get3A_0 = arith.constant 0 : index
    %get3A_1 = vector.load %arg1[%get3A, %get3A_0] : memref<2000x128xf32, #tpu.memory_space<vmem>>, vector<2000x128xf32>
    %get3A_2 = arith.constant 0 : index
    %get3A_3 = arith.constant 0 : index
    %get3A_4 = vector.load %arg2[%get3A_2, %get3A_3] : memref<128x128xf32, #tpu.memory_space<vmem>>, vector<128x128xf32>
    %dot_general3A = arith.constant dense<0.000000e+00> : vector<2000x128xf32>
    %dot_general3A_5 = tpu.matmul %get3A_1, %get3A_4, %dot_general3A {dimension_numbers = #tpu.dot_dimension_numbers<[1], [0], [0], [1], [0, 0, 1, 1], [], []>, transpose_lhs_hint = false} : vector<2000x128xf32>, vector<128x128xf32>, vector<2000x128xf32> -> vector<2000x128xf32>
    %swap3A = arith.constant 0 : index
    %swap3A_6 = arith.constant 0 : index
    %swap3A_7 = vector.load %arg3[%swap3A, %swap3A_6] : memref<2000x128xf32, #tpu.memory_space<vmem>>, vector<2000x128xf32>
    tpu.vector_store %arg3[%swap3A, %swap3A_6], %dot_general3A_5 {strides = array<i32>} : memref<2000x128xf32, #tpu.memory_space<vmem>>, vector<2000x128xf32>,
    return
  }
  func.func @transform_0(%arg0: i32) -> (i32, i32) {
    %c0_i32 = arith.constant 0 : i32
    %c0_i32_0 = arith.constant 0 : i32
    return %arg0, %c0_i32 : i32, i32
  }
  func.func @transform_1(%arg0: i32) -> (i32, i32) {
    %c0_i32 = arith.constant 0 : i32
    %c0_i32_0 = arith.constant 0 : i32
    %c0_i32_1 = arith.constant 0 : i32
    return %c0_i32, %c0_i32_0 : i32, i32
  }
  func.func @transform_2(%arg0: i32) -> (i32, i32) {
    %c0_i32 = arith.constant 0 : i32
    %c0_i32_0 = arith.constant 0 : i32
    return %arg0, %c0_i32 : i32, i32
  }
}

module attributes {stable_mosaic.version = 14 : i64} {
  func.func @_scale_body(%arg0: i32, %arg1: memref<2000x128xf32, #tpu.memory_space<vmem>>, %arg2: memref<2x2000x128xf32, #tpu.memory_space<vmem>>, %arg3: memref<2000x128xf32, #tpu.memory_space<vmem>>) attributes {dimension_semantics = [#tpu.dimension_semantics<arbitrary>], iteration_bounds = array<i64: 5>, scalar_prefetch = 0 : i64, scratch_operands = 0 : i64, tpu.core_type = #tpu.core_type<tc>, window_params = [{transform_indices = @transform_0, window_bounds = array<i64: 2000, 128>}, {transform_indices = @transform_1, window_bounds = array<i64: 2, 2000, 128>}, {transform_indices = @transform_2, window_bounds = array<i64: 2000, 128>}]} {
    %get3A = arith.constant 0 : index
    %get3A_0 = arith.constant 0 : index
    %get3A_1 = arith.constant 0 : index
    %get3A_2 = vector.load %arg2[%get3A, %get3A_0, %get3A_1] : memref<2x2000x128xf32, #tpu.memory_space<vmem>>, vector<1x2000x1xf32>
    %get3A_3 = vector.shape_cast %get3A_2 : vector<1x2000x1xf32> to vector<2000x1xf32>
    %get3A_4 = arith.constant 1 : index
    %get3A_5 = arith.constant 0 : index
    %get3A_6 = arith.constant 0 : index
    %get3A_7 = vector.load %arg2[%get3A_4, %get3A_5, %get3A_6] : memref<2x2000x128xf32, #tpu.memory_space<vmem>>, vector<1x2000x1xf32>
    %get3A_8 = vector.shape_cast %get3A_7 : vector<1x2000x1xf32> to vector<2000x1xf32>
    %add3A = arith.addf %get3A_3, %get3A_8 : vector<2000x1xf32>
    %add3A_9 = arith.constant 1.000000e+00 : f32
    %add3A_10 = vector.broadcast %add3A_9 : f32 to vector<2000x1xf32>
    %add3A_11 = arith.addf %add3A, %add3A_10 : vector<2000x1xf32>
    %rsqrt3A = math.rsqrt %add3A_11 : vector<2000x1xf32>
    %get3A_12 = arith.constant 0 : index
    %get3A_13 = arith.constant 0 : index
    %get3A_14 = vector.load %arg1[%get3A_12, %get3A_13] : memref<2000x128xf32, #tpu.memory_space<vmem>>, vector<2000x128xf32>
    %mul3A = vector.broadcast %rsqrt3A : vector<2000x1xf32> to vector<2000x128xf32>
    %mul3A_15 = arith.mulf %mul3A, %get3A_14 : vector<2000x128xf32>
    %swap3A = arith.constant 0 : index
    %swap3A_16 = arith.constant 0 : index
    %swap3A_17 = vector.load %arg3[%swap3A, %swap3A_16] : memref<2000x128xf32, #tpu.memory_space<vmem>>, vector<2000x128xf32>
    tpu.vector_store %arg3[%swap3A, %swap3A_16], %mul3A_15 {strides = array<i32>} : memref<2000x128xf32, #tpu.memory_space<vmem>>, vector<2000x128xf32>,
    return
  }
  func.func @transform_0(%arg0: i32) -> (i32, i32) {
    %c0_i32 = arith.constant 0 : i32
    %c0_i32_0 = arith.constant 0 : i32
    return %arg0, %c0_i32 : i32, i32
  }
  func.func @transform_1(%arg0: i32) -> (i32, i32, i32) {
    %c0_i32 = arith.constant 0 : i32
    %c0_i32_0 = arith.constant 0 : i32
    %c0_i32_1 = arith.constant 0 : i32
    return %c0_i32, %arg0, %c0_i32_0 : i32, i32, i32
  }
  func.func @transform_2(%arg0: i32) -> (i32, i32) {
    %c0_i32 = arith.constant 0 : i32
    %c0_i32_0 = arith.constant 0 : i32
    return %arg0, %c0_i32 : i32, i32
  }
}

module attributes {stable_mosaic.version = 14 : i64} {
  func.func @_layer_body(%arg0: i32, %arg1: memref<2x2000x128xf32, #tpu.memory_space<vmem>>, %arg2: memref<2000x128xf32, #tpu.memory_space<vmem>>, %arg3: memref<2x2000x128xf32, #tpu.memory_space<vmem>>, %arg4: memref<128x128xf32, #tpu.memory_space<vmem>>, %arg5: memref<1x128xf32, #tpu.memory_space<vmem>>, %arg6: memref<2000x128xf32, #tpu.memory_space<vmem>>) attributes {dimension_semantics = [#tpu.dimension_semantics<arbitrary>], iteration_bounds = array<i64: 5>, scalar_prefetch = 0 : i64, scratch_operands = 0 : i64, tpu.core_type = #tpu.core_type<tc>, window_params = [{transform_indices = @transform_0, window_bounds = array<i64: 2, 2000, 128>}, {transform_indices = @transform_1, window_bounds = array<i64: 2000, 128>}, {transform_indices = @transform_2, window_bounds = array<i64: 2, 2000, 128>}, {pipeline_mode = #tpu.pipeline_mode<synchronous>, transform_indices = @transform_3, window_bounds = array<i64: 128, 128>}, {pipeline_mode = #tpu.pipeline_mode<synchronous>, transform_indices = @transform_4, window_bounds = array<i64: 1, 128>}, {transform_indices = @transform_5, window_bounds = array<i64: 2000, 128>}]} {
    %get3A = arith.constant 0 : index
    %get3A_0 = arith.constant 0 : index
    %get3A_1 = arith.constant 0 : index
    %get3A_2 = vector.load %arg3[%get3A, %get3A_0, %get3A_1] : memref<2x2000x128xf32, #tpu.memory_space<vmem>>, vector<1x2000x1xf32>
    %get3A_3 = vector.shape_cast %get3A_2 : vector<1x2000x1xf32> to vector<2000x1xf32>
    %get3A_4 = arith.constant 1 : index
    %get3A_5 = arith.constant 0 : index
    %get3A_6 = arith.constant 0 : index
    %get3A_7 = vector.load %arg3[%get3A_4, %get3A_5, %get3A_6] : memref<2x2000x128xf32, #tpu.memory_space<vmem>>, vector<1x2000x1xf32>
    %get3A_8 = vector.shape_cast %get3A_7 : vector<1x2000x1xf32> to vector<2000x1xf32>
    %add3A = arith.addf %get3A_3, %get3A_8 : vector<2000x1xf32>
    %add3A_9 = arith.constant 1.000000e+00 : f32
    %add3A_10 = vector.broadcast %add3A_9 : f32 to vector<2000x1xf32>
    %add3A_11 = arith.addf %add3A, %add3A_10 : vector<2000x1xf32>
    %rsqrt3A = math.rsqrt %add3A_11 : vector<2000x1xf32>
    %get3A_12 = arith.constant 0 : index
    %get3A_13 = arith.constant 0 : index
    %get3A_14 = arith.constant 0 : index
    %get3A_15 = vector.load %arg1[%get3A_12, %get3A_13, %get3A_14] : memref<2x2000x128xf32, #tpu.memory_space<vmem>>, vector<1x2000x128xf32>
    %get3A_16 = vector.shape_cast %get3A_15 : vector<1x2000x128xf32> to vector<2000x128xf32>
    %get3A_17 = arith.constant 1 : index
    %get3A_18 = arith.constant 0 : index
    %get3A_19 = arith.constant 0 : index
    %get3A_20 = vector.load %arg1[%get3A_17, %get3A_18, %get3A_19] : memref<2x2000x128xf32, #tpu.memory_space<vmem>>, vector<1x2000x128xf32>
    %get3A_21 = vector.shape_cast %get3A_20 : vector<1x2000x128xf32> to vector<2000x128xf32>
    %add3A_22 = arith.addf %get3A_16, %get3A_21 : vector<2000x128xf32>
    %get3A_23 = arith.constant 0 : index
    %get3A_24 = arith.constant 0 : index
    %get3A_25 = vector.load %arg2[%get3A_23, %get3A_24] : memref<2000x128xf32, #tpu.memory_space<vmem>>, vector<2000x128xf32>
    %add3A_26 = arith.addf %add3A_22, %get3A_25 : vector<2000x128xf32>
    %mul3A = vector.broadcast %rsqrt3A : vector<2000x1xf32> to vector<2000x128xf32>
    %mul3A_27 = arith.mulf %mul3A, %add3A_26 : vector<2000x128xf32>
    %get3A_28 = arith.constant 0 : index
    %get3A_29 = arith.constant 0 : index
    %get3A_30 = vector.load %arg5[%get3A_28, %get3A_29] : memref<1x128xf32, #tpu.memory_space<vmem>>, vector<1x128xf32>
    %add3A_31 = vector.broadcast %get3A_30 : vector<1x128xf32> to vector<2000x128xf32>
    %add3A_32 = arith.addf %mul3A_27, %add3A_31 : vector<2000x128xf32>
    %max3A = arith.constant 0.000000e+00 : f32
    %max3A_33 = vector.broadcast %max3A : f32 to vector<2000x128xf32>
    %max3A_34 = arith.maximumf %add3A_32, %max3A_33 : vector<2000x128xf32>
    %get3A_35 = arith.constant 0 : index
    %get3A_36 = arith.constant 0 : index
    %get3A_37 = vector.load %arg4[%get3A_35, %get3A_36] : memref<128x128xf32, #tpu.memory_space<vmem>>, vector<128x128xf32>
    %dot_general3A = arith.constant dense<0.000000e+00> : vector<2000x128xf32>
    %dot_general3A_38 = tpu.matmul %max3A_34, %get3A_37, %dot_general3A {dimension_numbers = #tpu.dot_dimension_numbers<[1], [0], [0], [1], [0, 0, 1, 1], [], []>, transpose_lhs_hint = false} : vector<2000x128xf32>, vector<128x128xf32>, vector<2000x128xf32> -> vector<2000x128xf32>
    %mul3A_39 = vector.broadcast %rsqrt3A : vector<2000x1xf32> to vector<2000x128xf32>
    %mul3A_40 = arith.mulf %mul3A_39, %dot_general3A_38 : vector<2000x128xf32>
    %swap3A = arith.constant 0 : index
    %swap3A_41 = arith.constant 0 : index
    %swap3A_42 = vector.load %arg6[%swap3A, %swap3A_41] : memref<2000x128xf32, #tpu.memory_space<vmem>>, vector<2000x128xf32>
    tpu.vector_store %arg6[%swap3A, %swap3A_41], %mul3A_40 {strides = array<i32>} : memref<2000x128xf32, #tpu.memory_space<vmem>>, vector<2000x128xf32>,
    return
  }
  func.func @transform_0(%arg0: i32) -> (i32, i32, i32) {
    %c0_i32 = arith.constant 0 : i32
    %c0_i32_0 = arith.constant 0 : i32
    %c0_i32_1 = arith.constant 0 : i32
    return %c0_i32, %arg0, %c0_i32_0 : i32, i32, i32
  }
  func.func @transform_1(%arg0: i32) -> (i32, i32) {
    %c0_i32 = arith.constant 0 : i32
    %c0_i32_0 = arith.constant 0 : i32
    return %arg0, %c0_i32 : i32, i32
  }
  func.func @transform_2(%arg0: i32) -> (i32, i32, i32) {
    %c0_i32 = arith.constant 0 : i32
    %c0_i32_0 = arith.constant 0 : i32
    %c0_i32_1 = arith.constant 0 : i32
    return %c0_i32, %arg0, %c0_i32_0 : i32, i32, i32
  }
  func.func @transform_3(%arg0: i32) -> (i32, i32) {
    %c0_i32 = arith.constant 0 : i32
    %c0_i32_0 = arith.constant 0 : i32
    %c0_i32_1 = arith.constant 0 : i32
    return %c0_i32, %c0_i32_0 : i32, i32
  }
  func.func @transform_4(%arg0: i32) -> (i32, i32) {
    %c0_i32 = arith.constant 0 : i32
    %c0_i32_0 = arith.constant 0 : i32
    %c0_i32_1 = arith.constant 0 : i32
    return %c0_i32, %c0_i32_0 : i32, i32
  }
  func.func @transform_5(%arg0: i32) -> (i32, i32) {
    %c0_i32 = arith.constant 0 : i32
    %c0_i32_0 = arith.constant 0 : i32
    return %arg0, %c0_i32 : i32, i32
  }
}

module attributes {stable_mosaic.version = 14 : i64} {
  func.func @_final_body(%arg0: i32, %arg1: memref<2x2000x128xf32, #tpu.memory_space<vmem>>, %arg2: memref<2000x128xf32, #tpu.memory_space<vmem>>, %arg3: memref<2x2000x128xf32, #tpu.memory_space<vmem>>, %arg4: memref<1x128xf32, #tpu.memory_space<vmem>>, %arg5: memref<128x12xf32, #tpu.memory_space<vmem>>, %arg6: memref<1x12xf32, #tpu.memory_space<vmem>>, %arg7: memref<1x12xf32, #tpu.memory_space<vmem>>, %arg8: memref<1x128xf32, #tpu.memory_space<vmem>>) attributes {dimension_semantics = [#tpu.dimension_semantics<arbitrary>], iteration_bounds = array<i64: 5>, scalar_prefetch = 0 : i64, scratch_operands = 1 : i64, tpu.core_type = #tpu.core_type<tc>, window_params = [{transform_indices = @transform_0, window_bounds = array<i64: 2, 2000, 128>}, {transform_indices = @transform_1, window_bounds = array<i64: 2000, 128>}, {transform_indices = @transform_2, window_bounds = array<i64: 2, 2000, 128>}, {pipeline_mode = #tpu.pipeline_mode<synchronous>, transform_indices = @transform_3, window_bounds = array<i64: 1, 128>}, {pipeline_mode = #tpu.pipeline_mode<synchronous>, transform_indices = @transform_4, window_bounds = array<i64: 128, 12>}, {pipeline_mode = #tpu.pipeline_mode<synchronous>, transform_indices = @transform_5, window_bounds = array<i64: 1, 12>}, {pipeline_mode = #tpu.pipeline_mode<synchronous>, transform_indices = @transform_6, window_bounds = array<i64: 1, 12>}]} {
    %eq3A = arith.constant 0 : i32
    %eq3A_0 = arith.cmpi eq, %arg0, %eq3A : i32
    %convert_element_type3A = arith.extui %eq3A_0 : i1 to i32
    %cond3A = arith.constant 0 : i32
    %cond3A_1 = arith.cmpi ne, %convert_element_type3A, %cond3A : i32
    scf.if %cond3A_1 {
      %broadcast_in_dim3A_49 = arith.constant 0.000000e+00 : f32
      %broadcast_in_dim3A_50 = vector.broadcast %broadcast_in_dim3A_49 : f32 to vector<1x128xf32>
      %swap3A_51 = arith.constant 0 : index
      %swap3A_52 = arith.constant 0 : index
      %swap3A_53 = vector.load %arg8[%swap3A_51, %swap3A_52] : memref<1x128xf32, #tpu.memory_space<vmem>>, vector<1x128xf32>
      tpu.vector_store %arg8[%swap3A_51, %swap3A_52], %broadcast_in_dim3A_50 {strides = array<i32>} : memref<1x128xf32, #tpu.memory_space<vmem>>, vector<1x128xf32>,
    } else {
    }
    %get3A = arith.constant 0 : index
    %get3A_2 = arith.constant 0 : index
    %get3A_3 = arith.constant 0 : index
    %get3A_4 = vector.load %arg3[%get3A, %get3A_2, %get3A_3] : memref<2x2000x128xf32, #tpu.memory_space<vmem>>, vector<1x2000x1xf32>
    %get3A_5 = vector.shape_cast %get3A_4 : vector<1x2000x1xf32> to vector<2000x1xf32>
    %get3A_6 = arith.constant 1 : index
    %get3A_7 = arith.constant 0 : index
    %get3A_8 = arith.constant 0 : index
    %get3A_9 = vector.load %arg3[%get3A_6, %get3A_7, %get3A_8] : memref<2x2000x128xf32, #tpu.memory_space<vmem>>, vector<1x2000x1xf32>
    %get3A_10 = vector.shape_cast %get3A_9 : vector<1x2000x1xf32> to vector<2000x1xf32>
    %add3A = arith.addf %get3A_5, %get3A_10 : vector<2000x1xf32>
    %add3A_11 = arith.constant 1.000000e+00 : f32
    %add3A_12 = vector.broadcast %add3A_11 : f32 to vector<2000x1xf32>
    %add3A_13 = arith.addf %add3A, %add3A_12 : vector<2000x1xf32>
    %rsqrt3A = math.rsqrt %add3A_13 : vector<2000x1xf32>
    %get3A_14 = arith.constant 0 : index
    %get3A_15 = arith.constant 0 : index
    %get3A_16 = arith.constant 0 : index
    %get3A_17 = vector.load %arg1[%get3A_14, %get3A_15, %get3A_16] : memref<2x2000x128xf32, #tpu.memory_space<vmem>>, vector<1x2000x128xf32>
    %get3A_18 = vector.shape_cast %get3A_17 : vector<1x2000x128xf32> to vector<2000x128xf32>
    %get3A_19 = arith.constant 1 : index
    %get3A_20 = arith.constant 0 : index
    %get3A_21 = arith.constant 0 : index
    %get3A_22 = vector.load %arg1[%get3A_19, %get3A_20, %get3A_21] : memref<2x2000x128xf32, #tpu.memory_space<vmem>>, vector<1x2000x128xf32>
    %get3A_23 = vector.shape_cast %get3A_22 : vector<1x2000x128xf32> to vector<2000x128xf32>
    %add3A_24 = arith.addf %get3A_18, %get3A_23 : vector<2000x128xf32>
    %get3A_25 = arith.constant 0 : index
    %get3A_26 = arith.constant 0 : index
    %get3A_27 = vector.load %arg2[%get3A_25, %get3A_26] : memref<2000x128xf32, #tpu.memory_space<vmem>>, vector<2000x128xf32>
    %add3A_28 = arith.addf %add3A_24, %get3A_27 : vector<2000x128xf32>
    %mul3A = vector.broadcast %rsqrt3A : vector<2000x1xf32> to vector<2000x128xf32>
    %mul3A_29 = arith.mulf %mul3A, %add3A_28 : vector<2000x128xf32>
    %get3A_30 = arith.constant 0 : index
    %get3A_31 = arith.constant 0 : index
    %get3A_32 = vector.load %arg4[%get3A_30, %get3A_31] : memref<1x128xf32, #tpu.memory_space<vmem>>, vector<1x128xf32>
    %add3A_33 = vector.broadcast %get3A_32 : vector<1x128xf32> to vector<2000x128xf32>
    %add3A_34 = arith.addf %mul3A_29, %add3A_33 : vector<2000x128xf32>
    %max3A = arith.constant 0.000000e+00 : f32
    %max3A_35 = vector.broadcast %max3A : f32 to vector<2000x128xf32>
    %max3A_36 = arith.maximumf %add3A_34, %max3A_35 : vector<2000x128xf32>
    %get3A_37 = arith.constant 0 : index
    %get3A_38 = arith.constant 0 : index
    %get3A_39 = vector.load %arg8[%get3A_37, %get3A_38] : memref<1x128xf32, #tpu.memory_space<vmem>>, vector<1x128xf32>
    %reduce_sum3A = arith.constant dense<0.000000e+00> : vector<128xf32>
    %reduce_sum3A_40 = vector.multi_reduction <add>, %max3A_36, %reduce_sum3A [0] : vector<2000x128xf32> to vector<128xf32>
    %broadcast_in_dim3A = vector.shape_cast %reduce_sum3A_40 : vector<128xf32> to vector<1x128xf32>
    %add3A_41 = arith.addf %get3A_39, %broadcast_in_dim3A : vector<1x128xf32>
    %swap3A = arith.constant 0 : index
    %swap3A_42 = arith.constant 0 : index
    %swap3A_43 = vector.load %arg8[%swap3A, %swap3A_42] : memref<1x128xf32, #tpu.memory_space<vmem>>, vector<1x128xf32>
    tpu.vector_store %arg8[%swap3A, %swap3A_42], %add3A_41 {strides = array<i32>} : memref<1x128xf32, #tpu.memory_space<vmem>>, vector<1x128xf32>,
    %eq3A_44 = arith.constant 4 : i32
    %eq3A_45 = arith.cmpi eq, %arg0, %eq3A_44 : i32
    %convert_element_type3A_46 = arith.extui %eq3A_45 : i1 to i32
    %cond3A_47 = arith.constant 0 : i32
    %cond3A_48 = arith.cmpi ne, %convert_element_type3A_46, %cond3A_47 : i32
    scf.if %cond3A_48 {
      %get3A_49 = arith.constant 0 : index
      %get3A_50 = arith.constant 0 : index
      %get3A_51 = vector.load %arg8[%get3A_49, %get3A_50] : memref<1x128xf32, #tpu.memory_space<vmem>>, vector<1x128xf32>
      %mul3A_52 = arith.constant 9.99999974E-5 : f32
      %mul3A_53 = vector.broadcast %mul3A_52 : f32 to vector<1x128xf32>
      %mul3A_54 = arith.mulf %get3A_51, %mul3A_53 : vector<1x128xf32>
      %get3A_55 = arith.constant 0 : index
      %get3A_56 = arith.constant 0 : index
      %get3A_57 = vector.load %arg5[%get3A_55, %get3A_56] : memref<128x12xf32, #tpu.memory_space<vmem>>, vector<128x12xf32>
      %dot_general3A = arith.constant dense<0.000000e+00> : vector<1x12xf32>
      %dot_general3A_58 = tpu.matmul %mul3A_54, %get3A_57, %dot_general3A {dimension_numbers = #tpu.dot_dimension_numbers<[1], [0], [0], [1], [0, 0, 1, 1], [], []>, transpose_lhs_hint = false} : vector<1x128xf32>, vector<128x12xf32>, vector<1x12xf32> -> vector<1x12xf32>
      %get3A_59 = arith.constant 0 : index
      %get3A_60 = arith.constant 0 : index
      %get3A_61 = vector.load %arg6[%get3A_59, %get3A_60] : memref<1x12xf32, #tpu.memory_space<vmem>>, vector<1x12xf32>
      %add3A_62 = arith.addf %dot_general3A_58, %get3A_61 : vector<1x12xf32>
      %swap3A_63 = arith.constant 0 : index
      %swap3A_64 = arith.constant 0 : index
      %swap3A_65 = vector.load %arg7[%swap3A_63, %swap3A_64] : memref<1x12xf32, #tpu.memory_space<vmem>>, vector<1x12xf32>
      tpu.vector_store %arg7[%swap3A_63, %swap3A_64], %add3A_62 {strides = array<i32>} : memref<1x12xf32, #tpu.memory_space<vmem>>, vector<1x12xf32>,
    } else {
    }
    return
  }
  func.func @transform_0(%arg0: i32) -> (i32, i32, i32) {
    %c0_i32 = arith.constant 0 : i32
    %c0_i32_0 = arith.constant 0 : i32
    %c0_i32_1 = arith.constant 0 : i32
    return %c0_i32, %arg0, %c0_i32_0 : i32, i32, i32
  }
  func.func @transform_1(%arg0: i32) -> (i32, i32) {
    %c0_i32 = arith.constant 0 : i32
    %c0_i32_0 = arith.constant 0 : i32
    return %arg0, %c0_i32 : i32, i32
  }
  func.func @transform_2(%arg0: i32) -> (i32, i32, i32) {
    %c0_i32 = arith.constant 0 : i32
    %c0_i32_0 = arith.constant 0 : i32
    %c0_i32_1 = arith.constant 0 : i32
    return %c0_i32, %arg0, %c0_i32_0 : i32, i32, i32
  }
  func.func @transform_3(%arg0: i32) -> (i32, i32) {
    %c0_i32 = arith.constant 0 : i32
    %c0_i32_0 = arith.constant 0 : i32
    %c0_i32_1 = arith.constant 0 : i32
    return %c0_i32, %c0_i32_0 : i32, i32
  }
  func.func @transform_4(%arg0: i32) -> (i32, i32) {
    %c0_i32 = arith.constant 0 : i32
    %c0_i32_0 = arith.constant 0 : i32
    %c0_i32_1 = arith.constant 0 : i32
    return %c0_i32, %c0_i32_0 : i32, i32
  }
  func.func @transform_5(%arg0: i32) -> (i32, i32) {
    %c0_i32 = arith.constant 0 : i32
    %c0_i32_0 = arith.constant 0 : i32
    %c0_i32_1 = arith.constant 0 : i32
    return %c0_i32, %c0_i32_0 : i32, i32
  }
  func.func @transform_6(%arg0: i32) -> (i32, i32) {
    %c0_i32 = arith.constant 0 : i32
    %c0_i32_0 = arith.constant 0 : i32
    %c0_i32_1 = arith.constant 0 : i32
    return %c0_i32, %c0_i32_0 : i32, i32
  }
}

</mosaic_0001>

<sc_bundles>
// kernel: kernel.11.cloned.1.call-start
scs
__scs_entry_jumppad:
0x0: {  	(pc) =	sbr.rel $0x88, $3  }
0x1: {  	(tag) =	ssettag $0x0;
	lr =	simm.s32 $0x1  }
0x2: {  	[smem:$0x3F97] =	sst lr;
	_ =	strace $0xD0000000  }
0x3: {  	_ = 	snop  }
0x4: {  	_ = 	snop  }
0x5: {  	_ = 	snop  }
0x6: {  	_ = 	snop  }
0x7: {  	_ = 	snop  }
__scs_overlays_trampoline_lowered:
0x8: {  	[smem:$0x3FA6] =	sst s0  }
0x9: {  	[smem:$0x3FA7] =	sst s1  }
0xa: {  	[smem:$0x3FA8] =	sst s2  }
0xb: {  	[smem:$0x3FA9] =	sst s3  }
0xc: {  	[smem:$0x3FAA] =	sst s4  }
0xd: {  	[smem:$0x3FAB] =	sst s5  }
0xe: {  	[smem:$0x3FAC] =	sst s6  }
0xf: {  	[smem:$0x3FAD] =	sst s7  }
0x10: {  	[smem:$0x3FAE] =	sst s8  }
0x11: {  	[smem:$0x3FAF] =	sst s9;
	s0 =	simm.s32 @!p0 $0x0  }
0x12: {  	s1 =	sld [smem:$0x3F95];
	s0 =	simm.s32 @p0 $0x1  }
0x13: {  	[smem:$0x3FB0] =	sst s0;
	s0 =	simm.s32 @!p1 $0x0  }
0x14: {  	s2 =	sld [smem:$0x3F94];
	s0 =	simm.s32 @p1 $0x1  }
0x15: {  	[smem:$0x3FB1] =	sst s0;
	s0 =	simm.s32 @!p2 $0x0  }
0x16: {  	s3 =	sld [smem:$0x3FDB];
	s0 =	simm.s32 @p2 $0x1  }
0x17: {  	s4 =	simm.s32 $0x1BF5;
	[smem:$0x3FB3] =	sst s0  }
0x18: {  	s0 =	sld [smem:$0x3F96];
	_ =	swait.ge [sflag:s4], $0x0  }
0x19: {  	s7 =	sld [smem:$0x3F97]  }
0x1a: {  	s8 =	sadd.s32 $0xFFFFE003, lr  }
0x1b: {  	s9 =	sadd.s32 $0xFFFFFEF7, lr;
	s5 =	simm.s32 $0xFFFFFFFF;
	p2 =	slt.u32 s8, $0xFFFFF086  }
0x1c: {  	p1 =	slt.u32 s9, $0xF7A;
	s5 =	simm.s32 @!p2 $0x0  }
0x1d: {  	s5 =	simm.s32 @p1 $0x1;
	p0 =	seq.s32 s7, s2  }
0x1e: {  	s7 =	smul.u32 @!p0 $0xF7A, s2;
	p2 =	seq.s32 @!p0 s5, $0x0  }
0x1f: {  	s9 =	smul.u32 $0xF7A, s1;
	s8 =	simm.s32 @!p0 $0x1BF5;
	p2 =	por !p2, p0  }
0x20: {  	[sflag:s8] =	ssyncset.s32 @!p0 $0xFFFFF086;
	s6 =	sadd.s32 @!p0 s3, s7;
	s7 =	simm.s32 @!p0 $0x108  }
0x21: {  	s3 =	sadd.s32 s3, s9;
	s6 =	sadd.s32 @!p0 $0x88, s6;
	s7 =	simm.s32 @p2 $0x1082  }
0x22: {  	[simem:s7], [sflag:s8] =	dma.local @!p0 [hbm:s6], $0xF7A  }
0x23: {  	s9 =	sor.u32 $0xD0000000, s2;
	s6 =	simm.s32 $0x108;
	_ =	swait.ge @!p0 [sflag:s8], $0x0  }
0x24: {  	s3 =	sadd.s32 $0x88, s3;
	s6 =	simm.s32 @!p1 $0x1082;
	[sflag:s4] =	ssyncset.s32 $0xFFFFF086  }
0x25: {  	[simem:s6], [sflag:s4] =	dma.local [hbm:s3], $0xF7A  }
0x26: {  	[smem:$0x3F97] =	sst s1;
	(tag) =	ssettag s2;
	_ =	strace s9  }
0x27: {  	s1 =	sld [smem:$0x3FA7]  }
0x28: {  	s2 =	sld [smem:$0x3FA8]  }
0x29: {  	s4 =	sld [smem:$0x3FAA]  }
0x2a: {  	p0 =	seq.s32 s5, $0x0;
	s5 =	sld [smem:$0x3FAB]  }
0x2b: {  	s6 =	sld [smem:$0x3FAC]  }
0x2c: {  	s7 =	sld [smem:$0x3FAD]  }
0x2d: {  	s3 =	simm.s32 $0x108;
	s8 =	sld [smem:$0x3FAE]  }
0x2e: {  	s3 =	simm.s32 @!p0 $0x1082;
	s9 =	sld [smem:$0x3FAF]  }
0x2f: {  	lr =	sadd.s32 s0, s3;
	s0 =	sld [smem:$0x3FA6]  }
0x30: {  	s3 =	sld [smem:$0x3FA9]  }
0x31: {  	[smem:$0x3FB2] =	sst s10  }
0x32: {  	s10 =	sld [smem:$0x3FB0];
	_ =	sdelay $0x3  }
0x33: {  	p0 =	seq.s32 s10, $0x1;
	s10 =	sld [smem:$0x3FB2];
	_ =	sdelay $0x3  }
0x34: {  	[smem:$0x3FB2] =	sst s10  }
0x35: {  	s10 =	sld [smem:$0x3FB1];
	_ =	sdelay $0x3  }
0x36: {  	p1 =	seq.s32 s10, $0x1;
	s10 =	sld [smem:$0x3FB2];
	_ =	sdelay $0x3  }
0x37: {  	[smem:$0x3FB2] =	sst s10  }
0x38: {  	s10 =	sld [smem:$0x3FB3]  }
0x39: {  	_ = 	snop;
	(pc) =	sbr.ind lr, $3  }
0x3a: {  	_ = 	snop  }
0x3b: {  	_ = 	snop  }
0x3c: {  	p2 =	seq.s32 s10, $0x1;
	s10 =	sld [smem:$0x3FB2]  }
0x3d: {  	_ =	shalt  }
0x3e: {  	_ =	shalt  }
0x3f: {  	_ =	shalt  }
0x40: {  	_ =	shalt  }
0x41: {  	_ =	shalt  }
0x42: {  	_ =	shalt  }
0x43: {  	_ =	shalt  }
0x44: {  	_ =	shalt  }
0x45: {  	_ =	shalt  }
0x46: {  	_ =	shalt  }
0x47: {  	_ =	shalt  }
0x48: {  	_ =	shalt  }
0x49: {  	_ =	shalt  }
0x4a: {  	_ =	shalt  }
0x4b: {  	_ =	shalt  }
0x4c: {  	_ =	shalt  }
0x4d: {  	_ =	shalt  }
0x4e: {  	_ =	shalt  }
0x4f: {  	_ =	shalt  }
0x50: {  	_ =	shalt  }
0x51: {  	_ =	shalt  }
0x52: {  	_ =	shalt  }
0x53: {  	_ =	shalt  }
0x54: {  	_ =	shalt  }
0x55: {  	_ =	shalt  }
0x56: {  	_ =	shalt  }
0x57: {  	_ =	shalt  }
0x58: {  	_ =	shalt  }
0x59: {  	_ =	shalt  }
0x5a: {  	_ =	shalt  }
0x5b: {  	_ =	shalt  }
0x5c: {  	_ =	shalt  }
0x5d: {  	_ =	shalt  }
0x5e: {  	_ =	shalt  }
0x5f: {  	_ =	shalt  }
0x60: {  	_ =	shalt  }
0x61: {  	_ =	shalt  }
0x62: {  	_ =	shalt  }
0x63: {  	_ =	shalt  }
0x64: {  	_ =	shalt  }
0x65: {  	_ =	shalt  }
0x66: {  	_ =	shalt  }
0x67: {  	_ =	shalt  }
0x68: {  	_ =	shalt  }
0x69: {  	_ =	shalt  }
0x6a: {  	_ =	shalt  }
0x6b: {  	_ =	shalt  }
0x6c: {  	_ =	shalt  }
0x6d: {  	_ =	shalt  }
0x6e: {  	_ =	shalt  }
0x6f: {  	_ =	shalt  }
0x70: {  	_ =	shalt  }
0x71: {  	_ =	shalt  }
0x72: {  	_ =	shalt  }
0x73: {  	_ =	shalt  }
0x74: {  	_ =	shalt  }
0x75: {  	_ =	shalt  }
0x76: {  	_ =	shalt  }
0x77: {  	_ =	shalt  }
0x78: {  	_ =	shalt  }
0x79: {  	_ =	shalt  }
0x7a: {  	_ =	shalt  }
0x7b: {  	_ =	shalt  }
0x7c: {  	_ =	shalt  }
0x7d: {  	_ =	shalt  }
0x7e: {  	_ =	shalt  }
0x7f: {  	_ =	shalt  }
0x80: {  	_ =	shalt  }
0x81: {  	_ =	shalt  }
0x82: {  	_ =	shalt  }
0x83: {  	_ =	shalt  }
0x84: {  	_ =	shalt  }
0x85: {  	_ =	shalt  }
0x86: {  	_ =	shalt  }
0x87: {  	_ =	shalt  }
.Lfunc_end0:
.L_simem_size_0:
called_computation_lowered:
.L_overlay_start_0:
0x88: {  	s2 =	sld [smem:$0x3FD9]  }
0x89: {  	s3 =	sld [smem:$0x3FFE];
	_ =	sdelay $0x1  }
0x8a: {  	s1 =	srdreg.scid  }
0x8b: {  	s0 =	sand.u32 $0x1, s1  }
0x8c: {  	s16 =	sshll.u32 s0, $0xA;
	s2 =	sadd.s32 s3, s2  }
0x8d: {  	s2 =	sadd.s32 s2, s16  }
0x8e: {  	[smem:$0x3FBE] =	sst s2  }
0x8f: {  	_ = 	snop  }
0x90: {  	(tm) =	ssettm $0x1  }
0x91: {  	s17 =	sld [smem:$0x3FFB];
	_ =	sdelay $0x3  }
0x92: {  	_ =	strace s17  }
0x93: {  	s2 =	sld [smem:$0x3FFC];
	_ =	sdelay $0x3  }
0x94: {  	_ =	strace s2  }
0x95: {  	s2 =	sld [smem:$0x3FFD];
	_ =	sdelay $0x3  }
0x96: {  	_ =	strace s2  }
0x97: {  	_ =	strace $0x8FFFFFFF  }
0x98: {  	s18 =	sld [smem:$0x3FDB];
	_ =	sdelay $0x1  }
0x99: {  	s19 =	simm.s32 $_scs_section_size  }
0x9a: {  	s4 =	simm.s32 $_size__tile_overlayer_lowered;
	s5 =	simm.s32 $_tile_overlayer_lowered  }
0x9b: {  	s22 =	simm.s32 $0x1BFF;
	s21 =	sshll.u32 s5, $0x1;
	s2 =	sadd.s32 s19, s18  }
0x9c: {  	s6 =	simm.s32 $0x0;
	s20 =	sshll.u32 s4, $0x1;
	s4 =	sadd.s32 s21, s2  }
0x9d: {  	[timem:s6], [sflag:s22] =	dma.local [hbm:s4], s20  }
0x9e: {  	_ =	swait.ge [sflag:s22], s20  }
0x9f: {  	s3 =	ssub.s32 $0x0, s20;
	[sflag:s22] =	ssyncset.done $0x0  }
0xa0: {  	[sflag:s22] =	ssyncadd.s32 s3;
	_ =	sdelay $0x1  }
0xa1: {  	s23 =	simm.s32 $0x1B8B  }
0xa2: {  	_ =	swait.ge [sflag:s23], $0x1  }
0xa3: {  	[sflag:s23] =	ssyncset.done $0x0  }
0xa4: {  	s25 =	simm.s32 $0x1B8E;
	s24 =	sld [smem:$0x3FFE];
	[sflag:s23] =	ssyncadd.s32 $0xFFFFFFFF  }
0xa5: {  	s26 =	simm.s32 $execute0_lowered;
	[smem:$0x3FD2] =	sst s25  }
0xa6: {  	s4 =	sshll.u32 s26, $0x1;
	_ =	strace $0x80000046;
	[dreg:$0x1] =	wrdreg $0xFFFFFFFF  }
0xa7: {  	s28 =	simm.s32 $_size_execute0_lowered;
	s2 =	sadd.s32 s2, s4;
	[dreg:$0x0] =	wrdreg $0x0  }
0xa8: {  	s4 =	sshll.u32 s28, $0x1;
	[dreg:$0x2] =	wrdreg s2  }
0xa9: {  	[dreg:$0x3] =	wrdreg s4  }
0xaa: {  	[dreg:$0x4] =	wrdreg $0xC0  }
0xab: {  	_ =	task [dreg:s6], $0x5FFFF  }
0xac: {  	[dreg:$0x1] =	wrdreg $0xFFFFFFFF  }
0xad: {  	[dreg:$0x0] =	wrdreg $0x60  }
0xae: {  	[dreg:$0x2] =	wrdreg s24  }
0xaf: {  	[dreg:$0x3] =	wrdreg $0x68000  }
0xb0: {  	[dreg:$0x4] =	wrdreg $0x9  }
0xb1: {  	_ =	task.clear_ibuf [dreg:s6], $0x5FFFF;
	_ =	strace $0x90000046  }
0xb2: {  	s29 =	simm.s32 $0x9;
	_ =	strace $0x80000048  }
0xb3: {  	_ =	swait.ge [sflag:s29], $0x1  }
0xb4: {  	[sflag:s29] =	ssyncadd.s32 $0xFFFFFFFF  }
0xb5: {  	_ =	strace $0x90000048  }
0xb6: {  	_ =	sfence  }
0xb7: {  	s30 =	sld [smem:$0x0];
	_ =	sdelay $0x2  }
0xb8: {  	s31 =	sshll.u32 s1, $0xD;
	s1 =	sshrl.u32 s1, $0x2  }
0xb9: {  	s3 =	sand.u32 $0x4000, s31;
	s1 =	sadd.s32 s1, s30  }
0xba: {  	s0 =	sor.u32 s3, s0;
	s1 =	sshll.u32 s1, $0x11  }
0xbb: {  	s0 =	sor.u32 s1, s0  }
0xbc: {  	s0 =	sadd.s32 $0x8F2B, s0  }
0xbd: {  	[sflag:s0] =	ssyncadd.remote.s32 $0x1  }
0xbe: {  	_ =	sfence.sel $0xFFFF  }
0xbf: {  	[dreg:$0x0] =	wrdreg $0xFFFFFFFF;
	(pc) =	sbr.abs _section_cstart, $3  }
0xc0: {  	[dreg:$0x1] =	wrdreg $0xFFFFFFFF  }
0xc1: {  	_ =	task.clear_ibuf [dreg:s6], $0x2FFFF;
	_ =	strace $0x9FFFFFFF  }
0xc2: {  	(tm) =	ssettm $0x7FFFFFFF  }
0xc3: {  	_ =	shalt  }
tec
execute0_lowered:
.L_overlay_start_1:
0x0: {  	(tag) =	ssettag $0x1  }
0x1: {  	s1 =	srdreg.scid;
	s7 =	rddreg [dreg:$0x0]  }
0x2: {  	s0 =	stileid.u32;
	s2 =	rddreg [dreg:$0x1]  }
0x3: {  	s3 =	simm.s32 $0x0;
	s13 =	simm.s32 $0x80;
	s14 =	simm.s32 $0x1  }
0x4: {  	s15 =	simm.s32 $0x0;
	s6 =	sand.u32 $0x1, s1;
	s8 =	smul.u32 $0x14000, s0  }
0x5: {  	s30 =	sshll.u32 s0, $0x1;
	[smem:$0x7FF] =	sst s3;
	s10 =	smul.u32 $0x50000, s0  }
0x6: {  	s11 =	sshll.u32 s0, $0x6;
	s1 =	sor.u32 s6, s30;
	s5 =	smul.u32 $0x140000, s6  }
0x7: {  	s6 =	ssub.s32 $0x2, s6;
	s4 =	smul.u32 $0x500, s1;
	s1 =	rddreg [dreg:$0x2]  }
0x8: {  	_ =	strace $0x80000047;
	s31 =	sshrl.u32 s6, $0x1;
	s10 =	sshrl.u32 s10, $0x2  }
0x9: {  	s5 =	sadd.s32 s8, s5;
	s12 =	ssub.s32 s6, s31;
	s10 =	sadd.s32 s10, s2  }
0xa: {  	s6 =	sor.u32 $0x1C02, s11;
	s11 =	simm.s32 $0x2;
	s9 =	sadd.s32 s4, s7  }
0xb: {  	s4 =	sadd.s32 $0x10400, s7;
	s8 =	sshrl.u32 s5, $0x3;
	s5 =	sadd.s32 $0xDC00, s7  }
0xc: {  	s10 =	sshrl.u32 s10, $0x3;
	s8 =	sadd.s32 s8, s7;
	s7 =	sadd.s32 $0x3C00, s9  }
0xd: {  	s9 =	smax.u32 s12, $0x1;
	s12 =	simm.s32 $0x2800;
	s8 =	sadd.s32 $0x10C00, s8  }
.LBB2_1:
0xe: {  	[spmem:s10], [sflag:s6] =	dma.local [hbm:s5], $0x2800  }
0xf: {  	_ =	swait.ge [sflag:s11], $0x2800  }
0x10: {  	[sflag:s11] =	ssyncset.done $0x0  }
0x11: {  	[sflag:s11] =	ssyncadd.s32 $0xFFFFD800  }
0x12: {  	[tilespmem:s12], [sflag:$0x2] =	stream.linear.gather [hbm4b:s4+s3], $0x4000, $0x38;
	[tilespmem:$0x1A800] =	vst v63  }
0x13: {  	_ =	swait.ge [sflag:s11], $0x4000  }
0x14: {  	[sflag:s11] =	ssyncset.done $0x0  }
0x15: {  	[sflag:s11] =	ssyncadd.s32 $0xFFFFC000  }
0x16: {  	[tilespmem:s3], [sflag:$0x2] =	stream.linear.gather [hbm4b:s7+s3], $0x2800, $0x38;
	[tilespmem:$0x1A800] =	vst v63  }
0x17: {  	_ =	swait.ge [sflag:s11], $0x2800  }
0x18: {  	[sflag:s11] =	ssyncset.done $0x0  }
0x19: {  	[sflag:s11] =	ssyncadd.s32 $0xFFFFD800  }
0x1a: {  	s16 =	simm.s32 $0x0;
	[bflag:$0x0] =	sbarrier.arrive $0xFFFF  }
.LBB2_2:
0x1b: {  	p0 =	sne.s32 s16, $0x9E00  }
.Ltmp0:
0x1c: {  	_ = 	snop;
	(pc) =	sbr.rel @p0 .LBB2_2-.Ltmp0, $3  }
0x1d: {  	_ =	sdelay $0x1  }
0x1e: {  	s17 =	sshra.s32 s16, $0x2;
	s16 =	sadd.s32 $0x200, s16  }
0x1f: {  	[spmem:s2] =	stream.indirect.scatter.add.f32 [tilespmem:s12], [sflag:$0x1], $0x80, s17, s13, $0xb8;
	[tilespmem:$0x1A800] =	vst v63  }
0x20: {  	_ =	swait.ge [sflag:s14], $0x4000  }
0x21: {  	s16 =	simm.s32 $0x4F;
	[sflag:s14] =	ssyncset.done $0x0  }
.LBB2_4:
0x22: {  	p0 =	sne.s32 s16, $0x1;
	s16 =	sadd.s32 $0xFFFFFFFF, s16;
	[sflag:s14] =	ssyncadd.s32 $0xFFFFC000  }
.Ltmp1:
0x23: {  	(pc) =	sbr.rel @p0 .LBB2_4-.Ltmp1, $3  }
0x24: {  	_ =	sdelay $0x1  }
0x25: {  	_ =	swait.ge [sflag:s14], $0x4000  }
0x26: {  	[sflag:s14] =	ssyncset.done $0x0  }
0x27: {  	s15 =	sadd.s32 $0x1, s15  }
0x28: {  	[sflag:s14] =	ssyncadd.s32 $0xFFFFC000;
	p0 =	sne.s32 s15, s9  }
.Ltmp2:
0x29: {  	[bflag:$0x0] =	sbarrier.arrive $0xFFFF;
	(pc) =	sbr.rel @p0 .LBB2_1-.Ltmp2, $4  }
0x2a: {  	[hbm:s8], [sflag:s6] =	dma.local [spmem:s10], $0x2800  }
0x2b: {  	_ =	swait.ge [sflag:s11], $0x2800  }
0x2c: {  	[sflag:s11] =	ssyncset.done $0x0  }
0x2d: {  	[sflag:s11] =	ssyncadd.s32 $0xFFFFD800  }
0x2e: {  	_ =	sfence.sel $0x180000  }
0x2f: {  	[bflag:$0x0] =	sbarrier.arrive $0xFFFF  }
0x30: {  	p0 =	sne.s32 s0, $0x0;
	_ =	strace $0x90000047  }
0x31: {  	s0 =	sadd.s32 @!p0 $0x100000, s1;
	[bflag:$0x2] =	sbarrier.arrive $0xFFFF  }
0x32: {  	[sflag:s0] =	ssyncadd.tile.s32 @!p0 $0x1;
	_ =	shalt  }
.Lfunc_end2:
_tile_overlayer_lowered:
.L_overlay_start_2:
0x33: {  	(tag) =	ssettag $0x2  }
0x34: {  	s0 =	rddreg [dreg:$0x0];
	s2 =	stileid.u32  }
0x35: {  	s1 =	rddreg [dreg:$0x1];
	p0 =	sne.s32 s2, $0x0  }
0x36: {  	s3 =	rddreg [dreg:$0x2];
	[bflag:$0x3] =	sbarrier.arrive $0xFFFF;
	s2 =	simm.s32 @!p0 $0x1C02  }
0x37: {  	[timem:s3], [sflag:s2] =	dma.local @!p0 [hbm:s0], s1  }
0x38: {  	s0 =	simm.s32 @!p0 $0x2  }
0x39: {  	_ =	swait.ge @!p0 [sflag:s0], s1  }
0x3a: {  	s1 =	ssub.s32 @!p0 $0x0, s1;
	[sflag:s0] =	ssyncset.done @!p0 $0x0  }
0x3b: {  	[sflag:s0] =	ssyncadd.s32 @!p0 s1  }
0x3c: {  	[bflag:$0x3] =	sbarrier.arrive $0xFFFF  }
0x3d: {  	_ =	shalt  }

// kernel: kernel.14.cloned.1.call-start
scs
__scs_entry_jumppad:
0x0: {  	(pc) =	sbr.rel $0x88, $3  }
0x1: {  	(tag) =	ssettag $0x0;
	lr =	simm.s32 $0x1  }
0x2: {  	[smem:$0x3F97] =	sst lr;
	_ =	strace $0xD0000000  }
0x3: {  	_ = 	snop  }
0x4: {  	_ = 	snop  }
0x5: {  	_ = 	snop  }
0x6: {  	_ = 	snop  }
0x7: {  	_ = 	snop  }
__scs_overlays_trampoline_lowered:
0x8: {  	[smem:$0x3FA6] =	sst s0  }
0x9: {  	[smem:$0x3FA7] =	sst s1  }
0xa: {  	[smem:$0x3FA8] =	sst s2  }
0xb: {  	[smem:$0x3FA9] =	sst s3  }
0xc: {  	[smem:$0x3FAA] =	sst s4  }
0xd: {  	[smem:$0x3FAB] =	sst s5  }
0xe: {  	[smem:$0x3FAC] =	sst s6  }
0xf: {  	[smem:$0x3FAD] =	sst s7  }
0x10: {  	[smem:$0x3FAE] =	sst s8  }
0x11: {  	[smem:$0x3FAF] =	sst s9;
	s0 =	simm.s32 @!p0 $0x0  }
0x12: {  	s1 =	sld [smem:$0x3F95];
	s0 =	simm.s32 @p0 $0x1  }
0x13: {  	[smem:$0x3FB0] =	sst s0;
	s0 =	simm.s32 @!p1 $0x0  }
0x14: {  	s2 =	sld [smem:$0x3F94];
	s0 =	simm.s32 @p1 $0x1  }
0x15: {  	[smem:$0x3FB1] =	sst s0;
	s0 =	simm.s32 @!p2 $0x0  }
0x16: {  	s3 =	sld [smem:$0x3FDB];
	s0 =	simm.s32 @p2 $0x1  }
0x17: {  	s4 =	simm.s32 $0x1BF5;
	[smem:$0x3FB3] =	sst s0  }
0x18: {  	s0 =	sld [smem:$0x3F96];
	_ =	swait.ge [sflag:s4], $0x0  }
0x19: {  	s7 =	sld [smem:$0x3F97]  }
0x1a: {  	s8 =	sadd.s32 $0xFFFFE003, lr  }
0x1b: {  	s9 =	sadd.s32 $0xFFFFFEF7, lr;
	s5 =	simm.s32 $0xFFFFFFFF;
	p2 =	slt.u32 s8, $0xFFFFF086  }
0x1c: {  	p1 =	slt.u32 s9, $0xF7A;
	s5 =	simm.s32 @!p2 $0x0  }
0x1d: {  	s5 =	simm.s32 @p1 $0x1;
	p0 =	seq.s32 s7, s2  }
0x1e: {  	s7 =	smul.u32 @!p0 $0xF7A, s2;
	p2 =	seq.s32 @!p0 s5, $0x0  }
0x1f: {  	s9 =	smul.u32 $0xF7A, s1;
	s8 =	simm.s32 @!p0 $0x1BF5;
	p2 =	por !p2, p0  }
0x20: {  	[sflag:s8] =	ssyncset.s32 @!p0 $0xFFFFF086;
	s6 =	sadd.s32 @!p0 s3, s7;
	s7 =	simm.s32 @!p0 $0x108  }
0x21: {  	s3 =	sadd.s32 s3, s9;
	s6 =	sadd.s32 @!p0 $0x88, s6;
	s7 =	simm.s32 @p2 $0x1082  }
0x22: {  	[simem:s7], [sflag:s8] =	dma.local @!p0 [hbm:s6], $0xF7A  }
0x23: {  	s9 =	sor.u32 $0xD0000000, s2;
	s6 =	simm.s32 $0x108;
	_ =	swait.ge @!p0 [sflag:s8], $0x0  }
0x24: {  	s3 =	sadd.s32 $0x88, s3;
	s6 =	simm.s32 @!p1 $0x1082;
	[sflag:s4] =	ssyncset.s32 $0xFFFFF086  }
0x25: {  	[simem:s6], [sflag:s4] =	dma.local [hbm:s3], $0xF7A  }
0x26: {  	[smem:$0x3F97] =	sst s1;
	(tag) =	ssettag s2;
	_ =	strace s9  }
0x27: {  	s1 =	sld [smem:$0x3FA7]  }
0x28: {  	s2 =	sld [smem:$0x3FA8]  }
0x29: {  	s4 =	sld [smem:$0x3FAA]  }
0x2a: {  	p0 =	seq.s32 s5, $0x0;
	s5 =	sld [smem:$0x3FAB]  }
0x2b: {  	s6 =	sld [smem:$0x3FAC]  }
0x2c: {  	s7 =	sld [smem:$0x3FAD]  }
0x2d: {  	s3 =	simm.s32 $0x108;
	s8 =	sld [smem:$0x3FAE]  }
0x2e: {  	s3 =	simm.s32 @!p0 $0x1082;
	s9 =	sld [smem:$0x3FAF]  }
0x2f: {  	lr =	sadd.s32 s0, s3;
	s0 =	sld [smem:$0x3FA6]  }
0x30: {  	s3 =	sld [smem:$0x3FA9]  }
0x31: {  	[smem:$0x3FB2] =	sst s10  }
0x32: {  	s10 =	sld [smem:$0x3FB0];
	_ =	sdelay $0x3  }
0x33: {  	p0 =	seq.s32 s10, $0x1;
	s10 =	sld [smem:$0x3FB2];
	_ =	sdelay $0x3  }
0x34: {  	[smem:$0x3FB2] =	sst s10  }
0x35: {  	s10 =	sld [smem:$0x3FB1];
	_ =	sdelay $0x3  }
0x36: {  	p1 =	seq.s32 s10, $0x1;
	s10 =	sld [smem:$0x3FB2];
	_ =	sdelay $0x3  }
0x37: {  	[smem:$0x3FB2] =	sst s10  }
0x38: {  	s10 =	sld [smem:$0x3FB3]  }
0x39: {  	_ = 	snop;
	(pc) =	sbr.ind lr, $3  }
0x3a: {  	_ = 	snop  }
0x3b: {  	_ = 	snop  }
0x3c: {  	p2 =	seq.s32 s10, $0x1;
	s10 =	sld [smem:$0x3FB2]  }
0x3d: {  	_ =	shalt  }
0x3e: {  	_ =	shalt  }
0x3f: {  	_ =	shalt  }
0x40: {  	_ =	shalt  }
0x41: {  	_ =	shalt  }
0x42: {  	_ =	shalt  }
0x43: {  	_ =	shalt  }
0x44: {  	_ =	shalt  }
0x45: {  	_ =	shalt  }
0x46: {  	_ =	shalt  }
0x47: {  	_ =	shalt  }
0x48: {  	_ =	shalt  }
0x49: {  	_ =	shalt  }
0x4a: {  	_ =	shalt  }
0x4b: {  	_ =	shalt  }
0x4c: {  	_ =	shalt  }
0x4d: {  	_ =	shalt  }
0x4e: {  	_ =	shalt  }
0x4f: {  	_ =	shalt  }
0x50: {  	_ =	shalt  }
0x51: {  	_ =	shalt  }
0x52: {  	_ =	shalt  }
0x53: {  	_ =	shalt  }
0x54: {  	_ =	shalt  }
0x55: {  	_ =	shalt  }
0x56: {  	_ =	shalt  }
0x57: {  	_ =	shalt  }
0x58: {  	_ =	shalt  }
0x59: {  	_ =	shalt  }
0x5a: {  	_ =	shalt  }
0x5b: {  	_ =	shalt  }
0x5c: {  	_ =	shalt  }
0x5d: {  	_ =	shalt  }
0x5e: {  	_ =	shalt  }
0x5f: {  	_ =	shalt  }
0x60: {  	_ =	shalt  }
0x61: {  	_ =	shalt  }
0x62: {  	_ =	shalt  }
0x63: {  	_ =	shalt  }
0x64: {  	_ =	shalt  }
0x65: {  	_ =	shalt  }
0x66: {  	_ =	shalt  }
0x67: {  	_ =	shalt  }
0x68: {  	_ =	shalt  }
0x69: {  	_ =	shalt  }
0x6a: {  	_ =	shalt  }
0x6b: {  	_ =	shalt  }
0x6c: {  	_ =	shalt  }
0x6d: {  	_ =	shalt  }
0x6e: {  	_ =	shalt  }
0x6f: {  	_ =	shalt  }
0x70: {  	_ =	shalt  }
0x71: {  	_ =	shalt  }
0x72: {  	_ =	shalt  }
0x73: {  	_ =	shalt  }
0x74: {  	_ =	shalt  }
0x75: {  	_ =	shalt  }
0x76: {  	_ =	shalt  }
0x77: {  	_ =	shalt  }
0x78: {  	_ =	shalt  }
0x79: {  	_ =	shalt  }
0x7a: {  	_ =	shalt  }
0x7b: {  	_ =	shalt  }
0x7c: {  	_ =	shalt  }
0x7d: {  	_ =	shalt  }
0x7e: {  	_ =	shalt  }
0x7f: {  	_ =	shalt  }
0x80: {  	_ =	shalt  }
0x81: {  	_ =	shalt  }
0x82: {  	_ =	shalt  }
0x83: {  	_ =	shalt  }
0x84: {  	_ =	shalt  }
0x85: {  	_ =	shalt  }
0x86: {  	_ =	shalt  }
0x87: {  	_ =	shalt  }
.Lfunc_end0:
.L_simem_size_0:
called_computation.1_lowered:
.L_overlay_start_0:
0x88: {  	s2 =	sld [smem:$0x3FD9]  }
0x89: {  	s3 =	sld [smem:$0x3FFE];
	_ =	sdelay $0x1  }
0x8a: {  	s1 =	srdreg.scid  }
0x8b: {  	s0 =	sand.u32 $0x1, s1  }
0x8c: {  	s16 =	sshll.u32 s0, $0xA;
	s2 =	sadd.s32 s3, s2  }
0x8d: {  	s2 =	sadd.s32 s2, s16  }
0x8e: {  	[smem:$0x3FBE] =	sst s2  }
0x8f: {  	_ = 	snop  }
0x90: {  	(tm) =	ssettm $0x1  }
0x91: {  	s17 =	sld [smem:$0x3FFB];
	_ =	sdelay $0x3  }
0x92: {  	_ =	strace s17  }
0x93: {  	s2 =	sld [smem:$0x3FFC];
	_ =	sdelay $0x3  }
0x94: {  	_ =	strace s2  }
0x95: {  	s2 =	sld [smem:$0x3FFD];
	_ =	sdelay $0x3  }
0x96: {  	_ =	strace s2  }
0x97: {  	_ =	strace $0x8FFFFFFF  }
0x98: {  	s18 =	sld [smem:$0x3FDB];
	_ =	sdelay $0x1  }
0x99: {  	s19 =	simm.s32 $_scs_section_size  }
0x9a: {  	s4 =	simm.s32 $_size__tile_overlayer_lowered;
	s5 =	simm.s32 $_tile_overlayer_lowered  }
0x9b: {  	s22 =	simm.s32 $0x1BFF;
	s21 =	sshll.u32 s5, $0x1;
	s2 =	sadd.s32 s19, s18  }
0x9c: {  	s6 =	simm.s32 $0x0;
	s20 =	sshll.u32 s4, $0x1;
	s4 =	sadd.s32 s21, s2  }
0x9d: {  	[timem:s6], [sflag:s22] =	dma.local [hbm:s4], s20  }
0x9e: {  	_ =	swait.ge [sflag:s22], s20  }
0x9f: {  	s3 =	ssub.s32 $0x0, s20;
	[sflag:s22] =	ssyncset.done $0x0  }
0xa0: {  	[sflag:s22] =	ssyncadd.s32 s3;
	_ =	sdelay $0x1  }
0xa1: {  	s23 =	simm.s32 $0x1B8B  }
0xa2: {  	_ =	swait.ge [sflag:s23], $0x1  }
0xa3: {  	[sflag:s23] =	ssyncset.done $0x0  }
0xa4: {  	s25 =	simm.s32 $0x1B8E;
	s24 =	sld [smem:$0x3FFE];
	[sflag:s23] =	ssyncadd.s32 $0xFFFFFFFF  }
0xa5: {  	s26 =	simm.s32 $execute0_lowered;
	[smem:$0x3FD2] =	sst s25  }
0xa6: {  	s4 =	sshll.u32 s26, $0x1;
	_ =	strace $0x80000049;
	[dreg:$0x1] =	wrdreg $0xFFFFFFFF  }
0xa7: {  	s28 =	simm.s32 $_size_execute0_lowered;
	s2 =	sadd.s32 s2, s4;
	[dreg:$0x0] =	wrdreg $0x0  }
0xa8: {  	s4 =	sshll.u32 s28, $0x1;
	[dreg:$0x2] =	wrdreg s2  }
0xa9: {  	[dreg:$0x3] =	wrdreg s4  }
0xaa: {  	[dreg:$0x4] =	wrdreg $0xC0  }
0xab: {  	_ =	task [dreg:s6], $0x5FFFF  }
0xac: {  	[dreg:$0x1] =	wrdreg $0xFFFFFFFF  }
0xad: {  	[dreg:$0x0] =	wrdreg $0x60  }
0xae: {  	[dreg:$0x2] =	wrdreg s24  }
0xaf: {  	[dreg:$0x3] =	wrdreg $0x84000  }
0xb0: {  	[dreg:$0x4] =	wrdreg $0x9  }
0xb1: {  	_ =	task.clear_ibuf [dreg:s6], $0x5FFFF;
	_ =	strace $0x90000049  }
0xb2: {  	s29 =	simm.s32 $0x9;
	_ =	strace $0x8000004B  }
0xb3: {  	_ =	swait.ge [sflag:s29], $0x1  }
0xb4: {  	[sflag:s29] =	ssyncadd.s32 $0xFFFFFFFF  }
0xb5: {  	_ =	strace $0x9000004B  }
0xb6: {  	_ =	sfence  }
0xb7: {  	s30 =	sld [smem:$0x0];
	_ =	sdelay $0x2  }
0xb8: {  	s31 =	sshll.u32 s1, $0xD;
	s1 =	sshrl.u32 s1, $0x2  }
0xb9: {  	s3 =	sand.u32 $0x4000, s31;
	s1 =	sadd.s32 s1, s30  }
0xba: {  	s0 =	sor.u32 s3, s0;
	s1 =	sshll.u32 s1, $0x11  }
0xbb: {  	s0 =	sor.u32 s1, s0  }
0xbc: {  	s0 =	sadd.s32 $0x8F2B, s0  }
0xbd: {  	[sflag:s0] =	ssyncadd.remote.s32 $0x1  }
0xbe: {  	_ =	sfence.sel $0xFFFF  }
0xbf: {  	[dreg:$0x0] =	wrdreg $0xFFFFFFFF;
	(pc) =	sbr.abs _section_cstart, $3  }
0xc0: {  	[dreg:$0x1] =	wrdreg $0xFFFFFFFF  }
0xc1: {  	_ =	task.clear_ibuf [dreg:s6], $0x2FFFF;
	_ =	strace $0x9FFFFFFF  }
0xc2: {  	(tm) =	ssettm $0x7FFFFFFF  }
0xc3: {  	_ =	shalt  }
tec
execute0_lowered:
.L_overlay_start_1:
0x0: {  	(tag) =	ssettag $0x1  }
0x1: {  	s0 =	rddreg [dreg:$0x0]  }
0x2: {  	s1 =	rddreg [dreg:$0x1]  }
0x3: {  	s2 =	srdreg.scid;
	s11 =	stileid.u32  }
0x4: {  	s3 =	simm.s32 $0x0;
	s28 =	simm.s32 $0x400;
	s7 =	smul.u32 $0x14000, s11  }
0x5: {  	s29 =	simm.s32 $0x2;
	s30 =	simm.s32 $0x4400;
	s9 =	smul.u32 $0x50000, s11  }
0x6: {  	s31 =	simm.s32 $0x5;
	s2 =	sand.u32 $0x1, s2;
	s10 =	smul.u32 $0xE00, s11  }
0x7: {  	[smem:$0x7FF] =	sst s3;
	s4 =	sadd.s32 $0x74C00, s0;
	s19 =	smul.u32 $0x30, s11  }
0x8: {  	s5 =	sadd.s32 $0x60C00, s0;
	s8 =	sadd.s32 $0xDC00, s0;
	s13 =	smul.u32 $0x3000, s11  }
0x9: {  	s18 =	sshll.u32 s11, $0x6;
	s6 =	smul.u32 $0x140000, s2;
	_ =	strace $0x8000004A  }
0xa: {  	[dreg:$0x3] =	wrdreg s8;
	s14 =	ssub.s32 $0x2, s2;
	p0 =	seq.s32 s2, $0x1  }
0xb: {  	s8 =	smul.u32 $0x70, s11;
	s15 =	sshrl.u32 s14, $0x1;
	s17 =	sshrl.u32 s9, $0x2  }
0xc: {  	s10 =	sadd.s32 s5, s10;
	s11 =	sadd.s32 $0x700, s19;
	s21 =	sshrl.u32 s13, $0x3  }
0xd: {  	s13 =	simm.s32 $0x8;
	s6 =	sadd.s32 s7, s6;
	s16 =	ssub.s32 s14, s15  }
0xe: {  	s12 =	sadd.s32 s17, s1;
	s7 =	sor.u32 $0x1C09, s18;
	s20 =	sadd.s32 $0x20, s10  }
0xf: {  	s22 =	sadd.s32 $0x40, s10;
	s23 =	sshll.u32 s11, $0x5;
	s2 =	sadd.s32 s5, s21  }
0x10: {  	[dreg:$0x4] =	wrdreg s10;
	s10 =	sadd.s32 $0x60, s10;
	s21 =	simm.s32 $0x9  }
0x11: {  	s14 =	simm.s32 $0x4;
	s15 =	simm.s32 $0x280;
	[dreg:$0x5] =	wrdreg s20  }
0x12: {  	s17 =	simm.s32 $0x0;
	s6 =	sshrl.u32 s6, $0x3;
	[dreg:$0x6] =	wrdreg s22  }
0x13: {  	[dreg:$0x7] =	wrdreg s10;
	s9 =	sadd.s32 s5, s23;
	s24 =	sadd.s32 $0xE020, s2  }
0x14: {  	s25 =	sadd.s32 $0xE040, s2;
	s2 =	sadd.s32 $0xE060, s2;
	[dreg:$0x8] =	wrdreg s9  }
0x15: {  	s26 =	smax.u32 s16, $0x1;
	s22 =	simm.s32 $0x100;
	[dreg:$0x9] =	wrdreg s24  }
0x16: {  	s23 =	simm.s32 $0x200;
	s10 =	simm.s32 $0x6;
	[dreg:$0xa] =	wrdreg s25  }
.Ltmp0:
0x17: {  	s16 =	simm.s32 $0x380;
	[dreg:$0xb] =	wrdreg s2;
	(pc) =	sbr.rel .LBB2_1-.Ltmp0, $4  }
0x18: {  	s0 =	sadd.s32 s6, s0;
	[dreg:$0xd] =	wrdreg s26;
	s9 =	sshrl.u32 s12, $0x3  }
0x19: {  	s24 =	simm.s32 $0x300;
	s25 =	simm.s32 $0x1;
	s26 =	simm.s32 $0x80  }
0x1a: {  	s2 =	simm.s32 $0x3;
	s20 =	sadd.s32 $0x9BE00, s0;
	[dreg:$0xe] =	wrdreg s9  }
0x1b: {  	s12 =	simm.s32 $0x180;
	s0 =	simm.s32 $0x7;
	[dreg:$0xc] =	wrdreg s20  }
.LBB2_7:
0x1c: {  	[sflag:s13] =	ssyncadd.s32 $0xFFFFC000;
	s7 =	smov.u32 s20;
	s20 =	rddreg [dreg:$0xc]  }
0x1d: {  	[tilespmem:s24], [sflag:$0x4] =	stream.linear.gather [hbm4b:s6+s3], $0x100, $0x38;
	[tilespmem:$0x1C400] =	vst v63  }
.LBB2_8:
0x1e: {  	_ =	swait.ge [sflag:s31], $0x4000  }
0x1f: {  	[sflag:s31] =	ssyncset.done $0x0  }
0x20: {  	[sflag:s31] =	ssyncadd.s32 $0xFFFFC000  }
0x21: {  	_ =	swait.ge [sflag:s29], $0x100  }
0x22: {  	[sflag:s29] =	ssyncset.done $0x0  }
0x23: {  	[sflag:s29] =	ssyncadd.s32 $0xFFFFFF00  }
0x24: {  	_ =	swait.ge [sflag:s2], $0x100  }
0x25: {  	[sflag:s2] =	ssyncset.done $0x0  }
0x26: {  	[sflag:s2] =	ssyncadd.s32 $0xFFFFFF00  }
0x27: {  	_ =	swait.ge [sflag:s14], $0x100  }
0x28: {  	[sflag:s14] =	ssyncset.done $0x0  }
0x29: {  	[sflag:s14] =	ssyncadd.s32 $0xFFFFFF00  }
0x2a: {  	[bflag:$0x0] =	sbarrier.arrive $0xFFFF  }
0x2b: {  	s9 =	rddreg [dreg:$0xe]  }
0x2c: {  	[hbm:s20], [sflag:s7] =	dma.local [spmem:s9], $0x2800  }
0x2d: {  	_ =	swait.ge [sflag:s21], $0x2800  }
0x2e: {  	s17 =	sadd.s32 $0x1, s17;
	s6 =	rddreg [dreg:$0xd]  }
0x2f: {  	p1 =	sne.s32 s17, s6  }
.Ltmp1:
0x30: {  	_ = 	snop;
	(pc) =	sbr.rel @!p1 .LBB2_9-.Ltmp1, $3  }
0x31: {  	_ =	sdelay $0x1  }
0x32: {  	[sflag:s21] =	ssyncset.done $0x0  }
0x33: {  	[sflag:s21] =	ssyncadd.s32 $0xFFFFD800  }
.LBB2_1:
0x34: {  	s6 =	rddreg [dreg:$0x3]  }
0x35: {  	[spmem:s9], [sflag:s7] =	dma.local [hbm:s6], $0x2800  }
.Ltmp2:
0x36: {  	_ =	swait.ge [sflag:s21], $0x2800;
	(pc) =	sbr.rel @!p0 .LBB2_2-.Ltmp2, $3  }
0x37: {  	[sflag:s21] =	ssyncset.done $0x0  }
0x38: {  	[sflag:s21] =	ssyncadd.s32 $0xFFFFD800  }
0x39: {  	[bflag:$0x0] =	sbarrier.arrive $0xFFFF;
	_ =	sdelay $0x1  }
0x3a: {  	s6 =	rddreg [dreg:$0x8]  }
0x3b: {  	[tilespmem:s3], [sflag:$0x1] =	stream.linear.gather [hbm4b:s6+s3], $0x100, $0x38;
	[tilespmem:$0x1C400] =	vst v63  }
0x3c: {  	s20 =	smov.u32 s7;
	s7 =	rddreg [dreg:$0x9]  }
0x3d: {  	[tilespmem:s22], [sflag:$0x2] =	stream.linear.gather [hbm4b:s7+s3], $0x100, $0x38;
	[tilespmem:$0x1C400] =	vst v63  }
0x3e: {  	s9 =	rddreg [dreg:$0xa]  }
0x3f: {  	[tilespmem:s23], [sflag:$0x3] =	stream.linear.gather [hbm4b:s9+s3], $0x100, $0x38;
	[tilespmem:$0x1C400] =	vst v63  }
0x40: {  	s18 =	rddreg [dreg:$0xb]  }
0x41: {  	[tilespmem:s24], [sflag:$0x4] =	stream.linear.gather [hbm4b:s18+s3], $0x100, $0x38;
	[tilespmem:$0x1C400] =	vst v63  }
0x42: {  	_ =	swait.ge [sflag:s25], $0x100  }
0x43: {  	[sflag:s25] =	ssyncset.done $0x0  }
0x44: {  	[sflag:s25] =	ssyncadd.s32 $0xFFFFFF00  }
0x45: {  	[tilespmem:s28], [sflag:$0x5] =	stream.indirect.gather [hbm4b:s4+s26], $0x80, s3, s26, $0xb8;
	[tilespmem:$0x1C400] =	vst v63  }
0x46: {  	_ =	swait.ge [sflag:s29], $0x100  }
0x47: {  	[sflag:s29] =	ssyncset.done $0x0  }
0x48: {  	[sflag:s29] =	ssyncadd.s32 $0xFFFFFF00  }
0x49: {  	[tilespmem:s30], [sflag:$0x6] =	stream.indirect.gather [hbm4b:s4+s26], $0x80, s22, s26, $0xb8;
	[tilespmem:$0x1C400] =	vst v63  }
0x4a: {  	_ =	swait.ge [sflag:s31], $0x4000  }
0x4b: {  	[sflag:s31] =	ssyncset.done $0x0  }
0x4c: {  	[sflag:s31] =	ssyncadd.s32 $0xFFFFC000  }
0x4d: {  	[spmem:s1] =	stream.indirect.scatter.add.f32 [tilespmem:s28], [sflag:$0x7], $0x80, s26, s26, $0xb8;
	[tilespmem:$0x1C400] =	vst v63  }
0x4e: {  	_ =	swait.ge [sflag:s0], $0x4000  }
0x4f: {  	p1 =	por $0x0, $0x0;
	s6 =	simm.s32 $0x4;
	[sflag:s0] =	ssyncset.done $0x0  }
0x50: {  	s6 =	simm.s32 @p1 $0x0;
	[sflag:s0] =	ssyncadd.s32 $0xFFFFC000  }
0x51: {  	s6 =	sadd.s32 s11, s6;
	_ =	swait.ge [sflag:s2], $0x100  }
0x52: {  	s6 =	sshll.u32 s6, $0x5;
	[sflag:s2] =	ssyncset.done $0x0  }
0x53: {  	s6 =	sand.u32 $0x1FFFFF80, s6;
	[sflag:s2] =	ssyncadd.s32 $0xFFFFFF00  }
0x54: {  	[tilespmem:s28], [sflag:$0x5] =	stream.indirect.gather [hbm4b:s4+s26], $0x80, s23, s26, $0xb8;
	[tilespmem:$0x1C400] =	vst v63  }
0x55: {  	s6 =	sadd.s32 s5, s6  }
0x56: {  	[tilespmem:s3], [sflag:$0x1] =	stream.linear.gather [hbm4b:s6+s3], $0x100, $0x38;
	[tilespmem:$0x1C400] =	vst v63  }
0x57: {  	_ =	swait.ge [sflag:s10], $0x4000  }
0x58: {  	[sflag:s10] =	ssyncset.done $0x0  }
0x59: {  	[sflag:s10] =	ssyncadd.s32 $0xFFFFC000  }
0x5a: {  	[spmem:s1] =	stream.indirect.scatter.add.f32 [tilespmem:s30], [sflag:$0x8], $0x80, s12, s26, $0xb8;
	[tilespmem:$0x1C400] =	vst v63  }
0x5b: {  	_ =	swait.ge [sflag:s13], $0x4000  }
0x5c: {  	s6 =	simm.s32 $0x5;
	[sflag:s13] =	ssyncset.done $0x0  }
0x5d: {  	s6 =	simm.s32 @p1 $0x1;
	[sflag:s13] =	ssyncadd.s32 $0xFFFFC000  }
0x5e: {  	s6 =	sadd.s32 s11, s6;
	_ =	swait.ge [sflag:s14], $0x100  }
0x5f: {  	s6 =	sshll.u32 s6, $0x5;
	[sflag:s14] =	ssyncset.done $0x0  }
0x60: {  	s6 =	sand.u32 $0x1FFFFFA0, s6;
	[sflag:s14] =	ssyncadd.s32 $0xFFFFFF00  }
0x61: {  	[tilespmem:s30], [sflag:$0x6] =	stream.indirect.gather [hbm4b:s4+s26], $0x80, s24, s26, $0xb8;
	[tilespmem:$0x1C400] =	vst v63  }
0x62: {  	s6 =	sadd.s32 s5, s6  }
0x63: {  	[tilespmem:s22], [sflag:$0x2] =	stream.linear.gather [hbm4b:s6+s3], $0x100, $0x38;
	[tilespmem:$0x1C400] =	vst v63  }
0x64: {  	_ =	swait.ge [sflag:s31], $0x4000  }
0x65: {  	[sflag:s31] =	ssyncset.done $0x0  }
0x66: {  	[sflag:s31] =	ssyncadd.s32 $0xFFFFC000  }
0x67: {  	[spmem:s1] =	stream.indirect.scatter.add.f32 [tilespmem:s28], [sflag:$0x7], $0x80, s15, s26, $0xb8;
	[tilespmem:$0x1C400] =	vst v63  }
0x68: {  	_ =	swait.ge [sflag:s0], $0x4000  }
0x69: {  	s6 =	simm.s32 $0x6;
	[sflag:s0] =	ssyncset.done $0x0  }
0x6a: {  	s6 =	simm.s32 @p1 $0x2;
	[sflag:s0] =	ssyncadd.s32 $0xFFFFC000  }
0x6b: {  	s6 =	sadd.s32 s11, s6;
	_ =	swait.ge [sflag:s25], $0x100  }
0x6c: {  	s6 =	sshll.u32 s6, $0x5;
	[sflag:s25] =	ssyncset.done $0x0  }
0x6d: {  	s6 =	sand.u32 $0x1FFFFFC0, s6;
	[sflag:s25] =	ssyncadd.s32 $0xFFFFFF00  }
0x6e: {  	[tilespmem:s28], [sflag:$0x5] =	stream.indirect.gather [hbm4b:s4+s26], $0x80, s3, s26, $0xb8;
	[tilespmem:$0x1C400] =	vst v63  }
0x6f: {  	s9 =	simm.s32 $0x7;
	s6 =	sadd.s32 s5, s6  }
0x70: {  	[tilespmem:s23], [sflag:$0x3] =	stream.linear.gather [hbm4b:s6+s3], $0x100, $0x38;
	[tilespmem:$0x1C400] =	vst v63  }
0x71: {  	s9 =	simm.s32 @p1 $0x3;
	_ =	swait.ge [sflag:s10], $0x4000  }
0x72: {  	s19 =	sadd.s32 s11, s9;
	[sflag:s10] =	ssyncset.done $0x0  }
0x73: {  	s6 =	sshll.u32 s19, $0x5;
	[sflag:s10] =	ssyncadd.s32 $0xFFFFC000  }
0x74: {  	[spmem:s1] =	stream.indirect.scatter.add.f32 [tilespmem:s30], [sflag:$0x8], $0x80, s16, s26, $0xb8;
	[tilespmem:$0x1C400] =	vst v63  }
0x75: {  	s6 =	sand.u32 $0x1FFFFFE0, s6;
	_ =	swait.ge [sflag:s13], $0x4000  }
0x76: {  	s9 =	simm.s32 $0xB;
	s6 =	sadd.s32 s5, s6;
	[sflag:s13] =	ssyncset.done $0x0  }
.LBB2_6:
0x77: {  	p1 =	sne.s32 s9, $0x33  }
0x78: {  	[sflag:s13] =	ssyncadd.s32 $0xFFFFC000;
	s18 =	smov.u32 s9;
	s9 =	sadd.s32 $0x4, s9  }
0x79: {  	[tilespmem:s24], [sflag:$0x4] =	stream.linear.gather [hbm4b:s6+s3], $0x100, $0x38;
	[tilespmem:$0x1C400] =	vst v63  }
0x7a: {  	_ =	swait.ge [sflag:s29], $0x100  }
0x7b: {  	[sflag:s29] =	ssyncset.done $0x0  }
0x7c: {  	[sflag:s29] =	ssyncadd.s32 $0xFFFFFF00  }
0x7d: {  	[tilespmem:s30], [sflag:$0x6] =	stream.indirect.gather [hbm4b:s4+s26], $0x80, s22, s26, $0xb8;
	[tilespmem:$0x1C400] =	vst v63  }
0x7e: {  	_ =	swait.ge [sflag:s31], $0x4000  }
0x7f: {  	[sflag:s31] =	ssyncset.done $0x0  }
0x80: {  	[sflag:s31] =	ssyncadd.s32 $0xFFFFC000  }
0x81: {  	[spmem:s1] =	stream.indirect.scatter.add.f32 [tilespmem:s28], [sflag:$0x7], $0x80, s26, s26, $0xb8;
	[tilespmem:$0x1C400] =	vst v63  }
0x82: {  	s6 =	sadd.s32 $0xFFFFFFFE, s18;
	s19 =	sadd.s32 $0xFFFFFFFF, s18;
	_ =	swait.ge [sflag:s0], $0x4000  }
0x83: {  	s7 =	sadd.s32 $0xFFFFFFFD, s18;
	p2 =	seq.s32 s18, $0x33;
	[sflag:s0] =	ssyncset.done $0x0  }
0x84: {  	s7 =	simm.s32 @p2 $0x0;
	s18 =	simm.s32 @p2 $0x3;
	[sflag:s0] =	ssyncadd.s32 $0xFFFFC000  }
0x85: {  	s6 =	simm.s32 @p2 $0x1;
	s7 =	sadd.s32 s11, s7;
	_ =	swait.ge [sflag:s2], $0x100  }
0x86: {  	s6 =	sadd.s32 s11, s6;
	s7 =	sshll.u32 s7, $0x5;
	[sflag:s2] =	ssyncset.done $0x0  }
0x87: {  	s19 =	simm.s32 @p2 $0x2;
	s7 =	sand.u32 $0x1FFFFF80, s7;
	[sflag:s2] =	ssyncadd.s32 $0xFFFFFF00  }
0x88: {  	[tilespmem:s28], [sflag:$0x5] =	stream.indirect.gather [hbm4b:s4+s26], $0x80, s23, s26, $0xb8;
	[tilespmem:$0x1C400] =	vst v63  }
0x89: {  	s19 =	sadd.s32 s11, s19;
	s6 =	sshll.u32 s6, $0x5;
	s7 =	sadd.s32 s5, s7  }
0x8a: {  	[tilespmem:s3], [sflag:$0x1] =	stream.linear.gather [hbm4b:s7+s3], $0x100, $0x38;
	[tilespmem:$0x1C400] =	vst v63  }
0x8b: {  	s18 =	sadd.s32 s11, s18;
	s7 =	sshll.u32 s19, $0x5;
	_ =	swait.ge [sflag:s10], $0x4000  }
0x8c: {  	s18 =	sshll.u32 s18, $0x5;
	s7 =	sand.u32 $0x1FFFFFC0, s7;
	[sflag:s10] =	ssyncset.done $0x0  }
0x8d: {  	s19 =	sand.u32 $0x1FFFFFA0, s6;
	[sflag:s10] =	ssyncadd.s32 $0xFFFFC000  }
0x8e: {  	[spmem:s1] =	stream.indirect.scatter.add.f32 [tilespmem:s30], [sflag:$0x8], $0x80, s12, s26, $0xb8;
	[tilespmem:$0x1C400] =	vst v63  }
0x8f: {  	s6 =	sand.u32 $0x1FFFFFE0, s18;
	_ =	swait.ge [sflag:s13], $0x4000  }
0x90: {  	s6 =	sadd.s32 s5, s6;
	[sflag:s13] =	ssyncset.done $0x0  }
0x91: {  	[sflag:s13] =	ssyncadd.s32 $0xFFFFC000  }
0x92: {  	_ =	swait.ge [sflag:s14], $0x100  }
0x93: {  	[sflag:s14] =	ssyncset.done $0x0  }
0x94: {  	[sflag:s14] =	ssyncadd.s32 $0xFFFFFF00  }
0x95: {  	[tilespmem:s30], [sflag:$0x6] =	stream.indirect.gather [hbm4b:s4+s26], $0x80, s24, s26, $0xb8;
	[tilespmem:$0x1C400] =	vst v63  }
0x96: {  	s18 =	sadd.s32 s5, s19  }
0x97: {  	[tilespmem:s22], [sflag:$0x2] =	stream.linear.gather [hbm4b:s18+s3], $0x100, $0x38;
	[tilespmem:$0x1C400] =	vst v63  }
0x98: {  	_ =	swait.ge [sflag:s31], $0x4000  }
0x99: {  	[sflag:s31] =	ssyncset.done $0x0  }
0x9a: {  	[sflag:s31] =	ssyncadd.s32 $0xFFFFC000  }
0x9b: {  	[spmem:s1] =	stream.indirect.scatter.add.f32 [tilespmem:s28], [sflag:$0x7], $0x80, s15, s26, $0xb8;
	[tilespmem:$0x1C400] =	vst v63  }
0x9c: {  	_ =	swait.ge [sflag:s0], $0x4000  }
0x9d: {  	[sflag:s0] =	ssyncset.done $0x0  }
0x9e: {  	[sflag:s0] =	ssyncadd.s32 $0xFFFFC000  }
0x9f: {  	_ =	swait.ge [sflag:s25], $0x100  }
0xa0: {  	[sflag:s25] =	ssyncset.done $0x0  }
0xa1: {  	[sflag:s25] =	ssyncadd.s32 $0xFFFFFF00  }
0xa2: {  	[tilespmem:s28], [sflag:$0x5] =	stream.indirect.gather [hbm4b:s4+s26], $0x80, s3, s26, $0xb8;
	[tilespmem:$0x1C400] =	vst v63  }
0xa3: {  	s7 =	sadd.s32 s5, s7  }
0xa4: {  	[tilespmem:s23], [sflag:$0x3] =	stream.linear.gather [hbm4b:s7+s3], $0x100, $0x38;
	[tilespmem:$0x1C400] =	vst v63  }
0xa5: {  	_ =	swait.ge [sflag:s10], $0x4000  }
.Ltmp3:
0xa6: {  	[sflag:s10] =	ssyncset.done $0x0;
	(pc) =	sbr.rel @p1 .LBB2_6-.Ltmp3, $4  }
0xa7: {  	[sflag:s10] =	ssyncadd.s32 $0xFFFFC000  }
0xa8: {  	[spmem:s1] =	stream.indirect.scatter.add.f32 [tilespmem:s30], [sflag:$0x8], $0x80, s16, s26, $0xb8;
	[tilespmem:$0x1C400] =	vst v63  }
0xa9: {  	_ =	swait.ge [sflag:s13], $0x4000  }
0xaa: {  	[sflag:s13] =	ssyncset.done $0x0  }
.Ltmp4:
0xab: {  	_ = 	snop;
	(pc) =	sbr.rel .LBB2_7-.Ltmp4, $1  }
0xac: {  	_ =	sdelay $0x3  }
.LBB2_2:
0xad: {  	s6 =	rddreg [dreg:$0x4]  }
0xae: {  	[tilespmem:s3], [sflag:$0x1] =	stream.linear.gather [hbm4b:s6+s3], $0x100, $0x38;
	[tilespmem:$0x1C400] =	vst v63  }
0xaf: {  	s9 =	rddreg [dreg:$0x5]  }
0xb0: {  	[tilespmem:s22], [sflag:$0x2] =	stream.linear.gather [hbm4b:s9+s3], $0x100, $0x38;
	[tilespmem:$0x1C400] =	vst v63  }
0xb1: {  	s18 =	rddreg [dreg:$0x6]  }
0xb2: {  	[tilespmem:s23], [sflag:$0x3] =	stream.linear.gather [hbm4b:s18+s3], $0x100, $0x38;
	[tilespmem:$0x1C400] =	vst v63  }
0xb3: {  	s19 =	rddreg [dreg:$0x7]  }
0xb4: {  	[tilespmem:s24], [sflag:$0x4] =	stream.linear.gather [hbm4b:s19+s3], $0x100, $0x38;
	[tilespmem:$0x1C400] =	vst v63  }
0xb5: {  	_ =	swait.ge [sflag:s25], $0x100  }
0xb6: {  	[sflag:s25] =	ssyncset.done $0x0  }
0xb7: {  	[sflag:s25] =	ssyncadd.s32 $0xFFFFFF00  }
0xb8: {  	[tilespmem:s28], [sflag:$0x5] =	stream.indirect.gather [hbm4b:s4+s26], $0x80, s3, s26, $0xb8;
	[tilespmem:$0x1C400] =	vst v63  }
0xb9: {  	_ =	swait.ge [sflag:s29], $0x100  }
0xba: {  	[sflag:s29] =	ssyncset.done $0x0  }
0xbb: {  	[sflag:s29] =	ssyncadd.s32 $0xFFFFFF00  }
0xbc: {  	[tilespmem:s30], [sflag:$0x6] =	stream.indirect.gather [hbm4b:s4+s26], $0x80, s22, s26, $0xb8;
	[tilespmem:$0x1C400] =	vst v63  }
0xbd: {  	_ =	swait.ge [sflag:s31], $0x4000  }
0xbe: {  	[sflag:s31] =	ssyncset.done $0x0  }
0xbf: {  	[sflag:s31] =	ssyncadd.s32 $0xFFFFC000  }
0xc0: {  	[spmem:s1] =	stream.indirect.scatter.add.f32 [tilespmem:s28], [sflag:$0x7], $0x80, s26, s26, $0xb8;
	[tilespmem:$0x1C400] =	vst v63  }
0xc1: {  	_ =	swait.ge [sflag:s0], $0x4000  }
0xc2: {  	[sflag:s0] =	ssyncset.done $0x0  }
0xc3: {  	p1 =	por $0x0, $0x0;
	s6 =	simm.s32 $0x4;
	[sflag:s0] =	ssyncadd.s32 $0xFFFFC000  }
0xc4: {  	s6 =	simm.s32 @p1 $0x0;
	_ =	swait.ge [sflag:s2], $0x100  }
0xc5: {  	s6 =	sadd.s32 s8, s6;
	[sflag:s2] =	ssyncset.done $0x0  }
0xc6: {  	s6 =	sshll.u32 s6, $0x5;
	[sflag:s2] =	ssyncadd.s32 $0xFFFFFF00  }
0xc7: {  	[tilespmem:s28], [sflag:$0x5] =	stream.indirect.gather [hbm4b:s4+s26], $0x80, s23, s26, $0xb8;
	[tilespmem:$0x1C400] =	vst v63  }
0xc8: {  	s6 =	sadd.s32 s5, s6  }
0xc9: {  	[tilespmem:s3], [sflag:$0x1] =	stream.linear.gather [hbm4b:s6+s3], $0x100, $0x38;
	[tilespmem:$0x1C400] =	vst v63  }
0xca: {  	_ =	swait.ge [sflag:s10], $0x4000  }
0xcb: {  	[sflag:s10] =	ssyncset.done $0x0  }
0xcc: {  	[sflag:s10] =	ssyncadd.s32 $0xFFFFC000  }
0xcd: {  	[spmem:s1] =	stream.indirect.scatter.add.f32 [tilespmem:s30], [sflag:$0x8], $0x80, s12, s26, $0xb8;
	[tilespmem:$0x1C400] =	vst v63  }
0xce: {  	_ =	swait.ge [sflag:s13], $0x4000  }
0xcf: {  	[sflag:s13] =	ssyncset.done $0x0  }
0xd0: {  	s6 =	simm.s32 $0x5;
	[sflag:s13] =	ssyncadd.s32 $0xFFFFC000  }
0xd1: {  	s6 =	simm.s32 @p1 $0x1;
	_ =	swait.ge [sflag:s14], $0x100  }
0xd2: {  	s6 =	sadd.s32 s8, s6;
	[sflag:s14] =	ssyncset.done $0x0  }
0xd3: {  	s6 =	sshll.u32 s6, $0x5;
	[sflag:s14] =	ssyncadd.s32 $0xFFFFFF00  }
0xd4: {  	[tilespmem:s30], [sflag:$0x6] =	stream.indirect.gather [hbm4b:s4+s26], $0x80, s24, s26, $0xb8;
	[tilespmem:$0x1C400] =	vst v63  }
0xd5: {  	s6 =	sadd.s32 s5, s6  }
0xd6: {  	[tilespmem:s22], [sflag:$0x2] =	stream.linear.gather [hbm4b:s6+s3], $0x100, $0x38;
	[tilespmem:$0x1C400] =	vst v63  }
0xd7: {  	_ =	swait.ge [sflag:s31], $0x4000  }
0xd8: {  	[sflag:s31] =	ssyncset.done $0x0  }
0xd9: {  	[sflag:s31] =	ssyncadd.s32 $0xFFFFC000  }
0xda: {  	[spmem:s1] =	stream.indirect.scatter.add.f32 [tilespmem:s28], [sflag:$0x7], $0x80, s15, s26, $0xb8;
	[tilespmem:$0x1C400] =	vst v63  }
0xdb: {  	_ =	swait.ge [sflag:s0], $0x4000  }
0xdc: {  	[sflag:s0] =	ssyncset.done $0x0  }
0xdd: {  	s6 =	simm.s32 $0x6;
	[sflag:s0] =	ssyncadd.s32 $0xFFFFC000  }
0xde: {  	s6 =	simm.s32 @p1 $0x2;
	_ =	swait.ge [sflag:s25], $0x100  }
0xdf: {  	s6 =	sadd.s32 s8, s6;
	[sflag:s25] =	ssyncset.done $0x0  }
0xe0: {  	s6 =	sshll.u32 s6, $0x5;
	[sflag:s25] =	ssyncadd.s32 $0xFFFFFF00  }
0xe1: {  	[tilespmem:s28], [sflag:$0x5] =	stream.indirect.gather [hbm4b:s4+s26], $0x80, s3, s26, $0xb8;
	[tilespmem:$0x1C400] =	vst v63  }
0xe2: {  	s6 =	sadd.s32 s5, s6  }
0xe3: {  	[tilespmem:s23], [sflag:$0x3] =	stream.linear.gather [hbm4b:s6+s3], $0x100, $0x38;
	[tilespmem:$0x1C400] =	vst v63  }
0xe4: {  	s6 =	simm.s32 $0x7;
	_ =	swait.ge [sflag:s10], $0x4000  }
0xe5: {  	s6 =	simm.s32 @p1 $0x3;
	[sflag:s10] =	ssyncset.done $0x0  }
0xe6: {  	s6 =	sadd.s32 s8, s6;
	[sflag:s10] =	ssyncadd.s32 $0xFFFFC000  }
0xe7: {  	[spmem:s1] =	stream.indirect.scatter.add.f32 [tilespmem:s30], [sflag:$0x8], $0x80, s16, s26, $0xb8;
	[tilespmem:$0x1C400] =	vst v63  }
0xe8: {  	s6 =	sshll.u32 s6, $0x5;
	_ =	swait.ge [sflag:s13], $0x4000  }
0xe9: {  	s9 =	simm.s32 $0xB;
	s6 =	sadd.s32 s5, s6;
	[sflag:s13] =	ssyncset.done $0x0  }
.LBB2_3:
0xea: {  	p1 =	seq.s32 s9, $0x73  }
0xeb: {  	[sflag:s13] =	ssyncadd.s32 $0xFFFFC000;
	s18 =	smov.u32 s9;
	s9 =	sadd.s32 $0x4, s9  }
0xec: {  	[tilespmem:s24], [sflag:$0x4] =	stream.linear.gather [hbm4b:s6+s3], $0x100, $0x38;
	[tilespmem:$0x1C400] =	vst v63  }
0xed: {  	s6 =	smov.u32 s18  }
0xee: {  	_ =	swait.ge [sflag:s29], $0x100;
	s6 =	simm.s32 @p1 $0x3  }
0xef: {  	[sflag:s29] =	ssyncset.done $0x0;
	s6 =	sadd.s32 s8, s6  }
0xf0: {  	[sflag:s29] =	ssyncadd.s32 $0xFFFFFF00;
	s6 =	sshll.u32 s6, $0x5  }
0xf1: {  	[tilespmem:s30], [sflag:$0x6] =	stream.indirect.gather [hbm4b:s4+s26], $0x80, s22, s26, $0xb8;
	[tilespmem:$0x1C400] =	vst v63  }
0xf2: {  	s6 =	sadd.s32 s5, s6;
	_ =	swait.ge [sflag:s31], $0x4000  }
0xf3: {  	[sflag:s31] =	ssyncset.done $0x0  }
0xf4: {  	[sflag:s31] =	ssyncadd.s32 $0xFFFFC000  }
0xf5: {  	[spmem:s1] =	stream.indirect.scatter.add.f32 [tilespmem:s28], [sflag:$0x7], $0x80, s26, s26, $0xb8;
	[tilespmem:$0x1C400] =	vst v63  }
0xf6: {  	_ =	swait.ge [sflag:s0], $0x4000  }
0xf7: {  	[sflag:s0] =	ssyncset.done $0x0  }
0xf8: {  	s19 =	sadd.s32 $0xFFFFFFFD, s18;
	[sflag:s0] =	ssyncadd.s32 $0xFFFFC000  }
0xf9: {  	s19 =	simm.s32 @p1 $0x0;
	_ =	swait.ge [sflag:s2], $0x100  }
0xfa: {  	s19 =	sadd.s32 s8, s19;
	[sflag:s2] =	ssyncset.done $0x0  }
0xfb: {  	s19 =	sshll.u32 s19, $0x5;
	[sflag:s2] =	ssyncadd.s32 $0xFFFFFF00  }
0xfc: {  	[tilespmem:s28], [sflag:$0x5] =	stream.indirect.gather [hbm4b:s4+s26], $0x80, s23, s26, $0xb8;
	[tilespmem:$0x1C400] =	vst v63  }
0xfd: {  	s19 =	sadd.s32 s5, s19  }
0xfe: {  	[tilespmem:s3], [sflag:$0x1] =	stream.linear.gather [hbm4b:s19+s3], $0x100, $0x38;
	[tilespmem:$0x1C400] =	vst v63  }
0xff: {  	_ =	swait.ge [sflag:s10], $0x4000  }
0x100: {  	[sflag:s10] =	ssyncset.done $0x0  }
0x101: {  	[sflag:s10] =	ssyncadd.s32 $0xFFFFC000  }
0x102: {  	[spmem:s1] =	stream.indirect.scatter.add.f32 [tilespmem:s30], [sflag:$0x8], $0x80, s12, s26, $0xb8;
	[tilespmem:$0x1C400] =	vst v63  }
0x103: {  	_ =	swait.ge [sflag:s13], $0x4000  }
0x104: {  	[sflag:s13] =	ssyncset.done $0x0  }
0x105: {  	s19 =	sadd.s32 $0xFFFFFFFE, s18;
	[sflag:s13] =	ssyncadd.s32 $0xFFFFC000  }
0x106: {  	s19 =	simm.s32 @p1 $0x1;
	_ =	swait.ge [sflag:s14], $0x100  }
0x107: {  	s19 =	sadd.s32 s8, s19;
	[sflag:s14] =	ssyncset.done $0x0  }
0x108: {  	s19 =	sshll.u32 s19, $0x5;
	[sflag:s14] =	ssyncadd.s32 $0xFFFFFF00  }
0x109: {  	[tilespmem:s30], [sflag:$0x6] =	stream.indirect.gather [hbm4b:s4+s26], $0x80, s24, s26, $0xb8;
	[tilespmem:$0x1C400] =	vst v63  }
0x10a: {  	s19 =	sadd.s32 s5, s19  }
0x10b: {  	[tilespmem:s22], [sflag:$0x2] =	stream.linear.gather [hbm4b:s19+s3], $0x100, $0x38;
	[tilespmem:$0x1C400] =	vst v63  }
0x10c: {  	_ =	swait.ge [sflag:s31], $0x4000  }
0x10d: {  	[sflag:s31] =	ssyncset.done $0x0  }
0x10e: {  	[sflag:s31] =	ssyncadd.s32 $0xFFFFC000  }
0x10f: {  	[spmem:s1] =	stream.indirect.scatter.add.f32 [tilespmem:s28], [sflag:$0x7], $0x80, s15, s26, $0xb8;
	[tilespmem:$0x1C400] =	vst v63  }
0x110: {  	_ =	swait.ge [sflag:s0], $0x4000  }
0x111: {  	[sflag:s0] =	ssyncset.done $0x0  }
0x112: {  	s18 =	sadd.s32 $0xFFFFFFFF, s18;
	[sflag:s0] =	ssyncadd.s32 $0xFFFFC000  }
0x113: {  	s18 =	simm.s32 @p1 $0x2;
	_ =	swait.ge [sflag:s25], $0x100  }
0x114: {  	s18 =	sadd.s32 s8, s18;
	[sflag:s25] =	ssyncset.done $0x0  }
0x115: {  	s18 =	sshll.u32 s18, $0x5;
	[sflag:s25] =	ssyncadd.s32 $0xFFFFFF00  }
0x116: {  	[tilespmem:s28], [sflag:$0x5] =	stream.indirect.gather [hbm4b:s4+s26], $0x80, s3, s26, $0xb8;
	[tilespmem:$0x1C400] =	vst v63  }
0x117: {  	s18 =	sadd.s32 s5, s18  }
0x118: {  	[tilespmem:s23], [sflag:$0x3] =	stream.linear.gather [hbm4b:s18+s3], $0x100, $0x38;
	[tilespmem:$0x1C400] =	vst v63  }
0x119: {  	_ =	swait.ge [sflag:s10], $0x4000  }
.Ltmp5:
0x11a: {  	[sflag:s10] =	ssyncset.done $0x0;
	(pc) =	sbr.rel @!p1 .LBB2_3-.Ltmp5, $4  }
0x11b: {  	[sflag:s10] =	ssyncadd.s32 $0xFFFFC000  }
0x11c: {  	[spmem:s1] =	stream.indirect.scatter.add.f32 [tilespmem:s30], [sflag:$0x8], $0x80, s16, s26, $0xb8;
	[tilespmem:$0x1C400] =	vst v63  }
0x11d: {  	_ =	swait.ge [sflag:s13], $0x4000  }
0x11e: {  	[sflag:s13] =	ssyncset.done $0x0  }
.Ltmp6:
0x11f: {  	(pc) =	sbr.rel .LBB2_8-.Ltmp6, $3  }
0x120: {  	_ =	sdelay $0x1  }
0x121: {  	[sflag:s13] =	ssyncadd.s32 $0xFFFFC000  }
0x122: {  	[tilespmem:s24], [sflag:$0x4] =	stream.linear.gather [hbm4b:s6+s3], $0x100, $0x38;
	[tilespmem:$0x1C400] =	vst v63  }
.LBB2_9:
0x123: {  	_ =	sfence.sel $0x180000  }
0x124: {  	[bflag:$0x0] =	sbarrier.arrive $0xFFFF  }
0x125: {  	_ =	strace $0x9000004A  }
0x126: {  	s0 =	stileid.u32;
	[bflag:$0x2] =	sbarrier.arrive $0xFFFF  }
0x127: {  	p0 =	sne.s32 s0, $0x0;
	s0 =	rddreg [dreg:$0x2]  }
0x128: {  	s0 =	sadd.s32 @!p0 $0x100000, s0  }
0x129: {  	[sflag:s0] =	ssyncadd.tile.s32 @!p0 $0x1;
	_ =	shalt  }
.Lfunc_end2:
_tile_overlayer_lowered:
.L_overlay_start_2:
0x12a: {  	(tag) =	ssettag $0x2  }
0x12b: {  	s0 =	rddreg [dreg:$0x0];
	s2 =	stileid.u32  }
0x12c: {  	s1 =	rddreg [dreg:$0x1];
	p0 =	sne.s32 s2, $0x0  }
0x12d: {  	s3 =	rddreg [dreg:$0x2];
	[bflag:$0x3] =	sbarrier.arrive $0xFFFF;
	s2 =	simm.s32 @!p0 $0x1C09  }
0x12e: {  	[timem:s3], [sflag:s2] =	dma.local @!p0 [hbm:s0], s1  }
0x12f: {  	s0 =	simm.s32 @!p0 $0x9  }
0x130: {  	_ =	swait.ge @!p0 [sflag:s0], s1  }
0x131: {  	s1 =	ssub.s32 @!p0 $0x0, s1;
	[sflag:s0] =	ssyncset.done @!p0 $0x0  }
0x132: {  	[sflag:s0] =	ssyncadd.s32 @!p0 s1  }
0x133: {  	[bflag:$0x3] =	sbarrier.arrive $0xFFFF  }
0x134: {  	_ =	shalt  }

// kernel: kernel.17.cloned.1.call-start
scs
__scs_entry_jumppad:
0x0: {  	(pc) =	sbr.rel $0x88, $3  }
0x1: {  	(tag) =	ssettag $0x0;
	lr =	simm.s32 $0x1  }
0x2: {  	[smem:$0x3F97] =	sst lr;
	_ =	strace $0xD0000000  }
0x3: {  	_ = 	snop  }
0x4: {  	_ = 	snop  }
0x5: {  	_ = 	snop  }
0x6: {  	_ = 	snop  }
0x7: {  	_ = 	snop  }
__scs_overlays_trampoline_lowered:
0x8: {  	[smem:$0x3FA6] =	sst s0  }
0x9: {  	[smem:$0x3FA7] =	sst s1  }
0xa: {  	[smem:$0x3FA8] =	sst s2  }
0xb: {  	[smem:$0x3FA9] =	sst s3  }
0xc: {  	[smem:$0x3FAA] =	sst s4  }
0xd: {  	[smem:$0x3FAB] =	sst s5  }
0xe: {  	[smem:$0x3FAC] =	sst s6  }
0xf: {  	[smem:$0x3FAD] =	sst s7  }
0x10: {  	[smem:$0x3FAE] =	sst s8  }
0x11: {  	[smem:$0x3FAF] =	sst s9;
	s0 =	simm.s32 @!p0 $0x0  }
0x12: {  	s1 =	sld [smem:$0x3F95];
	s0 =	simm.s32 @p0 $0x1  }
0x13: {  	[smem:$0x3FB0] =	sst s0;
	s0 =	simm.s32 @!p1 $0x0  }
0x14: {  	s2 =	sld [smem:$0x3F94];
	s0 =	simm.s32 @p1 $0x1  }
0x15: {  	[smem:$0x3FB1] =	sst s0;
	s0 =	simm.s32 @!p2 $0x0  }
0x16: {  	s3 =	sld [smem:$0x3FDB];
	s0 =	simm.s32 @p2 $0x1  }
0x17: {  	s4 =	simm.s32 $0x1BF5;
	[smem:$0x3FB3] =	sst s0  }
0x18: {  	s0 =	sld [smem:$0x3F96];
	_ =	swait.ge [sflag:s4], $0x0  }
0x19: {  	s7 =	sld [smem:$0x3F97]  }
0x1a: {  	s8 =	sadd.s32 $0xFFFFE003, lr  }
0x1b: {  	s9 =	sadd.s32 $0xFFFFFEF7, lr;
	s5 =	simm.s32 $0xFFFFFFFF;
	p2 =	slt.u32 s8, $0xFFFFF086  }
0x1c: {  	p1 =	slt.u32 s9, $0xF7A;
	s5 =	simm.s32 @!p2 $0x0  }
0x1d: {  	s5 =	simm.s32 @p1 $0x1;
	p0 =	seq.s32 s7, s2  }
0x1e: {  	s7 =	smul.u32 @!p0 $0xF7A, s2;
	p2 =	seq.s32 @!p0 s5, $0x0  }
0x1f: {  	s9 =	smul.u32 $0xF7A, s1;
	s8 =	simm.s32 @!p0 $0x1BF5;
	p2 =	por !p2, p0  }
0x20: {  	[sflag:s8] =	ssyncset.s32 @!p0 $0xFFFFF086;
	s6 =	sadd.s32 @!p0 s3, s7;
	s7 =	simm.s32 @!p0 $0x108  }
0x21: {  	s3 =	sadd.s32 s3, s9;
	s6 =	sadd.s32 @!p0 $0x88, s6;
	s7 =	simm.s32 @p2 $0x1082  }
0x22: {  	[simem:s7], [sflag:s8] =	dma.local @!p0 [hbm:s6], $0xF7A  }
0x23: {  	s9 =	sor.u32 $0xD0000000, s2;
	s6 =	simm.s32 $0x108;
	_ =	swait.ge @!p0 [sflag:s8], $0x0  }
0x24: {  	s3 =	sadd.s32 $0x88, s3;
	s6 =	simm.s32 @!p1 $0x1082;
	[sflag:s4] =	ssyncset.s32 $0xFFFFF086  }
0x25: {  	[simem:s6], [sflag:s4] =	dma.local [hbm:s3], $0xF7A  }
0x26: {  	[smem:$0x3F97] =	sst s1;
	(tag) =	ssettag s2;
	_ =	strace s9  }
0x27: {  	s1 =	sld [smem:$0x3FA7]  }
0x28: {  	s2 =	sld [smem:$0x3FA8]  }
0x29: {  	s4 =	sld [smem:$0x3FAA]  }
0x2a: {  	p0 =	seq.s32 s5, $0x0;
	s5 =	sld [smem:$0x3FAB]  }
0x2b: {  	s6 =	sld [smem:$0x3FAC]  }
0x2c: {  	s7 =	sld [smem:$0x3FAD]  }
0x2d: {  	s3 =	simm.s32 $0x108;
	s8 =	sld [smem:$0x3FAE]  }
0x2e: {  	s3 =	simm.s32 @!p0 $0x1082;
	s9 =	sld [smem:$0x3FAF]  }
0x2f: {  	lr =	sadd.s32 s0, s3;
	s0 =	sld [smem:$0x3FA6]  }
0x30: {  	s3 =	sld [smem:$0x3FA9]  }
0x31: {  	[smem:$0x3FB2] =	sst s10  }
0x32: {  	s10 =	sld [smem:$0x3FB0];
	_ =	sdelay $0x3  }
0x33: {  	p0 =	seq.s32 s10, $0x1;
	s10 =	sld [smem:$0x3FB2];
	_ =	sdelay $0x3  }
0x34: {  	[smem:$0x3FB2] =	sst s10  }
0x35: {  	s10 =	sld [smem:$0x3FB1];
	_ =	sdelay $0x3  }
0x36: {  	p1 =	seq.s32 s10, $0x1;
	s10 =	sld [smem:$0x3FB2];
	_ =	sdelay $0x3  }
0x37: {  	[smem:$0x3FB2] =	sst s10  }
0x38: {  	s10 =	sld [smem:$0x3FB3]  }
0x39: {  	_ = 	snop;
	(pc) =	sbr.ind lr, $3  }
0x3a: {  	_ = 	snop  }
0x3b: {  	_ = 	snop  }
0x3c: {  	p2 =	seq.s32 s10, $0x1;
	s10 =	sld [smem:$0x3FB2]  }
0x3d: {  	_ =	shalt  }
0x3e: {  	_ =	shalt  }
0x3f: {  	_ =	shalt  }
0x40: {  	_ =	shalt  }
0x41: {  	_ =	shalt  }
0x42: {  	_ =	shalt  }
0x43: {  	_ =	shalt  }
0x44: {  	_ =	shalt  }
0x45: {  	_ =	shalt  }
0x46: {  	_ =	shalt  }
0x47: {  	_ =	shalt  }
0x48: {  	_ =	shalt  }
0x49: {  	_ =	shalt  }
0x4a: {  	_ =	shalt  }
0x4b: {  	_ =	shalt  }
0x4c: {  	_ =	shalt  }
0x4d: {  	_ =	shalt  }
0x4e: {  	_ =	shalt  }
0x4f: {  	_ =	shalt  }
0x50: {  	_ =	shalt  }
0x51: {  	_ =	shalt  }
0x52: {  	_ =	shalt  }
0x53: {  	_ =	shalt  }
0x54: {  	_ =	shalt  }
0x55: {  	_ =	shalt  }
0x56: {  	_ =	shalt  }
0x57: {  	_ =	shalt  }
0x58: {  	_ =	shalt  }
0x59: {  	_ =	shalt  }
0x5a: {  	_ =	shalt  }
0x5b: {  	_ =	shalt  }
0x5c: {  	_ =	shalt  }
0x5d: {  	_ =	shalt  }
0x5e: {  	_ =	shalt  }
0x5f: {  	_ =	shalt  }
0x60: {  	_ =	shalt  }
0x61: {  	_ =	shalt  }
0x62: {  	_ =	shalt  }
0x63: {  	_ =	shalt  }
0x64: {  	_ =	shalt  }
0x65: {  	_ =	shalt  }
0x66: {  	_ =	shalt  }
0x67: {  	_ =	shalt  }
0x68: {  	_ =	shalt  }
0x69: {  	_ =	shalt  }
0x6a: {  	_ =	shalt  }
0x6b: {  	_ =	shalt  }
0x6c: {  	_ =	shalt  }
0x6d: {  	_ =	shalt  }
0x6e: {  	_ =	shalt  }
0x6f: {  	_ =	shalt  }
0x70: {  	_ =	shalt  }
0x71: {  	_ =	shalt  }
0x72: {  	_ =	shalt  }
0x73: {  	_ =	shalt  }
0x74: {  	_ =	shalt  }
0x75: {  	_ =	shalt  }
0x76: {  	_ =	shalt  }
0x77: {  	_ =	shalt  }
0x78: {  	_ =	shalt  }
0x79: {  	_ =	shalt  }
0x7a: {  	_ =	shalt  }
0x7b: {  	_ =	shalt  }
0x7c: {  	_ =	shalt  }
0x7d: {  	_ =	shalt  }
0x7e: {  	_ =	shalt  }
0x7f: {  	_ =	shalt  }
0x80: {  	_ =	shalt  }
0x81: {  	_ =	shalt  }
0x82: {  	_ =	shalt  }
0x83: {  	_ =	shalt  }
0x84: {  	_ =	shalt  }
0x85: {  	_ =	shalt  }
0x86: {  	_ =	shalt  }
0x87: {  	_ =	shalt  }
.Lfunc_end0:
.L_simem_size_0:
called_computation.2_lowered:
.L_overlay_start_0:
0x88: {  	s2 =	sld [smem:$0x3FD9]  }
0x89: {  	s3 =	sld [smem:$0x3FFE];
	_ =	sdelay $0x1  }
0x8a: {  	s1 =	srdreg.scid  }
0x8b: {  	s0 =	sand.u32 $0x1, s1  }
0x8c: {  	s16 =	sshll.u32 s0, $0xA;
	s2 =	sadd.s32 s3, s2  }
0x8d: {  	s2 =	sadd.s32 s2, s16  }
0x8e: {  	[smem:$0x3FBE] =	sst s2  }
0x8f: {  	_ = 	snop  }
0x90: {  	(tm) =	ssettm $0x1  }
0x91: {  	s17 =	sld [smem:$0x3FFB];
	_ =	sdelay $0x3  }
0x92: {  	_ =	strace s17  }
0x93: {  	s2 =	sld [smem:$0x3FFC];
	_ =	sdelay $0x3  }
0x94: {  	_ =	strace s2  }
0x95: {  	s2 =	sld [smem:$0x3FFD];
	_ =	sdelay $0x3  }
0x96: {  	_ =	strace s2  }
0x97: {  	_ =	strace $0x8FFFFFFF  }
0x98: {  	s18 =	sld [smem:$0x3FDB];
	_ =	sdelay $0x1  }
0x99: {  	s19 =	simm.s32 $_scs_section_size  }
0x9a: {  	s4 =	simm.s32 $_size__tile_overlayer_lowered;
	s5 =	simm.s32 $_tile_overlayer_lowered  }
0x9b: {  	s22 =	simm.s32 $0x1BFF;
	s21 =	sshll.u32 s5, $0x1;
	s2 =	sadd.s32 s19, s18  }
0x9c: {  	s6 =	simm.s32 $0x0;
	s20 =	sshll.u32 s4, $0x1;
	s4 =	sadd.s32 s21, s2  }
0x9d: {  	[timem:s6], [sflag:s22] =	dma.local [hbm:s4], s20  }
0x9e: {  	_ =	swait.ge [sflag:s22], s20  }
0x9f: {  	s3 =	ssub.s32 $0x0, s20;
	[sflag:s22] =	ssyncset.done $0x0  }
0xa0: {  	[sflag:s22] =	ssyncadd.s32 s3;
	_ =	sdelay $0x1  }
0xa1: {  	s23 =	simm.s32 $0x1B8B  }
0xa2: {  	_ =	swait.ge [sflag:s23], $0x1  }
0xa3: {  	[sflag:s23] =	ssyncset.done $0x0  }
0xa4: {  	s25 =	simm.s32 $0x1B8E;
	s24 =	sld [smem:$0x3FFE];
	[sflag:s23] =	ssyncadd.s32 $0xFFFFFFFF  }
0xa5: {  	s26 =	simm.s32 $execute0_lowered;
	[smem:$0x3FD2] =	sst s25  }
0xa6: {  	s4 =	sshll.u32 s26, $0x1;
	_ =	strace $0x8000004C;
	[dreg:$0x1] =	wrdreg $0xFFFFFFFF  }
0xa7: {  	s28 =	simm.s32 $_size_execute0_lowered;
	s2 =	sadd.s32 s2, s4;
	[dreg:$0x0] =	wrdreg $0x0  }
0xa8: {  	s4 =	sshll.u32 s28, $0x1;
	[dreg:$0x2] =	wrdreg s2  }
0xa9: {  	[dreg:$0x3] =	wrdreg s4  }
0xaa: {  	[dreg:$0x4] =	wrdreg $0xC0  }
0xab: {  	_ =	task [dreg:s6], $0x5FFFF  }
0xac: {  	[dreg:$0x1] =	wrdreg $0xFFFFFFFF  }
0xad: {  	[dreg:$0x0] =	wrdreg $0x60  }
0xae: {  	[dreg:$0x2] =	wrdreg s24  }
0xaf: {  	[dreg:$0x3] =	wrdreg $0x84000  }
0xb0: {  	[dreg:$0x4] =	wrdreg $0x9  }
0xb1: {  	_ =	task.clear_ibuf [dreg:s6], $0x5FFFF;
	_ =	strace $0x9000004C  }
0xb2: {  	s29 =	simm.s32 $0x9;
	_ =	strace $0x8000004E  }
0xb3: {  	_ =	swait.ge [sflag:s29], $0x1  }
0xb4: {  	[sflag:s29] =	ssyncadd.s32 $0xFFFFFFFF  }
0xb5: {  	_ =	strace $0x9000004E  }
0xb6: {  	_ =	sfence  }
0xb7: {  	s30 =	sld [smem:$0x0];
	_ =	sdelay $0x2  }
0xb8: {  	s31 =	sshll.u32 s1, $0xD;
	s1 =	sshrl.u32 s1, $0x2  }
0xb9: {  	s3 =	sand.u32 $0x4000, s31;
	s1 =	sadd.s32 s1, s30  }
0xba: {  	s0 =	sor.u32 s3, s0;
	s1 =	sshll.u32 s1, $0x11  }
0xbb: {  	s0 =	sor.u32 s1, s0  }
0xbc: {  	s0 =	sadd.s32 $0x8F2B, s0  }
0xbd: {  	[sflag:s0] =	ssyncadd.remote.s32 $0x1  }
0xbe: {  	_ =	sfence.sel $0xFFFF  }
0xbf: {  	[dreg:$0x0] =	wrdreg $0xFFFFFFFF;
	(pc) =	sbr.abs _section_cstart, $3  }
0xc0: {  	[dreg:$0x1] =	wrdreg $0xFFFFFFFF  }
0xc1: {  	_ =	task.clear_ibuf [dreg:s6], $0x2FFFF;
	_ =	strace $0x9FFFFFFF  }
0xc2: {  	(tm) =	ssettm $0x7FFFFFFF  }
0xc3: {  	_ =	shalt  }
tec
execute0_lowered:
.L_overlay_start_1:
0x0: {  	(tag) =	ssettag $0x1  }
0x1: {  	s0 =	rddreg [dreg:$0x0]  }
0x2: {  	s1 =	rddreg [dreg:$0x1]  }
0x3: {  	s2 =	srdreg.scid;
	s11 =	stileid.u32  }
0x4: {  	s3 =	simm.s32 $0x0;
	s28 =	simm.s32 $0x400;
	s7 =	smul.u32 $0x14000, s11  }
0x5: {  	s29 =	simm.s32 $0x2;
	s30 =	simm.s32 $0x4400;
	s9 =	smul.u32 $0x50000, s11  }
0x6: {  	s31 =	simm.s32 $0x5;
	s2 =	sand.u32 $0x1, s2;
	s10 =	smul.u32 $0xE00, s11  }
0x7: {  	[smem:$0x7FF] =	sst s3;
	s4 =	sadd.s32 $0x74C00, s0;
	s19 =	smul.u32 $0x30, s11  }
0x8: {  	s5 =	sadd.s32 $0x60C00, s0;
	s8 =	sadd.s32 $0xDC00, s0;
	s13 =	smul.u32 $0x3000, s11  }
0x9: {  	s18 =	sshll.u32 s11, $0x6;
	s6 =	smul.u32 $0x140000, s2;
	_ =	strace $0x8000004D  }
0xa: {  	[dreg:$0x3] =	wrdreg s8;
	s14 =	ssub.s32 $0x2, s2;
	p0 =	seq.s32 s2, $0x1  }
0xb: {  	s8 =	smul.u32 $0x70, s11;
	s15 =	sshrl.u32 s14, $0x1;
	s17 =	sshrl.u32 s9, $0x2  }
0xc: {  	s10 =	sadd.s32 s5, s10;
	s11 =	sadd.s32 $0x700, s19;
	s21 =	sshrl.u32 s13, $0x3  }
0xd: {  	s13 =	simm.s32 $0x8;
	s6 =	sadd.s32 s7, s6;
	s16 =	ssub.s32 s14, s15  }
0xe: {  	s12 =	sadd.s32 s17, s1;
	s7 =	sor.u32 $0x1C09, s18;
	s20 =	sadd.s32 $0x20, s10  }
0xf: {  	s22 =	sadd.s32 $0x40, s10;
	s23 =	sshll.u32 s11, $0x5;
	s2 =	sadd.s32 s5, s21  }
0x10: {  	[dreg:$0x4] =	wrdreg s10;
	s10 =	sadd.s32 $0x60, s10;
	s21 =	simm.s32 $0x9  }
0x11: {  	s14 =	simm.s32 $0x4;
	s15 =	simm.s32 $0x280;
	[dreg:$0x5] =	wrdreg s20  }
0x12: {  	s17 =	simm.s32 $0x0;
	s6 =	sshrl.u32 s6, $0x3;
	[dreg:$0x6] =	wrdreg s22  }
0x13: {  	[dreg:$0x7] =	wrdreg s10;
	s9 =	sadd.s32 s5, s23;
	s24 =	sadd.s32 $0xE020, s2  }
0x14: {  	s25 =	sadd.s32 $0xE040, s2;
	s2 =	sadd.s32 $0xE060, s2;
	[dreg:$0x8] =	wrdreg s9  }
0x15: {  	s26 =	smax.u32 s16, $0x1;
	s22 =	simm.s32 $0x100;
	[dreg:$0x9] =	wrdreg s24  }
0x16: {  	s23 =	simm.s32 $0x200;
	s10 =	simm.s32 $0x6;
	[dreg:$0xa] =	wrdreg s25  }
.Ltmp0:
0x17: {  	s16 =	simm.s32 $0x380;
	[dreg:$0xb] =	wrdreg s2;
	(pc) =	sbr.rel .LBB2_1-.Ltmp0, $4  }
0x18: {  	s0 =	sadd.s32 s6, s0;
	[dreg:$0xd] =	wrdreg s26;
	s9 =	sshrl.u32 s12, $0x3  }
0x19: {  	s24 =	simm.s32 $0x300;
	s25 =	simm.s32 $0x1;
	s26 =	simm.s32 $0x80  }
0x1a: {  	s2 =	simm.s32 $0x3;
	s20 =	sadd.s32 $0x9BE00, s0;
	[dreg:$0xe] =	wrdreg s9  }
0x1b: {  	s12 =	simm.s32 $0x180;
	s0 =	simm.s32 $0x7;
	[dreg:$0xc] =	wrdreg s20  }
.LBB2_7:
0x1c: {  	[sflag:s13] =	ssyncadd.s32 $0xFFFFC000;
	s7 =	smov.u32 s20;
	s20 =	rddreg [dreg:$0xc]  }
0x1d: {  	[tilespmem:s24], [sflag:$0x4] =	stream.linear.gather [hbm4b:s6+s3], $0x100, $0x38;
	[tilespmem:$0x1C400] =	vst v63  }
.LBB2_8:
0x1e: {  	_ =	swait.ge [sflag:s31], $0x4000  }
0x1f: {  	[sflag:s31] =	ssyncset.done $0x0  }
0x20: {  	[sflag:s31] =	ssyncadd.s32 $0xFFFFC000  }
0x21: {  	_ =	swait.ge [sflag:s29], $0x100  }
0x22: {  	[sflag:s29] =	ssyncset.done $0x0  }
0x23: {  	[sflag:s29] =	ssyncadd.s32 $0xFFFFFF00  }
0x24: {  	_ =	swait.ge [sflag:s2], $0x100  }
0x25: {  	[sflag:s2] =	ssyncset.done $0x0  }
0x26: {  	[sflag:s2] =	ssyncadd.s32 $0xFFFFFF00  }
0x27: {  	_ =	swait.ge [sflag:s14], $0x100  }
0x28: {  	[sflag:s14] =	ssyncset.done $0x0  }
0x29: {  	[sflag:s14] =	ssyncadd.s32 $0xFFFFFF00  }
0x2a: {  	[bflag:$0x0] =	sbarrier.arrive $0xFFFF  }
0x2b: {  	s9 =	rddreg [dreg:$0xe]  }
0x2c: {  	[hbm:s20], [sflag:s7] =	dma.local [spmem:s9], $0x2800  }
0x2d: {  	_ =	swait.ge [sflag:s21], $0x2800  }
0x2e: {  	s17 =	sadd.s32 $0x1, s17;
	s6 =	rddreg [dreg:$0xd]  }
0x2f: {  	p1 =	sne.s32 s17, s6  }
.Ltmp1:
0x30: {  	_ = 	snop;
	(pc) =	sbr.rel @!p1 .LBB2_9-.Ltmp1, $3  }
0x31: {  	_ =	sdelay $0x1  }
0x32: {  	[sflag:s21] =	ssyncset.done $0x0  }
0x33: {  	[sflag:s21] =	ssyncadd.s32 $0xFFFFD800  }
.LBB2_1:
0x34: {  	s6 =	rddreg [dreg:$0x3]  }
0x35: {  	[spmem:s9], [sflag:s7] =	dma.local [hbm:s6], $0x2800  }
.Ltmp2:
0x36: {  	_ =	swait.ge [sflag:s21], $0x2800;
	(pc) =	sbr.rel @!p0 .LBB2_2-.Ltmp2, $3  }
0x37: {  	[sflag:s21] =	ssyncset.done $0x0  }
0x38: {  	[sflag:s21] =	ssyncadd.s32 $0xFFFFD800  }
0x39: {  	[bflag:$0x0] =	sbarrier.arrive $0xFFFF;
	_ =	sdelay $0x1  }
0x3a: {  	s6 =	rddreg [dreg:$0x8]  }
0x3b: {  	[tilespmem:s3], [sflag:$0x1] =	stream.linear.gather [hbm4b:s6+s3], $0x100, $0x38;
	[tilespmem:$0x1C400] =	vst v63  }
0x3c: {  	s20 =	smov.u32 s7;
	s7 =	rddreg [dreg:$0x9]  }
0x3d: {  	[tilespmem:s22], [sflag:$0x2] =	stream.linear.gather [hbm4b:s7+s3], $0x100, $0x38;
	[tilespmem:$0x1C400] =	vst v63  }
0x3e: {  	s9 =	rddreg [dreg:$0xa]  }
0x3f: {  	[tilespmem:s23], [sflag:$0x3] =	stream.linear.gather [hbm4b:s9+s3], $0x100, $0x38;
	[tilespmem:$0x1C400] =	vst v63  }
0x40: {  	s18 =	rddreg [dreg:$0xb]  }
0x41: {  	[tilespmem:s24], [sflag:$0x4] =	stream.linear.gather [hbm4b:s18+s3], $0x100, $0x38;
	[tilespmem:$0x1C400] =	vst v63  }
0x42: {  	_ =	swait.ge [sflag:s25], $0x100  }
0x43: {  	[sflag:s25] =	ssyncset.done $0x0  }
0x44: {  	[sflag:s25] =	ssyncadd.s32 $0xFFFFFF00  }
0x45: {  	[tilespmem:s28], [sflag:$0x5] =	stream.indirect.gather [hbm4b:s4+s26], $0x80, s3, s26, $0xb8;
	[tilespmem:$0x1C400] =	vst v63  }
0x46: {  	_ =	swait.ge [sflag:s29], $0x100  }
0x47: {  	[sflag:s29] =	ssyncset.done $0x0  }
0x48: {  	[sflag:s29] =	ssyncadd.s32 $0xFFFFFF00  }
0x49: {  	[tilespmem:s30], [sflag:$0x6] =	stream.indirect.gather [hbm4b:s4+s26], $0x80, s22, s26, $0xb8;
	[tilespmem:$0x1C400] =	vst v63  }
0x4a: {  	_ =	swait.ge [sflag:s31], $0x4000  }
0x4b: {  	[sflag:s31] =	ssyncset.done $0x0  }
0x4c: {  	[sflag:s31] =	ssyncadd.s32 $0xFFFFC000  }
0x4d: {  	[spmem:s1] =	stream.indirect.scatter.add.f32 [tilespmem:s28], [sflag:$0x7], $0x80, s26, s26, $0xb8;
	[tilespmem:$0x1C400] =	vst v63  }
0x4e: {  	_ =	swait.ge [sflag:s0], $0x4000  }
0x4f: {  	p1 =	por $0x0, $0x0;
	s6 =	simm.s32 $0x4;
	[sflag:s0] =	ssyncset.done $0x0  }
0x50: {  	s6 =	simm.s32 @p1 $0x0;
	[sflag:s0] =	ssyncadd.s32 $0xFFFFC000  }
0x51: {  	s6 =	sadd.s32 s11, s6;
	_ =	swait.ge [sflag:s2], $0x100  }
0x52: {  	s6 =	sshll.u32 s6, $0x5;
	[sflag:s2] =	ssyncset.done $0x0  }
0x53: {  	s6 =	sand.u32 $0x1FFFFF80, s6;
	[sflag:s2] =	ssyncadd.s32 $0xFFFFFF00  }
0x54: {  	[tilespmem:s28], [sflag:$0x5] =	stream.indirect.gather [hbm4b:s4+s26], $0x80, s23, s26, $0xb8;
	[tilespmem:$0x1C400] =	vst v63  }
0x55: {  	s6 =	sadd.s32 s5, s6  }
0x56: {  	[tilespmem:s3], [sflag:$0x1] =	stream.linear.gather [hbm4b:s6+s3], $0x100, $0x38;
	[tilespmem:$0x1C400] =	vst v63  }
0x57: {  	_ =	swait.ge [sflag:s10], $0x4000  }
0x58: {  	[sflag:s10] =	ssyncset.done $0x0  }
0x59: {  	[sflag:s10] =	ssyncadd.s32 $0xFFFFC000  }
0x5a: {  	[spmem:s1] =	stream.indirect.scatter.add.f32 [tilespmem:s30], [sflag:$0x8], $0x80, s12, s26, $0xb8;
	[tilespmem:$0x1C400] =	vst v63  }
0x5b: {  	_ =	swait.ge [sflag:s13], $0x4000  }
0x5c: {  	s6 =	simm.s32 $0x5;
	[sflag:s13] =	ssyncset.done $0x0  }
0x5d: {  	s6 =	simm.s32 @p1 $0x1;
	[sflag:s13] =	ssyncadd.s32 $0xFFFFC000  }
0x5e: {  	s6 =	sadd.s32 s11, s6;
	_ =	swait.ge [sflag:s14], $0x100  }
0x5f: {  	s6 =	sshll.u32 s6, $0x5;
	[sflag:s14] =	ssyncset.done $0x0  }
0x60: {  	s6 =	sand.u32 $0x1FFFFFA0, s6;
	[sflag:s14] =	ssyncadd.s32 $0xFFFFFF00  }
0x61: {  	[tilespmem:s30], [sflag:$0x6] =	stream.indirect.gather [hbm4b:s4+s26], $0x80, s24, s26, $0xb8;
	[tilespmem:$0x1C400] =	vst v63  }
0x62: {  	s6 =	sadd.s32 s5, s6  }
0x63: {  	[tilespmem:s22], [sflag:$0x2] =	stream.linear.gather [hbm4b:s6+s3], $0x100, $0x38;
	[tilespmem:$0x1C400] =	vst v63  }
0x64: {  	_ =	swait.ge [sflag:s31], $0x4000  }
0x65: {  	[sflag:s31] =	ssyncset.done $0x0  }
0x66: {  	[sflag:s31] =	ssyncadd.s32 $0xFFFFC000  }
0x67: {  	[spmem:s1] =	stream.indirect.scatter.add.f32 [tilespmem:s28], [sflag:$0x7], $0x80, s15, s26, $0xb8;
	[tilespmem:$0x1C400] =	vst v63  }
0x68: {  	_ =	swait.ge [sflag:s0], $0x4000  }
0x69: {  	s6 =	simm.s32 $0x6;
	[sflag:s0] =	ssyncset.done $0x0  }
0x6a: {  	s6 =	simm.s32 @p1 $0x2;
	[sflag:s0] =	ssyncadd.s32 $0xFFFFC000  }
0x6b: {  	s6 =	sadd.s32 s11, s6;
	_ =	swait.ge [sflag:s25], $0x100  }
0x6c: {  	s6 =	sshll.u32 s6, $0x5;
	[sflag:s25] =	ssyncset.done $0x0  }
0x6d: {  	s6 =	sand.u32 $0x1FFFFFC0, s6;
	[sflag:s25] =	ssyncadd.s32 $0xFFFFFF00  }
0x6e: {  	[tilespmem:s28], [sflag:$0x5] =	stream.indirect.gather [hbm4b:s4+s26], $0x80, s3, s26, $0xb8;
	[tilespmem:$0x1C400] =	vst v63  }
0x6f: {  	s9 =	simm.s32 $0x7;
	s6 =	sadd.s32 s5, s6  }
0x70: {  	[tilespmem:s23], [sflag:$0x3] =	stream.linear.gather [hbm4b:s6+s3], $0x100, $0x38;
	[tilespmem:$0x1C400] =	vst v63  }
0x71: {  	s9 =	simm.s32 @p1 $0x3;
	_ =	swait.ge [sflag:s10], $0x4000  }
0x72: {  	s19 =	sadd.s32 s11, s9;
	[sflag:s10] =	ssyncset.done $0x0  }
0x73: {  	s6 =	sshll.u32 s19, $0x5;
	[sflag:s10] =	ssyncadd.s32 $0xFFFFC000  }
0x74: {  	[spmem:s1] =	stream.indirect.scatter.add.f32 [tilespmem:s30], [sflag:$0x8], $0x80, s16, s26, $0xb8;
	[tilespmem:$0x1C400] =	vst v63  }
0x75: {  	s6 =	sand.u32 $0x1FFFFFE0, s6;
	_ =	swait.ge [sflag:s13], $0x4000  }
0x76: {  	s9 =	simm.s32 $0xB;
	s6 =	sadd.s32 s5, s6;
	[sflag:s13] =	ssyncset.done $0x0  }
.LBB2_6:
0x77: {  	p1 =	sne.s32 s9, $0x33  }
0x78: {  	[sflag:s13] =	ssyncadd.s32 $0xFFFFC000;
	s18 =	smov.u32 s9;
	s9 =	sadd.s32 $0x4, s9  }
0x79: {  	[tilespmem:s24], [sflag:$0x4] =	stream.linear.gather [hbm4b:s6+s3], $0x100, $0x38;
	[tilespmem:$0x1C400] =	vst v63  }
0x7a: {  	_ =	swait.ge [sflag:s29], $0x100  }
0x7b: {  	[sflag:s29] =	ssyncset.done $0x0  }
0x7c: {  	[sflag:s29] =	ssyncadd.s32 $0xFFFFFF00  }
0x7d: {  	[tilespmem:s30], [sflag:$0x6] =	stream.indirect.gather [hbm4b:s4+s26], $0x80, s22, s26, $0xb8;
	[tilespmem:$0x1C400] =	vst v63  }
0x7e: {  	_ =	swait.ge [sflag:s31], $0x4000  }
0x7f: {  	[sflag:s31] =	ssyncset.done $0x0  }
0x80: {  	[sflag:s31] =	ssyncadd.s32 $0xFFFFC000  }
0x81: {  	[spmem:s1] =	stream.indirect.scatter.add.f32 [tilespmem:s28], [sflag:$0x7], $0x80, s26, s26, $0xb8;
	[tilespmem:$0x1C400] =	vst v63  }
0x82: {  	s6 =	sadd.s32 $0xFFFFFFFE, s18;
	s19 =	sadd.s32 $0xFFFFFFFF, s18;
	_ =	swait.ge [sflag:s0], $0x4000  }
0x83: {  	s7 =	sadd.s32 $0xFFFFFFFD, s18;
	p2 =	seq.s32 s18, $0x33;
	[sflag:s0] =	ssyncset.done $0x0  }
0x84: {  	s7 =	simm.s32 @p2 $0x0;
	s18 =	simm.s32 @p2 $0x3;
	[sflag:s0] =	ssyncadd.s32 $0xFFFFC000  }
0x85: {  	s6 =	simm.s32 @p2 $0x1;
	s7 =	sadd.s32 s11, s7;
	_ =	swait.ge [sflag:s2], $0x100  }
0x86: {  	s6 =	sadd.s32 s11, s6;
	s7 =	sshll.u32 s7, $0x5;
	[sflag:s2] =	ssyncset.done $0x0  }
0x87: {  	s19 =	simm.s32 @p2 $0x2;
	s7 =	sand.u32 $0x1FFFFF80, s7;
	[sflag:s2] =	ssyncadd.s32 $0xFFFFFF00  }
0x88: {  	[tilespmem:s28], [sflag:$0x5] =	stream.indirect.gather [hbm4b:s4+s26], $0x80, s23, s26, $0xb8;
	[tilespmem:$0x1C400] =	vst v63  }
0x89: {  	s19 =	sadd.s32 s11, s19;
	s6 =	sshll.u32 s6, $0x5;
	s7 =	sadd.s32 s5, s7  }
0x8a: {  	[tilespmem:s3], [sflag:$0x1] =	stream.linear.gather [hbm4b:s7+s3], $0x100, $0x38;
	[tilespmem:$0x1C400] =	vst v63  }
0x8b: {  	s18 =	sadd.s32 s11, s18;
	s7 =	sshll.u32 s19, $0x5;
	_ =	swait.ge [sflag:s10], $0x4000  }
0x8c: {  	s18 =	sshll.u32 s18, $0x5;
	s7 =	sand.u32 $0x1FFFFFC0, s7;
	[sflag:s10] =	ssyncset.done $0x0  }
0x8d: {  	s19 =	sand.u32 $0x1FFFFFA0, s6;
	[sflag:s10] =	ssyncadd.s32 $0xFFFFC000  }
0x8e: {  	[spmem:s1] =	stream.indirect.scatter.add.f32 [tilespmem:s30], [sflag:$0x8], $0x80, s12, s26, $0xb8;
	[tilespmem:$0x1C400] =	vst v63  }
0x8f: {  	s6 =	sand.u32 $0x1FFFFFE0, s18;
	_ =	swait.ge [sflag:s13], $0x4000  }
0x90: {  	s6 =	sadd.s32 s5, s6;
	[sflag:s13] =	ssyncset.done $0x0  }
0x91: {  	[sflag:s13] =	ssyncadd.s32 $0xFFFFC000  }
0x92: {  	_ =	swait.ge [sflag:s14], $0x100  }
0x93: {  	[sflag:s14] =	ssyncset.done $0x0  }
0x94: {  	[sflag:s14] =	ssyncadd.s32 $0xFFFFFF00  }
0x95: {  	[tilespmem:s30], [sflag:$0x6] =	stream.indirect.gather [hbm4b:s4+s26], $0x80, s24, s26, $0xb8;
	[tilespmem:$0x1C400] =	vst v63  }
0x96: {  	s18 =	sadd.s32 s5, s19  }
0x97: {  	[tilespmem:s22], [sflag:$0x2] =	stream.linear.gather [hbm4b:s18+s3], $0x100, $0x38;
	[tilespmem:$0x1C400] =	vst v63  }
0x98: {  	_ =	swait.ge [sflag:s31], $0x4000  }
0x99: {  	[sflag:s31] =	ssyncset.done $0x0  }
0x9a: {  	[sflag:s31] =	ssyncadd.s32 $0xFFFFC000  }
0x9b: {  	[spmem:s1] =	stream.indirect.scatter.add.f32 [tilespmem:s28], [sflag:$0x7], $0x80, s15, s26, $0xb8;
	[tilespmem:$0x1C400] =	vst v63  }
0x9c: {  	_ =	swait.ge [sflag:s0], $0x4000  }
0x9d: {  	[sflag:s0] =	ssyncset.done $0x0  }
0x9e: {  	[sflag:s0] =	ssyncadd.s32 $0xFFFFC000  }
0x9f: {  	_ =	swait.ge [sflag:s25], $0x100  }
0xa0: {  	[sflag:s25] =	ssyncset.done $0x0  }
0xa1: {  	[sflag:s25] =	ssyncadd.s32 $0xFFFFFF00  }
0xa2: {  	[tilespmem:s28], [sflag:$0x5] =	stream.indirect.gather [hbm4b:s4+s26], $0x80, s3, s26, $0xb8;
	[tilespmem:$0x1C400] =	vst v63  }
0xa3: {  	s7 =	sadd.s32 s5, s7  }
0xa4: {  	[tilespmem:s23], [sflag:$0x3] =	stream.linear.gather [hbm4b:s7+s3], $0x100, $0x38;
	[tilespmem:$0x1C400] =	vst v63  }
0xa5: {  	_ =	swait.ge [sflag:s10], $0x4000  }
.Ltmp3:
0xa6: {  	[sflag:s10] =	ssyncset.done $0x0;
	(pc) =	sbr.rel @p1 .LBB2_6-.Ltmp3, $4  }
0xa7: {  	[sflag:s10] =	ssyncadd.s32 $0xFFFFC000  }
0xa8: {  	[spmem:s1] =	stream.indirect.scatter.add.f32 [tilespmem:s30], [sflag:$0x8], $0x80, s16, s26, $0xb8;
	[tilespmem:$0x1C400] =	vst v63  }
0xa9: {  	_ =	swait.ge [sflag:s13], $0x4000  }
0xaa: {  	[sflag:s13] =	ssyncset.done $0x0  }
.Ltmp4:
0xab: {  	_ = 	snop;
	(pc) =	sbr.rel .LBB2_7-.Ltmp4, $1  }
0xac: {  	_ =	sdelay $0x3  }
.LBB2_2:
0xad: {  	s6 =	rddreg [dreg:$0x4]  }
0xae: {  	[tilespmem:s3], [sflag:$0x1] =	stream.linear.gather [hbm4b:s6+s3], $0x100, $0x38;
	[tilespmem:$0x1C400] =	vst v63  }
0xaf: {  	s9 =	rddreg [dreg:$0x5]  }
0xb0: {  	[tilespmem:s22], [sflag:$0x2] =	stream.linear.gather [hbm4b:s9+s3], $0x100, $0x38;
	[tilespmem:$0x1C400] =	vst v63  }
0xb1: {  	s18 =	rddreg [dreg:$0x6]  }
0xb2: {  	[tilespmem:s23], [sflag:$0x3] =	stream.linear.gather [hbm4b:s18+s3], $0x100, $0x38;
	[tilespmem:$0x1C400] =	vst v63  }
0xb3: {  	s19 =	rddreg [dreg:$0x7]  }
0xb4: {  	[tilespmem:s24], [sflag:$0x4] =	stream.linear.gather [hbm4b:s19+s3], $0x100, $0x38;
	[tilespmem:$0x1C400] =	vst v63  }
0xb5: {  	_ =	swait.ge [sflag:s25], $0x100  }
0xb6: {  	[sflag:s25] =	ssyncset.done $0x0  }
0xb7: {  	[sflag:s25] =	ssyncadd.s32 $0xFFFFFF00  }
0xb8: {  	[tilespmem:s28], [sflag:$0x5] =	stream.indirect.gather [hbm4b:s4+s26], $0x80, s3, s26, $0xb8;
	[tilespmem:$0x1C400] =	vst v63  }
0xb9: {  	_ =	swait.ge [sflag:s29], $0x100  }
0xba: {  	[sflag:s29] =	ssyncset.done $0x0  }
0xbb: {  	[sflag:s29] =	ssyncadd.s32 $0xFFFFFF00  }
0xbc: {  	[tilespmem:s30], [sflag:$0x6] =	stream.indirect.gather [hbm4b:s4+s26], $0x80, s22, s26, $0xb8;
	[tilespmem:$0x1C400] =	vst v63  }
0xbd: {  	_ =	swait.ge [sflag:s31], $0x4000  }
0xbe: {  	[sflag:s31] =	ssyncset.done $0x0  }
0xbf: {  	[sflag:s31] =	ssyncadd.s32 $0xFFFFC000  }
0xc0: {  	[spmem:s1] =	stream.indirect.scatter.add.f32 [tilespmem:s28], [sflag:$0x7], $0x80, s26, s26, $0xb8;
	[tilespmem:$0x1C400] =	vst v63  }
0xc1: {  	_ =	swait.ge [sflag:s0], $0x4000  }
0xc2: {  	[sflag:s0] =	ssyncset.done $0x0  }
0xc3: {  	p1 =	por $0x0, $0x0;
	s6 =	simm.s32 $0x4;
	[sflag:s0] =	ssyncadd.s32 $0xFFFFC000  }
0xc4: {  	s6 =	simm.s32 @p1 $0x0;
	_ =	swait.ge [sflag:s2], $0x100  }
0xc5: {  	s6 =	sadd.s32 s8, s6;
	[sflag:s2] =	ssyncset.done $0x0  }
0xc6: {  	s6 =	sshll.u32 s6, $0x5;
	[sflag:s2] =	ssyncadd.s32 $0xFFFFFF00  }
0xc7: {  	[tilespmem:s28], [sflag:$0x5] =	stream.indirect.gather [hbm4b:s4+s26], $0x80, s23, s26, $0xb8;
	[tilespmem:$0x1C400] =	vst v63  }
0xc8: {  	s6 =	sadd.s32 s5, s6  }
0xc9: {  	[tilespmem:s3], [sflag:$0x1] =	stream.linear.gather [hbm4b:s6+s3], $0x100, $0x38;
	[tilespmem:$0x1C400] =	vst v63  }
0xca: {  	_ =	swait.ge [sflag:s10], $0x4000  }
0xcb: {  	[sflag:s10] =	ssyncset.done $0x0  }
0xcc: {  	[sflag:s10] =	ssyncadd.s32 $0xFFFFC000  }
0xcd: {  	[spmem:s1] =	stream.indirect.scatter.add.f32 [tilespmem:s30], [sflag:$0x8], $0x80, s12, s26, $0xb8;
	[tilespmem:$0x1C400] =	vst v63  }
0xce: {  	_ =	swait.ge [sflag:s13], $0x4000  }
0xcf: {  	[sflag:s13] =	ssyncset.done $0x0  }
0xd0: {  	s6 =	simm.s32 $0x5;
	[sflag:s13] =	ssyncadd.s32 $0xFFFFC000  }
0xd1: {  	s6 =	simm.s32 @p1 $0x1;
	_ =	swait.ge [sflag:s14], $0x100  }
0xd2: {  	s6 =	sadd.s32 s8, s6;
	[sflag:s14] =	ssyncset.done $0x0  }
0xd3: {  	s6 =	sshll.u32 s6, $0x5;
	[sflag:s14] =	ssyncadd.s32 $0xFFFFFF00  }
0xd4: {  	[tilespmem:s30], [sflag:$0x6] =	stream.indirect.gather [hbm4b:s4+s26], $0x80, s24, s26, $0xb8;
	[tilespmem:$0x1C400] =	vst v63  }
0xd5: {  	s6 =	sadd.s32 s5, s6  }
0xd6: {  	[tilespmem:s22], [sflag:$0x2] =	stream.linear.gather [hbm4b:s6+s3], $0x100, $0x38;
	[tilespmem:$0x1C400] =	vst v63  }
0xd7: {  	_ =	swait.ge [sflag:s31], $0x4000  }
0xd8: {  	[sflag:s31] =	ssyncset.done $0x0  }
0xd9: {  	[sflag:s31] =	ssyncadd.s32 $0xFFFFC000  }
0xda: {  	[spmem:s1] =	stream.indirect.scatter.add.f32 [tilespmem:s28], [sflag:$0x7], $0x80, s15, s26, $0xb8;
	[tilespmem:$0x1C400] =	vst v63  }
0xdb: {  	_ =	swait.ge [sflag:s0], $0x4000  }
0xdc: {  	[sflag:s0] =	ssyncset.done $0x0  }
0xdd: {  	s6 =	simm.s32 $0x6;
	[sflag:s0] =	ssyncadd.s32 $0xFFFFC000  }
0xde: {  	s6 =	simm.s32 @p1 $0x2;
	_ =	swait.ge [sflag:s25], $0x100  }
0xdf: {  	s6 =	sadd.s32 s8, s6;
	[sflag:s25] =	ssyncset.done $0x0  }
0xe0: {  	s6 =	sshll.u32 s6, $0x5;
	[sflag:s25] =	ssyncadd.s32 $0xFFFFFF00  }
0xe1: {  	[tilespmem:s28], [sflag:$0x5] =	stream.indirect.gather [hbm4b:s4+s26], $0x80, s3, s26, $0xb8;
	[tilespmem:$0x1C400] =	vst v63  }
0xe2: {  	s6 =	sadd.s32 s5, s6  }
0xe3: {  	[tilespmem:s23], [sflag:$0x3] =	stream.linear.gather [hbm4b:s6+s3], $0x100, $0x38;
	[tilespmem:$0x1C400] =	vst v63  }
0xe4: {  	s6 =	simm.s32 $0x7;
	_ =	swait.ge [sflag:s10], $0x4000  }
0xe5: {  	s6 =	simm.s32 @p1 $0x3;
	[sflag:s10] =	ssyncset.done $0x0  }
0xe6: {  	s6 =	sadd.s32 s8, s6;
	[sflag:s10] =	ssyncadd.s32 $0xFFFFC000  }
0xe7: {  	[spmem:s1] =	stream.indirect.scatter.add.f32 [tilespmem:s30], [sflag:$0x8], $0x80, s16, s26, $0xb8;
	[tilespmem:$0x1C400] =	vst v63  }
0xe8: {  	s6 =	sshll.u32 s6, $0x5;
	_ =	swait.ge [sflag:s13], $0x4000  }
0xe9: {  	s9 =	simm.s32 $0xB;
	s6 =	sadd.s32 s5, s6;
	[sflag:s13] =	ssyncset.done $0x0  }
.LBB2_3:
0xea: {  	p1 =	seq.s32 s9, $0x73  }
0xeb: {  	[sflag:s13] =	ssyncadd.s32 $0xFFFFC000;
	s18 =	smov.u32 s9;
	s9 =	sadd.s32 $0x4, s9  }
0xec: {  	[tilespmem:s24], [sflag:$0x4] =	stream.linear.gather [hbm4b:s6+s3], $0x100, $0x38;
	[tilespmem:$0x1C400] =	vst v63  }
0xed: {  	s6 =	smov.u32 s18  }
0xee: {  	_ =	swait.ge [sflag:s29], $0x100;
	s6 =	simm.s32 @p1 $0x3  }
0xef: {  	[sflag:s29] =	ssyncset.done $0x0;
	s6 =	sadd.s32 s8, s6  }
0xf0: {  	[sflag:s29] =	ssyncadd.s32 $0xFFFFFF00;
	s6 =	sshll.u32 s6, $0x5  }
0xf1: {  	[tilespmem:s30], [sflag:$0x6] =	stream.indirect.gather [hbm4b:s4+s26], $0x80, s22, s26, $0xb8;
	[tilespmem:$0x1C400] =	vst v63  }
0xf2: {  	s6 =	sadd.s32 s5, s6;
	_ =	swait.ge [sflag:s31], $0x4000  }
0xf3: {  	[sflag:s31] =	ssyncset.done $0x0  }
0xf4: {  	[sflag:s31] =	ssyncadd.s32 $0xFFFFC000  }
0xf5: {  	[spmem:s1] =	stream.indirect.scatter.add.f32 [tilespmem:s28], [sflag:$0x7], $0x80, s26, s26, $0xb8;
	[tilespmem:$0x1C400] =	vst v63  }
0xf6: {  	_ =	swait.ge [sflag:s0], $0x4000  }
0xf7: {  	[sflag:s0] =	ssyncset.done $0x0  }
0xf8: {  	s19 =	sadd.s32 $0xFFFFFFFD, s18;
	[sflag:s0] =	ssyncadd.s32 $0xFFFFC000  }
0xf9: {  	s19 =	simm.s32 @p1 $0x0;
	_ =	swait.ge [sflag:s2], $0x100  }
0xfa: {  	s19 =	sadd.s32 s8, s19;
	[sflag:s2] =	ssyncset.done $0x0  }
0xfb: {  	s19 =	sshll.u32 s19, $0x5;
	[sflag:s2] =	ssyncadd.s32 $0xFFFFFF00  }
0xfc: {  	[tilespmem:s28], [sflag:$0x5] =	stream.indirect.gather [hbm4b:s4+s26], $0x80, s23, s26, $0xb8;
	[tilespmem:$0x1C400] =	vst v63  }
0xfd: {  	s19 =	sadd.s32 s5, s19  }
0xfe: {  	[tilespmem:s3], [sflag:$0x1] =	stream.linear.gather [hbm4b:s19+s3], $0x100, $0x38;
	[tilespmem:$0x1C400] =	vst v63  }
0xff: {  	_ =	swait.ge [sflag:s10], $0x4000  }
0x100: {  	[sflag:s10] =	ssyncset.done $0x0  }
0x101: {  	[sflag:s10] =	ssyncadd.s32 $0xFFFFC000  }
0x102: {  	[spmem:s1] =	stream.indirect.scatter.add.f32 [tilespmem:s30], [sflag:$0x8], $0x80, s12, s26, $0xb8;
	[tilespmem:$0x1C400] =	vst v63  }
0x103: {  	_ =	swait.ge [sflag:s13], $0x4000  }
0x104: {  	[sflag:s13] =	ssyncset.done $0x0  }
0x105: {  	s19 =	sadd.s32 $0xFFFFFFFE, s18;
	[sflag:s13] =	ssyncadd.s32 $0xFFFFC000  }
0x106: {  	s19 =	simm.s32 @p1 $0x1;
	_ =	swait.ge [sflag:s14], $0x100  }
0x107: {  	s19 =	sadd.s32 s8, s19;
	[sflag:s14] =	ssyncset.done $0x0  }
0x108: {  	s19 =	sshll.u32 s19, $0x5;
	[sflag:s14] =	ssyncadd.s32 $0xFFFFFF00  }
0x109: {  	[tilespmem:s30], [sflag:$0x6] =	stream.indirect.gather [hbm4b:s4+s26], $0x80, s24, s26, $0xb8;
	[tilespmem:$0x1C400] =	vst v63  }
0x10a: {  	s19 =	sadd.s32 s5, s19  }
0x10b: {  	[tilespmem:s22], [sflag:$0x2] =	stream.linear.gather [hbm4b:s19+s3], $0x100, $0x38;
	[tilespmem:$0x1C400] =	vst v63  }
0x10c: {  	_ =	swait.ge [sflag:s31], $0x4000  }
0x10d: {  	[sflag:s31] =	ssyncset.done $0x0  }
0x10e: {  	[sflag:s31] =	ssyncadd.s32 $0xFFFFC000  }
0x10f: {  	[spmem:s1] =	stream.indirect.scatter.add.f32 [tilespmem:s28], [sflag:$0x7], $0x80, s15, s26, $0xb8;
	[tilespmem:$0x1C400] =	vst v63  }
0x110: {  	_ =	swait.ge [sflag:s0], $0x4000  }
0x111: {  	[sflag:s0] =	ssyncset.done $0x0  }
0x112: {  	s18 =	sadd.s32 $0xFFFFFFFF, s18;
	[sflag:s0] =	ssyncadd.s32 $0xFFFFC000  }
0x113: {  	s18 =	simm.s32 @p1 $0x2;
	_ =	swait.ge [sflag:s25], $0x100  }
0x114: {  	s18 =	sadd.s32 s8, s18;
	[sflag:s25] =	ssyncset.done $0x0  }
0x115: {  	s18 =	sshll.u32 s18, $0x5;
	[sflag:s25] =	ssyncadd.s32 $0xFFFFFF00  }
0x116: {  	[tilespmem:s28], [sflag:$0x5] =	stream.indirect.gather [hbm4b:s4+s26], $0x80, s3, s26, $0xb8;
	[tilespmem:$0x1C400] =	vst v63  }
0x117: {  	s18 =	sadd.s32 s5, s18  }
0x118: {  	[tilespmem:s23], [sflag:$0x3] =	stream.linear.gather [hbm4b:s18+s3], $0x100, $0x38;
	[tilespmem:$0x1C400] =	vst v63  }
0x119: {  	_ =	swait.ge [sflag:s10], $0x4000  }
.Ltmp5:
0x11a: {  	[sflag:s10] =	ssyncset.done $0x0;
	(pc) =	sbr.rel @!p1 .LBB2_3-.Ltmp5, $4  }
0x11b: {  	[sflag:s10] =	ssyncadd.s32 $0xFFFFC000  }
0x11c: {  	[spmem:s1] =	stream.indirect.scatter.add.f32 [tilespmem:s30], [sflag:$0x8], $0x80, s16, s26, $0xb8;
	[tilespmem:$0x1C400] =	vst v63  }
0x11d: {  	_ =	swait.ge [sflag:s13], $0x4000  }
0x11e: {  	[sflag:s13] =	ssyncset.done $0x0  }
.Ltmp6:
0x11f: {  	(pc) =	sbr.rel .LBB2_8-.Ltmp6, $3  }
0x120: {  	_ =	sdelay $0x1  }
0x121: {  	[sflag:s13] =	ssyncadd.s32 $0xFFFFC000  }
0x122: {  	[tilespmem:s24], [sflag:$0x4] =	stream.linear.gather [hbm4b:s6+s3], $0x100, $0x38;
	[tilespmem:$0x1C400] =	vst v63  }
.LBB2_9:
0x123: {  	_ =	sfence.sel $0x180000  }
0x124: {  	[bflag:$0x0] =	sbarrier.arrive $0xFFFF  }
0x125: {  	_ =	strace $0x9000004D  }
0x126: {  	s0 =	stileid.u32;
	[bflag:$0x2] =	sbarrier.arrive $0xFFFF  }
0x127: {  	p0 =	sne.s32 s0, $0x0;
	s0 =	rddreg [dreg:$0x2]  }
0x128: {  	s0 =	sadd.s32 @!p0 $0x100000, s0  }
0x129: {  	[sflag:s0] =	ssyncadd.tile.s32 @!p0 $0x1;
	_ =	shalt  }
.Lfunc_end2:
_tile_overlayer_lowered:
.L_overlay_start_2:
0x12a: {  	(tag) =	ssettag $0x2  }
0x12b: {  	s0 =	rddreg [dreg:$0x0];
	s2 =	stileid.u32  }
0x12c: {  	s1 =	rddreg [dreg:$0x1];
	p0 =	sne.s32 s2, $0x0  }
0x12d: {  	s3 =	rddreg [dreg:$0x2];
	[bflag:$0x3] =	sbarrier.arrive $0xFFFF;
	s2 =	simm.s32 @!p0 $0x1C09  }
0x12e: {  	[timem:s3], [sflag:s2] =	dma.local @!p0 [hbm:s0], s1  }
0x12f: {  	s0 =	simm.s32 @!p0 $0x9  }
0x130: {  	_ =	swait.ge @!p0 [sflag:s0], s1  }
0x131: {  	s1 =	ssub.s32 @!p0 $0x0, s1;
	[sflag:s0] =	ssyncset.done @!p0 $0x0  }
0x132: {  	[sflag:s0] =	ssyncadd.s32 @!p0 s1  }
0x133: {  	[bflag:$0x3] =	sbarrier.arrive $0xFFFF  }
0x134: {  	_ =	shalt  }

// kernel: kernel.20.cloned.1.call-start
scs
__scs_entry_jumppad:
0x0: {  	(pc) =	sbr.rel $0x88, $3  }
0x1: {  	(tag) =	ssettag $0x0;
	lr =	simm.s32 $0x1  }
0x2: {  	[smem:$0x3F97] =	sst lr;
	_ =	strace $0xD0000000  }
0x3: {  	_ = 	snop  }
0x4: {  	_ = 	snop  }
0x5: {  	_ = 	snop  }
0x6: {  	_ = 	snop  }
0x7: {  	_ = 	snop  }
__scs_overlays_trampoline_lowered:
0x8: {  	[smem:$0x3FA6] =	sst s0  }
0x9: {  	[smem:$0x3FA7] =	sst s1  }
0xa: {  	[smem:$0x3FA8] =	sst s2  }
0xb: {  	[smem:$0x3FA9] =	sst s3  }
0xc: {  	[smem:$0x3FAA] =	sst s4  }
0xd: {  	[smem:$0x3FAB] =	sst s5  }
0xe: {  	[smem:$0x3FAC] =	sst s6  }
0xf: {  	[smem:$0x3FAD] =	sst s7  }
0x10: {  	[smem:$0x3FAE] =	sst s8  }
0x11: {  	[smem:$0x3FAF] =	sst s9;
	s0 =	simm.s32 @!p0 $0x0  }
0x12: {  	s1 =	sld [smem:$0x3F95];
	s0 =	simm.s32 @p0 $0x1  }
0x13: {  	[smem:$0x3FB0] =	sst s0;
	s0 =	simm.s32 @!p1 $0x0  }
0x14: {  	s2 =	sld [smem:$0x3F94];
	s0 =	simm.s32 @p1 $0x1  }
0x15: {  	[smem:$0x3FB1] =	sst s0;
	s0 =	simm.s32 @!p2 $0x0  }
0x16: {  	s3 =	sld [smem:$0x3FDB];
	s0 =	simm.s32 @p2 $0x1  }
0x17: {  	s4 =	simm.s32 $0x1BF5;
	[smem:$0x3FB3] =	sst s0  }
0x18: {  	s0 =	sld [smem:$0x3F96];
	_ =	swait.ge [sflag:s4], $0x0  }
0x19: {  	s7 =	sld [smem:$0x3F97]  }
0x1a: {  	s8 =	sadd.s32 $0xFFFFE003, lr  }
0x1b: {  	s9 =	sadd.s32 $0xFFFFFEF7, lr;
	s5 =	simm.s32 $0xFFFFFFFF;
	p2 =	slt.u32 s8, $0xFFFFF086  }
0x1c: {  	p1 =	slt.u32 s9, $0xF7A;
	s5 =	simm.s32 @!p2 $0x0  }
0x1d: {  	s5 =	simm.s32 @p1 $0x1;
	p0 =	seq.s32 s7, s2  }
0x1e: {  	s7 =	smul.u32 @!p0 $0xF7A, s2;
	p2 =	seq.s32 @!p0 s5, $0x0  }
0x1f: {  	s9 =	smul.u32 $0xF7A, s1;
	s8 =	simm.s32 @!p0 $0x1BF5;
	p2 =	por !p2, p0  }
0x20: {  	[sflag:s8] =	ssyncset.s32 @!p0 $0xFFFFF086;
	s6 =	sadd.s32 @!p0 s3, s7;
	s7 =	simm.s32 @!p0 $0x108  }
0x21: {  	s3 =	sadd.s32 s3, s9;
	s6 =	sadd.s32 @!p0 $0x88, s6;
	s7 =	simm.s32 @p2 $0x1082  }
0x22: {  	[simem:s7], [sflag:s8] =	dma.local @!p0 [hbm:s6], $0xF7A  }
0x23: {  	s9 =	sor.u32 $0xD0000000, s2;
	s6 =	simm.s32 $0x108;
	_ =	swait.ge @!p0 [sflag:s8], $0x0  }
0x24: {  	s3 =	sadd.s32 $0x88, s3;
	s6 =	simm.s32 @!p1 $0x1082;
	[sflag:s4] =	ssyncset.s32 $0xFFFFF086  }
0x25: {  	[simem:s6], [sflag:s4] =	dma.local [hbm:s3], $0xF7A  }
0x26: {  	[smem:$0x3F97] =	sst s1;
	(tag) =	ssettag s2;
	_ =	strace s9  }
0x27: {  	s1 =	sld [smem:$0x3FA7]  }
0x28: {  	s2 =	sld [smem:$0x3FA8]  }
0x29: {  	s4 =	sld [smem:$0x3FAA]  }
0x2a: {  	p0 =	seq.s32 s5, $0x0;
	s5 =	sld [smem:$0x3FAB]  }
0x2b: {  	s6 =	sld [smem:$0x3FAC]  }
0x2c: {  	s7 =	sld [smem:$0x3FAD]  }
0x2d: {  	s3 =	simm.s32 $0x108;
	s8 =	sld [smem:$0x3FAE]  }
0x2e: {  	s3 =	simm.s32 @!p0 $0x1082;
	s9 =	sld [smem:$0x3FAF]  }
0x2f: {  	lr =	sadd.s32 s0, s3;
	s0 =	sld [smem:$0x3FA6]  }
0x30: {  	s3 =	sld [smem:$0x3FA9]  }
0x31: {  	[smem:$0x3FB2] =	sst s10  }
0x32: {  	s10 =	sld [smem:$0x3FB0];
	_ =	sdelay $0x3  }
0x33: {  	p0 =	seq.s32 s10, $0x1;
	s10 =	sld [smem:$0x3FB2];
	_ =	sdelay $0x3  }
0x34: {  	[smem:$0x3FB2] =	sst s10  }
0x35: {  	s10 =	sld [smem:$0x3FB1];
	_ =	sdelay $0x3  }
0x36: {  	p1 =	seq.s32 s10, $0x1;
	s10 =	sld [smem:$0x3FB2];
	_ =	sdelay $0x3  }
0x37: {  	[smem:$0x3FB2] =	sst s10  }
0x38: {  	s10 =	sld [smem:$0x3FB3]  }
0x39: {  	_ = 	snop;
	(pc) =	sbr.ind lr, $3  }
0x3a: {  	_ = 	snop  }
0x3b: {  	_ = 	snop  }
0x3c: {  	p2 =	seq.s32 s10, $0x1;
	s10 =	sld [smem:$0x3FB2]  }
0x3d: {  	_ =	shalt  }
0x3e: {  	_ =	shalt  }
0x3f: {  	_ =	shalt  }
0x40: {  	_ =	shalt  }
0x41: {  	_ =	shalt  }
0x42: {  	_ =	shalt  }
0x43: {  	_ =	shalt  }
0x44: {  	_ =	shalt  }
0x45: {  	_ =	shalt  }
0x46: {  	_ =	shalt  }
0x47: {  	_ =	shalt  }
0x48: {  	_ =	shalt  }
0x49: {  	_ =	shalt  }
0x4a: {  	_ =	shalt  }
0x4b: {  	_ =	shalt  }
0x4c: {  	_ =	shalt  }
0x4d: {  	_ =	shalt  }
0x4e: {  	_ =	shalt  }
0x4f: {  	_ =	shalt  }
0x50: {  	_ =	shalt  }
0x51: {  	_ =	shalt  }
0x52: {  	_ =	shalt  }
0x53: {  	_ =	shalt  }
0x54: {  	_ =	shalt  }
0x55: {  	_ =	shalt  }
0x56: {  	_ =	shalt  }
0x57: {  	_ =	shalt  }
0x58: {  	_ =	shalt  }
0x59: {  	_ =	shalt  }
0x5a: {  	_ =	shalt  }
0x5b: {  	_ =	shalt  }
0x5c: {  	_ =	shalt  }
0x5d: {  	_ =	shalt  }
0x5e: {  	_ =	shalt  }
0x5f: {  	_ =	shalt  }
0x60: {  	_ =	shalt  }
0x61: {  	_ =	shalt  }
0x62: {  	_ =	shalt  }
0x63: {  	_ =	shalt  }
0x64: {  	_ =	shalt  }
0x65: {  	_ =	shalt  }
0x66: {  	_ =	shalt  }
0x67: {  	_ =	shalt  }
0x68: {  	_ =	shalt  }
0x69: {  	_ =	shalt  }
0x6a: {  	_ =	shalt  }
0x6b: {  	_ =	shalt  }
0x6c: {  	_ =	shalt  }
0x6d: {  	_ =	shalt  }
0x6e: {  	_ =	shalt  }
0x6f: {  	_ =	shalt  }
0x70: {  	_ =	shalt  }
0x71: {  	_ =	shalt  }
0x72: {  	_ =	shalt  }
0x73: {  	_ =	shalt  }
0x74: {  	_ =	shalt  }
0x75: {  	_ =	shalt  }
0x76: {  	_ =	shalt  }
0x77: {  	_ =	shalt  }
0x78: {  	_ =	shalt  }
0x79: {  	_ =	shalt  }
0x7a: {  	_ =	shalt  }
0x7b: {  	_ =	shalt  }
0x7c: {  	_ =	shalt  }
0x7d: {  	_ =	shalt  }
0x7e: {  	_ =	shalt  }
0x7f: {  	_ =	shalt  }
0x80: {  	_ =	shalt  }
0x81: {  	_ =	shalt  }
0x82: {  	_ =	shalt  }
0x83: {  	_ =	shalt  }
0x84: {  	_ =	shalt  }
0x85: {  	_ =	shalt  }
0x86: {  	_ =	shalt  }
0x87: {  	_ =	shalt  }
.Lfunc_end0:
.L_simem_size_0:
called_computation.3_lowered:
.L_overlay_start_0:
0x88: {  	s2 =	sld [smem:$0x3FD9]  }
0x89: {  	s3 =	sld [smem:$0x3FFE];
	_ =	sdelay $0x1  }
0x8a: {  	s1 =	srdreg.scid  }
0x8b: {  	s0 =	sand.u32 $0x1, s1  }
0x8c: {  	s16 =	sshll.u32 s0, $0xA;
	s2 =	sadd.s32 s3, s2  }
0x8d: {  	s2 =	sadd.s32 s2, s16  }
0x8e: {  	[smem:$0x3FBE] =	sst s2  }
0x8f: {  	_ = 	snop  }
0x90: {  	(tm) =	ssettm $0x1  }
0x91: {  	s17 =	sld [smem:$0x3FFB];
	_ =	sdelay $0x3  }
0x92: {  	_ =	strace s17  }
0x93: {  	s2 =	sld [smem:$0x3FFC];
	_ =	sdelay $0x3  }
0x94: {  	_ =	strace s2  }
0x95: {  	s2 =	sld [smem:$0x3FFD];
	_ =	sdelay $0x3  }
0x96: {  	_ =	strace s2  }
0x97: {  	_ =	strace $0x8FFFFFFF  }
0x98: {  	s18 =	sld [smem:$0x3FDB];
	_ =	sdelay $0x1  }
0x99: {  	s19 =	simm.s32 $_scs_section_size  }
0x9a: {  	s4 =	simm.s32 $_size__tile_overlayer_lowered;
	s5 =	simm.s32 $_tile_overlayer_lowered  }
0x9b: {  	s22 =	simm.s32 $0x1BFF;
	s21 =	sshll.u32 s5, $0x1;
	s2 =	sadd.s32 s19, s18  }
0x9c: {  	s6 =	simm.s32 $0x0;
	s20 =	sshll.u32 s4, $0x1;
	s4 =	sadd.s32 s21, s2  }
0x9d: {  	[timem:s6], [sflag:s22] =	dma.local [hbm:s4], s20  }
0x9e: {  	_ =	swait.ge [sflag:s22], s20  }
0x9f: {  	s3 =	ssub.s32 $0x0, s20;
	[sflag:s22] =	ssyncset.done $0x0  }
0xa0: {  	[sflag:s22] =	ssyncadd.s32 s3;
	_ =	sdelay $0x1  }
0xa1: {  	s23 =	simm.s32 $0x1B8B  }
0xa2: {  	_ =	swait.ge [sflag:s23], $0x1  }
0xa3: {  	[sflag:s23] =	ssyncset.done $0x0  }
0xa4: {  	s25 =	simm.s32 $0x1B8E;
	s24 =	sld [smem:$0x3FFE];
	[sflag:s23] =	ssyncadd.s32 $0xFFFFFFFF  }
0xa5: {  	s26 =	simm.s32 $execute0_lowered;
	[smem:$0x3FD2] =	sst s25  }
0xa6: {  	s4 =	sshll.u32 s26, $0x1;
	_ =	strace $0x8000004F;
	[dreg:$0x1] =	wrdreg $0xFFFFFFFF  }
0xa7: {  	s28 =	simm.s32 $_size_execute0_lowered;
	s2 =	sadd.s32 s2, s4;
	[dreg:$0x0] =	wrdreg $0x0  }
0xa8: {  	s4 =	sshll.u32 s28, $0x1;
	[dreg:$0x2] =	wrdreg s2  }
0xa9: {  	[dreg:$0x3] =	wrdreg s4  }
0xaa: {  	[dreg:$0x4] =	wrdreg $0xC0  }
0xab: {  	_ =	task [dreg:s6], $0x5FFFF  }
0xac: {  	[dreg:$0x1] =	wrdreg $0xFFFFFFFF  }
0xad: {  	[dreg:$0x0] =	wrdreg $0x60  }
0xae: {  	[dreg:$0x2] =	wrdreg s24  }
0xaf: {  	[dreg:$0x3] =	wrdreg $0x84000  }
0xb0: {  	[dreg:$0x4] =	wrdreg $0x9  }
0xb1: {  	_ =	task.clear_ibuf [dreg:s6], $0x5FFFF;
	_ =	strace $0x9000004F  }
0xb2: {  	s29 =	simm.s32 $0x9;
	_ =	strace $0x80000051  }
0xb3: {  	_ =	swait.ge [sflag:s29], $0x1  }
0xb4: {  	[sflag:s29] =	ssyncadd.s32 $0xFFFFFFFF  }
0xb5: {  	_ =	strace $0x90000051  }
0xb6: {  	_ =	sfence  }
0xb7: {  	s30 =	sld [smem:$0x0];
	_ =	sdelay $0x2  }
0xb8: {  	s31 =	sshll.u32 s1, $0xD;
	s1 =	sshrl.u32 s1, $0x2  }
0xb9: {  	s3 =	sand.u32 $0x4000, s31;
	s1 =	sadd.s32 s1, s30  }
0xba: {  	s0 =	sor.u32 s3, s0;
	s1 =	sshll.u32 s1, $0x11  }
0xbb: {  	s0 =	sor.u32 s1, s0  }
0xbc: {  	s0 =	sadd.s32 $0x8F2B, s0  }
0xbd: {  	[sflag:s0] =	ssyncadd.remote.s32 $0x1  }
0xbe: {  	_ =	sfence.sel $0xFFFF  }
0xbf: {  	[dreg:$0x0] =	wrdreg $0xFFFFFFFF;
	(pc) =	sbr.abs _section_cstart, $3  }
0xc0: {  	[dreg:$0x1] =	wrdreg $0xFFFFFFFF  }
0xc1: {  	_ =	task.clear_ibuf [dreg:s6], $0x2FFFF;
	_ =	strace $0x9FFFFFFF  }
0xc2: {  	(tm) =	ssettm $0x7FFFFFFF  }
0xc3: {  	_ =	shalt  }
tec
execute0_lowered:
.L_overlay_start_1:
0x0: {  	(tag) =	ssettag $0x1  }
0x1: {  	s0 =	rddreg [dreg:$0x0]  }
0x2: {  	s1 =	rddreg [dreg:$0x1]  }
0x3: {  	s2 =	srdreg.scid;
	s11 =	stileid.u32  }
0x4: {  	s3 =	simm.s32 $0x0;
	s28 =	simm.s32 $0x400;
	s7 =	smul.u32 $0x14000, s11  }
0x5: {  	s29 =	simm.s32 $0x2;
	s30 =	simm.s32 $0x4400;
	s9 =	smul.u32 $0x50000, s11  }
0x6: {  	s31 =	simm.s32 $0x5;
	s2 =	sand.u32 $0x1, s2;
	s10 =	smul.u32 $0xE00, s11  }
0x7: {  	[smem:$0x7FF] =	sst s3;
	s4 =	sadd.s32 $0x74C00, s0;
	s19 =	smul.u32 $0x30, s11  }
0x8: {  	s5 =	sadd.s32 $0x60C00, s0;
	s8 =	sadd.s32 $0xDC00, s0;
	s13 =	smul.u32 $0x3000, s11  }
0x9: {  	s18 =	sshll.u32 s11, $0x6;
	s6 =	smul.u32 $0x140000, s2;
	_ =	strace $0x80000050  }
0xa: {  	[dreg:$0x3] =	wrdreg s8;
	s14 =	ssub.s32 $0x2, s2;
	p0 =	seq.s32 s2, $0x1  }
0xb: {  	s8 =	smul.u32 $0x70, s11;
	s15 =	sshrl.u32 s14, $0x1;
	s17 =	sshrl.u32 s9, $0x2  }
0xc: {  	s10 =	sadd.s32 s5, s10;
	s11 =	sadd.s32 $0x700, s19;
	s21 =	sshrl.u32 s13, $0x3  }
0xd: {  	s13 =	simm.s32 $0x8;
	s6 =	sadd.s32 s7, s6;
	s16 =	ssub.s32 s14, s15  }
0xe: {  	s12 =	sadd.s32 s17, s1;
	s7 =	sor.u32 $0x1C09, s18;
	s20 =	sadd.s32 $0x20, s10  }
0xf: {  	s22 =	sadd.s32 $0x40, s10;
	s23 =	sshll.u32 s11, $0x5;
	s2 =	sadd.s32 s5, s21  }
0x10: {  	[dreg:$0x4] =	wrdreg s10;
	s10 =	sadd.s32 $0x60, s10;
	s21 =	simm.s32 $0x9  }
0x11: {  	s14 =	simm.s32 $0x4;
	s15 =	simm.s32 $0x280;
	[dreg:$0x5] =	wrdreg s20  }
0x12: {  	s17 =	simm.s32 $0x0;
	s6 =	sshrl.u32 s6, $0x3;
	[dreg:$0x6] =	wrdreg s22  }
0x13: {  	[dreg:$0x7] =	wrdreg s10;
	s9 =	sadd.s32 s5, s23;
	s24 =	sadd.s32 $0xE020, s2  }
0x14: {  	s25 =	sadd.s32 $0xE040, s2;
	s2 =	sadd.s32 $0xE060, s2;
	[dreg:$0x8] =	wrdreg s9  }
0x15: {  	s26 =	smax.u32 s16, $0x1;
	s22 =	simm.s32 $0x100;
	[dreg:$0x9] =	wrdreg s24  }
0x16: {  	s23 =	simm.s32 $0x200;
	s10 =	simm.s32 $0x6;
	[dreg:$0xa] =	wrdreg s25  }
.Ltmp0:
0x17: {  	s16 =	simm.s32 $0x380;
	[dreg:$0xb] =	wrdreg s2;
	(pc) =	sbr.rel .LBB2_1-.Ltmp0, $4  }
0x18: {  	s0 =	sadd.s32 s6, s0;
	[dreg:$0xd] =	wrdreg s26;
	s9 =	sshrl.u32 s12, $0x3  }
0x19: {  	s24 =	simm.s32 $0x300;
	s25 =	simm.s32 $0x1;
	s26 =	simm.s32 $0x80  }
0x1a: {  	s2 =	simm.s32 $0x3;
	s20 =	sadd.s32 $0x9BE00, s0;
	[dreg:$0xe] =	wrdreg s9  }
0x1b: {  	s12 =	simm.s32 $0x180;
	s0 =	simm.s32 $0x7;
	[dreg:$0xc] =	wrdreg s20  }
.LBB2_7:
0x1c: {  	[sflag:s13] =	ssyncadd.s32 $0xFFFFC000;
	s7 =	smov.u32 s20;
	s20 =	rddreg [dreg:$0xc]  }
0x1d: {  	[tilespmem:s24], [sflag:$0x4] =	stream.linear.gather [hbm4b:s6+s3], $0x100, $0x38;
	[tilespmem:$0x1C400] =	vst v63  }
.LBB2_8:
0x1e: {  	_ =	swait.ge [sflag:s31], $0x4000  }
0x1f: {  	[sflag:s31] =	ssyncset.done $0x0  }
0x20: {  	[sflag:s31] =	ssyncadd.s32 $0xFFFFC000  }
0x21: {  	_ =	swait.ge [sflag:s29], $0x100  }
0x22: {  	[sflag:s29] =	ssyncset.done $0x0  }
0x23: {  	[sflag:s29] =	ssyncadd.s32 $0xFFFFFF00  }
0x24: {  	_ =	swait.ge [sflag:s2], $0x100  }
0x25: {  	[sflag:s2] =	ssyncset.done $0x0  }
0x26: {  	[sflag:s2] =	ssyncadd.s32 $0xFFFFFF00  }
0x27: {  	_ =	swait.ge [sflag:s14], $0x100  }
0x28: {  	[sflag:s14] =	ssyncset.done $0x0  }
0x29: {  	[sflag:s14] =	ssyncadd.s32 $0xFFFFFF00  }
0x2a: {  	[bflag:$0x0] =	sbarrier.arrive $0xFFFF  }
0x2b: {  	s9 =	rddreg [dreg:$0xe]  }
0x2c: {  	[hbm:s20], [sflag:s7] =	dma.local [spmem:s9], $0x2800  }
0x2d: {  	_ =	swait.ge [sflag:s21], $0x2800  }
0x2e: {  	s17 =	sadd.s32 $0x1, s17;
	s6 =	rddreg [dreg:$0xd]  }
0x2f: {  	p1 =	sne.s32 s17, s6  }
.Ltmp1:
0x30: {  	_ = 	snop;
	(pc) =	sbr.rel @!p1 .LBB2_9-.Ltmp1, $3  }
0x31: {  	_ =	sdelay $0x1  }
0x32: {  	[sflag:s21] =	ssyncset.done $0x0  }
0x33: {  	[sflag:s21] =	ssyncadd.s32 $0xFFFFD800  }
.LBB2_1:
0x34: {  	s6 =	rddreg [dreg:$0x3]  }
0x35: {  	[spmem:s9], [sflag:s7] =	dma.local [hbm:s6], $0x2800  }
.Ltmp2:
0x36: {  	_ =	swait.ge [sflag:s21], $0x2800;
	(pc) =	sbr.rel @!p0 .LBB2_2-.Ltmp2, $3  }
0x37: {  	[sflag:s21] =	ssyncset.done $0x0  }
0x38: {  	[sflag:s21] =	ssyncadd.s32 $0xFFFFD800  }
0x39: {  	[bflag:$0x0] =	sbarrier.arrive $0xFFFF;
	_ =	sdelay $0x1  }
0x3a: {  	s6 =	rddreg [dreg:$0x8]  }
0x3b: {  	[tilespmem:s3], [sflag:$0x1] =	stream.linear.gather [hbm4b:s6+s3], $0x100, $0x38;
	[tilespmem:$0x1C400] =	vst v63  }
0x3c: {  	s20 =	smov.u32 s7;
	s7 =	rddreg [dreg:$0x9]  }
0x3d: {  	[tilespmem:s22], [sflag:$0x2] =	stream.linear.gather [hbm4b:s7+s3], $0x100, $0x38;
	[tilespmem:$0x1C400] =	vst v63  }
0x3e: {  	s9 =	rddreg [dreg:$0xa]  }
0x3f: {  	[tilespmem:s23], [sflag:$0x3] =	stream.linear.gather [hbm4b:s9+s3], $0x100, $0x38;
	[tilespmem:$0x1C400] =	vst v63  }
0x40: {  	s18 =	rddreg [dreg:$0xb]  }
0x41: {  	[tilespmem:s24], [sflag:$0x4] =	stream.linear.gather [hbm4b:s18+s3], $0x100, $0x38;
	[tilespmem:$0x1C400] =	vst v63  }
0x42: {  	_ =	swait.ge [sflag:s25], $0x100  }
0x43: {  	[sflag:s25] =	ssyncset.done $0x0  }
0x44: {  	[sflag:s25] =	ssyncadd.s32 $0xFFFFFF00  }
0x45: {  	[tilespmem:s28], [sflag:$0x5] =	stream.indirect.gather [hbm4b:s4+s26], $0x80, s3, s26, $0xb8;
	[tilespmem:$0x1C400] =	vst v63  }
0x46: {  	_ =	swait.ge [sflag:s29], $0x100  }
0x47: {  	[sflag:s29] =	ssyncset.done $0x0  }
0x48: {  	[sflag:s29] =	ssyncadd.s32 $0xFFFFFF00  }
0x49: {  	[tilespmem:s30], [sflag:$0x6] =	stream.indirect.gather [hbm4b:s4+s26], $0x80, s22, s26, $0xb8;
	[tilespmem:$0x1C400] =	vst v63  }
0x4a: {  	_ =	swait.ge [sflag:s31], $0x4000  }
0x4b: {  	[sflag:s31] =	ssyncset.done $0x0  }
0x4c: {  	[sflag:s31] =	ssyncadd.s32 $0xFFFFC000  }
0x4d: {  	[spmem:s1] =	stream.indirect.scatter.add.f32 [tilespmem:s28], [sflag:$0x7], $0x80, s26, s26, $0xb8;
	[tilespmem:$0x1C400] =	vst v63  }
0x4e: {  	_ =	swait.ge [sflag:s0], $0x4000  }
0x4f: {  	p1 =	por $0x0, $0x0;
	s6 =	simm.s32 $0x4;
	[sflag:s0] =	ssyncset.done $0x0  }
0x50: {  	s6 =	simm.s32 @p1 $0x0;
	[sflag:s0] =	ssyncadd.s32 $0xFFFFC000  }
0x51: {  	s6 =	sadd.s32 s11, s6;
	_ =	swait.ge [sflag:s2], $0x100  }
0x52: {  	s6 =	sshll.u32 s6, $0x5;
	[sflag:s2] =	ssyncset.done $0x0  }
0x53: {  	s6 =	sand.u32 $0x1FFFFF80, s6;
	[sflag:s2] =	ssyncadd.s32 $0xFFFFFF00  }
0x54: {  	[tilespmem:s28], [sflag:$0x5] =	stream.indirect.gather [hbm4b:s4+s26], $0x80, s23, s26, $0xb8;
	[tilespmem:$0x1C400] =	vst v63  }
0x55: {  	s6 =	sadd.s32 s5, s6  }
0x56: {  	[tilespmem:s3], [sflag:$0x1] =	stream.linear.gather [hbm4b:s6+s3], $0x100, $0x38;
	[tilespmem:$0x1C400] =	vst v63  }
0x57: {  	_ =	swait.ge [sflag:s10], $0x4000  }
0x58: {  	[sflag:s10] =	ssyncset.done $0x0  }
0x59: {  	[sflag:s10] =	ssyncadd.s32 $0xFFFFC000  }
0x5a: {  	[spmem:s1] =	stream.indirect.scatter.add.f32 [tilespmem:s30], [sflag:$0x8], $0x80, s12, s26, $0xb8;
	[tilespmem:$0x1C400] =	vst v63  }
0x5b: {  	_ =	swait.ge [sflag:s13], $0x4000  }
0x5c: {  	s6 =	simm.s32 $0x5;
	[sflag:s13] =	ssyncset.done $0x0  }
0x5d: {  	s6 =	simm.s32 @p1 $0x1;
	[sflag:s13] =	ssyncadd.s32 $0xFFFFC000  }
0x5e: {  	s6 =	sadd.s32 s11, s6;
	_ =	swait.ge [sflag:s14], $0x100  }
0x5f: {  	s6 =	sshll.u32 s6, $0x5;
	[sflag:s14] =	ssyncset.done $0x0  }
0x60: {  	s6 =	sand.u32 $0x1FFFFFA0, s6;
	[sflag:s14] =	ssyncadd.s32 $0xFFFFFF00  }
0x61: {  	[tilespmem:s30], [sflag:$0x6] =	stream.indirect.gather [hbm4b:s4+s26], $0x80, s24, s26, $0xb8;
	[tilespmem:$0x1C400] =	vst v63  }
0x62: {  	s6 =	sadd.s32 s5, s6  }
0x63: {  	[tilespmem:s22], [sflag:$0x2] =	stream.linear.gather [hbm4b:s6+s3], $0x100, $0x38;
	[tilespmem:$0x1C400] =	vst v63  }
0x64: {  	_ =	swait.ge [sflag:s31], $0x4000  }
0x65: {  	[sflag:s31] =	ssyncset.done $0x0  }
0x66: {  	[sflag:s31] =	ssyncadd.s32 $0xFFFFC000  }
0x67: {  	[spmem:s1] =	stream.indirect.scatter.add.f32 [tilespmem:s28], [sflag:$0x7], $0x80, s15, s26, $0xb8;
	[tilespmem:$0x1C400] =	vst v63  }
0x68: {  	_ =	swait.ge [sflag:s0], $0x4000  }
0x69: {  	s6 =	simm.s32 $0x6;
	[sflag:s0] =	ssyncset.done $0x0  }
0x6a: {  	s6 =	simm.s32 @p1 $0x2;
	[sflag:s0] =	ssyncadd.s32 $0xFFFFC000  }
0x6b: {  	s6 =	sadd.s32 s11, s6;
	_ =	swait.ge [sflag:s25], $0x100  }
0x6c: {  	s6 =	sshll.u32 s6, $0x5;
	[sflag:s25] =	ssyncset.done $0x0  }
0x6d: {  	s6 =	sand.u32 $0x1FFFFFC0, s6;
	[sflag:s25] =	ssyncadd.s32 $0xFFFFFF00  }
0x6e: {  	[tilespmem:s28], [sflag:$0x5] =	stream.indirect.gather [hbm4b:s4+s26], $0x80, s3, s26, $0xb8;
	[tilespmem:$0x1C400] =	vst v63  }
0x6f: {  	s9 =	simm.s32 $0x7;
	s6 =	sadd.s32 s5, s6  }
0x70: {  	[tilespmem:s23], [sflag:$0x3] =	stream.linear.gather [hbm4b:s6+s3], $0x100, $0x38;
	[tilespmem:$0x1C400] =	vst v63  }
0x71: {  	s9 =	simm.s32 @p1 $0x3;
	_ =	swait.ge [sflag:s10], $0x4000  }
0x72: {  	s19 =	sadd.s32 s11, s9;
	[sflag:s10] =	ssyncset.done $0x0  }
0x73: {  	s6 =	sshll.u32 s19, $0x5;
	[sflag:s10] =	ssyncadd.s32 $0xFFFFC000  }
0x74: {  	[spmem:s1] =	stream.indirect.scatter.add.f32 [tilespmem:s30], [sflag:$0x8], $0x80, s16, s26, $0xb8;
	[tilespmem:$0x1C400] =	vst v63  }
0x75: {  	s6 =	sand.u32 $0x1FFFFFE0, s6;
	_ =	swait.ge [sflag:s13], $0x4000  }
0x76: {  	s9 =	simm.s32 $0xB;
	s6 =	sadd.s32 s5, s6;
	[sflag:s13] =	ssyncset.done $0x0  }
.LBB2_6:
0x77: {  	p1 =	sne.s32 s9, $0x33  }
0x78: {  	[sflag:s13] =	ssyncadd.s32 $0xFFFFC000;
	s18 =	smov.u32 s9;
	s9 =	sadd.s32 $0x4, s9  }
0x79: {  	[tilespmem:s24], [sflag:$0x4] =	stream.linear.gather [hbm4b:s6+s3], $0x100, $0x38;
	[tilespmem:$0x1C400] =	vst v63  }
0x7a: {  	_ =	swait.ge [sflag:s29], $0x100  }
0x7b: {  	[sflag:s29] =	ssyncset.done $0x0  }
0x7c: {  	[sflag:s29] =	ssyncadd.s32 $0xFFFFFF00  }
0x7d: {  	[tilespmem:s30], [sflag:$0x6] =	stream.indirect.gather [hbm4b:s4+s26], $0x80, s22, s26, $0xb8;
	[tilespmem:$0x1C400] =	vst v63  }
0x7e: {  	_ =	swait.ge [sflag:s31], $0x4000  }
0x7f: {  	[sflag:s31] =	ssyncset.done $0x0  }
0x80: {  	[sflag:s31] =	ssyncadd.s32 $0xFFFFC000  }
0x81: {  	[spmem:s1] =	stream.indirect.scatter.add.f32 [tilespmem:s28], [sflag:$0x7], $0x80, s26, s26, $0xb8;
	[tilespmem:$0x1C400] =	vst v63  }
0x82: {  	s6 =	sadd.s32 $0xFFFFFFFE, s18;
	s19 =	sadd.s32 $0xFFFFFFFF, s18;
	_ =	swait.ge [sflag:s0], $0x4000  }
0x83: {  	s7 =	sadd.s32 $0xFFFFFFFD, s18;
	p2 =	seq.s32 s18, $0x33;
	[sflag:s0] =	ssyncset.done $0x0  }
0x84: {  	s7 =	simm.s32 @p2 $0x0;
	s18 =	simm.s32 @p2 $0x3;
	[sflag:s0] =	ssyncadd.s32 $0xFFFFC000  }
0x85: {  	s6 =	simm.s32 @p2 $0x1;
	s7 =	sadd.s32 s11, s7;
	_ =	swait.ge [sflag:s2], $0x100  }
0x86: {  	s6 =	sadd.s32 s11, s6;
	s7 =	sshll.u32 s7, $0x5;
	[sflag:s2] =	ssyncset.done $0x0  }
0x87: {  	s19 =	simm.s32 @p2 $0x2;
	s7 =	sand.u32 $0x1FFFFF80, s7;
	[sflag:s2] =	ssyncadd.s32 $0xFFFFFF00  }
0x88: {  	[tilespmem:s28], [sflag:$0x5] =	stream.indirect.gather [hbm4b:s4+s26], $0x80, s23, s26, $0xb8;
	[tilespmem:$0x1C400] =	vst v63  }
0x89: {  	s19 =	sadd.s32 s11, s19;
	s6 =	sshll.u32 s6, $0x5;
	s7 =	sadd.s32 s5, s7  }
0x8a: {  	[tilespmem:s3], [sflag:$0x1] =	stream.linear.gather [hbm4b:s7+s3], $0x100, $0x38;
	[tilespmem:$0x1C400] =	vst v63  }
0x8b: {  	s18 =	sadd.s32 s11, s18;
	s7 =	sshll.u32 s19, $0x5;
	_ =	swait.ge [sflag:s10], $0x4000  }
0x8c: {  	s18 =	sshll.u32 s18, $0x5;
	s7 =	sand.u32 $0x1FFFFFC0, s7;
	[sflag:s10] =	ssyncset.done $0x0  }
0x8d: {  	s19 =	sand.u32 $0x1FFFFFA0, s6;
	[sflag:s10] =	ssyncadd.s32 $0xFFFFC000  }
0x8e: {  	[spmem:s1] =	stream.indirect.scatter.add.f32 [tilespmem:s30], [sflag:$0x8], $0x80, s12, s26, $0xb8;
	[tilespmem:$0x1C400] =	vst v63  }
0x8f: {  	s6 =	sand.u32 $0x1FFFFFE0, s18;
	_ =	swait.ge [sflag:s13], $0x4000  }
0x90: {  	s6 =	sadd.s32 s5, s6;
	[sflag:s13] =	ssyncset.done $0x0  }
0x91: {  	[sflag:s13] =	ssyncadd.s32 $0xFFFFC000  }
0x92: {  	_ =	swait.ge [sflag:s14], $0x100  }
0x93: {  	[sflag:s14] =	ssyncset.done $0x0  }
0x94: {  	[sflag:s14] =	ssyncadd.s32 $0xFFFFFF00  }
0x95: {  	[tilespmem:s30], [sflag:$0x6] =	stream.indirect.gather [hbm4b:s4+s26], $0x80, s24, s26, $0xb8;
	[tilespmem:$0x1C400] =	vst v63  }
0x96: {  	s18 =	sadd.s32 s5, s19  }
0x97: {  	[tilespmem:s22], [sflag:$0x2] =	stream.linear.gather [hbm4b:s18+s3], $0x100, $0x38;
	[tilespmem:$0x1C400] =	vst v63  }
0x98: {  	_ =	swait.ge [sflag:s31], $0x4000  }
0x99: {  	[sflag:s31] =	ssyncset.done $0x0  }
0x9a: {  	[sflag:s31] =	ssyncadd.s32 $0xFFFFC000  }
0x9b: {  	[spmem:s1] =	stream.indirect.scatter.add.f32 [tilespmem:s28], [sflag:$0x7], $0x80, s15, s26, $0xb8;
	[tilespmem:$0x1C400] =	vst v63  }
0x9c: {  	_ =	swait.ge [sflag:s0], $0x4000  }
0x9d: {  	[sflag:s0] =	ssyncset.done $0x0  }
0x9e: {  	[sflag:s0] =	ssyncadd.s32 $0xFFFFC000  }
0x9f: {  	_ =	swait.ge [sflag:s25], $0x100  }
0xa0: {  	[sflag:s25] =	ssyncset.done $0x0  }
0xa1: {  	[sflag:s25] =	ssyncadd.s32 $0xFFFFFF00  }
0xa2: {  	[tilespmem:s28], [sflag:$0x5] =	stream.indirect.gather [hbm4b:s4+s26], $0x80, s3, s26, $0xb8;
	[tilespmem:$0x1C400] =	vst v63  }
0xa3: {  	s7 =	sadd.s32 s5, s7  }
0xa4: {  	[tilespmem:s23], [sflag:$0x3] =	stream.linear.gather [hbm4b:s7+s3], $0x100, $0x38;
	[tilespmem:$0x1C400] =	vst v63  }
0xa5: {  	_ =	swait.ge [sflag:s10], $0x4000  }
.Ltmp3:
0xa6: {  	[sflag:s10] =	ssyncset.done $0x0;
	(pc) =	sbr.rel @p1 .LBB2_6-.Ltmp3, $4  }
0xa7: {  	[sflag:s10] =	ssyncadd.s32 $0xFFFFC000  }
0xa8: {  	[spmem:s1] =	stream.indirect.scatter.add.f32 [tilespmem:s30], [sflag:$0x8], $0x80, s16, s26, $0xb8;
	[tilespmem:$0x1C400] =	vst v63  }
0xa9: {  	_ =	swait.ge [sflag:s13], $0x4000  }
0xaa: {  	[sflag:s13] =	ssyncset.done $0x0  }
.Ltmp4:
0xab: {  	_ = 	snop;
	(pc) =	sbr.rel .LBB2_7-.Ltmp4, $1  }
0xac: {  	_ =	sdelay $0x3  }
.LBB2_2:
0xad: {  	s6 =	rddreg [dreg:$0x4]  }
0xae: {  	[tilespmem:s3], [sflag:$0x1] =	stream.linear.gather [hbm4b:s6+s3], $0x100, $0x38;
	[tilespmem:$0x1C400] =	vst v63  }
0xaf: {  	s9 =	rddreg [dreg:$0x5]  }
0xb0: {  	[tilespmem:s22], [sflag:$0x2] =	stream.linear.gather [hbm4b:s9+s3], $0x100, $0x38;
	[tilespmem:$0x1C400] =	vst v63  }
0xb1: {  	s18 =	rddreg [dreg:$0x6]  }
0xb2: {  	[tilespmem:s23], [sflag:$0x3] =	stream.linear.gather [hbm4b:s18+s3], $0x100, $0x38;
	[tilespmem:$0x1C400] =	vst v63  }
0xb3: {  	s19 =	rddreg [dreg:$0x7]  }
0xb4: {  	[tilespmem:s24], [sflag:$0x4] =	stream.linear.gather [hbm4b:s19+s3], $0x100, $0x38;
	[tilespmem:$0x1C400] =	vst v63  }
0xb5: {  	_ =	swait.ge [sflag:s25], $0x100  }
0xb6: {  	[sflag:s25] =	ssyncset.done $0x0  }
0xb7: {  	[sflag:s25] =	ssyncadd.s32 $0xFFFFFF00  }
0xb8: {  	[tilespmem:s28], [sflag:$0x5] =	stream.indirect.gather [hbm4b:s4+s26], $0x80, s3, s26, $0xb8;
	[tilespmem:$0x1C400] =	vst v63  }
0xb9: {  	_ =	swait.ge [sflag:s29], $0x100  }
0xba: {  	[sflag:s29] =	ssyncset.done $0x0  }
0xbb: {  	[sflag:s29] =	ssyncadd.s32 $0xFFFFFF00  }
0xbc: {  	[tilespmem:s30], [sflag:$0x6] =	stream.indirect.gather [hbm4b:s4+s26], $0x80, s22, s26, $0xb8;
	[tilespmem:$0x1C400] =	vst v63  }
0xbd: {  	_ =	swait.ge [sflag:s31], $0x4000  }
0xbe: {  	[sflag:s31] =	ssyncset.done $0x0  }
0xbf: {  	[sflag:s31] =	ssyncadd.s32 $0xFFFFC000  }
0xc0: {  	[spmem:s1] =	stream.indirect.scatter.add.f32 [tilespmem:s28], [sflag:$0x7], $0x80, s26, s26, $0xb8;
	[tilespmem:$0x1C400] =	vst v63  }
0xc1: {  	_ =	swait.ge [sflag:s0], $0x4000  }
0xc2: {  	[sflag:s0] =	ssyncset.done $0x0  }
0xc3: {  	p1 =	por $0x0, $0x0;
	s6 =	simm.s32 $0x4;
	[sflag:s0] =	ssyncadd.s32 $0xFFFFC000  }
0xc4: {  	s6 =	simm.s32 @p1 $0x0;
	_ =	swait.ge [sflag:s2], $0x100  }
0xc5: {  	s6 =	sadd.s32 s8, s6;
	[sflag:s2] =	ssyncset.done $0x0  }
0xc6: {  	s6 =	sshll.u32 s6, $0x5;
	[sflag:s2] =	ssyncadd.s32 $0xFFFFFF00  }
0xc7: {  	[tilespmem:s28], [sflag:$0x5] =	stream.indirect.gather [hbm4b:s4+s26], $0x80, s23, s26, $0xb8;
	[tilespmem:$0x1C400] =	vst v63  }
0xc8: {  	s6 =	sadd.s32 s5, s6  }
0xc9: {  	[tilespmem:s3], [sflag:$0x1] =	stream.linear.gather [hbm4b:s6+s3], $0x100, $0x38;
	[tilespmem:$0x1C400] =	vst v63  }
0xca: {  	_ =	swait.ge [sflag:s10], $0x4000  }
0xcb: {  	[sflag:s10] =	ssyncset.done $0x0  }
0xcc: {  	[sflag:s10] =	ssyncadd.s32 $0xFFFFC000  }
0xcd: {  	[spmem:s1] =	stream.indirect.scatter.add.f32 [tilespmem:s30], [sflag:$0x8], $0x80, s12, s26, $0xb8;
	[tilespmem:$0x1C400] =	vst v63  }
0xce: {  	_ =	swait.ge [sflag:s13], $0x4000  }
0xcf: {  	[sflag:s13] =	ssyncset.done $0x0  }
0xd0: {  	s6 =	simm.s32 $0x5;
	[sflag:s13] =	ssyncadd.s32 $0xFFFFC000  }
0xd1: {  	s6 =	simm.s32 @p1 $0x1;
	_ =	swait.ge [sflag:s14], $0x100  }
0xd2: {  	s6 =	sadd.s32 s8, s6;
	[sflag:s14] =	ssyncset.done $0x0  }
0xd3: {  	s6 =	sshll.u32 s6, $0x5;
	[sflag:s14] =	ssyncadd.s32 $0xFFFFFF00  }
0xd4: {  	[tilespmem:s30], [sflag:$0x6] =	stream.indirect.gather [hbm4b:s4+s26], $0x80, s24, s26, $0xb8;
	[tilespmem:$0x1C400] =	vst v63  }
0xd5: {  	s6 =	sadd.s32 s5, s6  }
0xd6: {  	[tilespmem:s22], [sflag:$0x2] =	stream.linear.gather [hbm4b:s6+s3], $0x100, $0x38;
	[tilespmem:$0x1C400] =	vst v63  }
0xd7: {  	_ =	swait.ge [sflag:s31], $0x4000  }
0xd8: {  	[sflag:s31] =	ssyncset.done $0x0  }
0xd9: {  	[sflag:s31] =	ssyncadd.s32 $0xFFFFC000  }
0xda: {  	[spmem:s1] =	stream.indirect.scatter.add.f32 [tilespmem:s28], [sflag:$0x7], $0x80, s15, s26, $0xb8;
	[tilespmem:$0x1C400] =	vst v63  }
0xdb: {  	_ =	swait.ge [sflag:s0], $0x4000  }
0xdc: {  	[sflag:s0] =	ssyncset.done $0x0  }
0xdd: {  	s6 =	simm.s32 $0x6;
	[sflag:s0] =	ssyncadd.s32 $0xFFFFC000  }
0xde: {  	s6 =	simm.s32 @p1 $0x2;
	_ =	swait.ge [sflag:s25], $0x100  }
0xdf: {  	s6 =	sadd.s32 s8, s6;
	[sflag:s25] =	ssyncset.done $0x0  }
0xe0: {  	s6 =	sshll.u32 s6, $0x5;
	[sflag:s25] =	ssyncadd.s32 $0xFFFFFF00  }
0xe1: {  	[tilespmem:s28], [sflag:$0x5] =	stream.indirect.gather [hbm4b:s4+s26], $0x80, s3, s26, $0xb8;
	[tilespmem:$0x1C400] =	vst v63  }
0xe2: {  	s6 =	sadd.s32 s5, s6  }
0xe3: {  	[tilespmem:s23], [sflag:$0x3] =	stream.linear.gather [hbm4b:s6+s3], $0x100, $0x38;
	[tilespmem:$0x1C400] =	vst v63  }
0xe4: {  	s6 =	simm.s32 $0x7;
	_ =	swait.ge [sflag:s10], $0x4000  }
0xe5: {  	s6 =	simm.s32 @p1 $0x3;
	[sflag:s10] =	ssyncset.done $0x0  }
0xe6: {  	s6 =	sadd.s32 s8, s6;
	[sflag:s10] =	ssyncadd.s32 $0xFFFFC000  }
0xe7: {  	[spmem:s1] =	stream.indirect.scatter.add.f32 [tilespmem:s30], [sflag:$0x8], $0x80, s16, s26, $0xb8;
	[tilespmem:$0x1C400] =	vst v63  }
0xe8: {  	s6 =	sshll.u32 s6, $0x5;
	_ =	swait.ge [sflag:s13], $0x4000  }
0xe9: {  	s9 =	simm.s32 $0xB;
	s6 =	sadd.s32 s5, s6;
	[sflag:s13] =	ssyncset.done $0x0  }
.LBB2_3:
0xea: {  	p1 =	seq.s32 s9, $0x73  }
0xeb: {  	[sflag:s13] =	ssyncadd.s32 $0xFFFFC000;
	s18 =	smov.u32 s9;
	s9 =	sadd.s32 $0x4, s9  }
0xec: {  	[tilespmem:s24], [sflag:$0x4] =	stream.linear.gather [hbm4b:s6+s3], $0x100, $0x38;
	[tilespmem:$0x1C400] =	vst v63  }
0xed: {  	s6 =	smov.u32 s18  }
0xee: {  	_ =	swait.ge [sflag:s29], $0x100;
	s6 =	simm.s32 @p1 $0x3  }
0xef: {  	[sflag:s29] =	ssyncset.done $0x0;
	s6 =	sadd.s32 s8, s6  }
0xf0: {  	[sflag:s29] =	ssyncadd.s32 $0xFFFFFF00;
	s6 =	sshll.u32 s6, $0x5  }
0xf1: {  	[tilespmem:s30], [sflag:$0x6] =	stream.indirect.gather [hbm4b:s4+s26], $0x80, s22, s26, $0xb8;
	[tilespmem:$0x1C400] =	vst v63  }
0xf2: {  	s6 =	sadd.s32 s5, s6;
	_ =	swait.ge [sflag:s31], $0x4000  }
0xf3: {  	[sflag:s31] =	ssyncset.done $0x0  }
0xf4: {  	[sflag:s31] =	ssyncadd.s32 $0xFFFFC000  }
0xf5: {  	[spmem:s1] =	stream.indirect.scatter.add.f32 [tilespmem:s28], [sflag:$0x7], $0x80, s26, s26, $0xb8;
	[tilespmem:$0x1C400] =	vst v63  }
0xf6: {  	_ =	swait.ge [sflag:s0], $0x4000  }
0xf7: {  	[sflag:s0] =	ssyncset.done $0x0  }
0xf8: {  	s19 =	sadd.s32 $0xFFFFFFFD, s18;
	[sflag:s0] =	ssyncadd.s32 $0xFFFFC000  }
0xf9: {  	s19 =	simm.s32 @p1 $0x0;
	_ =	swait.ge [sflag:s2], $0x100  }
0xfa: {  	s19 =	sadd.s32 s8, s19;
	[sflag:s2] =	ssyncset.done $0x0  }
0xfb: {  	s19 =	sshll.u32 s19, $0x5;
	[sflag:s2] =	ssyncadd.s32 $0xFFFFFF00  }
0xfc: {  	[tilespmem:s28], [sflag:$0x5] =	stream.indirect.gather [hbm4b:s4+s26], $0x80, s23, s26, $0xb8;
	[tilespmem:$0x1C400] =	vst v63  }
0xfd: {  	s19 =	sadd.s32 s5, s19  }
0xfe: {  	[tilespmem:s3], [sflag:$0x1] =	stream.linear.gather [hbm4b:s19+s3], $0x100, $0x38;
	[tilespmem:$0x1C400] =	vst v63  }
0xff: {  	_ =	swait.ge [sflag:s10], $0x4000  }
0x100: {  	[sflag:s10] =	ssyncset.done $0x0  }
0x101: {  	[sflag:s10] =	ssyncadd.s32 $0xFFFFC000  }
0x102: {  	[spmem:s1] =	stream.indirect.scatter.add.f32 [tilespmem:s30], [sflag:$0x8], $0x80, s12, s26, $0xb8;
	[tilespmem:$0x1C400] =	vst v63  }
0x103: {  	_ =	swait.ge [sflag:s13], $0x4000  }
0x104: {  	[sflag:s13] =	ssyncset.done $0x0  }
0x105: {  	s19 =	sadd.s32 $0xFFFFFFFE, s18;
	[sflag:s13] =	ssyncadd.s32 $0xFFFFC000  }
0x106: {  	s19 =	simm.s32 @p1 $0x1;
	_ =	swait.ge [sflag:s14], $0x100  }
0x107: {  	s19 =	sadd.s32 s8, s19;
	[sflag:s14] =	ssyncset.done $0x0  }
0x108: {  	s19 =	sshll.u32 s19, $0x5;
	[sflag:s14] =	ssyncadd.s32 $0xFFFFFF00  }
0x109: {  	[tilespmem:s30], [sflag:$0x6] =	stream.indirect.gather [hbm4b:s4+s26], $0x80, s24, s26, $0xb8;
	[tilespmem:$0x1C400] =	vst v63  }
0x10a: {  	s19 =	sadd.s32 s5, s19  }
0x10b: {  	[tilespmem:s22], [sflag:$0x2] =	stream.linear.gather [hbm4b:s19+s3], $0x100, $0x38;
	[tilespmem:$0x1C400] =	vst v63  }
0x10c: {  	_ =	swait.ge [sflag:s31], $0x4000  }
0x10d: {  	[sflag:s31] =	ssyncset.done $0x0  }
0x10e: {  	[sflag:s31] =	ssyncadd.s32 $0xFFFFC000  }
0x10f: {  	[spmem:s1] =	stream.indirect.scatter.add.f32 [tilespmem:s28], [sflag:$0x7], $0x80, s15, s26, $0xb8;
	[tilespmem:$0x1C400] =	vst v63  }
0x110: {  	_ =	swait.ge [sflag:s0], $0x4000  }
0x111: {  	[sflag:s0] =	ssyncset.done $0x0  }
0x112: {  	s18 =	sadd.s32 $0xFFFFFFFF, s18;
	[sflag:s0] =	ssyncadd.s32 $0xFFFFC000  }
0x113: {  	s18 =	simm.s32 @p1 $0x2;
	_ =	swait.ge [sflag:s25], $0x100  }
0x114: {  	s18 =	sadd.s32 s8, s18;
	[sflag:s25] =	ssyncset.done $0x0  }
0x115: {  	s18 =	sshll.u32 s18, $0x5;
	[sflag:s25] =	ssyncadd.s32 $0xFFFFFF00  }
0x116: {  	[tilespmem:s28], [sflag:$0x5] =	stream.indirect.gather [hbm4b:s4+s26], $0x80, s3, s26, $0xb8;
	[tilespmem:$0x1C400] =	vst v63  }
0x117: {  	s18 =	sadd.s32 s5, s18  }
0x118: {  	[tilespmem:s23], [sflag:$0x3] =	stream.linear.gather [hbm4b:s18+s3], $0x100, $0x38;
	[tilespmem:$0x1C400] =	vst v63  }
0x119: {  	_ =	swait.ge [sflag:s10], $0x4000  }
.Ltmp5:
0x11a: {  	[sflag:s10] =	ssyncset.done $0x0;
	(pc) =	sbr.rel @!p1 .LBB2_3-.Ltmp5, $4  }
0x11b: {  	[sflag:s10] =	ssyncadd.s32 $0xFFFFC000  }
0x11c: {  	[spmem:s1] =	stream.indirect.scatter.add.f32 [tilespmem:s30], [sflag:$0x8], $0x80, s16, s26, $0xb8;
	[tilespmem:$0x1C400] =	vst v63  }
0x11d: {  	_ =	swait.ge [sflag:s13], $0x4000  }
0x11e: {  	[sflag:s13] =	ssyncset.done $0x0  }
.Ltmp6:
0x11f: {  	(pc) =	sbr.rel .LBB2_8-.Ltmp6, $3  }
0x120: {  	_ =	sdelay $0x1  }
0x121: {  	[sflag:s13] =	ssyncadd.s32 $0xFFFFC000  }
0x122: {  	[tilespmem:s24], [sflag:$0x4] =	stream.linear.gather [hbm4b:s6+s3], $0x100, $0x38;
	[tilespmem:$0x1C400] =	vst v63  }
.LBB2_9:
0x123: {  	_ =	sfence.sel $0x180000  }
0x124: {  	[bflag:$0x0] =	sbarrier.arrive $0xFFFF  }
0x125: {  	_ =	strace $0x90000050  }
0x126: {  	s0 =	stileid.u32;
	[bflag:$0x2] =	sbarrier.arrive $0xFFFF  }
0x127: {  	p0 =	sne.s32 s0, $0x0;
	s0 =	rddreg [dreg:$0x2]  }
0x128: {  	s0 =	sadd.s32 @!p0 $0x100000, s0  }
0x129: {  	[sflag:s0] =	ssyncadd.tile.s32 @!p0 $0x1;
	_ =	shalt  }
.Lfunc_end2:
_tile_overlayer_lowered:
.L_overlay_start_2:
0x12a: {  	(tag) =	ssettag $0x2  }
0x12b: {  	s0 =	rddreg [dreg:$0x0];
	s2 =	stileid.u32  }
0x12c: {  	s1 =	rddreg [dreg:$0x1];
	p0 =	sne.s32 s2, $0x0  }
0x12d: {  	s3 =	rddreg [dreg:$0x2];
	[bflag:$0x3] =	sbarrier.arrive $0xFFFF;
	s2 =	simm.s32 @!p0 $0x1C09  }
0x12e: {  	[timem:s3], [sflag:s2] =	dma.local @!p0 [hbm:s0], s1  }
0x12f: {  	s0 =	simm.s32 @!p0 $0x9  }
0x130: {  	_ =	swait.ge @!p0 [sflag:s0], s1  }
0x131: {  	s1 =	ssub.s32 @!p0 $0x0, s1;
	[sflag:s0] =	ssyncset.done @!p0 $0x0  }
0x132: {  	[sflag:s0] =	ssyncadd.s32 @!p0 s1  }
0x133: {  	[bflag:$0x3] =	sbarrier.arrive $0xFFFF  }
0x134: {  	_ =	shalt  }

</sc_bundles>
